<compile_context>
chip_gen: v7x
topology: tpu7x:2x2x1
jax: 0.10.2.dev20260603
libtpu: 0.0.44.dev20260713+nightly
codegen_flags: <defaults>
</compile_context>

<pallas_src>
import math

import jax
import jax.numpy as jnp
from jax import lax
from jax.experimental import pallas as pl
from jax.experimental.pallas import tpu as pltpu
from jax.experimental.pallas import tpu_sc as plsc

N = 10000
E = 320000
H = 128
EPS = 1e-5

_NC = 2
_NS = 16
_NW = _NC * _NS
_EPW = E // _NW
_CH = 80
_NCHUNK = _EPW // _CH
_NP = 10240
_RPT = _NP // _NS
_ZR = 64

_INV_BN = 1.0 / math.sqrt(1.0 + EPS)

_mesh = plsc.VectorSubcoreMesh(core_axis_name="c", subcore_axis_name="s")



_ER = E // 128
_FULLC = _ER // _NW
_EXTRA = _ER % _NW


def _sc_layer_body(xs_hbm, ei_hbm, out_hbm, idx, rows, zbuf, acc,
                   sem_i, sem_r, sem_w):
    c = lax.axis_index("c")
    s = lax.axis_index("s")
    wid = c * _NS + s
    nchunk = _FULLC + jnp.where(wid < _EXTRA, 1, 0)

    def fire_idx(g, q):
        pltpu.async_copy(ei_hbm.at[wid + _NW * g], idx.at[q], sem_i.at[q])

    def wait_idx(q):
        pltpu.make_async_copy(ei_hbm.at[0], idx.at[q], sem_i.at[q]).wait()

    def fire_gather(q, b):
        pltpu.async_copy(xs_hbm.at[idx.at[q, 0]], rows.at[b], sem_r.at[b])

    def wait_gather(q, b):
        pltpu.make_async_copy(xs_hbm.at[idx.at[q, 0]], rows.at[b],
                              sem_r.at[b]).wait()

    def fire_scatter(q, b):
        pltpu.async_copy(rows.at[b], acc.at[idx.at[q, 1]], sem_w.at[b],
                         add=True)

    def wait_scatter(q, b):
        pltpu.make_async_copy(rows.at[b], acc.at[idx.at[q, 1]],
                              sem_w.at[b]).wait()

    fire_idx(0, 0)

    @pl.when(nchunk > 1)
    def _():
        fire_idx(1, 1)
    wait_idx(0)
    fire_gather(0, 0)

    zeros16 = jnp.zeros((16,), jnp.float32)

    def zfill(i, _):
        for j in range(H // 16):
            zbuf[i, pl.ds(j * 16, 16)] = zeros16
        return ()
    lax.fori_loop(0, _ZR, zfill, ())

    for k in range(_RPT // _ZR):
        pltpu.sync_copy(zbuf, acc.at[pl.ds(s * _RPT + k * _ZR, _ZR)])
    plsc.subcore_barrier()

    def body(g, _):
        b = lax.rem(g, 2)
        nb = lax.rem(g + 1, 2)
        q = lax.rem(g, 4)
        q1 = lax.rem(g + 1, 4)
        q2 = lax.rem(g + 2, 4)
        qm1 = lax.rem(g + 3, 4)

        @pl.when(g + 1 < nchunk)
        def _():
            wait_idx(q1)

            @pl.when(g >= 1)
            def _():
                wait_scatter(qm1, nb)
            fire_gather(q1, nb)
        wait_gather(q, b)
        fire_scatter(q, b)

        @pl.when(g + 2 < nchunk)
        def _():
            fire_idx(g + 2, q2)
        return ()
    lax.fori_loop(0, nchunk, body, ())

    @pl.when(nchunk >= 2)
    def _():
        wait_scatter(lax.rem(nchunk + 2, 4), lax.rem(nchunk, 2))
    wait_scatter(lax.rem(nchunk + 3, 4), lax.rem(nchunk + 1, 2))

    plsc.subcore_barrier()
    pltpu.sync_copy(acc.at[pl.ds(s * _RPT, _RPT)],
                    out_hbm.at[c].at[pl.ds(s * _RPT, _RPT)])


_sc_layer = pl.kernel(
    _sc_layer_body,
    mesh=_mesh,
    out_type=jax.ShapeDtypeStruct((_NC, _NP, H), jnp.float32),
    scratch_types=[
        pltpu.VMEM((4, 2, 128), jnp.int32),
        pltpu.VMEM((2, 128, H), jnp.float32),
        pltpu.VMEM((_ZR, H), jnp.float32),
        pltpu.VMEM_SHARED((_NP, H), jnp.float32),
        pltpu.SemaphoreType.DMA((4,)),
        pltpu.SemaphoreType.DMA((2,)),
        pltpu.SemaphoreType.DMA((2,)),
    ],
)



_RB = 1000


def _dinv_block(degp):
    deg = degp[0, :, 0:1] + degp[1, :, 0:1] + 1.0
    return lax.rsqrt(deg)


def _tc_input_body(x, winT, b_in, g_in, be_in, wc0T, degp,
                   h_out, xs_out, dinv_out):
    hv = jnp.dot(x[...], winT[...], preferred_element_type=jnp.float32)
    hv = (hv + b_in[...]) * _INV_BN * g_in[...] + be_in[...]
    hv = jnp.maximum(hv, 0.0)
    h_out[...] = hv
    dinv = _dinv_block(degp[...])
    dinv_out[...] = dinv
    xs_out[...] = jnp.dot(hv, wc0T[...],
                          preferred_element_type=jnp.float32) * dinv


def _tc_mid_body(h, xs, acc, dinv_in, b, wT, h_out, xs_out):
    dinv = dinv_in[...]
    tot = acc[0] + acc[1] + xs[...]
    o = tot * dinv + b[...]
    elu = jnp.where(o > 0.0, o, jnp.exp(o) - 1.0)
    hn = h[...] + 0.3 * elu
    h_out[...] = hn
    xs_out[...] = jnp.dot(hn, wT[...],
                          preferred_element_type=jnp.float32) * dinv


def _sigmoid(t):
    return 1.0 / (1.0 + jnp.exp(-t))


def _tc_final_body(h, xs, acc, dinv_in, b,
                   wcl1T, bcl1, g_cl, be_cl, wcl2T, bcl2,
                   wr1T, br1, wr2T, br2, wr3T, br3,
                   wz1T, bz1, wz2T, bz2, wz3T, bz3,
                   th_out, risk_out, zd_out):
    dinv = dinv_in[...]
    tot = acc[0] + acc[1] + xs[...]
    o = tot * dinv + b[...]
    elu = jnp.where(o > 0.0, o, jnp.exp(o) - 1.0)
    hn = h[...] + 0.3 * elu

    cb = jnp.dot(hn, wcl1T[...], preferred_element_type=jnp.float32)
    cb = (cb + bcl1[...]) * _INV_BN * g_cl[...] + be_cl[...]
    cb = jnp.maximum(cb, 0.0)
    th_out[...] = jnp.dot(cb, wcl2T[...],
                          preferred_element_type=jnp.float32) + bcl2[...]

    r = jnp.maximum(jnp.dot(hn, wr1T[...],
                            preferred_element_type=jnp.float32) + br1[...], 0.0)
    r = jnp.maximum(jnp.dot(r, wr2T[...],
                            preferred_element_type=jnp.float32) + br2[...], 0.0)
    risk_out[...] = _sigmoid(jnp.dot(r, wr3T[...],
                                     preferred_element_type=jnp.float32) + br3[...])

    z = jnp.maximum(jnp.dot(hn, wz1T[...],
                            preferred_element_type=jnp.float32) + bz1[...], 0.0)
    z = jnp.maximum(jnp.dot(z, wz2T[...],
                            preferred_element_type=jnp.float32) + bz2[...], 0.0)
    zd_out[...] = _sigmoid(jnp.dot(z, wz3T[...],
                                   preferred_element_type=jnp.float32) + bz3[...])


def _row_spec(width):
    return pl.BlockSpec((_RB, width), lambda i: (i, 0))


def _full_spec(shape):
    nd = len(shape)
    return pl.BlockSpec(shape, lambda i: (0,) * nd)


_ACC_SPEC = pl.BlockSpec((_NC, _RB, H), lambda i: (0, i, 0))
_DEGP_SPEC = _ACC_SPEC
_GRID = (N // _RB,)


def _tc_input(x, winT, b_in, g_in, be_in, wc0T, degp):
    return pl.pallas_call(
        _tc_input_body,
        grid=_GRID,
        in_specs=[
            _row_spec(H), _full_spec((H, H)), _full_spec((1, H)),
            _full_spec((1, H)), _full_spec((1, H)), _full_spec((H, H)),
            _DEGP_SPEC,
        ],
        out_specs=[_row_spec(H), _row_spec(H), _row_spec(1)],
        out_shape=[jax.ShapeDtypeStruct((N, H), jnp.float32),
                   jax.ShapeDtypeStruct((N, H), jnp.float32),
                   jax.ShapeDtypeStruct((N, 1), jnp.float32)],
    )(x, winT, b_in, g_in, be_in, wc0T, degp)


def _tc_mid(h, xs, acc, dinv, b, wT):
    return pl.pallas_call(
        _tc_mid_body,
        grid=_GRID,
        in_specs=[
            _row_spec(H), _row_spec(H), _ACC_SPEC, _row_spec(1),
            _full_spec((1, H)), _full_spec((H, H)),
        ],
        out_specs=[_row_spec(H), _row_spec(H)],
        out_shape=[jax.ShapeDtypeStruct((N, H), jnp.float32),
                   jax.ShapeDtypeStruct((N, H), jnp.float32)],
    )(h, xs, acc, dinv, b, wT)


def _tc_final(h, xs, acc, dinv, b, *heads):
    head_specs = [_full_spec(w.shape) for w in heads]
    return pl.pallas_call(
        _tc_final_body,
        grid=_GRID,
        in_specs=[
            _row_spec(H), _row_spec(H), _ACC_SPEC, _row_spec(1),
            _full_spec((1, H)),
        ] + head_specs,
        out_specs=[_row_spec(56), _row_spec(1), _row_spec(1)],
        out_shape=[jax.ShapeDtypeStruct((N, 56), jnp.float32),
                   jax.ShapeDtypeStruct((N, 1), jnp.float32),
                   jax.ShapeDtypeStruct((N, 1), jnp.float32)],
    )(h, xs, acc, dinv, b, *heads)



def kernel(x, edge_index, W_in, b_in, g_in, be_in, Wc0, bc0, Wc1, bc1,
           Wc2, bc2, Wcl1, bcl1, g_cl, be_cl, Wcl2, bcl2, Wr1, br1,
           Wr2, br2, Wr3, br3, Wz1, bz1, Wz2, bz2, Wz3, bz3):
    ei = edge_index.reshape(2, _ER, 128).transpose(1, 0, 2)

    ones = jnp.ones((N, H), jnp.float32)
    degp = _sc_layer(ones, ei)

    row = lambda v: v.reshape(1, -1)
    h, xs, dinv = _tc_input(x, W_in.T, row(b_in), row(g_in), row(be_in),
                            Wc0.T, degp)

    acc = _sc_layer(xs, ei)
    h, xs = _tc_mid(h, xs, acc, dinv, row(bc0), Wc1.T)

    acc = _sc_layer(xs, ei)
    h, xs = _tc_mid(h, xs, acc, dinv, row(bc1), Wc2.T)

    acc = _sc_layer(xs, ei)
    threat, risk, zero_day = _tc_final(
        h, xs, acc, dinv, row(bc2),
        Wcl1.T, row(bcl1), row(g_cl), row(be_cl), Wcl2.T, row(bcl2),
        Wr1.T, row(br1), Wr2.T, row(br2), Wr3.T, row(br3),
        Wz1.T, row(bz1), Wz2.T, row(bz2), Wz3.T, row(bz3))
    return (threat, risk, zero_day)

# --- scband reference (transcript-rebuilt; emitter-appended) ---
"""Pipeline reference for scband-node-level-threat-gnn-30202210025476 (READ-ONLY COPY).

The authoritative reference and input builder live on the scoring server;
editing this copy changes nothing except your own understanding.
"""

import jax, jax.numpy as jnp
import numpy as np

N = 10000
E = 320000
D_IN = 128
H = 128
NC = 56
EPS = 1e-5

def _glorot(key, shape, gain=0.5):
    fan_out, fan_in = shape[0], shape[1]
    a = gain * np.sqrt(6.0 / (fan_in + fan_out))
    return jax.random.uniform(key, shape, jnp.float32, -a, a)

def setup_inputs(seed: int = 0):
    key = jax.random.key(seed)
    ks = jax.random.split(key, 24)
    inp = {}
    inp['x'] = jax.random.normal(ks[0], (N, D_IN), jnp.float32)
    inp['edge_index'] = jax.random.randint(ks[1], (2, E), 0, N, dtype=jnp.int32)
    inp['W_in'] = _glorot(ks[2], (H, D_IN)); inp['b_in'] = jnp.zeros((H,), jnp.float32)
    inp['g_in'] = jnp.ones((H,), jnp.float32); inp['be_in'] = jnp.zeros((H,), jnp.float32)
    inp['Wc0'] = _glorot(ks[3], (H, H)); inp['bc0'] = jnp.zeros((H,), jnp.float32)
    inp['Wc1'] = _glorot(ks[4], (H, H)); inp['bc1'] = jnp.zeros((H,), jnp.float32)
    inp['Wc2'] = _glorot(ks[5], (H, H)); inp['bc2'] = jnp.zeros((H,), jnp.float32)
    inp['Wcl1'] = _glorot(ks[6], (H // 2, H)); inp['bcl1'] = jnp.zeros((H // 2,), jnp.float32)
    inp['g_cl'] = jnp.ones((H // 2,), jnp.float32); inp['be_cl'] = jnp.zeros((H // 2,), jnp.float32)
    inp['Wcl2'] = _glorot(ks[7], (NC, H // 2)); inp['bcl2'] = jnp.zeros((NC,), jnp.float32)
    inp['Wr1'] = _glorot(ks[8], (64, H)); inp['br1'] = jnp.zeros((64,), jnp.float32)
    inp['Wr2'] = _glorot(ks[9], (32, 64)); inp['br2'] = jnp.zeros((32,), jnp.float32)
    inp['Wr3'] = _glorot(ks[10], (1, 32)); inp['br3'] = jnp.zeros((1,), jnp.float32)
    inp['Wz1'] = _glorot(ks[11], (64, H)); inp['bz1'] = jnp.zeros((64,), jnp.float32)
    inp['Wz2'] = _glorot(ks[12], (32, 64)); inp['bz2'] = jnp.zeros((32,), jnp.float32)
    inp['Wz3'] = _glorot(ks[13], (1, 32)); inp['bz3'] = jnp.zeros((1,), jnp.float32)
    return inp

def _bn_eval(x, g, b):
    return x / jnp.sqrt(1.0 + EPS) * g + b

def _gcn(x, src, dst, W, b):
    xw = x @ W.T
    deg = jnp.zeros((N,), jnp.float32).at[dst].add(1.0)
    dinv = jnp.where(deg > 0, 1.0 / jnp.sqrt(deg), 0.0)
    norm = dinv[src] * dinv[dst]
    msg = xw[src] * norm[:, None]
    out = jnp.zeros_like(xw).at[dst].add(msg)
    return out + b

def reference(x, edge_index, W_in, b_in, g_in, be_in, Wc0, bc0, Wc1, bc1, Wc2, bc2, Wcl1, bcl1, g_cl, be_cl, Wcl2, bcl2, Wr1, br1, Wr2, br2, Wr3, br3, Wz1, bz1, Wz2, bz2, Wz3, bz3):
    loop = jnp.arange(N, dtype=edge_index.dtype)
    src = jnp.concatenate([edge_index[0], loop])
    dst = jnp.concatenate([edge_index[1], loop])
    h = jax.nn.relu(_bn_eval(x @ W_in.T + b_in, g_in, be_in))
    for W, b in ((Wc0, bc0), (Wc1, bc1), (Wc2, bc2)):
        h = h + 0.3 * jax.nn.elu(_gcn(h, src, dst, W, b))
    c = jax.nn.relu(_bn_eval(h @ Wcl1.T + bcl1, g_cl, be_cl))
    threat_logits = c @ Wcl2.T + bcl2
    r = jax.nn.relu(h @ Wr1.T + br1)
    r = jax.nn.relu(r @ Wr2.T + br2)
    risk = jax.nn.sigmoid(r @ Wr3.T + br3)
    z = jax.nn.relu(h @ Wz1.T + bz1)
    z = jax.nn.relu(z @ Wz2.T + bz2)
    zero_day = jax.nn.sigmoid(z @ Wz3.T + bz3)
    return (threat_logits, risk, zero_day)

if __name__ == "__main__":
    import jax
    _d = setup_inputs()
    print(jax.jit(kernel)(*tuple(_d.values())))

</pallas_src>

<mosaic_0001>
#map = affine_map<(d0, d1) -> (0, 0)>
#map1 = affine_map<(d0, d1) -> (0, 0, 0)>
module attributes {stable_mosaic.version = 14 : i64} {
  func.func @_sc_layer_body(%arg0: i32, %arg1: i32, %arg2: memref<10000x128xf32, #tpu.memory_space<hbm>>, %arg3: memref<2500x2x128xi32, #tpu.memory_space<hbm>>, %arg4: memref<2x10240x128xf32, #tpu.memory_space<hbm>>, %arg5: memref<4x2x128xi32, #tpu.memory_space<vmem>>, %arg6: memref<2x128x128xf32, #tpu.memory_space<vmem>>, %arg7: memref<64x128xf32, #tpu.memory_space<vmem>>, %arg8: memref<10240x128xf32, #tpu.memory_space<vmem_shared>>, %arg9: memref<4x!tpu.dma_semaphore, #tpu.memory_space<semaphore_mem>>, %arg10: memref<2x!tpu.dma_semaphore, #tpu.memory_space<semaphore_mem>>, %arg11: memref<2x!tpu.dma_semaphore, #tpu.memory_space<semaphore_mem>>) attributes {dimension_semantics = [#tpu.dimension_semantics<core_parallel>, #tpu.dimension_semantics<subcore_parallel>], iteration_bounds = array<i64: 2, 16>, scalar_prefetch = 0 : i64, scratch_operands = 7 : i64, tpu.core_type = #tpu.core_type<sc_vector_subcore>, window_params = [{transform_indices = #map}, {transform_indices = #map1}, {transform_indices = #map1}]} {
    %mul3A = arith.constant 16 : i32
    %mul3A_0 = arith.muli %arg0, %mul3A : i32
    %add3A = arith.addi %mul3A_0, %arg1 : i32
    %lt3A = arith.constant 4 : i32
    %lt3A_1 = arith.cmpi slt, %add3A, %lt3A : i32
    %jit3A = arith.constant 1 : i32
    %jit3A_2 = arith.constant 0 : i32
    %select_n3A = arith.select %lt3A_1, %jit3A, %jit3A_2 : i32
    %add3A_3 = arith.constant 78 : i32
    %add3A_4 = arith.addi %add3A_3, %select_n3A : i32
    %add3A_5 = arith.constant 0 : i32
    %add3A_6 = arith.addi %add3A, %add3A_5 : i32
    %dma_start3A = arith.constant 0 : i32
    %dma_start3A_7 = arith.constant 0 : i32
    %dma_start3A_8 = arith.constant 0 : i32
    %dma_start3A_9 = arith.constant 0 : i32
    %dma_start3A_10 = tpu.memref_slice %arg5[%dma_start3A, %dma_start3A_8, %dma_start3A_9] : memref<4x2x128xi32, #tpu.memory_space<vmem>> -> memref<1x2x128xi32, #tpu.memory_space<vmem>>
    %dma_start3A_11 = tpu.memref_squeeze %dma_start3A_10 : memref<1x2x128xi32, #tpu.memory_space<vmem>> -> memref<2x128xi32, #tpu.memory_space<vmem>>
    %dma_start3A_12 = arith.constant 0 : i32
    %dma_start3A_13 = arith.constant 0 : i32
    %dma_start3A_14 = tpu.memref_slice %arg3[%add3A_6, %dma_start3A_12, %dma_start3A_13] : memref<2500x2x128xi32, #tpu.memory_space<hbm>> -> memref<1x2x128xi32, #tpu.memory_space<hbm>>
    %dma_start3A_15 = tpu.memref_squeeze %dma_start3A_14 : memref<1x2x128xi32, #tpu.memory_space<hbm>> -> memref<2x128xi32, #tpu.memory_space<hbm>>
    %dma_start3A_16 = tpu.memref_slice %arg9[%dma_start3A_7] : memref<4x!tpu.dma_semaphore, #tpu.memory_space<semaphore_mem>> -> memref<1x!tpu.dma_semaphore, #tpu.memory_space<semaphore_mem>>
    %dma_start3A_17 = tpu.memref_squeeze %dma_start3A_16 : memref<1x!tpu.dma_semaphore, #tpu.memory_space<semaphore_mem>> -> memref<!tpu.dma_semaphore, #tpu.memory_space<semaphore_mem>>
    %dma_start3A_18 = arith.constant 0 : i32
    %dma_start3A_19 = arith.constant 0 : i32
    %dma_start3A_20 = tpu.memref_slice %arg5[%dma_start3A, %dma_start3A_18, %dma_start3A_19] : memref<4x2x128xi32, #tpu.memory_space<vmem>> -> memref<1x2x128xi32, #tpu.memory_space<vmem>>
    %dma_start3A_21 = tpu.memref_squeeze %dma_start3A_20 : memref<1x2x128xi32, #tpu.memory_space<vmem>> -> memref<2x128xi32, #tpu.memory_space<vmem>>
    %dma_start3A_22 = arith.constant 0 : i32
    %dma_start3A_23 = arith.constant 0 : i32
    %dma_start3A_24 = tpu.memref_slice %arg3[%add3A_6, %dma_start3A_22, %dma_start3A_23] : memref<2500x2x128xi32, #tpu.memory_space<hbm>> -> memref<1x2x128xi32, #tpu.memory_space<hbm>>
    %dma_start3A_25 = tpu.memref_squeeze %dma_start3A_24 : memref<1x2x128xi32, #tpu.memory_space<hbm>> -> memref<2x128xi32, #tpu.memory_space<hbm>>
    tpu.enqueue_dma source(%dma_start3A_25 : memref<2x128xi32, #tpu.memory_space<hbm>>) target(%dma_start3A_21 : memref<2x128xi32, #tpu.memory_space<vmem>>) target_semaphore(%dma_start3A_17 : memref<!tpu.dma_semaphore, #tpu.memory_space<semaphore_mem>>)
    %gt3A = arith.constant 1 : i32
    %gt3A_26 = arith.cmpi sgt, %add3A_4, %gt3A : i32
    %convert_element_type3A = arith.extui %gt3A_26 : i1 to i32
    %cond3A = arith.constant 0 : i32
    %cond3A_27 = arith.cmpi ne, %convert_element_type3A, %cond3A : i32
    scf.if %cond3A_27 {
      %add3A_146 = arith.constant 32 : i32
      %add3A_147 = arith.addi %add3A, %add3A_146 : i32
      %dma_start3A_148 = arith.constant 1 : i32
      %dma_start3A_149 = arith.constant 1 : i32
      %dma_start3A_150 = arith.constant 0 : i32
      %dma_start3A_151 = arith.constant 0 : i32
      %dma_start3A_152 = tpu.memref_slice %arg5[%dma_start3A_148, %dma_start3A_150, %dma_start3A_151] : memref<4x2x128xi32, #tpu.memory_space<vmem>> -> memref<1x2x128xi32, #tpu.memory_space<vmem>>
      %dma_start3A_153 = tpu.memref_squeeze %dma_start3A_152 : memref<1x2x128xi32, #tpu.memory_space<vmem>> -> memref<2x128xi32, #tpu.memory_space<vmem>>
      %dma_start3A_154 = arith.constant 0 : i32
      %dma_start3A_155 = arith.constant 0 : i32
      %dma_start3A_156 = tpu.memref_slice %arg3[%add3A_147, %dma_start3A_154, %dma_start3A_155] : memref<2500x2x128xi32, #tpu.memory_space<hbm>> -> memref<1x2x128xi32, #tpu.memory_space<hbm>>
      %dma_start3A_157 = tpu.memref_squeeze %dma_start3A_156 : memref<1x2x128xi32, #tpu.memory_space<hbm>> -> memref<2x128xi32, #tpu.memory_space<hbm>>
      %dma_start3A_158 = tpu.memref_slice %arg9[%dma_start3A_149] : memref<4x!tpu.dma_semaphore, #tpu.memory_space<semaphore_mem>> -> memref<1x!tpu.dma_semaphore, #tpu.memory_space<semaphore_mem>>
      %dma_start3A_159 = tpu.memref_squeeze %dma_start3A_158 : memref<1x!tpu.dma_semaphore, #tpu.memory_space<semaphore_mem>> -> memref<!tpu.dma_semaphore, #tpu.memory_space<semaphore_mem>>
      %dma_start3A_160 = arith.constant 0 : i32
      %dma_start3A_161 = arith.constant 0 : i32
      %dma_start3A_162 = tpu.memref_slice %arg5[%dma_start3A_148, %dma_start3A_160, %dma_start3A_161] : memref<4x2x128xi32, #tpu.memory_space<vmem>> -> memref<1x2x128xi32, #tpu.memory_space<vmem>>
      %dma_start3A_163 = tpu.memref_squeeze %dma_start3A_162 : memref<1x2x128xi32, #tpu.memory_space<vmem>> -> memref<2x128xi32, #tpu.memory_space<vmem>>
      %dma_start3A_164 = arith.constant 0 : i32
      %dma_start3A_165 = arith.constant 0 : i32
      %dma_start3A_166 = tpu.memref_slice %arg3[%add3A_147, %dma_start3A_164, %dma_start3A_165] : memref<2500x2x128xi32, #tpu.memory_space<hbm>> -> memref<1x2x128xi32, #tpu.memory_space<hbm>>
      %dma_start3A_167 = tpu.memref_squeeze %dma_start3A_166 : memref<1x2x128xi32, #tpu.memory_space<hbm>> -> memref<2x128xi32, #tpu.memory_space<hbm>>
      tpu.enqueue_dma source(%dma_start3A_167 : memref<2x128xi32, #tpu.memory_space<hbm>>) target(%dma_start3A_163 : memref<2x128xi32, #tpu.memory_space<vmem>>) target_semaphore(%dma_start3A_159 : memref<!tpu.dma_semaphore, #tpu.memory_space<semaphore_mem>>)
    } else {
    }
    %dma_wait3A = arith.constant 0 : i32
    %dma_wait3A_28 = arith.constant 0 : i32
    %dma_wait3A_29 = arith.constant 0 : i32
    %dma_wait3A_30 = arith.constant 0 : i32
    %dma_wait3A_31 = arith.constant 0 : i32
    %dma_wait3A_32 = tpu.memref_slice %arg5[%dma_wait3A_28, %dma_wait3A_30, %dma_wait3A_31] : memref<4x2x128xi32, #tpu.memory_space<vmem>> -> memref<1x2x128xi32, #tpu.memory_space<vmem>>
    %dma_wait3A_33 = tpu.memref_squeeze %dma_wait3A_32 : memref<1x2x128xi32, #tpu.memory_space<vmem>> -> memref<2x128xi32, #tpu.memory_space<vmem>>
    %dma_wait3A_34 = arith.constant 0 : i32
    %dma_wait3A_35 = arith.constant 0 : i32
    %dma_wait3A_36 = tpu.memref_slice %arg3[%dma_wait3A, %dma_wait3A_34, %dma_wait3A_35] : memref<2500x2x128xi32, #tpu.memory_space<hbm>> -> memref<1x2x128xi32, #tpu.memory_space<hbm>>
    %dma_wait3A_37 = tpu.memref_squeeze %dma_wait3A_36 : memref<1x2x128xi32, #tpu.memory_space<hbm>> -> memref<2x128xi32, #tpu.memory_space<hbm>>
    %dma_wait3A_38 = tpu.memref_slice %arg9[%dma_wait3A_29] : memref<4x!tpu.dma_semaphore, #tpu.memory_space<semaphore_mem>> -> memref<1x!tpu.dma_semaphore, #tpu.memory_space<semaphore_mem>>
    %dma_wait3A_39 = tpu.memref_squeeze %dma_wait3A_38 : memref<1x!tpu.dma_semaphore, #tpu.memory_space<semaphore_mem>> -> memref<!tpu.dma_semaphore, #tpu.memory_space<semaphore_mem>>
    %dma_wait3A_40 = arith.constant 0 : i32
    %dma_wait3A_41 = arith.constant 0 : i32
    %dma_wait3A_42 = tpu.memref_slice %arg5[%dma_wait3A_28, %dma_wait3A_40, %dma_wait3A_41] : memref<4x2x128xi32, #tpu.memory_space<vmem>> -> memref<1x2x128xi32, #tpu.memory_space<vmem>>
    %dma_wait3A_43 = tpu.memref_squeeze %dma_wait3A_42 : memref<1x2x128xi32, #tpu.memory_space<vmem>> -> memref<2x128xi32, #tpu.memory_space<vmem>>
    %dma_wait3A_44 = arith.constant 0 : i32
    %dma_wait3A_45 = arith.constant 0 : i32
    %dma_wait3A_46 = tpu.memref_slice %arg3[%dma_wait3A, %dma_wait3A_44, %dma_wait3A_45] : memref<2500x2x128xi32, #tpu.memory_space<hbm>> -> memref<1x2x128xi32, #tpu.memory_space<hbm>>
    %dma_wait3A_47 = tpu.memref_squeeze %dma_wait3A_46 : memref<1x2x128xi32, #tpu.memory_space<hbm>> -> memref<2x128xi32, #tpu.memory_space<hbm>>
    tpu.wait_dma2 semaphore(%dma_wait3A_39 : memref<!tpu.dma_semaphore, #tpu.memory_space<semaphore_mem>>) src(%dma_wait3A_47 : memref<2x128xi32, #tpu.memory_space<hbm>>) dst(%dma_wait3A_43 : memref<2x128xi32, #tpu.memory_space<vmem>>)
    %dma_start3A_48 = arith.constant 0 : i32
    %dma_start3A_49 = arith.constant 0 : i32
    %dma_start3A_50 = arith.constant 0 : i32
    %dma_start3A_51 = arith.constant 0 : i32
    %dma_start3A_52 = arith.constant 0 : i32
    %dma_start3A_53 = arith.constant 0 : i32
    %dma_start3A_54 = tpu.memref_slice %arg6[%dma_start3A_50, %dma_start3A_52, %dma_start3A_53] : memref<2x128x128xf32, #tpu.memory_space<vmem>> -> memref<1x128x128xf32, #tpu.memory_space<vmem>>
    %dma_start3A_55 = tpu.memref_squeeze %dma_start3A_54 : memref<1x128x128xf32, #tpu.memory_space<vmem>> -> memref<128x128xf32, #tpu.memory_space<vmem>>
    %dma_start3A_56 = arith.constant 0 : i32
    %dma_start3A_57 = tpu.memref_slice %arg5[%dma_start3A_48, %dma_start3A_49, %dma_start3A_56] : memref<4x2x128xi32, #tpu.memory_space<vmem>> -> memref<1x1x128xi32, #tpu.memory_space<vmem>>
    %dma_start3A_58 = tpu.memref_squeeze %dma_start3A_57 : memref<1x1x128xi32, #tpu.memory_space<vmem>> -> memref<128xi32, #tpu.memory_space<vmem>>
    %dma_start3A_59 = arith.constant 0 : i32
    %dma_start3A_60 = arith.constant 0 : i32
    %dma_start3A_61 = tpu.memref_slice %arg2[%dma_start3A_59, %dma_start3A_60] : memref<10000x128xf32, #tpu.memory_space<hbm>> -> memref<10000x128xf32, #tpu.memory_space<hbm>>
    %dma_start3A_62 = tpu.memref_slice %arg10[%dma_start3A_51] : memref<2x!tpu.dma_semaphore, #tpu.memory_space<semaphore_mem>> -> memref<1x!tpu.dma_semaphore, #tpu.memory_space<semaphore_mem>>
    %dma_start3A_63 = tpu.memref_squeeze %dma_start3A_62 : memref<1x!tpu.dma_semaphore, #tpu.memory_space<semaphore_mem>> -> memref<!tpu.dma_semaphore, #tpu.memory_space<semaphore_mem>>
    tpu.enqueue_indirect_dma source(%dma_start3A_61 : memref<10000x128xf32, #tpu.memory_space<hbm>>) target(%dma_start3A_55 : memref<128x128xf32, #tpu.memory_space<vmem>>) offsets(%dma_start3A_58 : memref<128xi32, #tpu.memory_space<vmem>>) semaphore(%dma_start3A_63 : memref<!tpu.dma_semaphore, #tpu.memory_space<semaphore_mem>>)
    %broadcast_in_dim3A = arith.constant 0.000000e+00 : f32
    %broadcast_in_dim3A_64 = vector.broadcast %broadcast_in_dim3A : f32 to vector<16xf32>
    %scan3A = arith.constant 0 : i32
    %scan3A_65 = arith.constant 64 : i32
    %scan3A_66 = arith.addi %scan3A, %scan3A_65 : i32
    %scan3A_67 = arith.constant 1 : i32
    scf.for %scan3A_146 = %scan3A to %scan3A_66 step %scan3A_67  : i32 {
      %swap3A = arith.index_cast %scan3A_146 : i32 to index
      %swap3A_147 = arith.constant 0 : index
      %swap3A_148 = tpu.vector_load %arg7[%swap3A, %swap3A_147] {strides = array<i32>} : memref<64x128xf32, #tpu.memory_space<vmem>>, vector<1x16xf32>,
      %swap3A_149 = vector.shape_cast %swap3A_148 : vector<1x16xf32> to vector<16xf32>
      %swap3A_150 = vector.shape_cast %broadcast_in_dim3A_64 : vector<16xf32> to vector<1x16xf32>
      tpu.vector_store %arg7[%swap3A, %swap3A_147], %swap3A_150 {strides = array<i32>} : memref<64x128xf32, #tpu.memory_space<vmem>>, vector<1x16xf32>,
      %swap3A_151 = arith.index_cast %scan3A_146 : i32 to index
      %swap3A_152 = arith.constant 16 : index
      %swap3A_153 = tpu.vector_load %arg7[%swap3A_151, %swap3A_152] {strides = array<i32>} : memref<64x128xf32, #tpu.memory_space<vmem>>, vector<1x16xf32>,
      %swap3A_154 = vector.shape_cast %swap3A_153 : vector<1x16xf32> to vector<16xf32>
      %swap3A_155 = vector.shape_cast %broadcast_in_dim3A_64 : vector<16xf32> to vector<1x16xf32>
      tpu.vector_store %arg7[%swap3A_151, %swap3A_152], %swap3A_155 {strides = array<i32>} : memref<64x128xf32, #tpu.memory_space<vmem>>, vector<1x16xf32>,
      %swap3A_156 = arith.index_cast %scan3A_146 : i32 to index
      %swap3A_157 = arith.constant 32 : index
      %swap3A_158 = tpu.vector_load %arg7[%swap3A_156, %swap3A_157] {strides = array<i32>} : memref<64x128xf32, #tpu.memory_space<vmem>>, vector<1x16xf32>,
      %swap3A_159 = vector.shape_cast %swap3A_158 : vector<1x16xf32> to vector<16xf32>
      %swap3A_160 = vector.shape_cast %broadcast_in_dim3A_64 : vector<16xf32> to vector<1x16xf32>
      tpu.vector_store %arg7[%swap3A_156, %swap3A_157], %swap3A_160 {strides = array<i32>} : memref<64x128xf32, #tpu.memory_space<vmem>>, vector<1x16xf32>,
      %swap3A_161 = arith.index_cast %scan3A_146 : i32 to index
      %swap3A_162 = arith.constant 48 : index
      %swap3A_163 = tpu.vector_load %arg7[%swap3A_161, %swap3A_162] {strides = array<i32>} : memref<64x128xf32, #tpu.memory_space<vmem>>, vector<1x16xf32>,
      %swap3A_164 = vector.shape_cast %swap3A_163 : vector<1x16xf32> to vector<16xf32>
      %swap3A_165 = vector.shape_cast %broadcast_in_dim3A_64 : vector<16xf32> to vector<1x16xf32>
      tpu.vector_store %arg7[%swap3A_161, %swap3A_162], %swap3A_165 {strides = array<i32>} : memref<64x128xf32, #tpu.memory_space<vmem>>, vector<1x16xf32>,
      %swap3A_166 = arith.index_cast %scan3A_146 : i32 to index
      %swap3A_167 = arith.constant 64 : index
      %swap3A_168 = tpu.vector_load %arg7[%swap3A_166, %swap3A_167] {strides = array<i32>} : memref<64x128xf32, #tpu.memory_space<vmem>>, vector<1x16xf32>,
      %swap3A_169 = vector.shape_cast %swap3A_168 : vector<1x16xf32> to vector<16xf32>
      %swap3A_170 = vector.shape_cast %broadcast_in_dim3A_64 : vector<16xf32> to vector<1x16xf32>
      tpu.vector_store %arg7[%swap3A_166, %swap3A_167], %swap3A_170 {strides = array<i32>} : memref<64x128xf32, #tpu.memory_space<vmem>>, vector<1x16xf32>,
      %swap3A_171 = arith.index_cast %scan3A_146 : i32 to index
      %swap3A_172 = arith.constant 80 : index
      %swap3A_173 = tpu.vector_load %arg7[%swap3A_171, %swap3A_172] {strides = array<i32>} : memref<64x128xf32, #tpu.memory_space<vmem>>, vector<1x16xf32>,
      %swap3A_174 = vector.shape_cast %swap3A_173 : vector<1x16xf32> to vector<16xf32>
      %swap3A_175 = vector.shape_cast %broadcast_in_dim3A_64 : vector<16xf32> to vector<1x16xf32>
      tpu.vector_store %arg7[%swap3A_171, %swap3A_172], %swap3A_175 {strides = array<i32>} : memref<64x128xf32, #tpu.memory_space<vmem>>, vector<1x16xf32>,
      %swap3A_176 = arith.index_cast %scan3A_146 : i32 to index
      %swap3A_177 = arith.constant 96 : index
      %swap3A_178 = tpu.vector_load %arg7[%swap3A_176, %swap3A_177] {strides = array<i32>} : memref<64x128xf32, #tpu.memory_space<vmem>>, vector<1x16xf32>,
      %swap3A_179 = vector.shape_cast %swap3A_178 : vector<1x16xf32> to vector<16xf32>
      %swap3A_180 = vector.shape_cast %broadcast_in_dim3A_64 : vector<16xf32> to vector<1x16xf32>
      tpu.vector_store %arg7[%swap3A_176, %swap3A_177], %swap3A_180 {strides = array<i32>} : memref<64x128xf32, #tpu.memory_space<vmem>>, vector<1x16xf32>,
      %swap3A_181 = arith.index_cast %scan3A_146 : i32 to index
      %swap3A_182 = arith.constant 112 : index
      %swap3A_183 = tpu.vector_load %arg7[%swap3A_181, %swap3A_182] {strides = array<i32>} : memref<64x128xf32, #tpu.memory_space<vmem>>, vector<1x16xf32>,
      %swap3A_184 = vector.shape_cast %swap3A_183 : vector<1x16xf32> to vector<16xf32>
      %swap3A_185 = vector.shape_cast %broadcast_in_dim3A_64 : vector<16xf32> to vector<1x16xf32>
      tpu.vector_store %arg7[%swap3A_181, %swap3A_182], %swap3A_185 {strides = array<i32>} : memref<64x128xf32, #tpu.memory_space<vmem>>, vector<1x16xf32>,
    }
    %scan3A_68 = arith.constant 64 : i32
    %mul3A_69 = arith.constant 640 : i32
    %mul3A_70 = arith.muli %arg1, %mul3A_69 : i32
    %add3A_71 = arith.constant 0 : i32
    %add3A_72 = arith.addi %mul3A_70, %add3A_71 : i32
    "tpu.region"() ({
      %run_scoped3A = tpu.sem_alloc : memref<!tpu.dma_semaphore, #tpu.memory_space<semaphore_mem>>
      %dma_start3A_146 = arith.constant 0 : i32
      %dma_start3A_147 = tpu.memref_slice %arg8[%add3A_72, %dma_start3A_146] : memref<10240x128xf32, #tpu.memory_space<vmem_shared>> -> memref<64x128xf32, #tpu.memory_space<vmem_shared>>
      %dma_start3A_148 = arith.constant 0 : i32
      %dma_start3A_149 = tpu.memref_slice %arg8[%add3A_72, %dma_start3A_148] : memref<10240x128xf32, #tpu.memory_space<vmem_shared>> -> memref<64x128xf32, #tpu.memory_space<vmem_shared>>
      tpu.enqueue_dma source(%arg7 : memref<64x128xf32, #tpu.memory_space<vmem>>) target(%dma_start3A_149 : memref<64x128xf32, #tpu.memory_space<vmem_shared>>) target_semaphore(%run_scoped3A : memref<!tpu.dma_semaphore, #tpu.memory_space<semaphore_mem>>)
      %dma_wait3A_150 = arith.constant 0 : i32
      %dma_wait3A_151 = tpu.memref_slice %arg8[%add3A_72, %dma_wait3A_150] : memref<10240x128xf32, #tpu.memory_space<vmem_shared>> -> memref<64x128xf32, #tpu.memory_space<vmem_shared>>
      %dma_wait3A_152 = arith.constant 0 : i32
      %dma_wait3A_153 = tpu.memref_slice %arg8[%add3A_72, %dma_wait3A_152] : memref<10240x128xf32, #tpu.memory_space<vmem_shared>> -> memref<64x128xf32, #tpu.memory_space<vmem_shared>>
      tpu.wait_dma2 semaphore(%run_scoped3A : memref<!tpu.dma_semaphore, #tpu.memory_space<semaphore_mem>>) src(%arg7 : memref<64x128xf32, #tpu.memory_space<vmem>>) dst(%dma_wait3A_153 : memref<64x128xf32, #tpu.memory_space<vmem_shared>>)
      tpu.yield
    }) : () -> ()
    %mul3A_73 = arith.constant 640 : i32
    %mul3A_74 = arith.muli %arg1, %mul3A_73 : i32
    %add3A_75 = arith.constant 64 : i32
    %add3A_76 = arith.addi %mul3A_74, %add3A_75 : i32
    "tpu.region"() ({
      %run_scoped3A = tpu.sem_alloc : memref<!tpu.dma_semaphore, #tpu.memory_space<semaphore_mem>>
      %dma_start3A_146 = arith.constant 0 : i32
      %dma_start3A_147 = tpu.memref_slice %arg8[%add3A_76, %dma_start3A_146] : memref<10240x128xf32, #tpu.memory_space<vmem_shared>> -> memref<64x128xf32, #tpu.memory_space<vmem_shared>>
      %dma_start3A_148 = arith.constant 0 : i32
      %dma_start3A_149 = tpu.memref_slice %arg8[%add3A_76, %dma_start3A_148] : memref<10240x128xf32, #tpu.memory_space<vmem_shared>> -> memref<64x128xf32, #tpu.memory_space<vmem_shared>>
      tpu.enqueue_dma source(%arg7 : memref<64x128xf32, #tpu.memory_space<vmem>>) target(%dma_start3A_149 : memref<64x128xf32, #tpu.memory_space<vmem_shared>>) target_semaphore(%run_scoped3A : memref<!tpu.dma_semaphore, #tpu.memory_space<semaphore_mem>>)
      %dma_wait3A_150 = arith.constant 0 : i32
      %dma_wait3A_151 = tpu.memref_slice %arg8[%add3A_76, %dma_wait3A_150] : memref<10240x128xf32, #tpu.memory_space<vmem_shared>> -> memref<64x128xf32, #tpu.memory_space<vmem_shared>>
      %dma_wait3A_152 = arith.constant 0 : i32
      %dma_wait3A_153 = tpu.memref_slice %arg8[%add3A_76, %dma_wait3A_152] : memref<10240x128xf32, #tpu.memory_space<vmem_shared>> -> memref<64x128xf32, #tpu.memory_space<vmem_shared>>
      tpu.wait_dma2 semaphore(%run_scoped3A : memref<!tpu.dma_semaphore, #tpu.memory_space<semaphore_mem>>) src(%arg7 : memref<64x128xf32, #tpu.memory_space<vmem>>) dst(%dma_wait3A_153 : memref<64x128xf32, #tpu.memory_space<vmem_shared>>)
      tpu.yield
    }) : () -> ()
    %mul3A_77 = arith.constant 640 : i32
    %mul3A_78 = arith.muli %arg1, %mul3A_77 : i32
    %add3A_79 = arith.constant 128 : i32
    %add3A_80 = arith.addi %mul3A_78, %add3A_79 : i32
    "tpu.region"() ({
      %run_scoped3A = tpu.sem_alloc : memref<!tpu.dma_semaphore, #tpu.memory_space<semaphore_mem>>
      %dma_start3A_146 = arith.constant 0 : i32
      %dma_start3A_147 = tpu.memref_slice %arg8[%add3A_80, %dma_start3A_146] : memref<10240x128xf32, #tpu.memory_space<vmem_shared>> -> memref<64x128xf32, #tpu.memory_space<vmem_shared>>
      %dma_start3A_148 = arith.constant 0 : i32
      %dma_start3A_149 = tpu.memref_slice %arg8[%add3A_80, %dma_start3A_148] : memref<10240x128xf32, #tpu.memory_space<vmem_shared>> -> memref<64x128xf32, #tpu.memory_space<vmem_shared>>
      tpu.enqueue_dma source(%arg7 : memref<64x128xf32, #tpu.memory_space<vmem>>) target(%dma_start3A_149 : memref<64x128xf32, #tpu.memory_space<vmem_shared>>) target_semaphore(%run_scoped3A : memref<!tpu.dma_semaphore, #tpu.memory_space<semaphore_mem>>)
      %dma_wait3A_150 = arith.constant 0 : i32
      %dma_wait3A_151 = tpu.memref_slice %arg8[%add3A_80, %dma_wait3A_150] : memref<10240x128xf32, #tpu.memory_space<vmem_shared>> -> memref<64x128xf32, #tpu.memory_space<vmem_shared>>
      %dma_wait3A_152 = arith.constant 0 : i32
      %dma_wait3A_153 = tpu.memref_slice %arg8[%add3A_80, %dma_wait3A_152] : memref<10240x128xf32, #tpu.memory_space<vmem_shared>> -> memref<64x128xf32, #tpu.memory_space<vmem_shared>>
      tpu.wait_dma2 semaphore(%run_scoped3A : memref<!tpu.dma_semaphore, #tpu.memory_space<semaphore_mem>>) src(%arg7 : memref<64x128xf32, #tpu.memory_space<vmem>>) dst(%dma_wait3A_153 : memref<64x128xf32, #tpu.memory_space<vmem_shared>>)
      tpu.yield
    }) : () -> ()
    %mul3A_81 = arith.constant 640 : i32
    %mul3A_82 = arith.muli %arg1, %mul3A_81 : i32
    %add3A_83 = arith.constant 192 : i32
    %add3A_84 = arith.addi %mul3A_82, %add3A_83 : i32
    "tpu.region"() ({
      %run_scoped3A = tpu.sem_alloc : memref<!tpu.dma_semaphore, #tpu.memory_space<semaphore_mem>>
      %dma_start3A_146 = arith.constant 0 : i32
      %dma_start3A_147 = tpu.memref_slice %arg8[%add3A_84, %dma_start3A_146] : memref<10240x128xf32, #tpu.memory_space<vmem_shared>> -> memref<64x128xf32, #tpu.memory_space<vmem_shared>>
      %dma_start3A_148 = arith.constant 0 : i32
      %dma_start3A_149 = tpu.memref_slice %arg8[%add3A_84, %dma_start3A_148] : memref<10240x128xf32, #tpu.memory_space<vmem_shared>> -> memref<64x128xf32, #tpu.memory_space<vmem_shared>>
      tpu.enqueue_dma source(%arg7 : memref<64x128xf32, #tpu.memory_space<vmem>>) target(%dma_start3A_149 : memref<64x128xf32, #tpu.memory_space<vmem_shared>>) target_semaphore(%run_scoped3A : memref<!tpu.dma_semaphore, #tpu.memory_space<semaphore_mem>>)
      %dma_wait3A_150 = arith.constant 0 : i32
      %dma_wait3A_151 = tpu.memref_slice %arg8[%add3A_84, %dma_wait3A_150] : memref<10240x128xf32, #tpu.memory_space<vmem_shared>> -> memref<64x128xf32, #tpu.memory_space<vmem_shared>>
      %dma_wait3A_152 = arith.constant 0 : i32
      %dma_wait3A_153 = tpu.memref_slice %arg8[%add3A_84, %dma_wait3A_152] : memref<10240x128xf32, #tpu.memory_space<vmem_shared>> -> memref<64x128xf32, #tpu.memory_space<vmem_shared>>
      tpu.wait_dma2 semaphore(%run_scoped3A : memref<!tpu.dma_semaphore, #tpu.memory_space<semaphore_mem>>) src(%arg7 : memref<64x128xf32, #tpu.memory_space<vmem>>) dst(%dma_wait3A_153 : memref<64x128xf32, #tpu.memory_space<vmem_shared>>)
      tpu.yield
    }) : () -> ()
    %mul3A_85 = arith.constant 640 : i32
    %mul3A_86 = arith.muli %arg1, %mul3A_85 : i32
    %add3A_87 = arith.constant 256 : i32
    %add3A_88 = arith.addi %mul3A_86, %add3A_87 : i32
    "tpu.region"() ({
      %run_scoped3A = tpu.sem_alloc : memref<!tpu.dma_semaphore, #tpu.memory_space<semaphore_mem>>
      %dma_start3A_146 = arith.constant 0 : i32
      %dma_start3A_147 = tpu.memref_slice %arg8[%add3A_88, %dma_start3A_146] : memref<10240x128xf32, #tpu.memory_space<vmem_shared>> -> memref<64x128xf32, #tpu.memory_space<vmem_shared>>
      %dma_start3A_148 = arith.constant 0 : i32
      %dma_start3A_149 = tpu.memref_slice %arg8[%add3A_88, %dma_start3A_148] : memref<10240x128xf32, #tpu.memory_space<vmem_shared>> -> memref<64x128xf32, #tpu.memory_space<vmem_shared>>
      tpu.enqueue_dma source(%arg7 : memref<64x128xf32, #tpu.memory_space<vmem>>) target(%dma_start3A_149 : memref<64x128xf32, #tpu.memory_space<vmem_shared>>) target_semaphore(%run_scoped3A : memref<!tpu.dma_semaphore, #tpu.memory_space<semaphore_mem>>)
      %dma_wait3A_150 = arith.constant 0 : i32
      %dma_wait3A_151 = tpu.memref_slice %arg8[%add3A_88, %dma_wait3A_150] : memref<10240x128xf32, #tpu.memory_space<vmem_shared>> -> memref<64x128xf32, #tpu.memory_space<vmem_shared>>
      %dma_wait3A_152 = arith.constant 0 : i32
      %dma_wait3A_153 = tpu.memref_slice %arg8[%add3A_88, %dma_wait3A_152] : memref<10240x128xf32, #tpu.memory_space<vmem_shared>> -> memref<64x128xf32, #tpu.memory_space<vmem_shared>>
      tpu.wait_dma2 semaphore(%run_scoped3A : memref<!tpu.dma_semaphore, #tpu.memory_space<semaphore_mem>>) src(%arg7 : memref<64x128xf32, #tpu.memory_space<vmem>>) dst(%dma_wait3A_153 : memref<64x128xf32, #tpu.memory_space<vmem_shared>>)
      tpu.yield
    }) : () -> ()
    %mul3A_89 = arith.constant 640 : i32
    %mul3A_90 = arith.muli %arg1, %mul3A_89 : i32
    %add3A_91 = arith.constant 320 : i32
    %add3A_92 = arith.addi %mul3A_90, %add3A_91 : i32
    "tpu.region"() ({
      %run_scoped3A = tpu.sem_alloc : memref<!tpu.dma_semaphore, #tpu.memory_space<semaphore_mem>>
      %dma_start3A_146 = arith.constant 0 : i32
      %dma_start3A_147 = tpu.memref_slice %arg8[%add3A_92, %dma_start3A_146] : memref<10240x128xf32, #tpu.memory_space<vmem_shared>> -> memref<64x128xf32, #tpu.memory_space<vmem_shared>>
      %dma_start3A_148 = arith.constant 0 : i32
      %dma_start3A_149 = tpu.memref_slice %arg8[%add3A_92, %dma_start3A_148] : memref<10240x128xf32, #tpu.memory_space<vmem_shared>> -> memref<64x128xf32, #tpu.memory_space<vmem_shared>>
      tpu.enqueue_dma source(%arg7 : memref<64x128xf32, #tpu.memory_space<vmem>>) target(%dma_start3A_149 : memref<64x128xf32, #tpu.memory_space<vmem_shared>>) target_semaphore(%run_scoped3A : memref<!tpu.dma_semaphore, #tpu.memory_space<semaphore_mem>>)
      %dma_wait3A_150 = arith.constant 0 : i32
      %dma_wait3A_151 = tpu.memref_slice %arg8[%add3A_92, %dma_wait3A_150] : memref<10240x128xf32, #tpu.memory_space<vmem_shared>> -> memref<64x128xf32, #tpu.memory_space<vmem_shared>>
      %dma_wait3A_152 = arith.constant 0 : i32
      %dma_wait3A_153 = tpu.memref_slice %arg8[%add3A_92, %dma_wait3A_152] : memref<10240x128xf32, #tpu.memory_space<vmem_shared>> -> memref<64x128xf32, #tpu.memory_space<vmem_shared>>
      tpu.wait_dma2 semaphore(%run_scoped3A : memref<!tpu.dma_semaphore, #tpu.memory_space<semaphore_mem>>) src(%arg7 : memref<64x128xf32, #tpu.memory_space<vmem>>) dst(%dma_wait3A_153 : memref<64x128xf32, #tpu.memory_space<vmem_shared>>)
      tpu.yield
    }) : () -> ()
    %mul3A_93 = arith.constant 640 : i32
    %mul3A_94 = arith.muli %arg1, %mul3A_93 : i32
    %add3A_95 = arith.constant 384 : i32
    %add3A_96 = arith.addi %mul3A_94, %add3A_95 : i32
    "tpu.region"() ({
      %run_scoped3A = tpu.sem_alloc : memref<!tpu.dma_semaphore, #tpu.memory_space<semaphore_mem>>
      %dma_start3A_146 = arith.constant 0 : i32
      %dma_start3A_147 = tpu.memref_slice %arg8[%add3A_96, %dma_start3A_146] : memref<10240x128xf32, #tpu.memory_space<vmem_shared>> -> memref<64x128xf32, #tpu.memory_space<vmem_shared>>
      %dma_start3A_148 = arith.constant 0 : i32
      %dma_start3A_149 = tpu.memref_slice %arg8[%add3A_96, %dma_start3A_148] : memref<10240x128xf32, #tpu.memory_space<vmem_shared>> -> memref<64x128xf32, #tpu.memory_space<vmem_shared>>
      tpu.enqueue_dma source(%arg7 : memref<64x128xf32, #tpu.memory_space<vmem>>) target(%dma_start3A_149 : memref<64x128xf32, #tpu.memory_space<vmem_shared>>) target_semaphore(%run_scoped3A : memref<!tpu.dma_semaphore, #tpu.memory_space<semaphore_mem>>)
      %dma_wait3A_150 = arith.constant 0 : i32
      %dma_wait3A_151 = tpu.memref_slice %arg8[%add3A_96, %dma_wait3A_150] : memref<10240x128xf32, #tpu.memory_space<vmem_shared>> -> memref<64x128xf32, #tpu.memory_space<vmem_shared>>
      %dma_wait3A_152 = arith.constant 0 : i32
      %dma_wait3A_153 = tpu.memref_slice %arg8[%add3A_96, %dma_wait3A_152] : memref<10240x128xf32, #tpu.memory_space<vmem_shared>> -> memref<64x128xf32, #tpu.memory_space<vmem_shared>>
      tpu.wait_dma2 semaphore(%run_scoped3A : memref<!tpu.dma_semaphore, #tpu.memory_space<semaphore_mem>>) src(%arg7 : memref<64x128xf32, #tpu.memory_space<vmem>>) dst(%dma_wait3A_153 : memref<64x128xf32, #tpu.memory_space<vmem_shared>>)
      tpu.yield
    }) : () -> ()
    %mul3A_97 = arith.constant 640 : i32
    %mul3A_98 = arith.muli %arg1, %mul3A_97 : i32
    %add3A_99 = arith.constant 448 : i32
    %add3A_100 = arith.addi %mul3A_98, %add3A_99 : i32
    "tpu.region"() ({
      %run_scoped3A = tpu.sem_alloc : memref<!tpu.dma_semaphore, #tpu.memory_space<semaphore_mem>>
      %dma_start3A_146 = arith.constant 0 : i32
      %dma_start3A_147 = tpu.memref_slice %arg8[%add3A_100, %dma_start3A_146] : memref<10240x128xf32, #tpu.memory_space<vmem_shared>> -> memref<64x128xf32, #tpu.memory_space<vmem_shared>>
      %dma_start3A_148 = arith.constant 0 : i32
      %dma_start3A_149 = tpu.memref_slice %arg8[%add3A_100, %dma_start3A_148] : memref<10240x128xf32, #tpu.memory_space<vmem_shared>> -> memref<64x128xf32, #tpu.memory_space<vmem_shared>>
      tpu.enqueue_dma source(%arg7 : memref<64x128xf32, #tpu.memory_space<vmem>>) target(%dma_start3A_149 : memref<64x128xf32, #tpu.memory_space<vmem_shared>>) target_semaphore(%run_scoped3A : memref<!tpu.dma_semaphore, #tpu.memory_space<semaphore_mem>>)
      %dma_wait3A_150 = arith.constant 0 : i32
      %dma_wait3A_151 = tpu.memref_slice %arg8[%add3A_100, %dma_wait3A_150] : memref<10240x128xf32, #tpu.memory_space<vmem_shared>> -> memref<64x128xf32, #tpu.memory_space<vmem_shared>>
      %dma_wait3A_152 = arith.constant 0 : i32
      %dma_wait3A_153 = tpu.memref_slice %arg8[%add3A_100, %dma_wait3A_152] : memref<10240x128xf32, #tpu.memory_space<vmem_shared>> -> memref<64x128xf32, #tpu.memory_space<vmem_shared>>
      tpu.wait_dma2 semaphore(%run_scoped3A : memref<!tpu.dma_semaphore, #tpu.memory_space<semaphore_mem>>) src(%arg7 : memref<64x128xf32, #tpu.memory_space<vmem>>) dst(%dma_wait3A_153 : memref<64x128xf32, #tpu.memory_space<vmem_shared>>)
      tpu.yield
    }) : () -> ()
    %mul3A_101 = arith.constant 640 : i32
    %mul3A_102 = arith.muli %arg1, %mul3A_101 : i32
    %add3A_103 = arith.constant 512 : i32
    %add3A_104 = arith.addi %mul3A_102, %add3A_103 : i32
    "tpu.region"() ({
      %run_scoped3A = tpu.sem_alloc : memref<!tpu.dma_semaphore, #tpu.memory_space<semaphore_mem>>
      %dma_start3A_146 = arith.constant 0 : i32
      %dma_start3A_147 = tpu.memref_slice %arg8[%add3A_104, %dma_start3A_146] : memref<10240x128xf32, #tpu.memory_space<vmem_shared>> -> memref<64x128xf32, #tpu.memory_space<vmem_shared>>
      %dma_start3A_148 = arith.constant 0 : i32
      %dma_start3A_149 = tpu.memref_slice %arg8[%add3A_104, %dma_start3A_148] : memref<10240x128xf32, #tpu.memory_space<vmem_shared>> -> memref<64x128xf32, #tpu.memory_space<vmem_shared>>
      tpu.enqueue_dma source(%arg7 : memref<64x128xf32, #tpu.memory_space<vmem>>) target(%dma_start3A_149 : memref<64x128xf32, #tpu.memory_space<vmem_shared>>) target_semaphore(%run_scoped3A : memref<!tpu.dma_semaphore, #tpu.memory_space<semaphore_mem>>)
      %dma_wait3A_150 = arith.constant 0 : i32
      %dma_wait3A_151 = tpu.memref_slice %arg8[%add3A_104, %dma_wait3A_150] : memref<10240x128xf32, #tpu.memory_space<vmem_shared>> -> memref<64x128xf32, #tpu.memory_space<vmem_shared>>
      %dma_wait3A_152 = arith.constant 0 : i32
      %dma_wait3A_153 = tpu.memref_slice %arg8[%add3A_104, %dma_wait3A_152] : memref<10240x128xf32, #tpu.memory_space<vmem_shared>> -> memref<64x128xf32, #tpu.memory_space<vmem_shared>>
      tpu.wait_dma2 semaphore(%run_scoped3A : memref<!tpu.dma_semaphore, #tpu.memory_space<semaphore_mem>>) src(%arg7 : memref<64x128xf32, #tpu.memory_space<vmem>>) dst(%dma_wait3A_153 : memref<64x128xf32, #tpu.memory_space<vmem_shared>>)
      tpu.yield
    }) : () -> ()
    %mul3A_105 = arith.constant 640 : i32
    %mul3A_106 = arith.muli %arg1, %mul3A_105 : i32
    %add3A_107 = arith.constant 576 : i32
    %add3A_108 = arith.addi %mul3A_106, %add3A_107 : i32
    "tpu.region"() ({
      %run_scoped3A = tpu.sem_alloc : memref<!tpu.dma_semaphore, #tpu.memory_space<semaphore_mem>>
      %dma_start3A_146 = arith.constant 0 : i32
      %dma_start3A_147 = tpu.memref_slice %arg8[%add3A_108, %dma_start3A_146] : memref<10240x128xf32, #tpu.memory_space<vmem_shared>> -> memref<64x128xf32, #tpu.memory_space<vmem_shared>>
      %dma_start3A_148 = arith.constant 0 : i32
      %dma_start3A_149 = tpu.memref_slice %arg8[%add3A_108, %dma_start3A_148] : memref<10240x128xf32, #tpu.memory_space<vmem_shared>> -> memref<64x128xf32, #tpu.memory_space<vmem_shared>>
      tpu.enqueue_dma source(%arg7 : memref<64x128xf32, #tpu.memory_space<vmem>>) target(%dma_start3A_149 : memref<64x128xf32, #tpu.memory_space<vmem_shared>>) target_semaphore(%run_scoped3A : memref<!tpu.dma_semaphore, #tpu.memory_space<semaphore_mem>>)
      %dma_wait3A_150 = arith.constant 0 : i32
      %dma_wait3A_151 = tpu.memref_slice %arg8[%add3A_108, %dma_wait3A_150] : memref<10240x128xf32, #tpu.memory_space<vmem_shared>> -> memref<64x128xf32, #tpu.memory_space<vmem_shared>>
      %dma_wait3A_152 = arith.constant 0 : i32
      %dma_wait3A_153 = tpu.memref_slice %arg8[%add3A_108, %dma_wait3A_152] : memref<10240x128xf32, #tpu.memory_space<vmem_shared>> -> memref<64x128xf32, #tpu.memory_space<vmem_shared>>
      tpu.wait_dma2 semaphore(%run_scoped3A : memref<!tpu.dma_semaphore, #tpu.memory_space<semaphore_mem>>) src(%arg7 : memref<64x128xf32, #tpu.memory_space<vmem>>) dst(%dma_wait3A_153 : memref<64x128xf32, #tpu.memory_space<vmem_shared>>)
      tpu.yield
    }) : () -> ()
    %barrier3A = arith.constant 0 : index
    tpu.barrier barrier_id(%barrier3A)
    %while3A = arith.constant 0 : i32
    %while3A_109 = arith.subi %add3A_4, %while3A : i32
    %while3A_110 = arith.addi %while3A, %while3A_109 : i32
    %while3A_111 = arith.constant 1 : i32
    %while3A_112 = arith.divsi %while3A_109, %while3A_111 : i32
    %while3A_113 = arith.muli %while3A_112, %while3A_111 : i32
    %while3A_114 = arith.addi %while3A, %while3A_113 : i32
    %while3A_115 = arith.constant 1 : i32
    scf.for %while3A_146 = %while3A to %while3A_114 step %while3A_115  : i32 {
      %rem3A_147 = arith.constant 2 : i32
      %rem3A_148 = arith.remsi %while3A_146, %rem3A_147 : i32
      %add3A_149 = arith.constant 1 : i32
      %add3A_150 = arith.addi %while3A_146, %add3A_149 : i32
      %rem3A_151 = arith.constant 2 : i32
      %rem3A_152 = arith.remsi %add3A_150, %rem3A_151 : i32
      %rem3A_153 = arith.constant 4 : i32
      %rem3A_154 = arith.remsi %while3A_146, %rem3A_153 : i32
      %add3A_155 = arith.constant 1 : i32
      %add3A_156 = arith.addi %while3A_146, %add3A_155 : i32
      %rem3A_157 = arith.constant 4 : i32
      %rem3A_158 = arith.remsi %add3A_156, %rem3A_157 : i32
      %add3A_159 = arith.constant 2 : i32
      %add3A_160 = arith.addi %while3A_146, %add3A_159 : i32
      %rem3A_161 = arith.constant 4 : i32
      %rem3A_162 = arith.remsi %add3A_160, %rem3A_161 : i32
      %add3A_163 = arith.constant 3 : i32
      %add3A_164 = arith.addi %while3A_146, %add3A_163 : i32
      %rem3A_165 = arith.constant 4 : i32
      %rem3A_166 = arith.remsi %add3A_164, %rem3A_165 : i32
      %add3A_167 = arith.constant 1 : i32
      %add3A_168 = arith.addi %while3A_146, %add3A_167 : i32
      %lt3A_169 = arith.cmpi slt, %add3A_168, %add3A_4 : i32
      %convert_element_type3A_170 = arith.extui %lt3A_169 : i1 to i32
      %cond3A_171 = arith.constant 0 : i32
      %cond3A_172 = arith.cmpi ne, %convert_element_type3A_170, %cond3A_171 : i32
      scf.if %cond3A_172 {
        %dma_wait3A_205 = arith.constant 0 : i32
        %dma_wait3A_206 = arith.constant 0 : i32
        %dma_wait3A_207 = arith.constant 0 : i32
        %dma_wait3A_208 = tpu.memref_slice %arg5[%rem3A_158, %dma_wait3A_206, %dma_wait3A_207] : memref<4x2x128xi32, #tpu.memory_space<vmem>> -> memref<1x2x128xi32, #tpu.memory_space<vmem>>
        %dma_wait3A_209 = tpu.memref_squeeze %dma_wait3A_208 : memref<1x2x128xi32, #tpu.memory_space<vmem>> -> memref<2x128xi32, #tpu.memory_space<vmem>>
        %dma_wait3A_210 = arith.constant 0 : i32
        %dma_wait3A_211 = arith.constant 0 : i32
        %dma_wait3A_212 = tpu.memref_slice %arg3[%dma_wait3A_205, %dma_wait3A_210, %dma_wait3A_211] : memref<2500x2x128xi32, #tpu.memory_space<hbm>> -> memref<1x2x128xi32, #tpu.memory_space<hbm>>
        %dma_wait3A_213 = tpu.memref_squeeze %dma_wait3A_212 : memref<1x2x128xi32, #tpu.memory_space<hbm>> -> memref<2x128xi32, #tpu.memory_space<hbm>>
        %dma_wait3A_214 = tpu.memref_slice %arg9[%rem3A_158] : memref<4x!tpu.dma_semaphore, #tpu.memory_space<semaphore_mem>> -> memref<1x!tpu.dma_semaphore, #tpu.memory_space<semaphore_mem>>
        %dma_wait3A_215 = tpu.memref_squeeze %dma_wait3A_214 : memref<1x!tpu.dma_semaphore, #tpu.memory_space<semaphore_mem>> -> memref<!tpu.dma_semaphore, #tpu.memory_space<semaphore_mem>>
        %dma_wait3A_216 = arith.constant 0 : i32
        %dma_wait3A_217 = arith.constant 0 : i32
        %dma_wait3A_218 = tpu.memref_slice %arg5[%rem3A_158, %dma_wait3A_216, %dma_wait3A_217] : memref<4x2x128xi32, #tpu.memory_space<vmem>> -> memref<1x2x128xi32, #tpu.memory_space<vmem>>
        %dma_wait3A_219 = tpu.memref_squeeze %dma_wait3A_218 : memref<1x2x128xi32, #tpu.memory_space<vmem>> -> memref<2x128xi32, #tpu.memory_space<vmem>>
        %dma_wait3A_220 = arith.constant 0 : i32
        %dma_wait3A_221 = arith.constant 0 : i32
        %dma_wait3A_222 = tpu.memref_slice %arg3[%dma_wait3A_205, %dma_wait3A_220, %dma_wait3A_221] : memref<2500x2x128xi32, #tpu.memory_space<hbm>> -> memref<1x2x128xi32, #tpu.memory_space<hbm>>
        %dma_wait3A_223 = tpu.memref_squeeze %dma_wait3A_222 : memref<1x2x128xi32, #tpu.memory_space<hbm>> -> memref<2x128xi32, #tpu.memory_space<hbm>>
        tpu.wait_dma2 semaphore(%dma_wait3A_215 : memref<!tpu.dma_semaphore, #tpu.memory_space<semaphore_mem>>) src(%dma_wait3A_223 : memref<2x128xi32, #tpu.memory_space<hbm>>) dst(%dma_wait3A_219 : memref<2x128xi32, #tpu.memory_space<vmem>>)
        %ge3A_224 = arith.constant 1 : i32
        %ge3A_225 = arith.cmpi sge, %while3A_146, %ge3A_224 : i32
        %convert_element_type3A_226 = arith.extui %ge3A_225 : i1 to i32
        %cond3A_227 = arith.constant 0 : i32
        %cond3A_228 = arith.cmpi ne, %convert_element_type3A_226, %cond3A_227 : i32
        scf.if %cond3A_228 {
          %dma_wait3A_242 = arith.constant 1 : i32
          %dma_wait3A_243 = arith.constant 0 : i32
          %dma_wait3A_244 = arith.constant 0 : i32
          %dma_wait3A_245 = tpu.memref_slice %arg6[%rem3A_152, %dma_wait3A_243, %dma_wait3A_244] : memref<2x128x128xf32, #tpu.memory_space<vmem>> -> memref<1x128x128xf32, #tpu.memory_space<vmem>>
          %dma_wait3A_246 = tpu.memref_squeeze %dma_wait3A_245 : memref<1x128x128xf32, #tpu.memory_space<vmem>> -> memref<128x128xf32, #tpu.memory_space<vmem>>
          %dma_wait3A_247 = arith.constant 0 : i32
          %dma_wait3A_248 = tpu.memref_slice %arg5[%rem3A_166, %dma_wait3A_242, %dma_wait3A_247] : memref<4x2x128xi32, #tpu.memory_space<vmem>> -> memref<1x1x128xi32, #tpu.memory_space<vmem>>
          %dma_wait3A_249 = tpu.memref_squeeze %dma_wait3A_248 : memref<1x1x128xi32, #tpu.memory_space<vmem>> -> memref<128xi32, #tpu.memory_space<vmem>>
          %dma_wait3A_250 = arith.constant 0 : i32
          %dma_wait3A_251 = arith.constant 0 : i32
          %dma_wait3A_252 = tpu.memref_slice %arg8[%dma_wait3A_250, %dma_wait3A_251] : memref<10240x128xf32, #tpu.memory_space<vmem_shared>> -> memref<10240x128xf32, #tpu.memory_space<vmem_shared>>
          %dma_wait3A_253 = tpu.memref_slice %arg11[%rem3A_152] : memref<2x!tpu.dma_semaphore, #tpu.memory_space<semaphore_mem>> -> memref<1x!tpu.dma_semaphore, #tpu.memory_space<semaphore_mem>>
          %dma_wait3A_254 = tpu.memref_squeeze %dma_wait3A_253 : memref<1x!tpu.dma_semaphore, #tpu.memory_space<semaphore_mem>> -> memref<!tpu.dma_semaphore, #tpu.memory_space<semaphore_mem>>
          tpu.wait_indirect_dma semaphore(%dma_wait3A_254 : memref<!tpu.dma_semaphore, #tpu.memory_space<semaphore_mem>>) src(%dma_wait3A_246 : memref<128x128xf32, #tpu.memory_space<vmem>>) dst(%dma_wait3A_252 : memref<10240x128xf32, #tpu.memory_space<vmem_shared>>)
        } else {
        }
        %dma_start3A_229 = arith.constant 0 : i32
        %dma_start3A_230 = arith.constant 0 : i32
        %dma_start3A_231 = arith.constant 0 : i32
        %dma_start3A_232 = tpu.memref_slice %arg6[%rem3A_152, %dma_start3A_230, %dma_start3A_231] : memref<2x128x128xf32, #tpu.memory_space<vmem>> -> memref<1x128x128xf32, #tpu.memory_space<vmem>>
        %dma_start3A_233 = tpu.memref_squeeze %dma_start3A_232 : memref<1x128x128xf32, #tpu.memory_space<vmem>> -> memref<128x128xf32, #tpu.memory_space<vmem>>
        %dma_start3A_234 = arith.constant 0 : i32
        %dma_start3A_235 = tpu.memref_slice %arg5[%rem3A_158, %dma_start3A_229, %dma_start3A_234] : memref<4x2x128xi32, #tpu.memory_space<vmem>> -> memref<1x1x128xi32, #tpu.memory_space<vmem>>
        %dma_start3A_236 = tpu.memref_squeeze %dma_start3A_235 : memref<1x1x128xi32, #tpu.memory_space<vmem>> -> memref<128xi32, #tpu.memory_space<vmem>>
        %dma_start3A_237 = arith.constant 0 : i32
        %dma_start3A_238 = arith.constant 0 : i32
        %dma_start3A_239 = tpu.memref_slice %arg2[%dma_start3A_237, %dma_start3A_238] : memref<10000x128xf32, #tpu.memory_space<hbm>> -> memref<10000x128xf32, #tpu.memory_space<hbm>>
        %dma_start3A_240 = tpu.memref_slice %arg10[%rem3A_152] : memref<2x!tpu.dma_semaphore, #tpu.memory_space<semaphore_mem>> -> memref<1x!tpu.dma_semaphore, #tpu.memory_space<semaphore_mem>>
        %dma_start3A_241 = tpu.memref_squeeze %dma_start3A_240 : memref<1x!tpu.dma_semaphore, #tpu.memory_space<semaphore_mem>> -> memref<!tpu.dma_semaphore, #tpu.memory_space<semaphore_mem>>
        tpu.enqueue_indirect_dma source(%dma_start3A_239 : memref<10000x128xf32, #tpu.memory_space<hbm>>) target(%dma_start3A_233 : memref<128x128xf32, #tpu.memory_space<vmem>>) offsets(%dma_start3A_236 : memref<128xi32, #tpu.memory_space<vmem>>) semaphore(%dma_start3A_241 : memref<!tpu.dma_semaphore, #tpu.memory_space<semaphore_mem>>)
      } else {
      }
      %dma_wait3A_173 = arith.constant 0 : i32
      %dma_wait3A_174 = arith.constant 0 : i32
      %dma_wait3A_175 = arith.constant 0 : i32
      %dma_wait3A_176 = tpu.memref_slice %arg6[%rem3A_148, %dma_wait3A_174, %dma_wait3A_175] : memref<2x128x128xf32, #tpu.memory_space<vmem>> -> memref<1x128x128xf32, #tpu.memory_space<vmem>>
      %dma_wait3A_177 = tpu.memref_squeeze %dma_wait3A_176 : memref<1x128x128xf32, #tpu.memory_space<vmem>> -> memref<128x128xf32, #tpu.memory_space<vmem>>
      %dma_wait3A_178 = arith.constant 0 : i32
      %dma_wait3A_179 = tpu.memref_slice %arg5[%rem3A_154, %dma_wait3A_173, %dma_wait3A_178] : memref<4x2x128xi32, #tpu.memory_space<vmem>> -> memref<1x1x128xi32, #tpu.memory_space<vmem>>
      %dma_wait3A_180 = tpu.memref_squeeze %dma_wait3A_179 : memref<1x1x128xi32, #tpu.memory_space<vmem>> -> memref<128xi32, #tpu.memory_space<vmem>>
      %dma_wait3A_181 = arith.constant 0 : i32
      %dma_wait3A_182 = arith.constant 0 : i32
      %dma_wait3A_183 = tpu.memref_slice %arg2[%dma_wait3A_181, %dma_wait3A_182] : memref<10000x128xf32, #tpu.memory_space<hbm>> -> memref<10000x128xf32, #tpu.memory_space<hbm>>
      %dma_wait3A_184 = tpu.memref_slice %arg10[%rem3A_148] : memref<2x!tpu.dma_semaphore, #tpu.memory_space<semaphore_mem>> -> memref<1x!tpu.dma_semaphore, #tpu.memory_space<semaphore_mem>>
      %dma_wait3A_185 = tpu.memref_squeeze %dma_wait3A_184 : memref<1x!tpu.dma_semaphore, #tpu.memory_space<semaphore_mem>> -> memref<!tpu.dma_semaphore, #tpu.memory_space<semaphore_mem>>
      tpu.wait_indirect_dma semaphore(%dma_wait3A_185 : memref<!tpu.dma_semaphore, #tpu.memory_space<semaphore_mem>>) src(%dma_wait3A_183 : memref<10000x128xf32, #tpu.memory_space<hbm>>) dst(%dma_wait3A_177 : memref<128x128xf32, #tpu.memory_space<vmem>>)
      %dma_start3A_186 = arith.constant 1 : i32
      %dma_start3A_187 = arith.constant 0 : i32
      %dma_start3A_188 = arith.constant 0 : i32
      %dma_start3A_189 = tpu.memref_slice %arg6[%rem3A_148, %dma_start3A_187, %dma_start3A_188] : memref<2x128x128xf32, #tpu.memory_space<vmem>> -> memref<1x128x128xf32, #tpu.memory_space<vmem>>
      %dma_start3A_190 = tpu.memref_squeeze %dma_start3A_189 : memref<1x128x128xf32, #tpu.memory_space<vmem>> -> memref<128x128xf32, #tpu.memory_space<vmem>>
      %dma_start3A_191 = arith.constant 0 : i32
      %dma_start3A_192 = tpu.memref_slice %arg5[%rem3A_154, %dma_start3A_186, %dma_start3A_191] : memref<4x2x128xi32, #tpu.memory_space<vmem>> -> memref<1x1x128xi32, #tpu.memory_space<vmem>>
      %dma_start3A_193 = tpu.memref_squeeze %dma_start3A_192 : memref<1x1x128xi32, #tpu.memory_space<vmem>> -> memref<128xi32, #tpu.memory_space<vmem>>
      %dma_start3A_194 = arith.constant 0 : i32
      %dma_start3A_195 = arith.constant 0 : i32
      %dma_start3A_196 = tpu.memref_slice %arg8[%dma_start3A_194, %dma_start3A_195] : memref<10240x128xf32, #tpu.memory_space<vmem_shared>> -> memref<10240x128xf32, #tpu.memory_space<vmem_shared>>
      %dma_start3A_197 = tpu.memref_slice %arg11[%rem3A_148] : memref<2x!tpu.dma_semaphore, #tpu.memory_space<semaphore_mem>> -> memref<1x!tpu.dma_semaphore, #tpu.memory_space<semaphore_mem>>
      %dma_start3A_198 = tpu.memref_squeeze %dma_start3A_197 : memref<1x!tpu.dma_semaphore, #tpu.memory_space<semaphore_mem>> -> memref<!tpu.dma_semaphore, #tpu.memory_space<semaphore_mem>>
      tpu.enqueue_indirect_dma source(%dma_start3A_190 : memref<128x128xf32, #tpu.memory_space<vmem>>) target(%dma_start3A_196 : memref<10240x128xf32, #tpu.memory_space<vmem_shared>>) offsets(%dma_start3A_193 : memref<128xi32, #tpu.memory_space<vmem>>) semaphore(%dma_start3A_198 : memref<!tpu.dma_semaphore, #tpu.memory_space<semaphore_mem>>) {add = true}
      %add3A_199 = arith.constant 2 : i32
      %add3A_200 = arith.addi %while3A_146, %add3A_199 : i32
      %lt3A_201 = arith.cmpi slt, %add3A_200, %add3A_4 : i32
      %convert_element_type3A_202 = arith.extui %lt3A_201 : i1 to i32
      %cond3A_203 = arith.constant 0 : i32
      %cond3A_204 = arith.cmpi ne, %convert_element_type3A_202, %cond3A_203 : i32
      scf.if %cond3A_204 {
        %add3A_205 = arith.constant 2 : i32
        %add3A_206 = arith.addi %while3A_146, %add3A_205 : i32
        %mul3A_207 = arith.constant 32 : i32
        %mul3A_208 = arith.muli %mul3A_207, %add3A_206 : i32
        %add3A_209 = arith.addi %add3A, %mul3A_208 : i32
        %dma_start3A_210 = arith.constant 0 : i32
        %dma_start3A_211 = arith.constant 0 : i32
        %dma_start3A_212 = tpu.memref_slice %arg5[%rem3A_162, %dma_start3A_210, %dma_start3A_211] : memref<4x2x128xi32, #tpu.memory_space<vmem>> -> memref<1x2x128xi32, #tpu.memory_space<vmem>>
        %dma_start3A_213 = tpu.memref_squeeze %dma_start3A_212 : memref<1x2x128xi32, #tpu.memory_space<vmem>> -> memref<2x128xi32, #tpu.memory_space<vmem>>
        %dma_start3A_214 = arith.constant 0 : i32
        %dma_start3A_215 = arith.constant 0 : i32
        %dma_start3A_216 = tpu.memref_slice %arg3[%add3A_209, %dma_start3A_214, %dma_start3A_215] : memref<2500x2x128xi32, #tpu.memory_space<hbm>> -> memref<1x2x128xi32, #tpu.memory_space<hbm>>
        %dma_start3A_217 = tpu.memref_squeeze %dma_start3A_216 : memref<1x2x128xi32, #tpu.memory_space<hbm>> -> memref<2x128xi32, #tpu.memory_space<hbm>>
        %dma_start3A_218 = tpu.memref_slice %arg9[%rem3A_162] : memref<4x!tpu.dma_semaphore, #tpu.memory_space<semaphore_mem>> -> memref<1x!tpu.dma_semaphore, #tpu.memory_space<semaphore_mem>>
        %dma_start3A_219 = tpu.memref_squeeze %dma_start3A_218 : memref<1x!tpu.dma_semaphore, #tpu.memory_space<semaphore_mem>> -> memref<!tpu.dma_semaphore, #tpu.memory_space<semaphore_mem>>
        %dma_start3A_220 = arith.constant 0 : i32
        %dma_start3A_221 = arith.constant 0 : i32
        %dma_start3A_222 = tpu.memref_slice %arg5[%rem3A_162, %dma_start3A_220, %dma_start3A_221] : memref<4x2x128xi32, #tpu.memory_space<vmem>> -> memref<1x2x128xi32, #tpu.memory_space<vmem>>
        %dma_start3A_223 = tpu.memref_squeeze %dma_start3A_222 : memref<1x2x128xi32, #tpu.memory_space<vmem>> -> memref<2x128xi32, #tpu.memory_space<vmem>>
        %dma_start3A_224 = arith.constant 0 : i32
        %dma_start3A_225 = arith.constant 0 : i32
        %dma_start3A_226 = tpu.memref_slice %arg3[%add3A_209, %dma_start3A_224, %dma_start3A_225] : memref<2500x2x128xi32, #tpu.memory_space<hbm>> -> memref<1x2x128xi32, #tpu.memory_space<hbm>>
        %dma_start3A_227 = tpu.memref_squeeze %dma_start3A_226 : memref<1x2x128xi32, #tpu.memory_space<hbm>> -> memref<2x128xi32, #tpu.memory_space<hbm>>
        tpu.enqueue_dma source(%dma_start3A_227 : memref<2x128xi32, #tpu.memory_space<hbm>>) target(%dma_start3A_223 : memref<2x128xi32, #tpu.memory_space<vmem>>) target_semaphore(%dma_start3A_219 : memref<!tpu.dma_semaphore, #tpu.memory_space<semaphore_mem>>)
      } else {
      }
    }
    %while3A_116 = arith.constant 1 : i32
    scf.for %while3A_146 = %while3A_114 to %while3A_110 step %while3A_116  : i32 {
      %rem3A_147 = arith.constant 2 : i32
      %rem3A_148 = arith.remsi %while3A_146, %rem3A_147 : i32
      %add3A_149 = arith.constant 1 : i32
      %add3A_150 = arith.addi %while3A_146, %add3A_149 : i32
      %rem3A_151 = arith.constant 2 : i32
      %rem3A_152 = arith.remsi %add3A_150, %rem3A_151 : i32
      %rem3A_153 = arith.constant 4 : i32
      %rem3A_154 = arith.remsi %while3A_146, %rem3A_153 : i32
      %add3A_155 = arith.constant 1 : i32
      %add3A_156 = arith.addi %while3A_146, %add3A_155 : i32
      %rem3A_157 = arith.constant 4 : i32
      %rem3A_158 = arith.remsi %add3A_156, %rem3A_157 : i32
      %add3A_159 = arith.constant 2 : i32
      %add3A_160 = arith.addi %while3A_146, %add3A_159 : i32
      %rem3A_161 = arith.constant 4 : i32
      %rem3A_162 = arith.remsi %add3A_160, %rem3A_161 : i32
      %add3A_163 = arith.constant 3 : i32
      %add3A_164 = arith.addi %while3A_146, %add3A_163 : i32
      %rem3A_165 = arith.constant 4 : i32
      %rem3A_166 = arith.remsi %add3A_164, %rem3A_165 : i32
      %add3A_167 = arith.constant 1 : i32
      %add3A_168 = arith.addi %while3A_146, %add3A_167 : i32
      %lt3A_169 = arith.cmpi slt, %add3A_168, %add3A_4 : i32
      %convert_element_type3A_170 = arith.extui %lt3A_169 : i1 to i32
      %cond3A_171 = arith.constant 0 : i32
      %cond3A_172 = arith.cmpi ne, %convert_element_type3A_170, %cond3A_171 : i32
      scf.if %cond3A_172 {
        %dma_wait3A_205 = arith.constant 0 : i32
        %dma_wait3A_206 = arith.constant 0 : i32
        %dma_wait3A_207 = arith.constant 0 : i32
        %dma_wait3A_208 = tpu.memref_slice %arg5[%rem3A_158, %dma_wait3A_206, %dma_wait3A_207] : memref<4x2x128xi32, #tpu.memory_space<vmem>> -> memref<1x2x128xi32, #tpu.memory_space<vmem>>
        %dma_wait3A_209 = tpu.memref_squeeze %dma_wait3A_208 : memref<1x2x128xi32, #tpu.memory_space<vmem>> -> memref<2x128xi32, #tpu.memory_space<vmem>>
        %dma_wait3A_210 = arith.constant 0 : i32
        %dma_wait3A_211 = arith.constant 0 : i32
        %dma_wait3A_212 = tpu.memref_slice %arg3[%dma_wait3A_205, %dma_wait3A_210, %dma_wait3A_211] : memref<2500x2x128xi32, #tpu.memory_space<hbm>> -> memref<1x2x128xi32, #tpu.memory_space<hbm>>
        %dma_wait3A_213 = tpu.memref_squeeze %dma_wait3A_212 : memref<1x2x128xi32, #tpu.memory_space<hbm>> -> memref<2x128xi32, #tpu.memory_space<hbm>>
        %dma_wait3A_214 = tpu.memref_slice %arg9[%rem3A_158] : memref<4x!tpu.dma_semaphore, #tpu.memory_space<semaphore_mem>> -> memref<1x!tpu.dma_semaphore, #tpu.memory_space<semaphore_mem>>
        %dma_wait3A_215 = tpu.memref_squeeze %dma_wait3A_214 : memref<1x!tpu.dma_semaphore, #tpu.memory_space<semaphore_mem>> -> memref<!tpu.dma_semaphore, #tpu.memory_space<semaphore_mem>>
        %dma_wait3A_216 = arith.constant 0 : i32
        %dma_wait3A_217 = arith.constant 0 : i32
        %dma_wait3A_218 = tpu.memref_slice %arg5[%rem3A_158, %dma_wait3A_216, %dma_wait3A_217] : memref<4x2x128xi32, #tpu.memory_space<vmem>> -> memref<1x2x128xi32, #tpu.memory_space<vmem>>
        %dma_wait3A_219 = tpu.memref_squeeze %dma_wait3A_218 : memref<1x2x128xi32, #tpu.memory_space<vmem>> -> memref<2x128xi32, #tpu.memory_space<vmem>>
        %dma_wait3A_220 = arith.constant 0 : i32
        %dma_wait3A_221 = arith.constant 0 : i32
        %dma_wait3A_222 = tpu.memref_slice %arg3[%dma_wait3A_205, %dma_wait3A_220, %dma_wait3A_221] : memref<2500x2x128xi32, #tpu.memory_space<hbm>> -> memref<1x2x128xi32, #tpu.memory_space<hbm>>
        %dma_wait3A_223 = tpu.memref_squeeze %dma_wait3A_222 : memref<1x2x128xi32, #tpu.memory_space<hbm>> -> memref<2x128xi32, #tpu.memory_space<hbm>>
        tpu.wait_dma2 semaphore(%dma_wait3A_215 : memref<!tpu.dma_semaphore, #tpu.memory_space<semaphore_mem>>) src(%dma_wait3A_223 : memref<2x128xi32, #tpu.memory_space<hbm>>) dst(%dma_wait3A_219 : memref<2x128xi32, #tpu.memory_space<vmem>>)
        %ge3A_224 = arith.constant 1 : i32
        %ge3A_225 = arith.cmpi sge, %while3A_146, %ge3A_224 : i32
        %convert_element_type3A_226 = arith.extui %ge3A_225 : i1 to i32
        %cond3A_227 = arith.constant 0 : i32
        %cond3A_228 = arith.cmpi ne, %convert_element_type3A_226, %cond3A_227 : i32
        scf.if %cond3A_228 {
          %dma_wait3A_242 = arith.constant 1 : i32
          %dma_wait3A_243 = arith.constant 0 : i32
          %dma_wait3A_244 = arith.constant 0 : i32
          %dma_wait3A_245 = tpu.memref_slice %arg6[%rem3A_152, %dma_wait3A_243, %dma_wait3A_244] : memref<2x128x128xf32, #tpu.memory_space<vmem>> -> memref<1x128x128xf32, #tpu.memory_space<vmem>>
          %dma_wait3A_246 = tpu.memref_squeeze %dma_wait3A_245 : memref<1x128x128xf32, #tpu.memory_space<vmem>> -> memref<128x128xf32, #tpu.memory_space<vmem>>
          %dma_wait3A_247 = arith.constant 0 : i32
          %dma_wait3A_248 = tpu.memref_slice %arg5[%rem3A_166, %dma_wait3A_242, %dma_wait3A_247] : memref<4x2x128xi32, #tpu.memory_space<vmem>> -> memref<1x1x128xi32, #tpu.memory_space<vmem>>
          %dma_wait3A_249 = tpu.memref_squeeze %dma_wait3A_248 : memref<1x1x128xi32, #tpu.memory_space<vmem>> -> memref<128xi32, #tpu.memory_space<vmem>>
          %dma_wait3A_250 = arith.constant 0 : i32
          %dma_wait3A_251 = arith.constant 0 : i32
          %dma_wait3A_252 = tpu.memref_slice %arg8[%dma_wait3A_250, %dma_wait3A_251] : memref<10240x128xf32, #tpu.memory_space<vmem_shared>> -> memref<10240x128xf32, #tpu.memory_space<vmem_shared>>
          %dma_wait3A_253 = tpu.memref_slice %arg11[%rem3A_152] : memref<2x!tpu.dma_semaphore, #tpu.memory_space<semaphore_mem>> -> memref<1x!tpu.dma_semaphore, #tpu.memory_space<semaphore_mem>>
          %dma_wait3A_254 = tpu.memref_squeeze %dma_wait3A_253 : memref<1x!tpu.dma_semaphore, #tpu.memory_space<semaphore_mem>> -> memref<!tpu.dma_semaphore, #tpu.memory_space<semaphore_mem>>
          tpu.wait_indirect_dma semaphore(%dma_wait3A_254 : memref<!tpu.dma_semaphore, #tpu.memory_space<semaphore_mem>>) src(%dma_wait3A_246 : memref<128x128xf32, #tpu.memory_space<vmem>>) dst(%dma_wait3A_252 : memref<10240x128xf32, #tpu.memory_space<vmem_shared>>)
        } else {
        }
        %dma_start3A_229 = arith.constant 0 : i32
        %dma_start3A_230 = arith.constant 0 : i32
        %dma_start3A_231 = arith.constant 0 : i32
        %dma_start3A_232 = tpu.memref_slice %arg6[%rem3A_152, %dma_start3A_230, %dma_start3A_231] : memref<2x128x128xf32, #tpu.memory_space<vmem>> -> memref<1x128x128xf32, #tpu.memory_space<vmem>>
        %dma_start3A_233 = tpu.memref_squeeze %dma_start3A_232 : memref<1x128x128xf32, #tpu.memory_space<vmem>> -> memref<128x128xf32, #tpu.memory_space<vmem>>
        %dma_start3A_234 = arith.constant 0 : i32
        %dma_start3A_235 = tpu.memref_slice %arg5[%rem3A_158, %dma_start3A_229, %dma_start3A_234] : memref<4x2x128xi32, #tpu.memory_space<vmem>> -> memref<1x1x128xi32, #tpu.memory_space<vmem>>
        %dma_start3A_236 = tpu.memref_squeeze %dma_start3A_235 : memref<1x1x128xi32, #tpu.memory_space<vmem>> -> memref<128xi32, #tpu.memory_space<vmem>>
        %dma_start3A_237 = arith.constant 0 : i32
        %dma_start3A_238 = arith.constant 0 : i32
        %dma_start3A_239 = tpu.memref_slice %arg2[%dma_start3A_237, %dma_start3A_238] : memref<10000x128xf32, #tpu.memory_space<hbm>> -> memref<10000x128xf32, #tpu.memory_space<hbm>>
        %dma_start3A_240 = tpu.memref_slice %arg10[%rem3A_152] : memref<2x!tpu.dma_semaphore, #tpu.memory_space<semaphore_mem>> -> memref<1x!tpu.dma_semaphore, #tpu.memory_space<semaphore_mem>>
        %dma_start3A_241 = tpu.memref_squeeze %dma_start3A_240 : memref<1x!tpu.dma_semaphore, #tpu.memory_space<semaphore_mem>> -> memref<!tpu.dma_semaphore, #tpu.memory_space<semaphore_mem>>
        tpu.enqueue_indirect_dma source(%dma_start3A_239 : memref<10000x128xf32, #tpu.memory_space<hbm>>) target(%dma_start3A_233 : memref<128x128xf32, #tpu.memory_space<vmem>>) offsets(%dma_start3A_236 : memref<128xi32, #tpu.memory_space<vmem>>) semaphore(%dma_start3A_241 : memref<!tpu.dma_semaphore, #tpu.memory_space<semaphore_mem>>)
      } else {
      }
      %dma_wait3A_173 = arith.constant 0 : i32
      %dma_wait3A_174 = arith.constant 0 : i32
      %dma_wait3A_175 = arith.constant 0 : i32
      %dma_wait3A_176 = tpu.memref_slice %arg6[%rem3A_148, %dma_wait3A_174, %dma_wait3A_175] : memref<2x128x128xf32, #tpu.memory_space<vmem>> -> memref<1x128x128xf32, #tpu.memory_space<vmem>>
      %dma_wait3A_177 = tpu.memref_squeeze %dma_wait3A_176 : memref<1x128x128xf32, #tpu.memory_space<vmem>> -> memref<128x128xf32, #tpu.memory_space<vmem>>
      %dma_wait3A_178 = arith.constant 0 : i32
      %dma_wait3A_179 = tpu.memref_slice %arg5[%rem3A_154, %dma_wait3A_173, %dma_wait3A_178] : memref<4x2x128xi32, #tpu.memory_space<vmem>> -> memref<1x1x128xi32, #tpu.memory_space<vmem>>
      %dma_wait3A_180 = tpu.memref_squeeze %dma_wait3A_179 : memref<1x1x128xi32, #tpu.memory_space<vmem>> -> memref<128xi32, #tpu.memory_space<vmem>>
      %dma_wait3A_181 = arith.constant 0 : i32
      %dma_wait3A_182 = arith.constant 0 : i32
      %dma_wait3A_183 = tpu.memref_slice %arg2[%dma_wait3A_181, %dma_wait3A_182] : memref<10000x128xf32, #tpu.memory_space<hbm>> -> memref<10000x128xf32, #tpu.memory_space<hbm>>
      %dma_wait3A_184 = tpu.memref_slice %arg10[%rem3A_148] : memref<2x!tpu.dma_semaphore, #tpu.memory_space<semaphore_mem>> -> memref<1x!tpu.dma_semaphore, #tpu.memory_space<semaphore_mem>>
      %dma_wait3A_185 = tpu.memref_squeeze %dma_wait3A_184 : memref<1x!tpu.dma_semaphore, #tpu.memory_space<semaphore_mem>> -> memref<!tpu.dma_semaphore, #tpu.memory_space<semaphore_mem>>
      tpu.wait_indirect_dma semaphore(%dma_wait3A_185 : memref<!tpu.dma_semaphore, #tpu.memory_space<semaphore_mem>>) src(%dma_wait3A_183 : memref<10000x128xf32, #tpu.memory_space<hbm>>) dst(%dma_wait3A_177 : memref<128x128xf32, #tpu.memory_space<vmem>>)
      %dma_start3A_186 = arith.constant 1 : i32
      %dma_start3A_187 = arith.constant 0 : i32
      %dma_start3A_188 = arith.constant 0 : i32
      %dma_start3A_189 = tpu.memref_slice %arg6[%rem3A_148, %dma_start3A_187, %dma_start3A_188] : memref<2x128x128xf32, #tpu.memory_space<vmem>> -> memref<1x128x128xf32, #tpu.memory_space<vmem>>
      %dma_start3A_190 = tpu.memref_squeeze %dma_start3A_189 : memref<1x128x128xf32, #tpu.memory_space<vmem>> -> memref<128x128xf32, #tpu.memory_space<vmem>>
      %dma_start3A_191 = arith.constant 0 : i32
      %dma_start3A_192 = tpu.memref_slice %arg5[%rem3A_154, %dma_start3A_186, %dma_start3A_191] : memref<4x2x128xi32, #tpu.memory_space<vmem>> -> memref<1x1x128xi32, #tpu.memory_space<vmem>>
      %dma_start3A_193 = tpu.memref_squeeze %dma_start3A_192 : memref<1x1x128xi32, #tpu.memory_space<vmem>> -> memref<128xi32, #tpu.memory_space<vmem>>
      %dma_start3A_194 = arith.constant 0 : i32
      %dma_start3A_195 = arith.constant 0 : i32
      %dma_start3A_196 = tpu.memref_slice %arg8[%dma_start3A_194, %dma_start3A_195] : memref<10240x128xf32, #tpu.memory_space<vmem_shared>> -> memref<10240x128xf32, #tpu.memory_space<vmem_shared>>
      %dma_start3A_197 = tpu.memref_slice %arg11[%rem3A_148] : memref<2x!tpu.dma_semaphore, #tpu.memory_space<semaphore_mem>> -> memref<1x!tpu.dma_semaphore, #tpu.memory_space<semaphore_mem>>
      %dma_start3A_198 = tpu.memref_squeeze %dma_start3A_197 : memref<1x!tpu.dma_semaphore, #tpu.memory_space<semaphore_mem>> -> memref<!tpu.dma_semaphore, #tpu.memory_space<semaphore_mem>>
      tpu.enqueue_indirect_dma source(%dma_start3A_190 : memref<128x128xf32, #tpu.memory_space<vmem>>) target(%dma_start3A_196 : memref<10240x128xf32, #tpu.memory_space<vmem_shared>>) offsets(%dma_start3A_193 : memref<128xi32, #tpu.memory_space<vmem>>) semaphore(%dma_start3A_198 : memref<!tpu.dma_semaphore, #tpu.memory_space<semaphore_mem>>) {add = true}
      %add3A_199 = arith.constant 2 : i32
      %add3A_200 = arith.addi %while3A_146, %add3A_199 : i32
      %lt3A_201 = arith.cmpi slt, %add3A_200, %add3A_4 : i32
      %convert_element_type3A_202 = arith.extui %lt3A_201 : i1 to i32
      %cond3A_203 = arith.constant 0 : i32
      %cond3A_204 = arith.cmpi ne, %convert_element_type3A_202, %cond3A_203 : i32
      scf.if %cond3A_204 {
        %add3A_205 = arith.constant 2 : i32
        %add3A_206 = arith.addi %while3A_146, %add3A_205 : i32
        %mul3A_207 = arith.constant 32 : i32
        %mul3A_208 = arith.muli %mul3A_207, %add3A_206 : i32
        %add3A_209 = arith.addi %add3A, %mul3A_208 : i32
        %dma_start3A_210 = arith.constant 0 : i32
        %dma_start3A_211 = arith.constant 0 : i32
        %dma_start3A_212 = tpu.memref_slice %arg5[%rem3A_162, %dma_start3A_210, %dma_start3A_211] : memref<4x2x128xi32, #tpu.memory_space<vmem>> -> memref<1x2x128xi32, #tpu.memory_space<vmem>>
        %dma_start3A_213 = tpu.memref_squeeze %dma_start3A_212 : memref<1x2x128xi32, #tpu.memory_space<vmem>> -> memref<2x128xi32, #tpu.memory_space<vmem>>
        %dma_start3A_214 = arith.constant 0 : i32
        %dma_start3A_215 = arith.constant 0 : i32
        %dma_start3A_216 = tpu.memref_slice %arg3[%add3A_209, %dma_start3A_214, %dma_start3A_215] : memref<2500x2x128xi32, #tpu.memory_space<hbm>> -> memref<1x2x128xi32, #tpu.memory_space<hbm>>
        %dma_start3A_217 = tpu.memref_squeeze %dma_start3A_216 : memref<1x2x128xi32, #tpu.memory_space<hbm>> -> memref<2x128xi32, #tpu.memory_space<hbm>>
        %dma_start3A_218 = tpu.memref_slice %arg9[%rem3A_162] : memref<4x!tpu.dma_semaphore, #tpu.memory_space<semaphore_mem>> -> memref<1x!tpu.dma_semaphore, #tpu.memory_space<semaphore_mem>>
        %dma_start3A_219 = tpu.memref_squeeze %dma_start3A_218 : memref<1x!tpu.dma_semaphore, #tpu.memory_space<semaphore_mem>> -> memref<!tpu.dma_semaphore, #tpu.memory_space<semaphore_mem>>
        %dma_start3A_220 = arith.constant 0 : i32
        %dma_start3A_221 = arith.constant 0 : i32
        %dma_start3A_222 = tpu.memref_slice %arg5[%rem3A_162, %dma_start3A_220, %dma_start3A_221] : memref<4x2x128xi32, #tpu.memory_space<vmem>> -> memref<1x2x128xi32, #tpu.memory_space<vmem>>
        %dma_start3A_223 = tpu.memref_squeeze %dma_start3A_222 : memref<1x2x128xi32, #tpu.memory_space<vmem>> -> memref<2x128xi32, #tpu.memory_space<vmem>>
        %dma_start3A_224 = arith.constant 0 : i32
        %dma_start3A_225 = arith.constant 0 : i32
        %dma_start3A_226 = tpu.memref_slice %arg3[%add3A_209, %dma_start3A_224, %dma_start3A_225] : memref<2500x2x128xi32, #tpu.memory_space<hbm>> -> memref<1x2x128xi32, #tpu.memory_space<hbm>>
        %dma_start3A_227 = tpu.memref_squeeze %dma_start3A_226 : memref<1x2x128xi32, #tpu.memory_space<hbm>> -> memref<2x128xi32, #tpu.memory_space<hbm>>
        tpu.enqueue_dma source(%dma_start3A_227 : memref<2x128xi32, #tpu.memory_space<hbm>>) target(%dma_start3A_223 : memref<2x128xi32, #tpu.memory_space<vmem>>) target_semaphore(%dma_start3A_219 : memref<!tpu.dma_semaphore, #tpu.memory_space<semaphore_mem>>)
      } else {
      }
    }
    %ge3A = arith.constant 2 : i32
    %ge3A_117 = arith.cmpi sge, %add3A_4, %ge3A : i32
    %convert_element_type3A_118 = arith.extui %ge3A_117 : i1 to i32
    %cond3A_119 = arith.constant 0 : i32
    %cond3A_120 = arith.cmpi ne, %convert_element_type3A_118, %cond3A_119 : i32
    scf.if %cond3A_120 {
      %add3A_146 = arith.constant 2 : i32
      %add3A_147 = arith.addi %add3A_4, %add3A_146 : i32
      %rem3A_148 = arith.constant 4 : i32
      %rem3A_149 = arith.remsi %add3A_147, %rem3A_148 : i32
      %rem3A_150 = arith.constant 2 : i32
      %rem3A_151 = arith.remsi %add3A_4, %rem3A_150 : i32
      %dma_wait3A_152 = arith.constant 1 : i32
      %dma_wait3A_153 = arith.constant 0 : i32
      %dma_wait3A_154 = arith.constant 0 : i32
      %dma_wait3A_155 = tpu.memref_slice %arg6[%rem3A_151, %dma_wait3A_153, %dma_wait3A_154] : memref<2x128x128xf32, #tpu.memory_space<vmem>> -> memref<1x128x128xf32, #tpu.memory_space<vmem>>
      %dma_wait3A_156 = tpu.memref_squeeze %dma_wait3A_155 : memref<1x128x128xf32, #tpu.memory_space<vmem>> -> memref<128x128xf32, #tpu.memory_space<vmem>>
      %dma_wait3A_157 = arith.constant 0 : i32
      %dma_wait3A_158 = tpu.memref_slice %arg5[%rem3A_149, %dma_wait3A_152, %dma_wait3A_157] : memref<4x2x128xi32, #tpu.memory_space<vmem>> -> memref<1x1x128xi32, #tpu.memory_space<vmem>>
      %dma_wait3A_159 = tpu.memref_squeeze %dma_wait3A_158 : memref<1x1x128xi32, #tpu.memory_space<vmem>> -> memref<128xi32, #tpu.memory_space<vmem>>
      %dma_wait3A_160 = arith.constant 0 : i32
      %dma_wait3A_161 = arith.constant 0 : i32
      %dma_wait3A_162 = tpu.memref_slice %arg8[%dma_wait3A_160, %dma_wait3A_161] : memref<10240x128xf32, #tpu.memory_space<vmem_shared>> -> memref<10240x128xf32, #tpu.memory_space<vmem_shared>>
      %dma_wait3A_163 = tpu.memref_slice %arg11[%rem3A_151] : memref<2x!tpu.dma_semaphore, #tpu.memory_space<semaphore_mem>> -> memref<1x!tpu.dma_semaphore, #tpu.memory_space<semaphore_mem>>
      %dma_wait3A_164 = tpu.memref_squeeze %dma_wait3A_163 : memref<1x!tpu.dma_semaphore, #tpu.memory_space<semaphore_mem>> -> memref<!tpu.dma_semaphore, #tpu.memory_space<semaphore_mem>>
      tpu.wait_indirect_dma semaphore(%dma_wait3A_164 : memref<!tpu.dma_semaphore, #tpu.memory_space<semaphore_mem>>) src(%dma_wait3A_156 : memref<128x128xf32, #tpu.memory_space<vmem>>) dst(%dma_wait3A_162 : memref<10240x128xf32, #tpu.memory_space<vmem_shared>>)
    } else {
    }
    %add3A_121 = arith.constant 3 : i32
    %add3A_122 = arith.addi %add3A_4, %add3A_121 : i32
    %rem3A = arith.constant 4 : i32
    %rem3A_123 = arith.remsi %add3A_122, %rem3A : i32
    %add3A_124 = arith.constant 1 : i32
    %add3A_125 = arith.addi %add3A_4, %add3A_124 : i32
    %rem3A_126 = arith.constant 2 : i32
    %rem3A_127 = arith.remsi %add3A_125, %rem3A_126 : i32
    %dma_wait3A_128 = arith.constant 1 : i32
    %dma_wait3A_129 = arith.constant 0 : i32
    %dma_wait3A_130 = arith.constant 0 : i32
    %dma_wait3A_131 = tpu.memref_slice %arg6[%rem3A_127, %dma_wait3A_129, %dma_wait3A_130] : memref<2x128x128xf32, #tpu.memory_space<vmem>> -> memref<1x128x128xf32, #tpu.memory_space<vmem>>
    %dma_wait3A_132 = tpu.memref_squeeze %dma_wait3A_131 : memref<1x128x128xf32, #tpu.memory_space<vmem>> -> memref<128x128xf32, #tpu.memory_space<vmem>>
    %dma_wait3A_133 = arith.constant 0 : i32
    %dma_wait3A_134 = tpu.memref_slice %arg5[%rem3A_123, %dma_wait3A_128, %dma_wait3A_133] : memref<4x2x128xi32, #tpu.memory_space<vmem>> -> memref<1x1x128xi32, #tpu.memory_space<vmem>>
    %dma_wait3A_135 = tpu.memref_squeeze %dma_wait3A_134 : memref<1x1x128xi32, #tpu.memory_space<vmem>> -> memref<128xi32, #tpu.memory_space<vmem>>
    %dma_wait3A_136 = arith.constant 0 : i32
    %dma_wait3A_137 = arith.constant 0 : i32
    %dma_wait3A_138 = tpu.memref_slice %arg8[%dma_wait3A_136, %dma_wait3A_137] : memref<10240x128xf32, #tpu.memory_space<vmem_shared>> -> memref<10240x128xf32, #tpu.memory_space<vmem_shared>>
    %dma_wait3A_139 = tpu.memref_slice %arg11[%rem3A_127] : memref<2x!tpu.dma_semaphore, #tpu.memory_space<semaphore_mem>> -> memref<1x!tpu.dma_semaphore, #tpu.memory_space<semaphore_mem>>
    %dma_wait3A_140 = tpu.memref_squeeze %dma_wait3A_139 : memref<1x!tpu.dma_semaphore, #tpu.memory_space<semaphore_mem>> -> memref<!tpu.dma_semaphore, #tpu.memory_space<semaphore_mem>>
    tpu.wait_indirect_dma semaphore(%dma_wait3A_140 : memref<!tpu.dma_semaphore, #tpu.memory_space<semaphore_mem>>) src(%dma_wait3A_132 : memref<128x128xf32, #tpu.memory_space<vmem>>) dst(%dma_wait3A_138 : memref<10240x128xf32, #tpu.memory_space<vmem_shared>>)
    %barrier3A_141 = arith.constant 0 : index
    tpu.barrier barrier_id(%barrier3A_141)
    %mul3A_142 = arith.constant 640 : i32
    %mul3A_143 = arith.muli %arg1, %mul3A_142 : i32
    %mul3A_144 = arith.constant 640 : i32
    %mul3A_145 = arith.muli %arg1, %mul3A_144 : i32
    "tpu.region"() ({
      %run_scoped3A = tpu.sem_alloc : memref<!tpu.dma_semaphore, #tpu.memory_space<semaphore_mem>>
      %dma_start3A_146 = arith.constant 0 : i32
      %dma_start3A_147 = arith.constant 0 : i32
      %dma_start3A_148 = tpu.memref_slice %arg4[%arg0, %dma_start3A_146, %dma_start3A_147] : memref<2x10240x128xf32, #tpu.memory_space<hbm>> -> memref<1x10240x128xf32, #tpu.memory_space<hbm>>
      %dma_start3A_149 = tpu.memref_squeeze %dma_start3A_148 : memref<1x10240x128xf32, #tpu.memory_space<hbm>> -> memref<10240x128xf32, #tpu.memory_space<hbm>>
      %dma_start3A_150 = arith.constant 0 : i32
      %dma_start3A_151 = tpu.memref_slice %dma_start3A_149[%mul3A_145, %dma_start3A_150] : memref<10240x128xf32, #tpu.memory_space<hbm>> -> memref<640x128xf32, #tpu.memory_space<hbm>>
      %dma_start3A_152 = arith.constant 0 : i32
      %dma_start3A_153 = tpu.memref_slice %arg8[%mul3A_143, %dma_start3A_152] : memref<10240x128xf32, #tpu.memory_space<vmem_shared>> -> memref<640x128xf32, #tpu.memory_space<vmem_shared>>
      tpu.enqueue_dma source(%dma_start3A_153 : memref<640x128xf32, #tpu.memory_space<vmem_shared>>) target(%dma_start3A_151 : memref<640x128xf32, #tpu.memory_space<hbm>>) target_semaphore(%run_scoped3A : memref<!tpu.dma_semaphore, #tpu.memory_space<semaphore_mem>>)
      %dma_wait3A_154 = arith.constant 0 : i32
      %dma_wait3A_155 = arith.constant 0 : i32
      %dma_wait3A_156 = tpu.memref_slice %arg4[%arg0, %dma_wait3A_154, %dma_wait3A_155] : memref<2x10240x128xf32, #tpu.memory_space<hbm>> -> memref<1x10240x128xf32, #tpu.memory_space<hbm>>
      %dma_wait3A_157 = tpu.memref_squeeze %dma_wait3A_156 : memref<1x10240x128xf32, #tpu.memory_space<hbm>> -> memref<10240x128xf32, #tpu.memory_space<hbm>>
      %dma_wait3A_158 = arith.constant 0 : i32
      %dma_wait3A_159 = tpu.memref_slice %dma_wait3A_157[%mul3A_145, %dma_wait3A_158] : memref<10240x128xf32, #tpu.memory_space<hbm>> -> memref<640x128xf32, #tpu.memory_space<hbm>>
      %dma_wait3A_160 = arith.constant 0 : i32
      %dma_wait3A_161 = tpu.memref_slice %arg8[%mul3A_143, %dma_wait3A_160] : memref<10240x128xf32, #tpu.memory_space<vmem_shared>> -> memref<640x128xf32, #tpu.memory_space<vmem_shared>>
      tpu.wait_dma2 semaphore(%run_scoped3A : memref<!tpu.dma_semaphore, #tpu.memory_space<semaphore_mem>>) src(%dma_wait3A_161 : memref<640x128xf32, #tpu.memory_space<vmem_shared>>) dst(%dma_wait3A_159 : memref<640x128xf32, #tpu.memory_space<hbm>>)
      tpu.yield
    }) : () -> ()
    return
  }
}

#map = affine_map<(d0, d1) -> (0, 0)>
#map1 = affine_map<(d0, d1) -> (0, 0, 0)>
module attributes {stable_mosaic.version = 14 : i64} {
  func.func @_sc_layer_body(%arg0: i32, %arg1: i32, %arg2: memref<10000x128xf32, #tpu.memory_space<hbm>>, %arg3: memref<2500x2x128xi32, #tpu.memory_space<hbm>>, %arg4: memref<2x10240x128xf32, #tpu.memory_space<hbm>>, %arg5: memref<4x2x128xi32, #tpu.memory_space<vmem>>, %arg6: memref<2x128x128xf32, #tpu.memory_space<vmem>>, %arg7: memref<64x128xf32, #tpu.memory_space<vmem>>, %arg8: memref<10240x128xf32, #tpu.memory_space<vmem_shared>>, %arg9: memref<4x!tpu.dma_semaphore, #tpu.memory_space<semaphore_mem>>, %arg10: memref<2x!tpu.dma_semaphore, #tpu.memory_space<semaphore_mem>>, %arg11: memref<2x!tpu.dma_semaphore, #tpu.memory_space<semaphore_mem>>) attributes {dimension_semantics = [#tpu.dimension_semantics<core_parallel>, #tpu.dimension_semantics<subcore_parallel>], iteration_bounds = array<i64: 2, 16>, scalar_prefetch = 0 : i64, scratch_operands = 7 : i64, tpu.core_type = #tpu.core_type<sc_vector_subcore>, window_params = [{transform_indices = #map}, {transform_indices = #map1}, {transform_indices = #map1}]} {
    %mul3A = arith.constant 16 : i32
    %mul3A_0 = arith.muli %arg0, %mul3A : i32
    %add3A = arith.addi %mul3A_0, %arg1 : i32
    %lt3A = arith.constant 4 : i32
    %lt3A_1 = arith.cmpi slt, %add3A, %lt3A : i32
    %jit3A = arith.constant 1 : i32
    %jit3A_2 = arith.constant 0 : i32
    %select_n3A = arith.select %lt3A_1, %jit3A, %jit3A_2 : i32
    %add3A_3 = arith.constant 78 : i32
    %add3A_4 = arith.addi %add3A_3, %select_n3A : i32
    %add3A_5 = arith.constant 0 : i32
    %add3A_6 = arith.addi %add3A, %add3A_5 : i32
    %dma_start3A = arith.constant 0 : i32
    %dma_start3A_7 = arith.constant 0 : i32
    %dma_start3A_8 = arith.constant 0 : i32
    %dma_start3A_9 = arith.constant 0 : i32
    %dma_start3A_10 = tpu.memref_slice %arg5[%dma_start3A, %dma_start3A_8, %dma_start3A_9] : memref<4x2x128xi32, #tpu.memory_space<vmem>> -> memref<1x2x128xi32, #tpu.memory_space<vmem>>
    %dma_start3A_11 = tpu.memref_squeeze %dma_start3A_10 : memref<1x2x128xi32, #tpu.memory_space<vmem>> -> memref<2x128xi32, #tpu.memory_space<vmem>>
    %dma_start3A_12 = arith.constant 0 : i32
    %dma_start3A_13 = arith.constant 0 : i32
    %dma_start3A_14 = tpu.memref_slice %arg3[%add3A_6, %dma_start3A_12, %dma_start3A_13] : memref<2500x2x128xi32, #tpu.memory_space<hbm>> -> memref<1x2x128xi32, #tpu.memory_space<hbm>>
    %dma_start3A_15 = tpu.memref_squeeze %dma_start3A_14 : memref<1x2x128xi32, #tpu.memory_space<hbm>> -> memref<2x128xi32, #tpu.memory_space<hbm>>
    %dma_start3A_16 = tpu.memref_slice %arg9[%dma_start3A_7] : memref<4x!tpu.dma_semaphore, #tpu.memory_space<semaphore_mem>> -> memref<1x!tpu.dma_semaphore, #tpu.memory_space<semaphore_mem>>
    %dma_start3A_17 = tpu.memref_squeeze %dma_start3A_16 : memref<1x!tpu.dma_semaphore, #tpu.memory_space<semaphore_mem>> -> memref<!tpu.dma_semaphore, #tpu.memory_space<semaphore_mem>>
    %dma_start3A_18 = arith.constant 0 : i32
    %dma_start3A_19 = arith.constant 0 : i32
    %dma_start3A_20 = tpu.memref_slice %arg5[%dma_start3A, %dma_start3A_18, %dma_start3A_19] : memref<4x2x128xi32, #tpu.memory_space<vmem>> -> memref<1x2x128xi32, #tpu.memory_space<vmem>>
    %dma_start3A_21 = tpu.memref_squeeze %dma_start3A_20 : memref<1x2x128xi32, #tpu.memory_space<vmem>> -> memref<2x128xi32, #tpu.memory_space<vmem>>
    %dma_start3A_22 = arith.constant 0 : i32
    %dma_start3A_23 = arith.constant 0 : i32
    %dma_start3A_24 = tpu.memref_slice %arg3[%add3A_6, %dma_start3A_22, %dma_start3A_23] : memref<2500x2x128xi32, #tpu.memory_space<hbm>> -> memref<1x2x128xi32, #tpu.memory_space<hbm>>
    %dma_start3A_25 = tpu.memref_squeeze %dma_start3A_24 : memref<1x2x128xi32, #tpu.memory_space<hbm>> -> memref<2x128xi32, #tpu.memory_space<hbm>>
    tpu.enqueue_dma source(%dma_start3A_25 : memref<2x128xi32, #tpu.memory_space<hbm>>) target(%dma_start3A_21 : memref<2x128xi32, #tpu.memory_space<vmem>>) target_semaphore(%dma_start3A_17 : memref<!tpu.dma_semaphore, #tpu.memory_space<semaphore_mem>>)
    %gt3A = arith.constant 1 : i32
    %gt3A_26 = arith.cmpi sgt, %add3A_4, %gt3A : i32
    %convert_element_type3A = arith.extui %gt3A_26 : i1 to i32
    %cond3A = arith.constant 0 : i32
    %cond3A_27 = arith.cmpi ne, %convert_element_type3A, %cond3A : i32
    scf.if %cond3A_27 {
      %add3A_146 = arith.constant 32 : i32
      %add3A_147 = arith.addi %add3A, %add3A_146 : i32
      %dma_start3A_148 = arith.constant 1 : i32
      %dma_start3A_149 = arith.constant 1 : i32
      %dma_start3A_150 = arith.constant 0 : i32
      %dma_start3A_151 = arith.constant 0 : i32
      %dma_start3A_152 = tpu.memref_slice %arg5[%dma_start3A_148, %dma_start3A_150, %dma_start3A_151] : memref<4x2x128xi32, #tpu.memory_space<vmem>> -> memref<1x2x128xi32, #tpu.memory_space<vmem>>
      %dma_start3A_153 = tpu.memref_squeeze %dma_start3A_152 : memref<1x2x128xi32, #tpu.memory_space<vmem>> -> memref<2x128xi32, #tpu.memory_space<vmem>>
      %dma_start3A_154 = arith.constant 0 : i32
      %dma_start3A_155 = arith.constant 0 : i32
      %dma_start3A_156 = tpu.memref_slice %arg3[%add3A_147, %dma_start3A_154, %dma_start3A_155] : memref<2500x2x128xi32, #tpu.memory_space<hbm>> -> memref<1x2x128xi32, #tpu.memory_space<hbm>>
      %dma_start3A_157 = tpu.memref_squeeze %dma_start3A_156 : memref<1x2x128xi32, #tpu.memory_space<hbm>> -> memref<2x128xi32, #tpu.memory_space<hbm>>
      %dma_start3A_158 = tpu.memref_slice %arg9[%dma_start3A_149] : memref<4x!tpu.dma_semaphore, #tpu.memory_space<semaphore_mem>> -> memref<1x!tpu.dma_semaphore, #tpu.memory_space<semaphore_mem>>
      %dma_start3A_159 = tpu.memref_squeeze %dma_start3A_158 : memref<1x!tpu.dma_semaphore, #tpu.memory_space<semaphore_mem>> -> memref<!tpu.dma_semaphore, #tpu.memory_space<semaphore_mem>>
      %dma_start3A_160 = arith.constant 0 : i32
      %dma_start3A_161 = arith.constant 0 : i32
      %dma_start3A_162 = tpu.memref_slice %arg5[%dma_start3A_148, %dma_start3A_160, %dma_start3A_161] : memref<4x2x128xi32, #tpu.memory_space<vmem>> -> memref<1x2x128xi32, #tpu.memory_space<vmem>>
      %dma_start3A_163 = tpu.memref_squeeze %dma_start3A_162 : memref<1x2x128xi32, #tpu.memory_space<vmem>> -> memref<2x128xi32, #tpu.memory_space<vmem>>
      %dma_start3A_164 = arith.constant 0 : i32
      %dma_start3A_165 = arith.constant 0 : i32
      %dma_start3A_166 = tpu.memref_slice %arg3[%add3A_147, %dma_start3A_164, %dma_start3A_165] : memref<2500x2x128xi32, #tpu.memory_space<hbm>> -> memref<1x2x128xi32, #tpu.memory_space<hbm>>
      %dma_start3A_167 = tpu.memref_squeeze %dma_start3A_166 : memref<1x2x128xi32, #tpu.memory_space<hbm>> -> memref<2x128xi32, #tpu.memory_space<hbm>>
      tpu.enqueue_dma source(%dma_start3A_167 : memref<2x128xi32, #tpu.memory_space<hbm>>) target(%dma_start3A_163 : memref<2x128xi32, #tpu.memory_space<vmem>>) target_semaphore(%dma_start3A_159 : memref<!tpu.dma_semaphore, #tpu.memory_space<semaphore_mem>>)
    } else {
    }
    %dma_wait3A = arith.constant 0 : i32
    %dma_wait3A_28 = arith.constant 0 : i32
    %dma_wait3A_29 = arith.constant 0 : i32
    %dma_wait3A_30 = arith.constant 0 : i32
    %dma_wait3A_31 = arith.constant 0 : i32
    %dma_wait3A_32 = tpu.memref_slice %arg5[%dma_wait3A_28, %dma_wait3A_30, %dma_wait3A_31] : memref<4x2x128xi32, #tpu.memory_space<vmem>> -> memref<1x2x128xi32, #tpu.memory_space<vmem>>
    %dma_wait3A_33 = tpu.memref_squeeze %dma_wait3A_32 : memref<1x2x128xi32, #tpu.memory_space<vmem>> -> memref<2x128xi32, #tpu.memory_space<vmem>>
    %dma_wait3A_34 = arith.constant 0 : i32
    %dma_wait3A_35 = arith.constant 0 : i32
    %dma_wait3A_36 = tpu.memref_slice %arg3[%dma_wait3A, %dma_wait3A_34, %dma_wait3A_35] : memref<2500x2x128xi32, #tpu.memory_space<hbm>> -> memref<1x2x128xi32, #tpu.memory_space<hbm>>
    %dma_wait3A_37 = tpu.memref_squeeze %dma_wait3A_36 : memref<1x2x128xi32, #tpu.memory_space<hbm>> -> memref<2x128xi32, #tpu.memory_space<hbm>>
    %dma_wait3A_38 = tpu.memref_slice %arg9[%dma_wait3A_29] : memref<4x!tpu.dma_semaphore, #tpu.memory_space<semaphore_mem>> -> memref<1x!tpu.dma_semaphore, #tpu.memory_space<semaphore_mem>>
    %dma_wait3A_39 = tpu.memref_squeeze %dma_wait3A_38 : memref<1x!tpu.dma_semaphore, #tpu.memory_space<semaphore_mem>> -> memref<!tpu.dma_semaphore, #tpu.memory_space<semaphore_mem>>
    %dma_wait3A_40 = arith.constant 0 : i32
    %dma_wait3A_41 = arith.constant 0 : i32
    %dma_wait3A_42 = tpu.memref_slice %arg5[%dma_wait3A_28, %dma_wait3A_40, %dma_wait3A_41] : memref<4x2x128xi32, #tpu.memory_space<vmem>> -> memref<1x2x128xi32, #tpu.memory_space<vmem>>
    %dma_wait3A_43 = tpu.memref_squeeze %dma_wait3A_42 : memref<1x2x128xi32, #tpu.memory_space<vmem>> -> memref<2x128xi32, #tpu.memory_space<vmem>>
    %dma_wait3A_44 = arith.constant 0 : i32
    %dma_wait3A_45 = arith.constant 0 : i32
    %dma_wait3A_46 = tpu.memref_slice %arg3[%dma_wait3A, %dma_wait3A_44, %dma_wait3A_45] : memref<2500x2x128xi32, #tpu.memory_space<hbm>> -> memref<1x2x128xi32, #tpu.memory_space<hbm>>
    %dma_wait3A_47 = tpu.memref_squeeze %dma_wait3A_46 : memref<1x2x128xi32, #tpu.memory_space<hbm>> -> memref<2x128xi32, #tpu.memory_space<hbm>>
    tpu.wait_dma2 semaphore(%dma_wait3A_39 : memref<!tpu.dma_semaphore, #tpu.memory_space<semaphore_mem>>) src(%dma_wait3A_47 : memref<2x128xi32, #tpu.memory_space<hbm>>) dst(%dma_wait3A_43 : memref<2x128xi32, #tpu.memory_space<vmem>>)
    %dma_start3A_48 = arith.constant 0 : i32
    %dma_start3A_49 = arith.constant 0 : i32
    %dma_start3A_50 = arith.constant 0 : i32
    %dma_start3A_51 = arith.constant 0 : i32
    %dma_start3A_52 = arith.constant 0 : i32
    %dma_start3A_53 = arith.constant 0 : i32
    %dma_start3A_54 = tpu.memref_slice %arg6[%dma_start3A_50, %dma_start3A_52, %dma_start3A_53] : memref<2x128x128xf32, #tpu.memory_space<vmem>> -> memref<1x128x128xf32, #tpu.memory_space<vmem>>
    %dma_start3A_55 = tpu.memref_squeeze %dma_start3A_54 : memref<1x128x128xf32, #tpu.memory_space<vmem>> -> memref<128x128xf32, #tpu.memory_space<vmem>>
    %dma_start3A_56 = arith.constant 0 : i32
    %dma_start3A_57 = tpu.memref_slice %arg5[%dma_start3A_48, %dma_start3A_49, %dma_start3A_56] : memref<4x2x128xi32, #tpu.memory_space<vmem>> -> memref<1x1x128xi32, #tpu.memory_space<vmem>>
    %dma_start3A_58 = tpu.memref_squeeze %dma_start3A_57 : memref<1x1x128xi32, #tpu.memory_space<vmem>> -> memref<128xi32, #tpu.memory_space<vmem>>
    %dma_start3A_59 = arith.constant 0 : i32
    %dma_start3A_60 = arith.constant 0 : i32
    %dma_start3A_61 = tpu.memref_slice %arg2[%dma_start3A_59, %dma_start3A_60] : memref<10000x128xf32, #tpu.memory_space<hbm>> -> memref<10000x128xf32, #tpu.memory_space<hbm>>
    %dma_start3A_62 = tpu.memref_slice %arg10[%dma_start3A_51] : memref<2x!tpu.dma_semaphore, #tpu.memory_space<semaphore_mem>> -> memref<1x!tpu.dma_semaphore, #tpu.memory_space<semaphore_mem>>
    %dma_start3A_63 = tpu.memref_squeeze %dma_start3A_62 : memref<1x!tpu.dma_semaphore, #tpu.memory_space<semaphore_mem>> -> memref<!tpu.dma_semaphore, #tpu.memory_space<semaphore_mem>>
    tpu.enqueue_indirect_dma source(%dma_start3A_61 : memref<10000x128xf32, #tpu.memory_space<hbm>>) target(%dma_start3A_55 : memref<128x128xf32, #tpu.memory_space<vmem>>) offsets(%dma_start3A_58 : memref<128xi32, #tpu.memory_space<vmem>>) semaphore(%dma_start3A_63 : memref<!tpu.dma_semaphore, #tpu.memory_space<semaphore_mem>>)
    %broadcast_in_dim3A = arith.constant 0.000000e+00 : f32
    %broadcast_in_dim3A_64 = vector.broadcast %broadcast_in_dim3A : f32 to vector<16xf32>
    %scan3A = arith.constant 0 : i32
    %scan3A_65 = arith.constant 64 : i32
    %scan3A_66 = arith.addi %scan3A, %scan3A_65 : i32
    %scan3A_67 = arith.constant 1 : i32
    scf.for %scan3A_146 = %scan3A to %scan3A_66 step %scan3A_67  : i32 {
      %swap3A = arith.index_cast %scan3A_146 : i32 to index
      %swap3A_147 = arith.constant 0 : index
      %swap3A_148 = tpu.vector_load %arg7[%swap3A, %swap3A_147] {strides = array<i32>} : memref<64x128xf32, #tpu.memory_space<vmem>>, vector<1x16xf32>,
      %swap3A_149 = vector.shape_cast %swap3A_148 : vector<1x16xf32> to vector<16xf32>
      %swap3A_150 = vector.shape_cast %broadcast_in_dim3A_64 : vector<16xf32> to vector<1x16xf32>
      tpu.vector_store %arg7[%swap3A, %swap3A_147], %swap3A_150 {strides = array<i32>} : memref<64x128xf32, #tpu.memory_space<vmem>>, vector<1x16xf32>,
      %swap3A_151 = arith.index_cast %scan3A_146 : i32 to index
      %swap3A_152 = arith.constant 16 : index
      %swap3A_153 = tpu.vector_load %arg7[%swap3A_151, %swap3A_152] {strides = array<i32>} : memref<64x128xf32, #tpu.memory_space<vmem>>, vector<1x16xf32>,
      %swap3A_154 = vector.shape_cast %swap3A_153 : vector<1x16xf32> to vector<16xf32>
      %swap3A_155 = vector.shape_cast %broadcast_in_dim3A_64 : vector<16xf32> to vector<1x16xf32>
      tpu.vector_store %arg7[%swap3A_151, %swap3A_152], %swap3A_155 {strides = array<i32>} : memref<64x128xf32, #tpu.memory_space<vmem>>, vector<1x16xf32>,
      %swap3A_156 = arith.index_cast %scan3A_146 : i32 to index
      %swap3A_157 = arith.constant 32 : index
      %swap3A_158 = tpu.vector_load %arg7[%swap3A_156, %swap3A_157] {strides = array<i32>} : memref<64x128xf32, #tpu.memory_space<vmem>>, vector<1x16xf32>,
      %swap3A_159 = vector.shape_cast %swap3A_158 : vector<1x16xf32> to vector<16xf32>
      %swap3A_160 = vector.shape_cast %broadcast_in_dim3A_64 : vector<16xf32> to vector<1x16xf32>
      tpu.vector_store %arg7[%swap3A_156, %swap3A_157], %swap3A_160 {strides = array<i32>} : memref<64x128xf32, #tpu.memory_space<vmem>>, vector<1x16xf32>,
      %swap3A_161 = arith.index_cast %scan3A_146 : i32 to index
      %swap3A_162 = arith.constant 48 : index
      %swap3A_163 = tpu.vector_load %arg7[%swap3A_161, %swap3A_162] {strides = array<i32>} : memref<64x128xf32, #tpu.memory_space<vmem>>, vector<1x16xf32>,
      %swap3A_164 = vector.shape_cast %swap3A_163 : vector<1x16xf32> to vector<16xf32>
      %swap3A_165 = vector.shape_cast %broadcast_in_dim3A_64 : vector<16xf32> to vector<1x16xf32>
      tpu.vector_store %arg7[%swap3A_161, %swap3A_162], %swap3A_165 {strides = array<i32>} : memref<64x128xf32, #tpu.memory_space<vmem>>, vector<1x16xf32>,
      %swap3A_166 = arith.index_cast %scan3A_146 : i32 to index
      %swap3A_167 = arith.constant 64 : index
      %swap3A_168 = tpu.vector_load %arg7[%swap3A_166, %swap3A_167] {strides = array<i32>} : memref<64x128xf32, #tpu.memory_space<vmem>>, vector<1x16xf32>,
      %swap3A_169 = vector.shape_cast %swap3A_168 : vector<1x16xf32> to vector<16xf32>
      %swap3A_170 = vector.shape_cast %broadcast_in_dim3A_64 : vector<16xf32> to vector<1x16xf32>
      tpu.vector_store %arg7[%swap3A_166, %swap3A_167], %swap3A_170 {strides = array<i32>} : memref<64x128xf32, #tpu.memory_space<vmem>>, vector<1x16xf32>,
      %swap3A_171 = arith.index_cast %scan3A_146 : i32 to index
      %swap3A_172 = arith.constant 80 : index
      %swap3A_173 = tpu.vector_load %arg7[%swap3A_171, %swap3A_172] {strides = array<i32>} : memref<64x128xf32, #tpu.memory_space<vmem>>, vector<1x16xf32>,
      %swap3A_174 = vector.shape_cast %swap3A_173 : vector<1x16xf32> to vector<16xf32>
      %swap3A_175 = vector.shape_cast %broadcast_in_dim3A_64 : vector<16xf32> to vector<1x16xf32>
      tpu.vector_store %arg7[%swap3A_171, %swap3A_172], %swap3A_175 {strides = array<i32>} : memref<64x128xf32, #tpu.memory_space<vmem>>, vector<1x16xf32>,
      %swap3A_176 = arith.index_cast %scan3A_146 : i32 to index
      %swap3A_177 = arith.constant 96 : index
      %swap3A_178 = tpu.vector_load %arg7[%swap3A_176, %swap3A_177] {strides = array<i32>} : memref<64x128xf32, #tpu.memory_space<vmem>>, vector<1x16xf32>,
      %swap3A_179 = vector.shape_cast %swap3A_178 : vector<1x16xf32> to vector<16xf32>
      %swap3A_180 = vector.shape_cast %broadcast_in_dim3A_64 : vector<16xf32> to vector<1x16xf32>
      tpu.vector_store %arg7[%swap3A_176, %swap3A_177], %swap3A_180 {strides = array<i32>} : memref<64x128xf32, #tpu.memory_space<vmem>>, vector<1x16xf32>,
      %swap3A_181 = arith.index_cast %scan3A_146 : i32 to index
      %swap3A_182 = arith.constant 112 : index
      %swap3A_183 = tpu.vector_load %arg7[%swap3A_181, %swap3A_182] {strides = array<i32>} : memref<64x128xf32, #tpu.memory_space<vmem>>, vector<1x16xf32>,
      %swap3A_184 = vector.shape_cast %swap3A_183 : vector<1x16xf32> to vector<16xf32>
      %swap3A_185 = vector.shape_cast %broadcast_in_dim3A_64 : vector<16xf32> to vector<1x16xf32>
      tpu.vector_store %arg7[%swap3A_181, %swap3A_182], %swap3A_185 {strides = array<i32>} : memref<64x128xf32, #tpu.memory_space<vmem>>, vector<1x16xf32>,
    }
    %scan3A_68 = arith.constant 64 : i32
    %mul3A_69 = arith.constant 640 : i32
    %mul3A_70 = arith.muli %arg1, %mul3A_69 : i32
    %add3A_71 = arith.constant 0 : i32
    %add3A_72 = arith.addi %mul3A_70, %add3A_71 : i32
    "tpu.region"() ({
      %run_scoped3A = tpu.sem_alloc : memref<!tpu.dma_semaphore, #tpu.memory_space<semaphore_mem>>
      %dma_start3A_146 = arith.constant 0 : i32
      %dma_start3A_147 = tpu.memref_slice %arg8[%add3A_72, %dma_start3A_146] : memref<10240x128xf32, #tpu.memory_space<vmem_shared>> -> memref<64x128xf32, #tpu.memory_space<vmem_shared>>
      %dma_start3A_148 = arith.constant 0 : i32
      %dma_start3A_149 = tpu.memref_slice %arg8[%add3A_72, %dma_start3A_148] : memref<10240x128xf32, #tpu.memory_space<vmem_shared>> -> memref<64x128xf32, #tpu.memory_space<vmem_shared>>
      tpu.enqueue_dma source(%arg7 : memref<64x128xf32, #tpu.memory_space<vmem>>) target(%dma_start3A_149 : memref<64x128xf32, #tpu.memory_space<vmem_shared>>) target_semaphore(%run_scoped3A : memref<!tpu.dma_semaphore, #tpu.memory_space<semaphore_mem>>)
      %dma_wait3A_150 = arith.constant 0 : i32
      %dma_wait3A_151 = tpu.memref_slice %arg8[%add3A_72, %dma_wait3A_150] : memref<10240x128xf32, #tpu.memory_space<vmem_shared>> -> memref<64x128xf32, #tpu.memory_space<vmem_shared>>
      %dma_wait3A_152 = arith.constant 0 : i32
      %dma_wait3A_153 = tpu.memref_slice %arg8[%add3A_72, %dma_wait3A_152] : memref<10240x128xf32, #tpu.memory_space<vmem_shared>> -> memref<64x128xf32, #tpu.memory_space<vmem_shared>>
      tpu.wait_dma2 semaphore(%run_scoped3A : memref<!tpu.dma_semaphore, #tpu.memory_space<semaphore_mem>>) src(%arg7 : memref<64x128xf32, #tpu.memory_space<vmem>>) dst(%dma_wait3A_153 : memref<64x128xf32, #tpu.memory_space<vmem_shared>>)
      tpu.yield
    }) : () -> ()
    %mul3A_73 = arith.constant 640 : i32
    %mul3A_74 = arith.muli %arg1, %mul3A_73 : i32
    %add3A_75 = arith.constant 64 : i32
    %add3A_76 = arith.addi %mul3A_74, %add3A_75 : i32
    "tpu.region"() ({
      %run_scoped3A = tpu.sem_alloc : memref<!tpu.dma_semaphore, #tpu.memory_space<semaphore_mem>>
      %dma_start3A_146 = arith.constant 0 : i32
      %dma_start3A_147 = tpu.memref_slice %arg8[%add3A_76, %dma_start3A_146] : memref<10240x128xf32, #tpu.memory_space<vmem_shared>> -> memref<64x128xf32, #tpu.memory_space<vmem_shared>>
      %dma_start3A_148 = arith.constant 0 : i32
      %dma_start3A_149 = tpu.memref_slice %arg8[%add3A_76, %dma_start3A_148] : memref<10240x128xf32, #tpu.memory_space<vmem_shared>> -> memref<64x128xf32, #tpu.memory_space<vmem_shared>>
      tpu.enqueue_dma source(%arg7 : memref<64x128xf32, #tpu.memory_space<vmem>>) target(%dma_start3A_149 : memref<64x128xf32, #tpu.memory_space<vmem_shared>>) target_semaphore(%run_scoped3A : memref<!tpu.dma_semaphore, #tpu.memory_space<semaphore_mem>>)
      %dma_wait3A_150 = arith.constant 0 : i32
      %dma_wait3A_151 = tpu.memref_slice %arg8[%add3A_76, %dma_wait3A_150] : memref<10240x128xf32, #tpu.memory_space<vmem_shared>> -> memref<64x128xf32, #tpu.memory_space<vmem_shared>>
      %dma_wait3A_152 = arith.constant 0 : i32
      %dma_wait3A_153 = tpu.memref_slice %arg8[%add3A_76, %dma_wait3A_152] : memref<10240x128xf32, #tpu.memory_space<vmem_shared>> -> memref<64x128xf32, #tpu.memory_space<vmem_shared>>
      tpu.wait_dma2 semaphore(%run_scoped3A : memref<!tpu.dma_semaphore, #tpu.memory_space<semaphore_mem>>) src(%arg7 : memref<64x128xf32, #tpu.memory_space<vmem>>) dst(%dma_wait3A_153 : memref<64x128xf32, #tpu.memory_space<vmem_shared>>)
      tpu.yield
    }) : () -> ()
    %mul3A_77 = arith.constant 640 : i32
    %mul3A_78 = arith.muli %arg1, %mul3A_77 : i32
    %add3A_79 = arith.constant 128 : i32
    %add3A_80 = arith.addi %mul3A_78, %add3A_79 : i32
    "tpu.region"() ({
      %run_scoped3A = tpu.sem_alloc : memref<!tpu.dma_semaphore, #tpu.memory_space<semaphore_mem>>
      %dma_start3A_146 = arith.constant 0 : i32
      %dma_start3A_147 = tpu.memref_slice %arg8[%add3A_80, %dma_start3A_146] : memref<10240x128xf32, #tpu.memory_space<vmem_shared>> -> memref<64x128xf32, #tpu.memory_space<vmem_shared>>
      %dma_start3A_148 = arith.constant 0 : i32
      %dma_start3A_149 = tpu.memref_slice %arg8[%add3A_80, %dma_start3A_148] : memref<10240x128xf32, #tpu.memory_space<vmem_shared>> -> memref<64x128xf32, #tpu.memory_space<vmem_shared>>
      tpu.enqueue_dma source(%arg7 : memref<64x128xf32, #tpu.memory_space<vmem>>) target(%dma_start3A_149 : memref<64x128xf32, #tpu.memory_space<vmem_shared>>) target_semaphore(%run_scoped3A : memref<!tpu.dma_semaphore, #tpu.memory_space<semaphore_mem>>)
      %dma_wait3A_150 = arith.constant 0 : i32
      %dma_wait3A_151 = tpu.memref_slice %arg8[%add3A_80, %dma_wait3A_150] : memref<10240x128xf32, #tpu.memory_space<vmem_shared>> -> memref<64x128xf32, #tpu.memory_space<vmem_shared>>
      %dma_wait3A_152 = arith.constant 0 : i32
      %dma_wait3A_153 = tpu.memref_slice %arg8[%add3A_80, %dma_wait3A_152] : memref<10240x128xf32, #tpu.memory_space<vmem_shared>> -> memref<64x128xf32, #tpu.memory_space<vmem_shared>>
      tpu.wait_dma2 semaphore(%run_scoped3A : memref<!tpu.dma_semaphore, #tpu.memory_space<semaphore_mem>>) src(%arg7 : memref<64x128xf32, #tpu.memory_space<vmem>>) dst(%dma_wait3A_153 : memref<64x128xf32, #tpu.memory_space<vmem_shared>>)
      tpu.yield
    }) : () -> ()
    %mul3A_81 = arith.constant 640 : i32
    %mul3A_82 = arith.muli %arg1, %mul3A_81 : i32
    %add3A_83 = arith.constant 192 : i32
    %add3A_84 = arith.addi %mul3A_82, %add3A_83 : i32
    "tpu.region"() ({
      %run_scoped3A = tpu.sem_alloc : memref<!tpu.dma_semaphore, #tpu.memory_space<semaphore_mem>>
      %dma_start3A_146 = arith.constant 0 : i32
      %dma_start3A_147 = tpu.memref_slice %arg8[%add3A_84, %dma_start3A_146] : memref<10240x128xf32, #tpu.memory_space<vmem_shared>> -> memref<64x128xf32, #tpu.memory_space<vmem_shared>>
      %dma_start3A_148 = arith.constant 0 : i32
      %dma_start3A_149 = tpu.memref_slice %arg8[%add3A_84, %dma_start3A_148] : memref<10240x128xf32, #tpu.memory_space<vmem_shared>> -> memref<64x128xf32, #tpu.memory_space<vmem_shared>>
      tpu.enqueue_dma source(%arg7 : memref<64x128xf32, #tpu.memory_space<vmem>>) target(%dma_start3A_149 : memref<64x128xf32, #tpu.memory_space<vmem_shared>>) target_semaphore(%run_scoped3A : memref<!tpu.dma_semaphore, #tpu.memory_space<semaphore_mem>>)
      %dma_wait3A_150 = arith.constant 0 : i32
      %dma_wait3A_151 = tpu.memref_slice %arg8[%add3A_84, %dma_wait3A_150] : memref<10240x128xf32, #tpu.memory_space<vmem_shared>> -> memref<64x128xf32, #tpu.memory_space<vmem_shared>>
      %dma_wait3A_152 = arith.constant 0 : i32
      %dma_wait3A_153 = tpu.memref_slice %arg8[%add3A_84, %dma_wait3A_152] : memref<10240x128xf32, #tpu.memory_space<vmem_shared>> -> memref<64x128xf32, #tpu.memory_space<vmem_shared>>
      tpu.wait_dma2 semaphore(%run_scoped3A : memref<!tpu.dma_semaphore, #tpu.memory_space<semaphore_mem>>) src(%arg7 : memref<64x128xf32, #tpu.memory_space<vmem>>) dst(%dma_wait3A_153 : memref<64x128xf32, #tpu.memory_space<vmem_shared>>)
      tpu.yield
    }) : () -> ()
    %mul3A_85 = arith.constant 640 : i32
    %mul3A_86 = arith.muli %arg1, %mul3A_85 : i32
    %add3A_87 = arith.constant 256 : i32
    %add3A_88 = arith.addi %mul3A_86, %add3A_87 : i32
    "tpu.region"() ({
      %run_scoped3A = tpu.sem_alloc : memref<!tpu.dma_semaphore, #tpu.memory_space<semaphore_mem>>
      %dma_start3A_146 = arith.constant 0 : i32
      %dma_start3A_147 = tpu.memref_slice %arg8[%add3A_88, %dma_start3A_146] : memref<10240x128xf32, #tpu.memory_space<vmem_shared>> -> memref<64x128xf32, #tpu.memory_space<vmem_shared>>
      %dma_start3A_148 = arith.constant 0 : i32
      %dma_start3A_149 = tpu.memref_slice %arg8[%add3A_88, %dma_start3A_148] : memref<10240x128xf32, #tpu.memory_space<vmem_shared>> -> memref<64x128xf32, #tpu.memory_space<vmem_shared>>
      tpu.enqueue_dma source(%arg7 : memref<64x128xf32, #tpu.memory_space<vmem>>) target(%dma_start3A_149 : memref<64x128xf32, #tpu.memory_space<vmem_shared>>) target_semaphore(%run_scoped3A : memref<!tpu.dma_semaphore, #tpu.memory_space<semaphore_mem>>)
      %dma_wait3A_150 = arith.constant 0 : i32
      %dma_wait3A_151 = tpu.memref_slice %arg8[%add3A_88, %dma_wait3A_150] : memref<10240x128xf32, #tpu.memory_space<vmem_shared>> -> memref<64x128xf32, #tpu.memory_space<vmem_shared>>
      %dma_wait3A_152 = arith.constant 0 : i32
      %dma_wait3A_153 = tpu.memref_slice %arg8[%add3A_88, %dma_wait3A_152] : memref<10240x128xf32, #tpu.memory_space<vmem_shared>> -> memref<64x128xf32, #tpu.memory_space<vmem_shared>>
      tpu.wait_dma2 semaphore(%run_scoped3A : memref<!tpu.dma_semaphore, #tpu.memory_space<semaphore_mem>>) src(%arg7 : memref<64x128xf32, #tpu.memory_space<vmem>>) dst(%dma_wait3A_153 : memref<64x128xf32, #tpu.memory_space<vmem_shared>>)
      tpu.yield
    }) : () -> ()
    %mul3A_89 = arith.constant 640 : i32
    %mul3A_90 = arith.muli %arg1, %mul3A_89 : i32
    %add3A_91 = arith.constant 320 : i32
    %add3A_92 = arith.addi %mul3A_90, %add3A_91 : i32
    "tpu.region"() ({
      %run_scoped3A = tpu.sem_alloc : memref<!tpu.dma_semaphore, #tpu.memory_space<semaphore_mem>>
      %dma_start3A_146 = arith.constant 0 : i32
      %dma_start3A_147 = tpu.memref_slice %arg8[%add3A_92, %dma_start3A_146] : memref<10240x128xf32, #tpu.memory_space<vmem_shared>> -> memref<64x128xf32, #tpu.memory_space<vmem_shared>>
      %dma_start3A_148 = arith.constant 0 : i32
      %dma_start3A_149 = tpu.memref_slice %arg8[%add3A_92, %dma_start3A_148] : memref<10240x128xf32, #tpu.memory_space<vmem_shared>> -> memref<64x128xf32, #tpu.memory_space<vmem_shared>>
      tpu.enqueue_dma source(%arg7 : memref<64x128xf32, #tpu.memory_space<vmem>>) target(%dma_start3A_149 : memref<64x128xf32, #tpu.memory_space<vmem_shared>>) target_semaphore(%run_scoped3A : memref<!tpu.dma_semaphore, #tpu.memory_space<semaphore_mem>>)
      %dma_wait3A_150 = arith.constant 0 : i32
      %dma_wait3A_151 = tpu.memref_slice %arg8[%add3A_92, %dma_wait3A_150] : memref<10240x128xf32, #tpu.memory_space<vmem_shared>> -> memref<64x128xf32, #tpu.memory_space<vmem_shared>>
      %dma_wait3A_152 = arith.constant 0 : i32
      %dma_wait3A_153 = tpu.memref_slice %arg8[%add3A_92, %dma_wait3A_152] : memref<10240x128xf32, #tpu.memory_space<vmem_shared>> -> memref<64x128xf32, #tpu.memory_space<vmem_shared>>
      tpu.wait_dma2 semaphore(%run_scoped3A : memref<!tpu.dma_semaphore, #tpu.memory_space<semaphore_mem>>) src(%arg7 : memref<64x128xf32, #tpu.memory_space<vmem>>) dst(%dma_wait3A_153 : memref<64x128xf32, #tpu.memory_space<vmem_shared>>)
      tpu.yield
    }) : () -> ()
    %mul3A_93 = arith.constant 640 : i32
    %mul3A_94 = arith.muli %arg1, %mul3A_93 : i32
    %add3A_95 = arith.constant 384 : i32
    %add3A_96 = arith.addi %mul3A_94, %add3A_95 : i32
    "tpu.region"() ({
      %run_scoped3A = tpu.sem_alloc : memref<!tpu.dma_semaphore, #tpu.memory_space<semaphore_mem>>
      %dma_start3A_146 = arith.constant 0 : i32
      %dma_start3A_147 = tpu.memref_slice %arg8[%add3A_96, %dma_start3A_146] : memref<10240x128xf32, #tpu.memory_space<vmem_shared>> -> memref<64x128xf32, #tpu.memory_space<vmem_shared>>
      %dma_start3A_148 = arith.constant 0 : i32
      %dma_start3A_149 = tpu.memref_slice %arg8[%add3A_96, %dma_start3A_148] : memref<10240x128xf32, #tpu.memory_space<vmem_shared>> -> memref<64x128xf32, #tpu.memory_space<vmem_shared>>
      tpu.enqueue_dma source(%arg7 : memref<64x128xf32, #tpu.memory_space<vmem>>) target(%dma_start3A_149 : memref<64x128xf32, #tpu.memory_space<vmem_shared>>) target_semaphore(%run_scoped3A : memref<!tpu.dma_semaphore, #tpu.memory_space<semaphore_mem>>)
      %dma_wait3A_150 = arith.constant 0 : i32
      %dma_wait3A_151 = tpu.memref_slice %arg8[%add3A_96, %dma_wait3A_150] : memref<10240x128xf32, #tpu.memory_space<vmem_shared>> -> memref<64x128xf32, #tpu.memory_space<vmem_shared>>
      %dma_wait3A_152 = arith.constant 0 : i32
      %dma_wait3A_153 = tpu.memref_slice %arg8[%add3A_96, %dma_wait3A_152] : memref<10240x128xf32, #tpu.memory_space<vmem_shared>> -> memref<64x128xf32, #tpu.memory_space<vmem_shared>>
      tpu.wait_dma2 semaphore(%run_scoped3A : memref<!tpu.dma_semaphore, #tpu.memory_space<semaphore_mem>>) src(%arg7 : memref<64x128xf32, #tpu.memory_space<vmem>>) dst(%dma_wait3A_153 : memref<64x128xf32, #tpu.memory_space<vmem_shared>>)
      tpu.yield
    }) : () -> ()
    %mul3A_97 = arith.constant 640 : i32
    %mul3A_98 = arith.muli %arg1, %mul3A_97 : i32
    %add3A_99 = arith.constant 448 : i32
    %add3A_100 = arith.addi %mul3A_98, %add3A_99 : i32
    "tpu.region"() ({
      %run_scoped3A = tpu.sem_alloc : memref<!tpu.dma_semaphore, #tpu.memory_space<semaphore_mem>>
      %dma_start3A_146 = arith.constant 0 : i32
      %dma_start3A_147 = tpu.memref_slice %arg8[%add3A_100, %dma_start3A_146] : memref<10240x128xf32, #tpu.memory_space<vmem_shared>> -> memref<64x128xf32, #tpu.memory_space<vmem_shared>>
      %dma_start3A_148 = arith.constant 0 : i32
      %dma_start3A_149 = tpu.memref_slice %arg8[%add3A_100, %dma_start3A_148] : memref<10240x128xf32, #tpu.memory_space<vmem_shared>> -> memref<64x128xf32, #tpu.memory_space<vmem_shared>>
      tpu.enqueue_dma source(%arg7 : memref<64x128xf32, #tpu.memory_space<vmem>>) target(%dma_start3A_149 : memref<64x128xf32, #tpu.memory_space<vmem_shared>>) target_semaphore(%run_scoped3A : memref<!tpu.dma_semaphore, #tpu.memory_space<semaphore_mem>>)
      %dma_wait3A_150 = arith.constant 0 : i32
      %dma_wait3A_151 = tpu.memref_slice %arg8[%add3A_100, %dma_wait3A_150] : memref<10240x128xf32, #tpu.memory_space<vmem_shared>> -> memref<64x128xf32, #tpu.memory_space<vmem_shared>>
      %dma_wait3A_152 = arith.constant 0 : i32
      %dma_wait3A_153 = tpu.memref_slice %arg8[%add3A_100, %dma_wait3A_152] : memref<10240x128xf32, #tpu.memory_space<vmem_shared>> -> memref<64x128xf32, #tpu.memory_space<vmem_shared>>
      tpu.wait_dma2 semaphore(%run_scoped3A : memref<!tpu.dma_semaphore, #tpu.memory_space<semaphore_mem>>) src(%arg7 : memref<64x128xf32, #tpu.memory_space<vmem>>) dst(%dma_wait3A_153 : memref<64x128xf32, #tpu.memory_space<vmem_shared>>)
      tpu.yield
    }) : () -> ()
    %mul3A_101 = arith.constant 640 : i32
    %mul3A_102 = arith.muli %arg1, %mul3A_101 : i32
    %add3A_103 = arith.constant 512 : i32
    %add3A_104 = arith.addi %mul3A_102, %add3A_103 : i32
    "tpu.region"() ({
      %run_scoped3A = tpu.sem_alloc : memref<!tpu.dma_semaphore, #tpu.memory_space<semaphore_mem>>
      %dma_start3A_146 = arith.constant 0 : i32
      %dma_start3A_147 = tpu.memref_slice %arg8[%add3A_104, %dma_start3A_146] : memref<10240x128xf32, #tpu.memory_space<vmem_shared>> -> memref<64x128xf32, #tpu.memory_space<vmem_shared>>
      %dma_start3A_148 = arith.constant 0 : i32
      %dma_start3A_149 = tpu.memref_slice %arg8[%add3A_104, %dma_start3A_148] : memref<10240x128xf32, #tpu.memory_space<vmem_shared>> -> memref<64x128xf32, #tpu.memory_space<vmem_shared>>
      tpu.enqueue_dma source(%arg7 : memref<64x128xf32, #tpu.memory_space<vmem>>) target(%dma_start3A_149 : memref<64x128xf32, #tpu.memory_space<vmem_shared>>) target_semaphore(%run_scoped3A : memref<!tpu.dma_semaphore, #tpu.memory_space<semaphore_mem>>)
      %dma_wait3A_150 = arith.constant 0 : i32
      %dma_wait3A_151 = tpu.memref_slice %arg8[%add3A_104, %dma_wait3A_150] : memref<10240x128xf32, #tpu.memory_space<vmem_shared>> -> memref<64x128xf32, #tpu.memory_space<vmem_shared>>
      %dma_wait3A_152 = arith.constant 0 : i32
      %dma_wait3A_153 = tpu.memref_slice %arg8[%add3A_104, %dma_wait3A_152] : memref<10240x128xf32, #tpu.memory_space<vmem_shared>> -> memref<64x128xf32, #tpu.memory_space<vmem_shared>>
      tpu.wait_dma2 semaphore(%run_scoped3A : memref<!tpu.dma_semaphore, #tpu.memory_space<semaphore_mem>>) src(%arg7 : memref<64x128xf32, #tpu.memory_space<vmem>>) dst(%dma_wait3A_153 : memref<64x128xf32, #tpu.memory_space<vmem_shared>>)
      tpu.yield
    }) : () -> ()
    %mul3A_105 = arith.constant 640 : i32
    %mul3A_106 = arith.muli %arg1, %mul3A_105 : i32
    %add3A_107 = arith.constant 576 : i32
    %add3A_108 = arith.addi %mul3A_106, %add3A_107 : i32
    "tpu.region"() ({
      %run_scoped3A = tpu.sem_alloc : memref<!tpu.dma_semaphore, #tpu.memory_space<semaphore_mem>>
      %dma_start3A_146 = arith.constant 0 : i32
      %dma_start3A_147 = tpu.memref_slice %arg8[%add3A_108, %dma_start3A_146] : memref<10240x128xf32, #tpu.memory_space<vmem_shared>> -> memref<64x128xf32, #tpu.memory_space<vmem_shared>>
      %dma_start3A_148 = arith.constant 0 : i32
      %dma_start3A_149 = tpu.memref_slice %arg8[%add3A_108, %dma_start3A_148] : memref<10240x128xf32, #tpu.memory_space<vmem_shared>> -> memref<64x128xf32, #tpu.memory_space<vmem_shared>>
      tpu.enqueue_dma source(%arg7 : memref<64x128xf32, #tpu.memory_space<vmem>>) target(%dma_start3A_149 : memref<64x128xf32, #tpu.memory_space<vmem_shared>>) target_semaphore(%run_scoped3A : memref<!tpu.dma_semaphore, #tpu.memory_space<semaphore_mem>>)
      %dma_wait3A_150 = arith.constant 0 : i32
      %dma_wait3A_151 = tpu.memref_slice %arg8[%add3A_108, %dma_wait3A_150] : memref<10240x128xf32, #tpu.memory_space<vmem_shared>> -> memref<64x128xf32, #tpu.memory_space<vmem_shared>>
      %dma_wait3A_152 = arith.constant 0 : i32
      %dma_wait3A_153 = tpu.memref_slice %arg8[%add3A_108, %dma_wait3A_152] : memref<10240x128xf32, #tpu.memory_space<vmem_shared>> -> memref<64x128xf32, #tpu.memory_space<vmem_shared>>
      tpu.wait_dma2 semaphore(%run_scoped3A : memref<!tpu.dma_semaphore, #tpu.memory_space<semaphore_mem>>) src(%arg7 : memref<64x128xf32, #tpu.memory_space<vmem>>) dst(%dma_wait3A_153 : memref<64x128xf32, #tpu.memory_space<vmem_shared>>)
      tpu.yield
    }) : () -> ()
    %barrier3A = arith.constant 0 : index
    tpu.barrier barrier_id(%barrier3A)
    %while3A = arith.constant 0 : i32
    %while3A_109 = arith.subi %add3A_4, %while3A : i32
    %while3A_110 = arith.addi %while3A, %while3A_109 : i32
    %while3A_111 = arith.constant 1 : i32
    %while3A_112 = arith.divsi %while3A_109, %while3A_111 : i32
    %while3A_113 = arith.muli %while3A_112, %while3A_111 : i32
    %while3A_114 = arith.addi %while3A, %while3A_113 : i32
    %while3A_115 = arith.constant 1 : i32
    scf.for %while3A_146 = %while3A to %while3A_114 step %while3A_115  : i32 {
      %rem3A_147 = arith.constant 2 : i32
      %rem3A_148 = arith.remsi %while3A_146, %rem3A_147 : i32
      %add3A_149 = arith.constant 1 : i32
      %add3A_150 = arith.addi %while3A_146, %add3A_149 : i32
      %rem3A_151 = arith.constant 2 : i32
      %rem3A_152 = arith.remsi %add3A_150, %rem3A_151 : i32
      %rem3A_153 = arith.constant 4 : i32
      %rem3A_154 = arith.remsi %while3A_146, %rem3A_153 : i32
      %add3A_155 = arith.constant 1 : i32
      %add3A_156 = arith.addi %while3A_146, %add3A_155 : i32
      %rem3A_157 = arith.constant 4 : i32
      %rem3A_158 = arith.remsi %add3A_156, %rem3A_157 : i32
      %add3A_159 = arith.constant 2 : i32
      %add3A_160 = arith.addi %while3A_146, %add3A_159 : i32
      %rem3A_161 = arith.constant 4 : i32
      %rem3A_162 = arith.remsi %add3A_160, %rem3A_161 : i32
      %add3A_163 = arith.constant 3 : i32
      %add3A_164 = arith.addi %while3A_146, %add3A_163 : i32
      %rem3A_165 = arith.constant 4 : i32
      %rem3A_166 = arith.remsi %add3A_164, %rem3A_165 : i32
      %add3A_167 = arith.constant 1 : i32
      %add3A_168 = arith.addi %while3A_146, %add3A_167 : i32
      %lt3A_169 = arith.cmpi slt, %add3A_168, %add3A_4 : i32
      %convert_element_type3A_170 = arith.extui %lt3A_169 : i1 to i32
      %cond3A_171 = arith.constant 0 : i32
      %cond3A_172 = arith.cmpi ne, %convert_element_type3A_170, %cond3A_171 : i32
      scf.if %cond3A_172 {
        %dma_wait3A_205 = arith.constant 0 : i32
        %dma_wait3A_206 = arith.constant 0 : i32
        %dma_wait3A_207 = arith.constant 0 : i32
        %dma_wait3A_208 = tpu.memref_slice %arg5[%rem3A_158, %dma_wait3A_206, %dma_wait3A_207] : memref<4x2x128xi32, #tpu.memory_space<vmem>> -> memref<1x2x128xi32, #tpu.memory_space<vmem>>
        %dma_wait3A_209 = tpu.memref_squeeze %dma_wait3A_208 : memref<1x2x128xi32, #tpu.memory_space<vmem>> -> memref<2x128xi32, #tpu.memory_space<vmem>>
        %dma_wait3A_210 = arith.constant 0 : i32
        %dma_wait3A_211 = arith.constant 0 : i32
        %dma_wait3A_212 = tpu.memref_slice %arg3[%dma_wait3A_205, %dma_wait3A_210, %dma_wait3A_211] : memref<2500x2x128xi32, #tpu.memory_space<hbm>> -> memref<1x2x128xi32, #tpu.memory_space<hbm>>
        %dma_wait3A_213 = tpu.memref_squeeze %dma_wait3A_212 : memref<1x2x128xi32, #tpu.memory_space<hbm>> -> memref<2x128xi32, #tpu.memory_space<hbm>>
        %dma_wait3A_214 = tpu.memref_slice %arg9[%rem3A_158] : memref<4x!tpu.dma_semaphore, #tpu.memory_space<semaphore_mem>> -> memref<1x!tpu.dma_semaphore, #tpu.memory_space<semaphore_mem>>
        %dma_wait3A_215 = tpu.memref_squeeze %dma_wait3A_214 : memref<1x!tpu.dma_semaphore, #tpu.memory_space<semaphore_mem>> -> memref<!tpu.dma_semaphore, #tpu.memory_space<semaphore_mem>>
        %dma_wait3A_216 = arith.constant 0 : i32
        %dma_wait3A_217 = arith.constant 0 : i32
        %dma_wait3A_218 = tpu.memref_slice %arg5[%rem3A_158, %dma_wait3A_216, %dma_wait3A_217] : memref<4x2x128xi32, #tpu.memory_space<vmem>> -> memref<1x2x128xi32, #tpu.memory_space<vmem>>
        %dma_wait3A_219 = tpu.memref_squeeze %dma_wait3A_218 : memref<1x2x128xi32, #tpu.memory_space<vmem>> -> memref<2x128xi32, #tpu.memory_space<vmem>>
        %dma_wait3A_220 = arith.constant 0 : i32
        %dma_wait3A_221 = arith.constant 0 : i32
        %dma_wait3A_222 = tpu.memref_slice %arg3[%dma_wait3A_205, %dma_wait3A_220, %dma_wait3A_221] : memref<2500x2x128xi32, #tpu.memory_space<hbm>> -> memref<1x2x128xi32, #tpu.memory_space<hbm>>
        %dma_wait3A_223 = tpu.memref_squeeze %dma_wait3A_222 : memref<1x2x128xi32, #tpu.memory_space<hbm>> -> memref<2x128xi32, #tpu.memory_space<hbm>>
        tpu.wait_dma2 semaphore(%dma_wait3A_215 : memref<!tpu.dma_semaphore, #tpu.memory_space<semaphore_mem>>) src(%dma_wait3A_223 : memref<2x128xi32, #tpu.memory_space<hbm>>) dst(%dma_wait3A_219 : memref<2x128xi32, #tpu.memory_space<vmem>>)
        %ge3A_224 = arith.constant 1 : i32
        %ge3A_225 = arith.cmpi sge, %while3A_146, %ge3A_224 : i32
        %convert_element_type3A_226 = arith.extui %ge3A_225 : i1 to i32
        %cond3A_227 = arith.constant 0 : i32
        %cond3A_228 = arith.cmpi ne, %convert_element_type3A_226, %cond3A_227 : i32
        scf.if %cond3A_228 {
          %dma_wait3A_242 = arith.constant 1 : i32
          %dma_wait3A_243 = arith.constant 0 : i32
          %dma_wait3A_244 = arith.constant 0 : i32
          %dma_wait3A_245 = tpu.memref_slice %arg6[%rem3A_152, %dma_wait3A_243, %dma_wait3A_244] : memref<2x128x128xf32, #tpu.memory_space<vmem>> -> memref<1x128x128xf32, #tpu.memory_space<vmem>>
          %dma_wait3A_246 = tpu.memref_squeeze %dma_wait3A_245 : memref<1x128x128xf32, #tpu.memory_space<vmem>> -> memref<128x128xf32, #tpu.memory_space<vmem>>
          %dma_wait3A_247 = arith.constant 0 : i32
          %dma_wait3A_248 = tpu.memref_slice %arg5[%rem3A_166, %dma_wait3A_242, %dma_wait3A_247] : memref<4x2x128xi32, #tpu.memory_space<vmem>> -> memref<1x1x128xi32, #tpu.memory_space<vmem>>
          %dma_wait3A_249 = tpu.memref_squeeze %dma_wait3A_248 : memref<1x1x128xi32, #tpu.memory_space<vmem>> -> memref<128xi32, #tpu.memory_space<vmem>>
          %dma_wait3A_250 = arith.constant 0 : i32
          %dma_wait3A_251 = arith.constant 0 : i32
          %dma_wait3A_252 = tpu.memref_slice %arg8[%dma_wait3A_250, %dma_wait3A_251] : memref<10240x128xf32, #tpu.memory_space<vmem_shared>> -> memref<10240x128xf32, #tpu.memory_space<vmem_shared>>
          %dma_wait3A_253 = tpu.memref_slice %arg11[%rem3A_152] : memref<2x!tpu.dma_semaphore, #tpu.memory_space<semaphore_mem>> -> memref<1x!tpu.dma_semaphore, #tpu.memory_space<semaphore_mem>>
          %dma_wait3A_254 = tpu.memref_squeeze %dma_wait3A_253 : memref<1x!tpu.dma_semaphore, #tpu.memory_space<semaphore_mem>> -> memref<!tpu.dma_semaphore, #tpu.memory_space<semaphore_mem>>
          tpu.wait_indirect_dma semaphore(%dma_wait3A_254 : memref<!tpu.dma_semaphore, #tpu.memory_space<semaphore_mem>>) src(%dma_wait3A_246 : memref<128x128xf32, #tpu.memory_space<vmem>>) dst(%dma_wait3A_252 : memref<10240x128xf32, #tpu.memory_space<vmem_shared>>)
        } else {
        }
        %dma_start3A_229 = arith.constant 0 : i32
        %dma_start3A_230 = arith.constant 0 : i32
        %dma_start3A_231 = arith.constant 0 : i32
        %dma_start3A_232 = tpu.memref_slice %arg6[%rem3A_152, %dma_start3A_230, %dma_start3A_231] : memref<2x128x128xf32, #tpu.memory_space<vmem>> -> memref<1x128x128xf32, #tpu.memory_space<vmem>>
        %dma_start3A_233 = tpu.memref_squeeze %dma_start3A_232 : memref<1x128x128xf32, #tpu.memory_space<vmem>> -> memref<128x128xf32, #tpu.memory_space<vmem>>
        %dma_start3A_234 = arith.constant 0 : i32
        %dma_start3A_235 = tpu.memref_slice %arg5[%rem3A_158, %dma_start3A_229, %dma_start3A_234] : memref<4x2x128xi32, #tpu.memory_space<vmem>> -> memref<1x1x128xi32, #tpu.memory_space<vmem>>
        %dma_start3A_236 = tpu.memref_squeeze %dma_start3A_235 : memref<1x1x128xi32, #tpu.memory_space<vmem>> -> memref<128xi32, #tpu.memory_space<vmem>>
        %dma_start3A_237 = arith.constant 0 : i32
        %dma_start3A_238 = arith.constant 0 : i32
        %dma_start3A_239 = tpu.memref_slice %arg2[%dma_start3A_237, %dma_start3A_238] : memref<10000x128xf32, #tpu.memory_space<hbm>> -> memref<10000x128xf32, #tpu.memory_space<hbm>>
        %dma_start3A_240 = tpu.memref_slice %arg10[%rem3A_152] : memref<2x!tpu.dma_semaphore, #tpu.memory_space<semaphore_mem>> -> memref<1x!tpu.dma_semaphore, #tpu.memory_space<semaphore_mem>>
        %dma_start3A_241 = tpu.memref_squeeze %dma_start3A_240 : memref<1x!tpu.dma_semaphore, #tpu.memory_space<semaphore_mem>> -> memref<!tpu.dma_semaphore, #tpu.memory_space<semaphore_mem>>
        tpu.enqueue_indirect_dma source(%dma_start3A_239 : memref<10000x128xf32, #tpu.memory_space<hbm>>) target(%dma_start3A_233 : memref<128x128xf32, #tpu.memory_space<vmem>>) offsets(%dma_start3A_236 : memref<128xi32, #tpu.memory_space<vmem>>) semaphore(%dma_start3A_241 : memref<!tpu.dma_semaphore, #tpu.memory_space<semaphore_mem>>)
      } else {
      }
      %dma_wait3A_173 = arith.constant 0 : i32
      %dma_wait3A_174 = arith.constant 0 : i32
      %dma_wait3A_175 = arith.constant 0 : i32
      %dma_wait3A_176 = tpu.memref_slice %arg6[%rem3A_148, %dma_wait3A_174, %dma_wait3A_175] : memref<2x128x128xf32, #tpu.memory_space<vmem>> -> memref<1x128x128xf32, #tpu.memory_space<vmem>>
      %dma_wait3A_177 = tpu.memref_squeeze %dma_wait3A_176 : memref<1x128x128xf32, #tpu.memory_space<vmem>> -> memref<128x128xf32, #tpu.memory_space<vmem>>
      %dma_wait3A_178 = arith.constant 0 : i32
      %dma_wait3A_179 = tpu.memref_slice %arg5[%rem3A_154, %dma_wait3A_173, %dma_wait3A_178] : memref<4x2x128xi32, #tpu.memory_space<vmem>> -> memref<1x1x128xi32, #tpu.memory_space<vmem>>
      %dma_wait3A_180 = tpu.memref_squeeze %dma_wait3A_179 : memref<1x1x128xi32, #tpu.memory_space<vmem>> -> memref<128xi32, #tpu.memory_space<vmem>>
      %dma_wait3A_181 = arith.constant 0 : i32
      %dma_wait3A_182 = arith.constant 0 : i32
      %dma_wait3A_183 = tpu.memref_slice %arg2[%dma_wait3A_181, %dma_wait3A_182] : memref<10000x128xf32, #tpu.memory_space<hbm>> -> memref<10000x128xf32, #tpu.memory_space<hbm>>
      %dma_wait3A_184 = tpu.memref_slice %arg10[%rem3A_148] : memref<2x!tpu.dma_semaphore, #tpu.memory_space<semaphore_mem>> -> memref<1x!tpu.dma_semaphore, #tpu.memory_space<semaphore_mem>>
      %dma_wait3A_185 = tpu.memref_squeeze %dma_wait3A_184 : memref<1x!tpu.dma_semaphore, #tpu.memory_space<semaphore_mem>> -> memref<!tpu.dma_semaphore, #tpu.memory_space<semaphore_mem>>
      tpu.wait_indirect_dma semaphore(%dma_wait3A_185 : memref<!tpu.dma_semaphore, #tpu.memory_space<semaphore_mem>>) src(%dma_wait3A_183 : memref<10000x128xf32, #tpu.memory_space<hbm>>) dst(%dma_wait3A_177 : memref<128x128xf32, #tpu.memory_space<vmem>>)
      %dma_start3A_186 = arith.constant 1 : i32
      %dma_start3A_187 = arith.constant 0 : i32
      %dma_start3A_188 = arith.constant 0 : i32
      %dma_start3A_189 = tpu.memref_slice %arg6[%rem3A_148, %dma_start3A_187, %dma_start3A_188] : memref<2x128x128xf32, #tpu.memory_space<vmem>> -> memref<1x128x128xf32, #tpu.memory_space<vmem>>
      %dma_start3A_190 = tpu.memref_squeeze %dma_start3A_189 : memref<1x128x128xf32, #tpu.memory_space<vmem>> -> memref<128x128xf32, #tpu.memory_space<vmem>>
      %dma_start3A_191 = arith.constant 0 : i32
      %dma_start3A_192 = tpu.memref_slice %arg5[%rem3A_154, %dma_start3A_186, %dma_start3A_191] : memref<4x2x128xi32, #tpu.memory_space<vmem>> -> memref<1x1x128xi32, #tpu.memory_space<vmem>>
      %dma_start3A_193 = tpu.memref_squeeze %dma_start3A_192 : memref<1x1x128xi32, #tpu.memory_space<vmem>> -> memref<128xi32, #tpu.memory_space<vmem>>
      %dma_start3A_194 = arith.constant 0 : i32
      %dma_start3A_195 = arith.constant 0 : i32
      %dma_start3A_196 = tpu.memref_slice %arg8[%dma_start3A_194, %dma_start3A_195] : memref<10240x128xf32, #tpu.memory_space<vmem_shared>> -> memref<10240x128xf32, #tpu.memory_space<vmem_shared>>
      %dma_start3A_197 = tpu.memref_slice %arg11[%rem3A_148] : memref<2x!tpu.dma_semaphore, #tpu.memory_space<semaphore_mem>> -> memref<1x!tpu.dma_semaphore, #tpu.memory_space<semaphore_mem>>
      %dma_start3A_198 = tpu.memref_squeeze %dma_start3A_197 : memref<1x!tpu.dma_semaphore, #tpu.memory_space<semaphore_mem>> -> memref<!tpu.dma_semaphore, #tpu.memory_space<semaphore_mem>>
      tpu.enqueue_indirect_dma source(%dma_start3A_190 : memref<128x128xf32, #tpu.memory_space<vmem>>) target(%dma_start3A_196 : memref<10240x128xf32, #tpu.memory_space<vmem_shared>>) offsets(%dma_start3A_193 : memref<128xi32, #tpu.memory_space<vmem>>) semaphore(%dma_start3A_198 : memref<!tpu.dma_semaphore, #tpu.memory_space<semaphore_mem>>) {add = true}
      %add3A_199 = arith.constant 2 : i32
      %add3A_200 = arith.addi %while3A_146, %add3A_199 : i32
      %lt3A_201 = arith.cmpi slt, %add3A_200, %add3A_4 : i32
      %convert_element_type3A_202 = arith.extui %lt3A_201 : i1 to i32
      %cond3A_203 = arith.constant 0 : i32
      %cond3A_204 = arith.cmpi ne, %convert_element_type3A_202, %cond3A_203 : i32
      scf.if %cond3A_204 {
        %add3A_205 = arith.constant 2 : i32
        %add3A_206 = arith.addi %while3A_146, %add3A_205 : i32
        %mul3A_207 = arith.constant 32 : i32
        %mul3A_208 = arith.muli %mul3A_207, %add3A_206 : i32
        %add3A_209 = arith.addi %add3A, %mul3A_208 : i32
        %dma_start3A_210 = arith.constant 0 : i32
        %dma_start3A_211 = arith.constant 0 : i32
        %dma_start3A_212 = tpu.memref_slice %arg5[%rem3A_162, %dma_start3A_210, %dma_start3A_211] : memref<4x2x128xi32, #tpu.memory_space<vmem>> -> memref<1x2x128xi32, #tpu.memory_space<vmem>>
        %dma_start3A_213 = tpu.memref_squeeze %dma_start3A_212 : memref<1x2x128xi32, #tpu.memory_space<vmem>> -> memref<2x128xi32, #tpu.memory_space<vmem>>
        %dma_start3A_214 = arith.constant 0 : i32
        %dma_start3A_215 = arith.constant 0 : i32
        %dma_start3A_216 = tpu.memref_slice %arg3[%add3A_209, %dma_start3A_214, %dma_start3A_215] : memref<2500x2x128xi32, #tpu.memory_space<hbm>> -> memref<1x2x128xi32, #tpu.memory_space<hbm>>
        %dma_start3A_217 = tpu.memref_squeeze %dma_start3A_216 : memref<1x2x128xi32, #tpu.memory_space<hbm>> -> memref<2x128xi32, #tpu.memory_space<hbm>>
        %dma_start3A_218 = tpu.memref_slice %arg9[%rem3A_162] : memref<4x!tpu.dma_semaphore, #tpu.memory_space<semaphore_mem>> -> memref<1x!tpu.dma_semaphore, #tpu.memory_space<semaphore_mem>>
        %dma_start3A_219 = tpu.memref_squeeze %dma_start3A_218 : memref<1x!tpu.dma_semaphore, #tpu.memory_space<semaphore_mem>> -> memref<!tpu.dma_semaphore, #tpu.memory_space<semaphore_mem>>
        %dma_start3A_220 = arith.constant 0 : i32
        %dma_start3A_221 = arith.constant 0 : i32
        %dma_start3A_222 = tpu.memref_slice %arg5[%rem3A_162, %dma_start3A_220, %dma_start3A_221] : memref<4x2x128xi32, #tpu.memory_space<vmem>> -> memref<1x2x128xi32, #tpu.memory_space<vmem>>
        %dma_start3A_223 = tpu.memref_squeeze %dma_start3A_222 : memref<1x2x128xi32, #tpu.memory_space<vmem>> -> memref<2x128xi32, #tpu.memory_space<vmem>>
        %dma_start3A_224 = arith.constant 0 : i32
        %dma_start3A_225 = arith.constant 0 : i32
        %dma_start3A_226 = tpu.memref_slice %arg3[%add3A_209, %dma_start3A_224, %dma_start3A_225] : memref<2500x2x128xi32, #tpu.memory_space<hbm>> -> memref<1x2x128xi32, #tpu.memory_space<hbm>>
        %dma_start3A_227 = tpu.memref_squeeze %dma_start3A_226 : memref<1x2x128xi32, #tpu.memory_space<hbm>> -> memref<2x128xi32, #tpu.memory_space<hbm>>
        tpu.enqueue_dma source(%dma_start3A_227 : memref<2x128xi32, #tpu.memory_space<hbm>>) target(%dma_start3A_223 : memref<2x128xi32, #tpu.memory_space<vmem>>) target_semaphore(%dma_start3A_219 : memref<!tpu.dma_semaphore, #tpu.memory_space<semaphore_mem>>)
      } else {
      }
    }
    %while3A_116 = arith.constant 1 : i32
    scf.for %while3A_146 = %while3A_114 to %while3A_110 step %while3A_116  : i32 {
      %rem3A_147 = arith.constant 2 : i32
      %rem3A_148 = arith.remsi %while3A_146, %rem3A_147 : i32
      %add3A_149 = arith.constant 1 : i32
      %add3A_150 = arith.addi %while3A_146, %add3A_149 : i32
      %rem3A_151 = arith.constant 2 : i32
      %rem3A_152 = arith.remsi %add3A_150, %rem3A_151 : i32
      %rem3A_153 = arith.constant 4 : i32
      %rem3A_154 = arith.remsi %while3A_146, %rem3A_153 : i32
      %add3A_155 = arith.constant 1 : i32
      %add3A_156 = arith.addi %while3A_146, %add3A_155 : i32
      %rem3A_157 = arith.constant 4 : i32
      %rem3A_158 = arith.remsi %add3A_156, %rem3A_157 : i32
      %add3A_159 = arith.constant 2 : i32
      %add3A_160 = arith.addi %while3A_146, %add3A_159 : i32
      %rem3A_161 = arith.constant 4 : i32
      %rem3A_162 = arith.remsi %add3A_160, %rem3A_161 : i32
      %add3A_163 = arith.constant 3 : i32
      %add3A_164 = arith.addi %while3A_146, %add3A_163 : i32
      %rem3A_165 = arith.constant 4 : i32
      %rem3A_166 = arith.remsi %add3A_164, %rem3A_165 : i32
      %add3A_167 = arith.constant 1 : i32
      %add3A_168 = arith.addi %while3A_146, %add3A_167 : i32
      %lt3A_169 = arith.cmpi slt, %add3A_168, %add3A_4 : i32
      %convert_element_type3A_170 = arith.extui %lt3A_169 : i1 to i32
      %cond3A_171 = arith.constant 0 : i32
      %cond3A_172 = arith.cmpi ne, %convert_element_type3A_170, %cond3A_171 : i32
      scf.if %cond3A_172 {
        %dma_wait3A_205 = arith.constant 0 : i32
        %dma_wait3A_206 = arith.constant 0 : i32
        %dma_wait3A_207 = arith.constant 0 : i32
        %dma_wait3A_208 = tpu.memref_slice %arg5[%rem3A_158, %dma_wait3A_206, %dma_wait3A_207] : memref<4x2x128xi32, #tpu.memory_space<vmem>> -> memref<1x2x128xi32, #tpu.memory_space<vmem>>
        %dma_wait3A_209 = tpu.memref_squeeze %dma_wait3A_208 : memref<1x2x128xi32, #tpu.memory_space<vmem>> -> memref<2x128xi32, #tpu.memory_space<vmem>>
        %dma_wait3A_210 = arith.constant 0 : i32
        %dma_wait3A_211 = arith.constant 0 : i32
        %dma_wait3A_212 = tpu.memref_slice %arg3[%dma_wait3A_205, %dma_wait3A_210, %dma_wait3A_211] : memref<2500x2x128xi32, #tpu.memory_space<hbm>> -> memref<1x2x128xi32, #tpu.memory_space<hbm>>
        %dma_wait3A_213 = tpu.memref_squeeze %dma_wait3A_212 : memref<1x2x128xi32, #tpu.memory_space<hbm>> -> memref<2x128xi32, #tpu.memory_space<hbm>>
        %dma_wait3A_214 = tpu.memref_slice %arg9[%rem3A_158] : memref<4x!tpu.dma_semaphore, #tpu.memory_space<semaphore_mem>> -> memref<1x!tpu.dma_semaphore, #tpu.memory_space<semaphore_mem>>
        %dma_wait3A_215 = tpu.memref_squeeze %dma_wait3A_214 : memref<1x!tpu.dma_semaphore, #tpu.memory_space<semaphore_mem>> -> memref<!tpu.dma_semaphore, #tpu.memory_space<semaphore_mem>>
        %dma_wait3A_216 = arith.constant 0 : i32
        %dma_wait3A_217 = arith.constant 0 : i32
        %dma_wait3A_218 = tpu.memref_slice %arg5[%rem3A_158, %dma_wait3A_216, %dma_wait3A_217] : memref<4x2x128xi32, #tpu.memory_space<vmem>> -> memref<1x2x128xi32, #tpu.memory_space<vmem>>
        %dma_wait3A_219 = tpu.memref_squeeze %dma_wait3A_218 : memref<1x2x128xi32, #tpu.memory_space<vmem>> -> memref<2x128xi32, #tpu.memory_space<vmem>>
        %dma_wait3A_220 = arith.constant 0 : i32
        %dma_wait3A_221 = arith.constant 0 : i32
        %dma_wait3A_222 = tpu.memref_slice %arg3[%dma_wait3A_205, %dma_wait3A_220, %dma_wait3A_221] : memref<2500x2x128xi32, #tpu.memory_space<hbm>> -> memref<1x2x128xi32, #tpu.memory_space<hbm>>
        %dma_wait3A_223 = tpu.memref_squeeze %dma_wait3A_222 : memref<1x2x128xi32, #tpu.memory_space<hbm>> -> memref<2x128xi32, #tpu.memory_space<hbm>>
        tpu.wait_dma2 semaphore(%dma_wait3A_215 : memref<!tpu.dma_semaphore, #tpu.memory_space<semaphore_mem>>) src(%dma_wait3A_223 : memref<2x128xi32, #tpu.memory_space<hbm>>) dst(%dma_wait3A_219 : memref<2x128xi32, #tpu.memory_space<vmem>>)
        %ge3A_224 = arith.constant 1 : i32
        %ge3A_225 = arith.cmpi sge, %while3A_146, %ge3A_224 : i32
        %convert_element_type3A_226 = arith.extui %ge3A_225 : i1 to i32
        %cond3A_227 = arith.constant 0 : i32
        %cond3A_228 = arith.cmpi ne, %convert_element_type3A_226, %cond3A_227 : i32
        scf.if %cond3A_228 {
          %dma_wait3A_242 = arith.constant 1 : i32
          %dma_wait3A_243 = arith.constant 0 : i32
          %dma_wait3A_244 = arith.constant 0 : i32
          %dma_wait3A_245 = tpu.memref_slice %arg6[%rem3A_152, %dma_wait3A_243, %dma_wait3A_244] : memref<2x128x128xf32, #tpu.memory_space<vmem>> -> memref<1x128x128xf32, #tpu.memory_space<vmem>>
          %dma_wait3A_246 = tpu.memref_squeeze %dma_wait3A_245 : memref<1x128x128xf32, #tpu.memory_space<vmem>> -> memref<128x128xf32, #tpu.memory_space<vmem>>
          %dma_wait3A_247 = arith.constant 0 : i32
          %dma_wait3A_248 = tpu.memref_slice %arg5[%rem3A_166, %dma_wait3A_242, %dma_wait3A_247] : memref<4x2x128xi32, #tpu.memory_space<vmem>> -> memref<1x1x128xi32, #tpu.memory_space<vmem>>
          %dma_wait3A_249 = tpu.memref_squeeze %dma_wait3A_248 : memref<1x1x128xi32, #tpu.memory_space<vmem>> -> memref<128xi32, #tpu.memory_space<vmem>>
          %dma_wait3A_250 = arith.constant 0 : i32
          %dma_wait3A_251 = arith.constant 0 : i32
          %dma_wait3A_252 = tpu.memref_slice %arg8[%dma_wait3A_250, %dma_wait3A_251] : memref<10240x128xf32, #tpu.memory_space<vmem_shared>> -> memref<10240x128xf32, #tpu.memory_space<vmem_shared>>
          %dma_wait3A_253 = tpu.memref_slice %arg11[%rem3A_152] : memref<2x!tpu.dma_semaphore, #tpu.memory_space<semaphore_mem>> -> memref<1x!tpu.dma_semaphore, #tpu.memory_space<semaphore_mem>>
          %dma_wait3A_254 = tpu.memref_squeeze %dma_wait3A_253 : memref<1x!tpu.dma_semaphore, #tpu.memory_space<semaphore_mem>> -> memref<!tpu.dma_semaphore, #tpu.memory_space<semaphore_mem>>
          tpu.wait_indirect_dma semaphore(%dma_wait3A_254 : memref<!tpu.dma_semaphore, #tpu.memory_space<semaphore_mem>>) src(%dma_wait3A_246 : memref<128x128xf32, #tpu.memory_space<vmem>>) dst(%dma_wait3A_252 : memref<10240x128xf32, #tpu.memory_space<vmem_shared>>)
        } else {
        }
        %dma_start3A_229 = arith.constant 0 : i32
        %dma_start3A_230 = arith.constant 0 : i32
        %dma_start3A_231 = arith.constant 0 : i32
        %dma_start3A_232 = tpu.memref_slice %arg6[%rem3A_152, %dma_start3A_230, %dma_start3A_231] : memref<2x128x128xf32, #tpu.memory_space<vmem>> -> memref<1x128x128xf32, #tpu.memory_space<vmem>>
        %dma_start3A_233 = tpu.memref_squeeze %dma_start3A_232 : memref<1x128x128xf32, #tpu.memory_space<vmem>> -> memref<128x128xf32, #tpu.memory_space<vmem>>
        %dma_start3A_234 = arith.constant 0 : i32
        %dma_start3A_235 = tpu.memref_slice %arg5[%rem3A_158, %dma_start3A_229, %dma_start3A_234] : memref<4x2x128xi32, #tpu.memory_space<vmem>> -> memref<1x1x128xi32, #tpu.memory_space<vmem>>
        %dma_start3A_236 = tpu.memref_squeeze %dma_start3A_235 : memref<1x1x128xi32, #tpu.memory_space<vmem>> -> memref<128xi32, #tpu.memory_space<vmem>>
        %dma_start3A_237 = arith.constant 0 : i32
        %dma_start3A_238 = arith.constant 0 : i32
        %dma_start3A_239 = tpu.memref_slice %arg2[%dma_start3A_237, %dma_start3A_238] : memref<10000x128xf32, #tpu.memory_space<hbm>> -> memref<10000x128xf32, #tpu.memory_space<hbm>>
        %dma_start3A_240 = tpu.memref_slice %arg10[%rem3A_152] : memref<2x!tpu.dma_semaphore, #tpu.memory_space<semaphore_mem>> -> memref<1x!tpu.dma_semaphore, #tpu.memory_space<semaphore_mem>>
        %dma_start3A_241 = tpu.memref_squeeze %dma_start3A_240 : memref<1x!tpu.dma_semaphore, #tpu.memory_space<semaphore_mem>> -> memref<!tpu.dma_semaphore, #tpu.memory_space<semaphore_mem>>
        tpu.enqueue_indirect_dma source(%dma_start3A_239 : memref<10000x128xf32, #tpu.memory_space<hbm>>) target(%dma_start3A_233 : memref<128x128xf32, #tpu.memory_space<vmem>>) offsets(%dma_start3A_236 : memref<128xi32, #tpu.memory_space<vmem>>) semaphore(%dma_start3A_241 : memref<!tpu.dma_semaphore, #tpu.memory_space<semaphore_mem>>)
      } else {
      }
      %dma_wait3A_173 = arith.constant 0 : i32
      %dma_wait3A_174 = arith.constant 0 : i32
      %dma_wait3A_175 = arith.constant 0 : i32
      %dma_wait3A_176 = tpu.memref_slice %arg6[%rem3A_148, %dma_wait3A_174, %dma_wait3A_175] : memref<2x128x128xf32, #tpu.memory_space<vmem>> -> memref<1x128x128xf32, #tpu.memory_space<vmem>>
      %dma_wait3A_177 = tpu.memref_squeeze %dma_wait3A_176 : memref<1x128x128xf32, #tpu.memory_space<vmem>> -> memref<128x128xf32, #tpu.memory_space<vmem>>
      %dma_wait3A_178 = arith.constant 0 : i32
      %dma_wait3A_179 = tpu.memref_slice %arg5[%rem3A_154, %dma_wait3A_173, %dma_wait3A_178] : memref<4x2x128xi32, #tpu.memory_space<vmem>> -> memref<1x1x128xi32, #tpu.memory_space<vmem>>
      %dma_wait3A_180 = tpu.memref_squeeze %dma_wait3A_179 : memref<1x1x128xi32, #tpu.memory_space<vmem>> -> memref<128xi32, #tpu.memory_space<vmem>>
      %dma_wait3A_181 = arith.constant 0 : i32
      %dma_wait3A_182 = arith.constant 0 : i32
      %dma_wait3A_183 = tpu.memref_slice %arg2[%dma_wait3A_181, %dma_wait3A_182] : memref<10000x128xf32, #tpu.memory_space<hbm>> -> memref<10000x128xf32, #tpu.memory_space<hbm>>
      %dma_wait3A_184 = tpu.memref_slice %arg10[%rem3A_148] : memref<2x!tpu.dma_semaphore, #tpu.memory_space<semaphore_mem>> -> memref<1x!tpu.dma_semaphore, #tpu.memory_space<semaphore_mem>>
      %dma_wait3A_185 = tpu.memref_squeeze %dma_wait3A_184 : memref<1x!tpu.dma_semaphore, #tpu.memory_space<semaphore_mem>> -> memref<!tpu.dma_semaphore, #tpu.memory_space<semaphore_mem>>
      tpu.wait_indirect_dma semaphore(%dma_wait3A_185 : memref<!tpu.dma_semaphore, #tpu.memory_space<semaphore_mem>>) src(%dma_wait3A_183 : memref<10000x128xf32, #tpu.memory_space<hbm>>) dst(%dma_wait3A_177 : memref<128x128xf32, #tpu.memory_space<vmem>>)
      %dma_start3A_186 = arith.constant 1 : i32
      %dma_start3A_187 = arith.constant 0 : i32
      %dma_start3A_188 = arith.constant 0 : i32
      %dma_start3A_189 = tpu.memref_slice %arg6[%rem3A_148, %dma_start3A_187, %dma_start3A_188] : memref<2x128x128xf32, #tpu.memory_space<vmem>> -> memref<1x128x128xf32, #tpu.memory_space<vmem>>
      %dma_start3A_190 = tpu.memref_squeeze %dma_start3A_189 : memref<1x128x128xf32, #tpu.memory_space<vmem>> -> memref<128x128xf32, #tpu.memory_space<vmem>>
      %dma_start3A_191 = arith.constant 0 : i32
      %dma_start3A_192 = tpu.memref_slice %arg5[%rem3A_154, %dma_start3A_186, %dma_start3A_191] : memref<4x2x128xi32, #tpu.memory_space<vmem>> -> memref<1x1x128xi32, #tpu.memory_space<vmem>>
      %dma_start3A_193 = tpu.memref_squeeze %dma_start3A_192 : memref<1x1x128xi32, #tpu.memory_space<vmem>> -> memref<128xi32, #tpu.memory_space<vmem>>
      %dma_start3A_194 = arith.constant 0 : i32
      %dma_start3A_195 = arith.constant 0 : i32
      %dma_start3A_196 = tpu.memref_slice %arg8[%dma_start3A_194, %dma_start3A_195] : memref<10240x128xf32, #tpu.memory_space<vmem_shared>> -> memref<10240x128xf32, #tpu.memory_space<vmem_shared>>
      %dma_start3A_197 = tpu.memref_slice %arg11[%rem3A_148] : memref<2x!tpu.dma_semaphore, #tpu.memory_space<semaphore_mem>> -> memref<1x!tpu.dma_semaphore, #tpu.memory_space<semaphore_mem>>
      %dma_start3A_198 = tpu.memref_squeeze %dma_start3A_197 : memref<1x!tpu.dma_semaphore, #tpu.memory_space<semaphore_mem>> -> memref<!tpu.dma_semaphore, #tpu.memory_space<semaphore_mem>>
      tpu.enqueue_indirect_dma source(%dma_start3A_190 : memref<128x128xf32, #tpu.memory_space<vmem>>) target(%dma_start3A_196 : memref<10240x128xf32, #tpu.memory_space<vmem_shared>>) offsets(%dma_start3A_193 : memref<128xi32, #tpu.memory_space<vmem>>) semaphore(%dma_start3A_198 : memref<!tpu.dma_semaphore, #tpu.memory_space<semaphore_mem>>) {add = true}
      %add3A_199 = arith.constant 2 : i32
      %add3A_200 = arith.addi %while3A_146, %add3A_199 : i32
      %lt3A_201 = arith.cmpi slt, %add3A_200, %add3A_4 : i32
      %convert_element_type3A_202 = arith.extui %lt3A_201 : i1 to i32
      %cond3A_203 = arith.constant 0 : i32
      %cond3A_204 = arith.cmpi ne, %convert_element_type3A_202, %cond3A_203 : i32
      scf.if %cond3A_204 {
        %add3A_205 = arith.constant 2 : i32
        %add3A_206 = arith.addi %while3A_146, %add3A_205 : i32
        %mul3A_207 = arith.constant 32 : i32
        %mul3A_208 = arith.muli %mul3A_207, %add3A_206 : i32
        %add3A_209 = arith.addi %add3A, %mul3A_208 : i32
        %dma_start3A_210 = arith.constant 0 : i32
        %dma_start3A_211 = arith.constant 0 : i32
        %dma_start3A_212 = tpu.memref_slice %arg5[%rem3A_162, %dma_start3A_210, %dma_start3A_211] : memref<4x2x128xi32, #tpu.memory_space<vmem>> -> memref<1x2x128xi32, #tpu.memory_space<vmem>>
        %dma_start3A_213 = tpu.memref_squeeze %dma_start3A_212 : memref<1x2x128xi32, #tpu.memory_space<vmem>> -> memref<2x128xi32, #tpu.memory_space<vmem>>
        %dma_start3A_214 = arith.constant 0 : i32
        %dma_start3A_215 = arith.constant 0 : i32
        %dma_start3A_216 = tpu.memref_slice %arg3[%add3A_209, %dma_start3A_214, %dma_start3A_215] : memref<2500x2x128xi32, #tpu.memory_space<hbm>> -> memref<1x2x128xi32, #tpu.memory_space<hbm>>
        %dma_start3A_217 = tpu.memref_squeeze %dma_start3A_216 : memref<1x2x128xi32, #tpu.memory_space<hbm>> -> memref<2x128xi32, #tpu.memory_space<hbm>>
        %dma_start3A_218 = tpu.memref_slice %arg9[%rem3A_162] : memref<4x!tpu.dma_semaphore, #tpu.memory_space<semaphore_mem>> -> memref<1x!tpu.dma_semaphore, #tpu.memory_space<semaphore_mem>>
        %dma_start3A_219 = tpu.memref_squeeze %dma_start3A_218 : memref<1x!tpu.dma_semaphore, #tpu.memory_space<semaphore_mem>> -> memref<!tpu.dma_semaphore, #tpu.memory_space<semaphore_mem>>
        %dma_start3A_220 = arith.constant 0 : i32
        %dma_start3A_221 = arith.constant 0 : i32
        %dma_start3A_222 = tpu.memref_slice %arg5[%rem3A_162, %dma_start3A_220, %dma_start3A_221] : memref<4x2x128xi32, #tpu.memory_space<vmem>> -> memref<1x2x128xi32, #tpu.memory_space<vmem>>
        %dma_start3A_223 = tpu.memref_squeeze %dma_start3A_222 : memref<1x2x128xi32, #tpu.memory_space<vmem>> -> memref<2x128xi32, #tpu.memory_space<vmem>>
        %dma_start3A_224 = arith.constant 0 : i32
        %dma_start3A_225 = arith.constant 0 : i32
        %dma_start3A_226 = tpu.memref_slice %arg3[%add3A_209, %dma_start3A_224, %dma_start3A_225] : memref<2500x2x128xi32, #tpu.memory_space<hbm>> -> memref<1x2x128xi32, #tpu.memory_space<hbm>>
        %dma_start3A_227 = tpu.memref_squeeze %dma_start3A_226 : memref<1x2x128xi32, #tpu.memory_space<hbm>> -> memref<2x128xi32, #tpu.memory_space<hbm>>
        tpu.enqueue_dma source(%dma_start3A_227 : memref<2x128xi32, #tpu.memory_space<hbm>>) target(%dma_start3A_223 : memref<2x128xi32, #tpu.memory_space<vmem>>) target_semaphore(%dma_start3A_219 : memref<!tpu.dma_semaphore, #tpu.memory_space<semaphore_mem>>)
      } else {
      }
    }
    %ge3A = arith.constant 2 : i32
    %ge3A_117 = arith.cmpi sge, %add3A_4, %ge3A : i32
    %convert_element_type3A_118 = arith.extui %ge3A_117 : i1 to i32
    %cond3A_119 = arith.constant 0 : i32
    %cond3A_120 = arith.cmpi ne, %convert_element_type3A_118, %cond3A_119 : i32
    scf.if %cond3A_120 {
      %add3A_146 = arith.constant 2 : i32
      %add3A_147 = arith.addi %add3A_4, %add3A_146 : i32
      %rem3A_148 = arith.constant 4 : i32
      %rem3A_149 = arith.remsi %add3A_147, %rem3A_148 : i32
      %rem3A_150 = arith.constant 2 : i32
      %rem3A_151 = arith.remsi %add3A_4, %rem3A_150 : i32
      %dma_wait3A_152 = arith.constant 1 : i32
      %dma_wait3A_153 = arith.constant 0 : i32
      %dma_wait3A_154 = arith.constant 0 : i32
      %dma_wait3A_155 = tpu.memref_slice %arg6[%rem3A_151, %dma_wait3A_153, %dma_wait3A_154] : memref<2x128x128xf32, #tpu.memory_space<vmem>> -> memref<1x128x128xf32, #tpu.memory_space<vmem>>
      %dma_wait3A_156 = tpu.memref_squeeze %dma_wait3A_155 : memref<1x128x128xf32, #tpu.memory_space<vmem>> -> memref<128x128xf32, #tpu.memory_space<vmem>>
      %dma_wait3A_157 = arith.constant 0 : i32
      %dma_wait3A_158 = tpu.memref_slice %arg5[%rem3A_149, %dma_wait3A_152, %dma_wait3A_157] : memref<4x2x128xi32, #tpu.memory_space<vmem>> -> memref<1x1x128xi32, #tpu.memory_space<vmem>>
      %dma_wait3A_159 = tpu.memref_squeeze %dma_wait3A_158 : memref<1x1x128xi32, #tpu.memory_space<vmem>> -> memref<128xi32, #tpu.memory_space<vmem>>
      %dma_wait3A_160 = arith.constant 0 : i32
      %dma_wait3A_161 = arith.constant 0 : i32
      %dma_wait3A_162 = tpu.memref_slice %arg8[%dma_wait3A_160, %dma_wait3A_161] : memref<10240x128xf32, #tpu.memory_space<vmem_shared>> -> memref<10240x128xf32, #tpu.memory_space<vmem_shared>>
      %dma_wait3A_163 = tpu.memref_slice %arg11[%rem3A_151] : memref<2x!tpu.dma_semaphore, #tpu.memory_space<semaphore_mem>> -> memref<1x!tpu.dma_semaphore, #tpu.memory_space<semaphore_mem>>
      %dma_wait3A_164 = tpu.memref_squeeze %dma_wait3A_163 : memref<1x!tpu.dma_semaphore, #tpu.memory_space<semaphore_mem>> -> memref<!tpu.dma_semaphore, #tpu.memory_space<semaphore_mem>>
      tpu.wait_indirect_dma semaphore(%dma_wait3A_164 : memref<!tpu.dma_semaphore, #tpu.memory_space<semaphore_mem>>) src(%dma_wait3A_156 : memref<128x128xf32, #tpu.memory_space<vmem>>) dst(%dma_wait3A_162 : memref<10240x128xf32, #tpu.memory_space<vmem_shared>>)
    } else {
    }
    %add3A_121 = arith.constant 3 : i32
    %add3A_122 = arith.addi %add3A_4, %add3A_121 : i32
    %rem3A = arith.constant 4 : i32
    %rem3A_123 = arith.remsi %add3A_122, %rem3A : i32
    %add3A_124 = arith.constant 1 : i32
    %add3A_125 = arith.addi %add3A_4, %add3A_124 : i32
    %rem3A_126 = arith.constant 2 : i32
    %rem3A_127 = arith.remsi %add3A_125, %rem3A_126 : i32
    %dma_wait3A_128 = arith.constant 1 : i32
    %dma_wait3A_129 = arith.constant 0 : i32
    %dma_wait3A_130 = arith.constant 0 : i32
    %dma_wait3A_131 = tpu.memref_slice %arg6[%rem3A_127, %dma_wait3A_129, %dma_wait3A_130] : memref<2x128x128xf32, #tpu.memory_space<vmem>> -> memref<1x128x128xf32, #tpu.memory_space<vmem>>
    %dma_wait3A_132 = tpu.memref_squeeze %dma_wait3A_131 : memref<1x128x128xf32, #tpu.memory_space<vmem>> -> memref<128x128xf32, #tpu.memory_space<vmem>>
    %dma_wait3A_133 = arith.constant 0 : i32
    %dma_wait3A_134 = tpu.memref_slice %arg5[%rem3A_123, %dma_wait3A_128, %dma_wait3A_133] : memref<4x2x128xi32, #tpu.memory_space<vmem>> -> memref<1x1x128xi32, #tpu.memory_space<vmem>>
    %dma_wait3A_135 = tpu.memref_squeeze %dma_wait3A_134 : memref<1x1x128xi32, #tpu.memory_space<vmem>> -> memref<128xi32, #tpu.memory_space<vmem>>
    %dma_wait3A_136 = arith.constant 0 : i32
    %dma_wait3A_137 = arith.constant 0 : i32
    %dma_wait3A_138 = tpu.memref_slice %arg8[%dma_wait3A_136, %dma_wait3A_137] : memref<10240x128xf32, #tpu.memory_space<vmem_shared>> -> memref<10240x128xf32, #tpu.memory_space<vmem_shared>>
    %dma_wait3A_139 = tpu.memref_slice %arg11[%rem3A_127] : memref<2x!tpu.dma_semaphore, #tpu.memory_space<semaphore_mem>> -> memref<1x!tpu.dma_semaphore, #tpu.memory_space<semaphore_mem>>
    %dma_wait3A_140 = tpu.memref_squeeze %dma_wait3A_139 : memref<1x!tpu.dma_semaphore, #tpu.memory_space<semaphore_mem>> -> memref<!tpu.dma_semaphore, #tpu.memory_space<semaphore_mem>>
    tpu.wait_indirect_dma semaphore(%dma_wait3A_140 : memref<!tpu.dma_semaphore, #tpu.memory_space<semaphore_mem>>) src(%dma_wait3A_132 : memref<128x128xf32, #tpu.memory_space<vmem>>) dst(%dma_wait3A_138 : memref<10240x128xf32, #tpu.memory_space<vmem_shared>>)
    %barrier3A_141 = arith.constant 0 : index
    tpu.barrier barrier_id(%barrier3A_141)
    %mul3A_142 = arith.constant 640 : i32
    %mul3A_143 = arith.muli %arg1, %mul3A_142 : i32
    %mul3A_144 = arith.constant 640 : i32
    %mul3A_145 = arith.muli %arg1, %mul3A_144 : i32
    "tpu.region"() ({
      %run_scoped3A = tpu.sem_alloc : memref<!tpu.dma_semaphore, #tpu.memory_space<semaphore_mem>>
      %dma_start3A_146 = arith.constant 0 : i32
      %dma_start3A_147 = arith.constant 0 : i32
      %dma_start3A_148 = tpu.memref_slice %arg4[%arg0, %dma_start3A_146, %dma_start3A_147] : memref<2x10240x128xf32, #tpu.memory_space<hbm>> -> memref<1x10240x128xf32, #tpu.memory_space<hbm>>
      %dma_start3A_149 = tpu.memref_squeeze %dma_start3A_148 : memref<1x10240x128xf32, #tpu.memory_space<hbm>> -> memref<10240x128xf32, #tpu.memory_space<hbm>>
      %dma_start3A_150 = arith.constant 0 : i32
      %dma_start3A_151 = tpu.memref_slice %dma_start3A_149[%mul3A_145, %dma_start3A_150] : memref<10240x128xf32, #tpu.memory_space<hbm>> -> memref<640x128xf32, #tpu.memory_space<hbm>>
      %dma_start3A_152 = arith.constant 0 : i32
      %dma_start3A_153 = tpu.memref_slice %arg8[%mul3A_143, %dma_start3A_152] : memref<10240x128xf32, #tpu.memory_space<vmem_shared>> -> memref<640x128xf32, #tpu.memory_space<vmem_shared>>
      tpu.enqueue_dma source(%dma_start3A_153 : memref<640x128xf32, #tpu.memory_space<vmem_shared>>) target(%dma_start3A_151 : memref<640x128xf32, #tpu.memory_space<hbm>>) target_semaphore(%run_scoped3A : memref<!tpu.dma_semaphore, #tpu.memory_space<semaphore_mem>>)
      %dma_wait3A_154 = arith.constant 0 : i32
      %dma_wait3A_155 = arith.constant 0 : i32
      %dma_wait3A_156 = tpu.memref_slice %arg4[%arg0, %dma_wait3A_154, %dma_wait3A_155] : memref<2x10240x128xf32, #tpu.memory_space<hbm>> -> memref<1x10240x128xf32, #tpu.memory_space<hbm>>
      %dma_wait3A_157 = tpu.memref_squeeze %dma_wait3A_156 : memref<1x10240x128xf32, #tpu.memory_space<hbm>> -> memref<10240x128xf32, #tpu.memory_space<hbm>>
      %dma_wait3A_158 = arith.constant 0 : i32
      %dma_wait3A_159 = tpu.memref_slice %dma_wait3A_157[%mul3A_145, %dma_wait3A_158] : memref<10240x128xf32, #tpu.memory_space<hbm>> -> memref<640x128xf32, #tpu.memory_space<hbm>>
      %dma_wait3A_160 = arith.constant 0 : i32
      %dma_wait3A_161 = tpu.memref_slice %arg8[%mul3A_143, %dma_wait3A_160] : memref<10240x128xf32, #tpu.memory_space<vmem_shared>> -> memref<640x128xf32, #tpu.memory_space<vmem_shared>>
      tpu.wait_dma2 semaphore(%run_scoped3A : memref<!tpu.dma_semaphore, #tpu.memory_space<semaphore_mem>>) src(%dma_wait3A_161 : memref<640x128xf32, #tpu.memory_space<vmem_shared>>) dst(%dma_wait3A_159 : memref<640x128xf32, #tpu.memory_space<hbm>>)
      tpu.yield
    }) : () -> ()
    return
  }
}

#map = affine_map<(d0, d1) -> (0, 0)>
#map1 = affine_map<(d0, d1) -> (0, 0, 0)>
module attributes {stable_mosaic.version = 14 : i64} {
  func.func @_sc_layer_body(%arg0: i32, %arg1: i32, %arg2: memref<10000x128xf32, #tpu.memory_space<hbm>>, %arg3: memref<2500x2x128xi32, #tpu.memory_space<hbm>>, %arg4: memref<2x10240x128xf32, #tpu.memory_space<hbm>>, %arg5: memref<4x2x128xi32, #tpu.memory_space<vmem>>, %arg6: memref<2x128x128xf32, #tpu.memory_space<vmem>>, %arg7: memref<64x128xf32, #tpu.memory_space<vmem>>, %arg8: memref<10240x128xf32, #tpu.memory_space<vmem_shared>>, %arg9: memref<4x!tpu.dma_semaphore, #tpu.memory_space<semaphore_mem>>, %arg10: memref<2x!tpu.dma_semaphore, #tpu.memory_space<semaphore_mem>>, %arg11: memref<2x!tpu.dma_semaphore, #tpu.memory_space<semaphore_mem>>) attributes {dimension_semantics = [#tpu.dimension_semantics<core_parallel>, #tpu.dimension_semantics<subcore_parallel>], iteration_bounds = array<i64: 2, 16>, scalar_prefetch = 0 : i64, scratch_operands = 7 : i64, tpu.core_type = #tpu.core_type<sc_vector_subcore>, window_params = [{transform_indices = #map}, {transform_indices = #map1}, {transform_indices = #map1}]} {
    %mul3A = arith.constant 16 : i32
    %mul3A_0 = arith.muli %arg0, %mul3A : i32
    %add3A = arith.addi %mul3A_0, %arg1 : i32
    %lt3A = arith.constant 4 : i32
    %lt3A_1 = arith.cmpi slt, %add3A, %lt3A : i32
    %jit3A = arith.constant 1 : i32
    %jit3A_2 = arith.constant 0 : i32
    %select_n3A = arith.select %lt3A_1, %jit3A, %jit3A_2 : i32
    %add3A_3 = arith.constant 78 : i32
    %add3A_4 = arith.addi %add3A_3, %select_n3A : i32
    %add3A_5 = arith.constant 0 : i32
    %add3A_6 = arith.addi %add3A, %add3A_5 : i32
    %dma_start3A = arith.constant 0 : i32
    %dma_start3A_7 = arith.constant 0 : i32
    %dma_start3A_8 = arith.constant 0 : i32
    %dma_start3A_9 = arith.constant 0 : i32
    %dma_start3A_10 = tpu.memref_slice %arg5[%dma_start3A, %dma_start3A_8, %dma_start3A_9] : memref<4x2x128xi32, #tpu.memory_space<vmem>> -> memref<1x2x128xi32, #tpu.memory_space<vmem>>
    %dma_start3A_11 = tpu.memref_squeeze %dma_start3A_10 : memref<1x2x128xi32, #tpu.memory_space<vmem>> -> memref<2x128xi32, #tpu.memory_space<vmem>>
    %dma_start3A_12 = arith.constant 0 : i32
    %dma_start3A_13 = arith.constant 0 : i32
    %dma_start3A_14 = tpu.memref_slice %arg3[%add3A_6, %dma_start3A_12, %dma_start3A_13] : memref<2500x2x128xi32, #tpu.memory_space<hbm>> -> memref<1x2x128xi32, #tpu.memory_space<hbm>>
    %dma_start3A_15 = tpu.memref_squeeze %dma_start3A_14 : memref<1x2x128xi32, #tpu.memory_space<hbm>> -> memref<2x128xi32, #tpu.memory_space<hbm>>
    %dma_start3A_16 = tpu.memref_slice %arg9[%dma_start3A_7] : memref<4x!tpu.dma_semaphore, #tpu.memory_space<semaphore_mem>> -> memref<1x!tpu.dma_semaphore, #tpu.memory_space<semaphore_mem>>
    %dma_start3A_17 = tpu.memref_squeeze %dma_start3A_16 : memref<1x!tpu.dma_semaphore, #tpu.memory_space<semaphore_mem>> -> memref<!tpu.dma_semaphore, #tpu.memory_space<semaphore_mem>>
    %dma_start3A_18 = arith.constant 0 : i32
    %dma_start3A_19 = arith.constant 0 : i32
    %dma_start3A_20 = tpu.memref_slice %arg5[%dma_start3A, %dma_start3A_18, %dma_start3A_19] : memref<4x2x128xi32, #tpu.memory_space<vmem>> -> memref<1x2x128xi32, #tpu.memory_space<vmem>>
    %dma_start3A_21 = tpu.memref_squeeze %dma_start3A_20 : memref<1x2x128xi32, #tpu.memory_space<vmem>> -> memref<2x128xi32, #tpu.memory_space<vmem>>
    %dma_start3A_22 = arith.constant 0 : i32
    %dma_start3A_23 = arith.constant 0 : i32
    %dma_start3A_24 = tpu.memref_slice %arg3[%add3A_6, %dma_start3A_22, %dma_start3A_23] : memref<2500x2x128xi32, #tpu.memory_space<hbm>> -> memref<1x2x128xi32, #tpu.memory_space<hbm>>
    %dma_start3A_25 = tpu.memref_squeeze %dma_start3A_24 : memref<1x2x128xi32, #tpu.memory_space<hbm>> -> memref<2x128xi32, #tpu.memory_space<hbm>>
    tpu.enqueue_dma source(%dma_start3A_25 : memref<2x128xi32, #tpu.memory_space<hbm>>) target(%dma_start3A_21 : memref<2x128xi32, #tpu.memory_space<vmem>>) target_semaphore(%dma_start3A_17 : memref<!tpu.dma_semaphore, #tpu.memory_space<semaphore_mem>>)
    %gt3A = arith.constant 1 : i32
    %gt3A_26 = arith.cmpi sgt, %add3A_4, %gt3A : i32
    %convert_element_type3A = arith.extui %gt3A_26 : i1 to i32
    %cond3A = arith.constant 0 : i32
    %cond3A_27 = arith.cmpi ne, %convert_element_type3A, %cond3A : i32
    scf.if %cond3A_27 {
      %add3A_146 = arith.constant 32 : i32
      %add3A_147 = arith.addi %add3A, %add3A_146 : i32
      %dma_start3A_148 = arith.constant 1 : i32
      %dma_start3A_149 = arith.constant 1 : i32
      %dma_start3A_150 = arith.constant 0 : i32
      %dma_start3A_151 = arith.constant 0 : i32
      %dma_start3A_152 = tpu.memref_slice %arg5[%dma_start3A_148, %dma_start3A_150, %dma_start3A_151] : memref<4x2x128xi32, #tpu.memory_space<vmem>> -> memref<1x2x128xi32, #tpu.memory_space<vmem>>
      %dma_start3A_153 = tpu.memref_squeeze %dma_start3A_152 : memref<1x2x128xi32, #tpu.memory_space<vmem>> -> memref<2x128xi32, #tpu.memory_space<vmem>>
      %dma_start3A_154 = arith.constant 0 : i32
      %dma_start3A_155 = arith.constant 0 : i32
      %dma_start3A_156 = tpu.memref_slice %arg3[%add3A_147, %dma_start3A_154, %dma_start3A_155] : memref<2500x2x128xi32, #tpu.memory_space<hbm>> -> memref<1x2x128xi32, #tpu.memory_space<hbm>>
      %dma_start3A_157 = tpu.memref_squeeze %dma_start3A_156 : memref<1x2x128xi32, #tpu.memory_space<hbm>> -> memref<2x128xi32, #tpu.memory_space<hbm>>
      %dma_start3A_158 = tpu.memref_slice %arg9[%dma_start3A_149] : memref<4x!tpu.dma_semaphore, #tpu.memory_space<semaphore_mem>> -> memref<1x!tpu.dma_semaphore, #tpu.memory_space<semaphore_mem>>
      %dma_start3A_159 = tpu.memref_squeeze %dma_start3A_158 : memref<1x!tpu.dma_semaphore, #tpu.memory_space<semaphore_mem>> -> memref<!tpu.dma_semaphore, #tpu.memory_space<semaphore_mem>>
      %dma_start3A_160 = arith.constant 0 : i32
      %dma_start3A_161 = arith.constant 0 : i32
      %dma_start3A_162 = tpu.memref_slice %arg5[%dma_start3A_148, %dma_start3A_160, %dma_start3A_161] : memref<4x2x128xi32, #tpu.memory_space<vmem>> -> memref<1x2x128xi32, #tpu.memory_space<vmem>>
      %dma_start3A_163 = tpu.memref_squeeze %dma_start3A_162 : memref<1x2x128xi32, #tpu.memory_space<vmem>> -> memref<2x128xi32, #tpu.memory_space<vmem>>
      %dma_start3A_164 = arith.constant 0 : i32
      %dma_start3A_165 = arith.constant 0 : i32
      %dma_start3A_166 = tpu.memref_slice %arg3[%add3A_147, %dma_start3A_164, %dma_start3A_165] : memref<2500x2x128xi32, #tpu.memory_space<hbm>> -> memref<1x2x128xi32, #tpu.memory_space<hbm>>
      %dma_start3A_167 = tpu.memref_squeeze %dma_start3A_166 : memref<1x2x128xi32, #tpu.memory_space<hbm>> -> memref<2x128xi32, #tpu.memory_space<hbm>>
      tpu.enqueue_dma source(%dma_start3A_167 : memref<2x128xi32, #tpu.memory_space<hbm>>) target(%dma_start3A_163 : memref<2x128xi32, #tpu.memory_space<vmem>>) target_semaphore(%dma_start3A_159 : memref<!tpu.dma_semaphore, #tpu.memory_space<semaphore_mem>>)
    } else {
    }
    %dma_wait3A = arith.constant 0 : i32
    %dma_wait3A_28 = arith.constant 0 : i32
    %dma_wait3A_29 = arith.constant 0 : i32
    %dma_wait3A_30 = arith.constant 0 : i32
    %dma_wait3A_31 = arith.constant 0 : i32
    %dma_wait3A_32 = tpu.memref_slice %arg5[%dma_wait3A_28, %dma_wait3A_30, %dma_wait3A_31] : memref<4x2x128xi32, #tpu.memory_space<vmem>> -> memref<1x2x128xi32, #tpu.memory_space<vmem>>
    %dma_wait3A_33 = tpu.memref_squeeze %dma_wait3A_32 : memref<1x2x128xi32, #tpu.memory_space<vmem>> -> memref<2x128xi32, #tpu.memory_space<vmem>>
    %dma_wait3A_34 = arith.constant 0 : i32
    %dma_wait3A_35 = arith.constant 0 : i32
    %dma_wait3A_36 = tpu.memref_slice %arg3[%dma_wait3A, %dma_wait3A_34, %dma_wait3A_35] : memref<2500x2x128xi32, #tpu.memory_space<hbm>> -> memref<1x2x128xi32, #tpu.memory_space<hbm>>
    %dma_wait3A_37 = tpu.memref_squeeze %dma_wait3A_36 : memref<1x2x128xi32, #tpu.memory_space<hbm>> -> memref<2x128xi32, #tpu.memory_space<hbm>>
    %dma_wait3A_38 = tpu.memref_slice %arg9[%dma_wait3A_29] : memref<4x!tpu.dma_semaphore, #tpu.memory_space<semaphore_mem>> -> memref<1x!tpu.dma_semaphore, #tpu.memory_space<semaphore_mem>>
    %dma_wait3A_39 = tpu.memref_squeeze %dma_wait3A_38 : memref<1x!tpu.dma_semaphore, #tpu.memory_space<semaphore_mem>> -> memref<!tpu.dma_semaphore, #tpu.memory_space<semaphore_mem>>
    %dma_wait3A_40 = arith.constant 0 : i32
    %dma_wait3A_41 = arith.constant 0 : i32
    %dma_wait3A_42 = tpu.memref_slice %arg5[%dma_wait3A_28, %dma_wait3A_40, %dma_wait3A_41] : memref<4x2x128xi32, #tpu.memory_space<vmem>> -> memref<1x2x128xi32, #tpu.memory_space<vmem>>
    %dma_wait3A_43 = tpu.memref_squeeze %dma_wait3A_42 : memref<1x2x128xi32, #tpu.memory_space<vmem>> -> memref<2x128xi32, #tpu.memory_space<vmem>>
    %dma_wait3A_44 = arith.constant 0 : i32
    %dma_wait3A_45 = arith.constant 0 : i32
    %dma_wait3A_46 = tpu.memref_slice %arg3[%dma_wait3A, %dma_wait3A_44, %dma_wait3A_45] : memref<2500x2x128xi32, #tpu.memory_space<hbm>> -> memref<1x2x128xi32, #tpu.memory_space<hbm>>
    %dma_wait3A_47 = tpu.memref_squeeze %dma_wait3A_46 : memref<1x2x128xi32, #tpu.memory_space<hbm>> -> memref<2x128xi32, #tpu.memory_space<hbm>>
    tpu.wait_dma2 semaphore(%dma_wait3A_39 : memref<!tpu.dma_semaphore, #tpu.memory_space<semaphore_mem>>) src(%dma_wait3A_47 : memref<2x128xi32, #tpu.memory_space<hbm>>) dst(%dma_wait3A_43 : memref<2x128xi32, #tpu.memory_space<vmem>>)
    %dma_start3A_48 = arith.constant 0 : i32
    %dma_start3A_49 = arith.constant 0 : i32
    %dma_start3A_50 = arith.constant 0 : i32
    %dma_start3A_51 = arith.constant 0 : i32
    %dma_start3A_52 = arith.constant 0 : i32
    %dma_start3A_53 = arith.constant 0 : i32
    %dma_start3A_54 = tpu.memref_slice %arg6[%dma_start3A_50, %dma_start3A_52, %dma_start3A_53] : memref<2x128x128xf32, #tpu.memory_space<vmem>> -> memref<1x128x128xf32, #tpu.memory_space<vmem>>
    %dma_start3A_55 = tpu.memref_squeeze %dma_start3A_54 : memref<1x128x128xf32, #tpu.memory_space<vmem>> -> memref<128x128xf32, #tpu.memory_space<vmem>>
    %dma_start3A_56 = arith.constant 0 : i32
    %dma_start3A_57 = tpu.memref_slice %arg5[%dma_start3A_48, %dma_start3A_49, %dma_start3A_56] : memref<4x2x128xi32, #tpu.memory_space<vmem>> -> memref<1x1x128xi32, #tpu.memory_space<vmem>>
    %dma_start3A_58 = tpu.memref_squeeze %dma_start3A_57 : memref<1x1x128xi32, #tpu.memory_space<vmem>> -> memref<128xi32, #tpu.memory_space<vmem>>
    %dma_start3A_59 = arith.constant 0 : i32
    %dma_start3A_60 = arith.constant 0 : i32
    %dma_start3A_61 = tpu.memref_slice %arg2[%dma_start3A_59, %dma_start3A_60] : memref<10000x128xf32, #tpu.memory_space<hbm>> -> memref<10000x128xf32, #tpu.memory_space<hbm>>
    %dma_start3A_62 = tpu.memref_slice %arg10[%dma_start3A_51] : memref<2x!tpu.dma_semaphore, #tpu.memory_space<semaphore_mem>> -> memref<1x!tpu.dma_semaphore, #tpu.memory_space<semaphore_mem>>
    %dma_start3A_63 = tpu.memref_squeeze %dma_start3A_62 : memref<1x!tpu.dma_semaphore, #tpu.memory_space<semaphore_mem>> -> memref<!tpu.dma_semaphore, #tpu.memory_space<semaphore_mem>>
    tpu.enqueue_indirect_dma source(%dma_start3A_61 : memref<10000x128xf32, #tpu.memory_space<hbm>>) target(%dma_start3A_55 : memref<128x128xf32, #tpu.memory_space<vmem>>) offsets(%dma_start3A_58 : memref<128xi32, #tpu.memory_space<vmem>>) semaphore(%dma_start3A_63 : memref<!tpu.dma_semaphore, #tpu.memory_space<semaphore_mem>>)
    %broadcast_in_dim3A = arith.constant 0.000000e+00 : f32
    %broadcast_in_dim3A_64 = vector.broadcast %broadcast_in_dim3A : f32 to vector<16xf32>
    %scan3A = arith.constant 0 : i32
    %scan3A_65 = arith.constant 64 : i32
    %scan3A_66 = arith.addi %scan3A, %scan3A_65 : i32
    %scan3A_67 = arith.constant 1 : i32
    scf.for %scan3A_146 = %scan3A to %scan3A_66 step %scan3A_67  : i32 {
      %swap3A = arith.index_cast %scan3A_146 : i32 to index
      %swap3A_147 = arith.constant 0 : index
      %swap3A_148 = tpu.vector_load %arg7[%swap3A, %swap3A_147] {strides = array<i32>} : memref<64x128xf32, #tpu.memory_space<vmem>>, vector<1x16xf32>,
      %swap3A_149 = vector.shape_cast %swap3A_148 : vector<1x16xf32> to vector<16xf32>
      %swap3A_150 = vector.shape_cast %broadcast_in_dim3A_64 : vector<16xf32> to vector<1x16xf32>
      tpu.vector_store %arg7[%swap3A, %swap3A_147], %swap3A_150 {strides = array<i32>} : memref<64x128xf32, #tpu.memory_space<vmem>>, vector<1x16xf32>,
      %swap3A_151 = arith.index_cast %scan3A_146 : i32 to index
      %swap3A_152 = arith.constant 16 : index
      %swap3A_153 = tpu.vector_load %arg7[%swap3A_151, %swap3A_152] {strides = array<i32>} : memref<64x128xf32, #tpu.memory_space<vmem>>, vector<1x16xf32>,
      %swap3A_154 = vector.shape_cast %swap3A_153 : vector<1x16xf32> to vector<16xf32>
      %swap3A_155 = vector.shape_cast %broadcast_in_dim3A_64 : vector<16xf32> to vector<1x16xf32>
      tpu.vector_store %arg7[%swap3A_151, %swap3A_152], %swap3A_155 {strides = array<i32>} : memref<64x128xf32, #tpu.memory_space<vmem>>, vector<1x16xf32>,
      %swap3A_156 = arith.index_cast %scan3A_146 : i32 to index
      %swap3A_157 = arith.constant 32 : index
      %swap3A_158 = tpu.vector_load %arg7[%swap3A_156, %swap3A_157] {strides = array<i32>} : memref<64x128xf32, #tpu.memory_space<vmem>>, vector<1x16xf32>,
      %swap3A_159 = vector.shape_cast %swap3A_158 : vector<1x16xf32> to vector<16xf32>
      %swap3A_160 = vector.shape_cast %broadcast_in_dim3A_64 : vector<16xf32> to vector<1x16xf32>
      tpu.vector_store %arg7[%swap3A_156, %swap3A_157], %swap3A_160 {strides = array<i32>} : memref<64x128xf32, #tpu.memory_space<vmem>>, vector<1x16xf32>,
      %swap3A_161 = arith.index_cast %scan3A_146 : i32 to index
      %swap3A_162 = arith.constant 48 : index
      %swap3A_163 = tpu.vector_load %arg7[%swap3A_161, %swap3A_162] {strides = array<i32>} : memref<64x128xf32, #tpu.memory_space<vmem>>, vector<1x16xf32>,
      %swap3A_164 = vector.shape_cast %swap3A_163 : vector<1x16xf32> to vector<16xf32>
      %swap3A_165 = vector.shape_cast %broadcast_in_dim3A_64 : vector<16xf32> to vector<1x16xf32>
      tpu.vector_store %arg7[%swap3A_161, %swap3A_162], %swap3A_165 {strides = array<i32>} : memref<64x128xf32, #tpu.memory_space<vmem>>, vector<1x16xf32>,
      %swap3A_166 = arith.index_cast %scan3A_146 : i32 to index
      %swap3A_167 = arith.constant 64 : index
      %swap3A_168 = tpu.vector_load %arg7[%swap3A_166, %swap3A_167] {strides = array<i32>} : memref<64x128xf32, #tpu.memory_space<vmem>>, vector<1x16xf32>,
      %swap3A_169 = vector.shape_cast %swap3A_168 : vector<1x16xf32> to vector<16xf32>
      %swap3A_170 = vector.shape_cast %broadcast_in_dim3A_64 : vector<16xf32> to vector<1x16xf32>
      tpu.vector_store %arg7[%swap3A_166, %swap3A_167], %swap3A_170 {strides = array<i32>} : memref<64x128xf32, #tpu.memory_space<vmem>>, vector<1x16xf32>,
      %swap3A_171 = arith.index_cast %scan3A_146 : i32 to index
      %swap3A_172 = arith.constant 80 : index
      %swap3A_173 = tpu.vector_load %arg7[%swap3A_171, %swap3A_172] {strides = array<i32>} : memref<64x128xf32, #tpu.memory_space<vmem>>, vector<1x16xf32>,
      %swap3A_174 = vector.shape_cast %swap3A_173 : vector<1x16xf32> to vector<16xf32>
      %swap3A_175 = vector.shape_cast %broadcast_in_dim3A_64 : vector<16xf32> to vector<1x16xf32>
      tpu.vector_store %arg7[%swap3A_171, %swap3A_172], %swap3A_175 {strides = array<i32>} : memref<64x128xf32, #tpu.memory_space<vmem>>, vector<1x16xf32>,
      %swap3A_176 = arith.index_cast %scan3A_146 : i32 to index
      %swap3A_177 = arith.constant 96 : index
      %swap3A_178 = tpu.vector_load %arg7[%swap3A_176, %swap3A_177] {strides = array<i32>} : memref<64x128xf32, #tpu.memory_space<vmem>>, vector<1x16xf32>,
      %swap3A_179 = vector.shape_cast %swap3A_178 : vector<1x16xf32> to vector<16xf32>
      %swap3A_180 = vector.shape_cast %broadcast_in_dim3A_64 : vector<16xf32> to vector<1x16xf32>
      tpu.vector_store %arg7[%swap3A_176, %swap3A_177], %swap3A_180 {strides = array<i32>} : memref<64x128xf32, #tpu.memory_space<vmem>>, vector<1x16xf32>,
      %swap3A_181 = arith.index_cast %scan3A_146 : i32 to index
      %swap3A_182 = arith.constant 112 : index
      %swap3A_183 = tpu.vector_load %arg7[%swap3A_181, %swap3A_182] {strides = array<i32>} : memref<64x128xf32, #tpu.memory_space<vmem>>, vector<1x16xf32>,
      %swap3A_184 = vector.shape_cast %swap3A_183 : vector<1x16xf32> to vector<16xf32>
      %swap3A_185 = vector.shape_cast %broadcast_in_dim3A_64 : vector<16xf32> to vector<1x16xf32>
      tpu.vector_store %arg7[%swap3A_181, %swap3A_182], %swap3A_185 {strides = array<i32>} : memref<64x128xf32, #tpu.memory_space<vmem>>, vector<1x16xf32>,
    }
    %scan3A_68 = arith.constant 64 : i32
    %mul3A_69 = arith.constant 640 : i32
    %mul3A_70 = arith.muli %arg1, %mul3A_69 : i32
    %add3A_71 = arith.constant 0 : i32
    %add3A_72 = arith.addi %mul3A_70, %add3A_71 : i32
    "tpu.region"() ({
      %run_scoped3A = tpu.sem_alloc : memref<!tpu.dma_semaphore, #tpu.memory_space<semaphore_mem>>
      %dma_start3A_146 = arith.constant 0 : i32
      %dma_start3A_147 = tpu.memref_slice %arg8[%add3A_72, %dma_start3A_146] : memref<10240x128xf32, #tpu.memory_space<vmem_shared>> -> memref<64x128xf32, #tpu.memory_space<vmem_shared>>
      %dma_start3A_148 = arith.constant 0 : i32
      %dma_start3A_149 = tpu.memref_slice %arg8[%add3A_72, %dma_start3A_148] : memref<10240x128xf32, #tpu.memory_space<vmem_shared>> -> memref<64x128xf32, #tpu.memory_space<vmem_shared>>
      tpu.enqueue_dma source(%arg7 : memref<64x128xf32, #tpu.memory_space<vmem>>) target(%dma_start3A_149 : memref<64x128xf32, #tpu.memory_space<vmem_shared>>) target_semaphore(%run_scoped3A : memref<!tpu.dma_semaphore, #tpu.memory_space<semaphore_mem>>)
      %dma_wait3A_150 = arith.constant 0 : i32
      %dma_wait3A_151 = tpu.memref_slice %arg8[%add3A_72, %dma_wait3A_150] : memref<10240x128xf32, #tpu.memory_space<vmem_shared>> -> memref<64x128xf32, #tpu.memory_space<vmem_shared>>
      %dma_wait3A_152 = arith.constant 0 : i32
      %dma_wait3A_153 = tpu.memref_slice %arg8[%add3A_72, %dma_wait3A_152] : memref<10240x128xf32, #tpu.memory_space<vmem_shared>> -> memref<64x128xf32, #tpu.memory_space<vmem_shared>>
      tpu.wait_dma2 semaphore(%run_scoped3A : memref<!tpu.dma_semaphore, #tpu.memory_space<semaphore_mem>>) src(%arg7 : memref<64x128xf32, #tpu.memory_space<vmem>>) dst(%dma_wait3A_153 : memref<64x128xf32, #tpu.memory_space<vmem_shared>>)
      tpu.yield
    }) : () -> ()
    %mul3A_73 = arith.constant 640 : i32
    %mul3A_74 = arith.muli %arg1, %mul3A_73 : i32
    %add3A_75 = arith.constant 64 : i32
    %add3A_76 = arith.addi %mul3A_74, %add3A_75 : i32
    "tpu.region"() ({
      %run_scoped3A = tpu.sem_alloc : memref<!tpu.dma_semaphore, #tpu.memory_space<semaphore_mem>>
      %dma_start3A_146 = arith.constant 0 : i32
      %dma_start3A_147 = tpu.memref_slice %arg8[%add3A_76, %dma_start3A_146] : memref<10240x128xf32, #tpu.memory_space<vmem_shared>> -> memref<64x128xf32, #tpu.memory_space<vmem_shared>>
      %dma_start3A_148 = arith.constant 0 : i32
      %dma_start3A_149 = tpu.memref_slice %arg8[%add3A_76, %dma_start3A_148] : memref<10240x128xf32, #tpu.memory_space<vmem_shared>> -> memref<64x128xf32, #tpu.memory_space<vmem_shared>>
      tpu.enqueue_dma source(%arg7 : memref<64x128xf32, #tpu.memory_space<vmem>>) target(%dma_start3A_149 : memref<64x128xf32, #tpu.memory_space<vmem_shared>>) target_semaphore(%run_scoped3A : memref<!tpu.dma_semaphore, #tpu.memory_space<semaphore_mem>>)
      %dma_wait3A_150 = arith.constant 0 : i32
      %dma_wait3A_151 = tpu.memref_slice %arg8[%add3A_76, %dma_wait3A_150] : memref<10240x128xf32, #tpu.memory_space<vmem_shared>> -> memref<64x128xf32, #tpu.memory_space<vmem_shared>>
      %dma_wait3A_152 = arith.constant 0 : i32
      %dma_wait3A_153 = tpu.memref_slice %arg8[%add3A_76, %dma_wait3A_152] : memref<10240x128xf32, #tpu.memory_space<vmem_shared>> -> memref<64x128xf32, #tpu.memory_space<vmem_shared>>
      tpu.wait_dma2 semaphore(%run_scoped3A : memref<!tpu.dma_semaphore, #tpu.memory_space<semaphore_mem>>) src(%arg7 : memref<64x128xf32, #tpu.memory_space<vmem>>) dst(%dma_wait3A_153 : memref<64x128xf32, #tpu.memory_space<vmem_shared>>)
      tpu.yield
    }) : () -> ()
    %mul3A_77 = arith.constant 640 : i32
    %mul3A_78 = arith.muli %arg1, %mul3A_77 : i32
    %add3A_79 = arith.constant 128 : i32
    %add3A_80 = arith.addi %mul3A_78, %add3A_79 : i32
    "tpu.region"() ({
      %run_scoped3A = tpu.sem_alloc : memref<!tpu.dma_semaphore, #tpu.memory_space<semaphore_mem>>
      %dma_start3A_146 = arith.constant 0 : i32
      %dma_start3A_147 = tpu.memref_slice %arg8[%add3A_80, %dma_start3A_146] : memref<10240x128xf32, #tpu.memory_space<vmem_shared>> -> memref<64x128xf32, #tpu.memory_space<vmem_shared>>
      %dma_start3A_148 = arith.constant 0 : i32
      %dma_start3A_149 = tpu.memref_slice %arg8[%add3A_80, %dma_start3A_148] : memref<10240x128xf32, #tpu.memory_space<vmem_shared>> -> memref<64x128xf32, #tpu.memory_space<vmem_shared>>
      tpu.enqueue_dma source(%arg7 : memref<64x128xf32, #tpu.memory_space<vmem>>) target(%dma_start3A_149 : memref<64x128xf32, #tpu.memory_space<vmem_shared>>) target_semaphore(%run_scoped3A : memref<!tpu.dma_semaphore, #tpu.memory_space<semaphore_mem>>)
      %dma_wait3A_150 = arith.constant 0 : i32
      %dma_wait3A_151 = tpu.memref_slice %arg8[%add3A_80, %dma_wait3A_150] : memref<10240x128xf32, #tpu.memory_space<vmem_shared>> -> memref<64x128xf32, #tpu.memory_space<vmem_shared>>
      %dma_wait3A_152 = arith.constant 0 : i32
      %dma_wait3A_153 = tpu.memref_slice %arg8[%add3A_80, %dma_wait3A_152] : memref<10240x128xf32, #tpu.memory_space<vmem_shared>> -> memref<64x128xf32, #tpu.memory_space<vmem_shared>>
      tpu.wait_dma2 semaphore(%run_scoped3A : memref<!tpu.dma_semaphore, #tpu.memory_space<semaphore_mem>>) src(%arg7 : memref<64x128xf32, #tpu.memory_space<vmem>>) dst(%dma_wait3A_153 : memref<64x128xf32, #tpu.memory_space<vmem_shared>>)
      tpu.yield
    }) : () -> ()
    %mul3A_81 = arith.constant 640 : i32
    %mul3A_82 = arith.muli %arg1, %mul3A_81 : i32
    %add3A_83 = arith.constant 192 : i32
    %add3A_84 = arith.addi %mul3A_82, %add3A_83 : i32
    "tpu.region"() ({
      %run_scoped3A = tpu.sem_alloc : memref<!tpu.dma_semaphore, #tpu.memory_space<semaphore_mem>>
      %dma_start3A_146 = arith.constant 0 : i32
      %dma_start3A_147 = tpu.memref_slice %arg8[%add3A_84, %dma_start3A_146] : memref<10240x128xf32, #tpu.memory_space<vmem_shared>> -> memref<64x128xf32, #tpu.memory_space<vmem_shared>>
      %dma_start3A_148 = arith.constant 0 : i32
      %dma_start3A_149 = tpu.memref_slice %arg8[%add3A_84, %dma_start3A_148] : memref<10240x128xf32, #tpu.memory_space<vmem_shared>> -> memref<64x128xf32, #tpu.memory_space<vmem_shared>>
      tpu.enqueue_dma source(%arg7 : memref<64x128xf32, #tpu.memory_space<vmem>>) target(%dma_start3A_149 : memref<64x128xf32, #tpu.memory_space<vmem_shared>>) target_semaphore(%run_scoped3A : memref<!tpu.dma_semaphore, #tpu.memory_space<semaphore_mem>>)
      %dma_wait3A_150 = arith.constant 0 : i32
      %dma_wait3A_151 = tpu.memref_slice %arg8[%add3A_84, %dma_wait3A_150] : memref<10240x128xf32, #tpu.memory_space<vmem_shared>> -> memref<64x128xf32, #tpu.memory_space<vmem_shared>>
      %dma_wait3A_152 = arith.constant 0 : i32
      %dma_wait3A_153 = tpu.memref_slice %arg8[%add3A_84, %dma_wait3A_152] : memref<10240x128xf32, #tpu.memory_space<vmem_shared>> -> memref<64x128xf32, #tpu.memory_space<vmem_shared>>
      tpu.wait_dma2 semaphore(%run_scoped3A : memref<!tpu.dma_semaphore, #tpu.memory_space<semaphore_mem>>) src(%arg7 : memref<64x128xf32, #tpu.memory_space<vmem>>) dst(%dma_wait3A_153 : memref<64x128xf32, #tpu.memory_space<vmem_shared>>)
      tpu.yield
    }) : () -> ()
    %mul3A_85 = arith.constant 640 : i32
    %mul3A_86 = arith.muli %arg1, %mul3A_85 : i32
    %add3A_87 = arith.constant 256 : i32
    %add3A_88 = arith.addi %mul3A_86, %add3A_87 : i32
    "tpu.region"() ({
      %run_scoped3A = tpu.sem_alloc : memref<!tpu.dma_semaphore, #tpu.memory_space<semaphore_mem>>
      %dma_start3A_146 = arith.constant 0 : i32
      %dma_start3A_147 = tpu.memref_slice %arg8[%add3A_88, %dma_start3A_146] : memref<10240x128xf32, #tpu.memory_space<vmem_shared>> -> memref<64x128xf32, #tpu.memory_space<vmem_shared>>
      %dma_start3A_148 = arith.constant 0 : i32
      %dma_start3A_149 = tpu.memref_slice %arg8[%add3A_88, %dma_start3A_148] : memref<10240x128xf32, #tpu.memory_space<vmem_shared>> -> memref<64x128xf32, #tpu.memory_space<vmem_shared>>
      tpu.enqueue_dma source(%arg7 : memref<64x128xf32, #tpu.memory_space<vmem>>) target(%dma_start3A_149 : memref<64x128xf32, #tpu.memory_space<vmem_shared>>) target_semaphore(%run_scoped3A : memref<!tpu.dma_semaphore, #tpu.memory_space<semaphore_mem>>)
      %dma_wait3A_150 = arith.constant 0 : i32
      %dma_wait3A_151 = tpu.memref_slice %arg8[%add3A_88, %dma_wait3A_150] : memref<10240x128xf32, #tpu.memory_space<vmem_shared>> -> memref<64x128xf32, #tpu.memory_space<vmem_shared>>
      %dma_wait3A_152 = arith.constant 0 : i32
      %dma_wait3A_153 = tpu.memref_slice %arg8[%add3A_88, %dma_wait3A_152] : memref<10240x128xf32, #tpu.memory_space<vmem_shared>> -> memref<64x128xf32, #tpu.memory_space<vmem_shared>>
      tpu.wait_dma2 semaphore(%run_scoped3A : memref<!tpu.dma_semaphore, #tpu.memory_space<semaphore_mem>>) src(%arg7 : memref<64x128xf32, #tpu.memory_space<vmem>>) dst(%dma_wait3A_153 : memref<64x128xf32, #tpu.memory_space<vmem_shared>>)
      tpu.yield
    }) : () -> ()
    %mul3A_89 = arith.constant 640 : i32
    %mul3A_90 = arith.muli %arg1, %mul3A_89 : i32
    %add3A_91 = arith.constant 320 : i32
    %add3A_92 = arith.addi %mul3A_90, %add3A_91 : i32
    "tpu.region"() ({
      %run_scoped3A = tpu.sem_alloc : memref<!tpu.dma_semaphore, #tpu.memory_space<semaphore_mem>>
      %dma_start3A_146 = arith.constant 0 : i32
      %dma_start3A_147 = tpu.memref_slice %arg8[%add3A_92, %dma_start3A_146] : memref<10240x128xf32, #tpu.memory_space<vmem_shared>> -> memref<64x128xf32, #tpu.memory_space<vmem_shared>>
      %dma_start3A_148 = arith.constant 0 : i32
      %dma_start3A_149 = tpu.memref_slice %arg8[%add3A_92, %dma_start3A_148] : memref<10240x128xf32, #tpu.memory_space<vmem_shared>> -> memref<64x128xf32, #tpu.memory_space<vmem_shared>>
      tpu.enqueue_dma source(%arg7 : memref<64x128xf32, #tpu.memory_space<vmem>>) target(%dma_start3A_149 : memref<64x128xf32, #tpu.memory_space<vmem_shared>>) target_semaphore(%run_scoped3A : memref<!tpu.dma_semaphore, #tpu.memory_space<semaphore_mem>>)
      %dma_wait3A_150 = arith.constant 0 : i32
      %dma_wait3A_151 = tpu.memref_slice %arg8[%add3A_92, %dma_wait3A_150] : memref<10240x128xf32, #tpu.memory_space<vmem_shared>> -> memref<64x128xf32, #tpu.memory_space<vmem_shared>>
      %dma_wait3A_152 = arith.constant 0 : i32
      %dma_wait3A_153 = tpu.memref_slice %arg8[%add3A_92, %dma_wait3A_152] : memref<10240x128xf32, #tpu.memory_space<vmem_shared>> -> memref<64x128xf32, #tpu.memory_space<vmem_shared>>
      tpu.wait_dma2 semaphore(%run_scoped3A : memref<!tpu.dma_semaphore, #tpu.memory_space<semaphore_mem>>) src(%arg7 : memref<64x128xf32, #tpu.memory_space<vmem>>) dst(%dma_wait3A_153 : memref<64x128xf32, #tpu.memory_space<vmem_shared>>)
      tpu.yield
    }) : () -> ()
    %mul3A_93 = arith.constant 640 : i32
    %mul3A_94 = arith.muli %arg1, %mul3A_93 : i32
    %add3A_95 = arith.constant 384 : i32
    %add3A_96 = arith.addi %mul3A_94, %add3A_95 : i32
    "tpu.region"() ({
      %run_scoped3A = tpu.sem_alloc : memref<!tpu.dma_semaphore, #tpu.memory_space<semaphore_mem>>
      %dma_start3A_146 = arith.constant 0 : i32
      %dma_start3A_147 = tpu.memref_slice %arg8[%add3A_96, %dma_start3A_146] : memref<10240x128xf32, #tpu.memory_space<vmem_shared>> -> memref<64x128xf32, #tpu.memory_space<vmem_shared>>
      %dma_start3A_148 = arith.constant 0 : i32
      %dma_start3A_149 = tpu.memref_slice %arg8[%add3A_96, %dma_start3A_148] : memref<10240x128xf32, #tpu.memory_space<vmem_shared>> -> memref<64x128xf32, #tpu.memory_space<vmem_shared>>
      tpu.enqueue_dma source(%arg7 : memref<64x128xf32, #tpu.memory_space<vmem>>) target(%dma_start3A_149 : memref<64x128xf32, #tpu.memory_space<vmem_shared>>) target_semaphore(%run_scoped3A : memref<!tpu.dma_semaphore, #tpu.memory_space<semaphore_mem>>)
      %dma_wait3A_150 = arith.constant 0 : i32
      %dma_wait3A_151 = tpu.memref_slice %arg8[%add3A_96, %dma_wait3A_150] : memref<10240x128xf32, #tpu.memory_space<vmem_shared>> -> memref<64x128xf32, #tpu.memory_space<vmem_shared>>
      %dma_wait3A_152 = arith.constant 0 : i32
      %dma_wait3A_153 = tpu.memref_slice %arg8[%add3A_96, %dma_wait3A_152] : memref<10240x128xf32, #tpu.memory_space<vmem_shared>> -> memref<64x128xf32, #tpu.memory_space<vmem_shared>>
      tpu.wait_dma2 semaphore(%run_scoped3A : memref<!tpu.dma_semaphore, #tpu.memory_space<semaphore_mem>>) src(%arg7 : memref<64x128xf32, #tpu.memory_space<vmem>>) dst(%dma_wait3A_153 : memref<64x128xf32, #tpu.memory_space<vmem_shared>>)
      tpu.yield
    }) : () -> ()
    %mul3A_97 = arith.constant 640 : i32
    %mul3A_98 = arith.muli %arg1, %mul3A_97 : i32
    %add3A_99 = arith.constant 448 : i32
    %add3A_100 = arith.addi %mul3A_98, %add3A_99 : i32
    "tpu.region"() ({
      %run_scoped3A = tpu.sem_alloc : memref<!tpu.dma_semaphore, #tpu.memory_space<semaphore_mem>>
      %dma_start3A_146 = arith.constant 0 : i32
      %dma_start3A_147 = tpu.memref_slice %arg8[%add3A_100, %dma_start3A_146] : memref<10240x128xf32, #tpu.memory_space<vmem_shared>> -> memref<64x128xf32, #tpu.memory_space<vmem_shared>>
      %dma_start3A_148 = arith.constant 0 : i32
      %dma_start3A_149 = tpu.memref_slice %arg8[%add3A_100, %dma_start3A_148] : memref<10240x128xf32, #tpu.memory_space<vmem_shared>> -> memref<64x128xf32, #tpu.memory_space<vmem_shared>>
      tpu.enqueue_dma source(%arg7 : memref<64x128xf32, #tpu.memory_space<vmem>>) target(%dma_start3A_149 : memref<64x128xf32, #tpu.memory_space<vmem_shared>>) target_semaphore(%run_scoped3A : memref<!tpu.dma_semaphore, #tpu.memory_space<semaphore_mem>>)
      %dma_wait3A_150 = arith.constant 0 : i32
      %dma_wait3A_151 = tpu.memref_slice %arg8[%add3A_100, %dma_wait3A_150] : memref<10240x128xf32, #tpu.memory_space<vmem_shared>> -> memref<64x128xf32, #tpu.memory_space<vmem_shared>>
      %dma_wait3A_152 = arith.constant 0 : i32
      %dma_wait3A_153 = tpu.memref_slice %arg8[%add3A_100, %dma_wait3A_152] : memref<10240x128xf32, #tpu.memory_space<vmem_shared>> -> memref<64x128xf32, #tpu.memory_space<vmem_shared>>
      tpu.wait_dma2 semaphore(%run_scoped3A : memref<!tpu.dma_semaphore, #tpu.memory_space<semaphore_mem>>) src(%arg7 : memref<64x128xf32, #tpu.memory_space<vmem>>) dst(%dma_wait3A_153 : memref<64x128xf32, #tpu.memory_space<vmem_shared>>)
      tpu.yield
    }) : () -> ()
    %mul3A_101 = arith.constant 640 : i32
    %mul3A_102 = arith.muli %arg1, %mul3A_101 : i32
    %add3A_103 = arith.constant 512 : i32
    %add3A_104 = arith.addi %mul3A_102, %add3A_103 : i32
    "tpu.region"() ({
      %run_scoped3A = tpu.sem_alloc : memref<!tpu.dma_semaphore, #tpu.memory_space<semaphore_mem>>
      %dma_start3A_146 = arith.constant 0 : i32
      %dma_start3A_147 = tpu.memref_slice %arg8[%add3A_104, %dma_start3A_146] : memref<10240x128xf32, #tpu.memory_space<vmem_shared>> -> memref<64x128xf32, #tpu.memory_space<vmem_shared>>
      %dma_start3A_148 = arith.constant 0 : i32
      %dma_start3A_149 = tpu.memref_slice %arg8[%add3A_104, %dma_start3A_148] : memref<10240x128xf32, #tpu.memory_space<vmem_shared>> -> memref<64x128xf32, #tpu.memory_space<vmem_shared>>
      tpu.enqueue_dma source(%arg7 : memref<64x128xf32, #tpu.memory_space<vmem>>) target(%dma_start3A_149 : memref<64x128xf32, #tpu.memory_space<vmem_shared>>) target_semaphore(%run_scoped3A : memref<!tpu.dma_semaphore, #tpu.memory_space<semaphore_mem>>)
      %dma_wait3A_150 = arith.constant 0 : i32
      %dma_wait3A_151 = tpu.memref_slice %arg8[%add3A_104, %dma_wait3A_150] : memref<10240x128xf32, #tpu.memory_space<vmem_shared>> -> memref<64x128xf32, #tpu.memory_space<vmem_shared>>
      %dma_wait3A_152 = arith.constant 0 : i32
      %dma_wait3A_153 = tpu.memref_slice %arg8[%add3A_104, %dma_wait3A_152] : memref<10240x128xf32, #tpu.memory_space<vmem_shared>> -> memref<64x128xf32, #tpu.memory_space<vmem_shared>>
      tpu.wait_dma2 semaphore(%run_scoped3A : memref<!tpu.dma_semaphore, #tpu.memory_space<semaphore_mem>>) src(%arg7 : memref<64x128xf32, #tpu.memory_space<vmem>>) dst(%dma_wait3A_153 : memref<64x128xf32, #tpu.memory_space<vmem_shared>>)
      tpu.yield
    }) : () -> ()
    %mul3A_105 = arith.constant 640 : i32
    %mul3A_106 = arith.muli %arg1, %mul3A_105 : i32
    %add3A_107 = arith.constant 576 : i32
    %add3A_108 = arith.addi %mul3A_106, %add3A_107 : i32
    "tpu.region"() ({
      %run_scoped3A = tpu.sem_alloc : memref<!tpu.dma_semaphore, #tpu.memory_space<semaphore_mem>>
      %dma_start3A_146 = arith.constant 0 : i32
      %dma_start3A_147 = tpu.memref_slice %arg8[%add3A_108, %dma_start3A_146] : memref<10240x128xf32, #tpu.memory_space<vmem_shared>> -> memref<64x128xf32, #tpu.memory_space<vmem_shared>>
      %dma_start3A_148 = arith.constant 0 : i32
      %dma_start3A_149 = tpu.memref_slice %arg8[%add3A_108, %dma_start3A_148] : memref<10240x128xf32, #tpu.memory_space<vmem_shared>> -> memref<64x128xf32, #tpu.memory_space<vmem_shared>>
      tpu.enqueue_dma source(%arg7 : memref<64x128xf32, #tpu.memory_space<vmem>>) target(%dma_start3A_149 : memref<64x128xf32, #tpu.memory_space<vmem_shared>>) target_semaphore(%run_scoped3A : memref<!tpu.dma_semaphore, #tpu.memory_space<semaphore_mem>>)
      %dma_wait3A_150 = arith.constant 0 : i32
      %dma_wait3A_151 = tpu.memref_slice %arg8[%add3A_108, %dma_wait3A_150] : memref<10240x128xf32, #tpu.memory_space<vmem_shared>> -> memref<64x128xf32, #tpu.memory_space<vmem_shared>>
      %dma_wait3A_152 = arith.constant 0 : i32
      %dma_wait3A_153 = tpu.memref_slice %arg8[%add3A_108, %dma_wait3A_152] : memref<10240x128xf32, #tpu.memory_space<vmem_shared>> -> memref<64x128xf32, #tpu.memory_space<vmem_shared>>
      tpu.wait_dma2 semaphore(%run_scoped3A : memref<!tpu.dma_semaphore, #tpu.memory_space<semaphore_mem>>) src(%arg7 : memref<64x128xf32, #tpu.memory_space<vmem>>) dst(%dma_wait3A_153 : memref<64x128xf32, #tpu.memory_space<vmem_shared>>)
      tpu.yield
    }) : () -> ()
    %barrier3A = arith.constant 0 : index
    tpu.barrier barrier_id(%barrier3A)
    %while3A = arith.constant 0 : i32
    %while3A_109 = arith.subi %add3A_4, %while3A : i32
    %while3A_110 = arith.addi %while3A, %while3A_109 : i32
    %while3A_111 = arith.constant 1 : i32
    %while3A_112 = arith.divsi %while3A_109, %while3A_111 : i32
    %while3A_113 = arith.muli %while3A_112, %while3A_111 : i32
    %while3A_114 = arith.addi %while3A, %while3A_113 : i32
    %while3A_115 = arith.constant 1 : i32
    scf.for %while3A_146 = %while3A to %while3A_114 step %while3A_115  : i32 {
      %rem3A_147 = arith.constant 2 : i32
      %rem3A_148 = arith.remsi %while3A_146, %rem3A_147 : i32
      %add3A_149 = arith.constant 1 : i32
      %add3A_150 = arith.addi %while3A_146, %add3A_149 : i32
      %rem3A_151 = arith.constant 2 : i32
      %rem3A_152 = arith.remsi %add3A_150, %rem3A_151 : i32
      %rem3A_153 = arith.constant 4 : i32
      %rem3A_154 = arith.remsi %while3A_146, %rem3A_153 : i32
      %add3A_155 = arith.constant 1 : i32
      %add3A_156 = arith.addi %while3A_146, %add3A_155 : i32
      %rem3A_157 = arith.constant 4 : i32
      %rem3A_158 = arith.remsi %add3A_156, %rem3A_157 : i32
      %add3A_159 = arith.constant 2 : i32
      %add3A_160 = arith.addi %while3A_146, %add3A_159 : i32
      %rem3A_161 = arith.constant 4 : i32
      %rem3A_162 = arith.remsi %add3A_160, %rem3A_161 : i32
      %add3A_163 = arith.constant 3 : i32
      %add3A_164 = arith.addi %while3A_146, %add3A_163 : i32
      %rem3A_165 = arith.constant 4 : i32
      %rem3A_166 = arith.remsi %add3A_164, %rem3A_165 : i32
      %add3A_167 = arith.constant 1 : i32
      %add3A_168 = arith.addi %while3A_146, %add3A_167 : i32
      %lt3A_169 = arith.cmpi slt, %add3A_168, %add3A_4 : i32
      %convert_element_type3A_170 = arith.extui %lt3A_169 : i1 to i32
      %cond3A_171 = arith.constant 0 : i32
      %cond3A_172 = arith.cmpi ne, %convert_element_type3A_170, %cond3A_171 : i32
      scf.if %cond3A_172 {
        %dma_wait3A_205 = arith.constant 0 : i32
        %dma_wait3A_206 = arith.constant 0 : i32
        %dma_wait3A_207 = arith.constant 0 : i32
        %dma_wait3A_208 = tpu.memref_slice %arg5[%rem3A_158, %dma_wait3A_206, %dma_wait3A_207] : memref<4x2x128xi32, #tpu.memory_space<vmem>> -> memref<1x2x128xi32, #tpu.memory_space<vmem>>
        %dma_wait3A_209 = tpu.memref_squeeze %dma_wait3A_208 : memref<1x2x128xi32, #tpu.memory_space<vmem>> -> memref<2x128xi32, #tpu.memory_space<vmem>>
        %dma_wait3A_210 = arith.constant 0 : i32
        %dma_wait3A_211 = arith.constant 0 : i32
        %dma_wait3A_212 = tpu.memref_slice %arg3[%dma_wait3A_205, %dma_wait3A_210, %dma_wait3A_211] : memref<2500x2x128xi32, #tpu.memory_space<hbm>> -> memref<1x2x128xi32, #tpu.memory_space<hbm>>
        %dma_wait3A_213 = tpu.memref_squeeze %dma_wait3A_212 : memref<1x2x128xi32, #tpu.memory_space<hbm>> -> memref<2x128xi32, #tpu.memory_space<hbm>>
        %dma_wait3A_214 = tpu.memref_slice %arg9[%rem3A_158] : memref<4x!tpu.dma_semaphore, #tpu.memory_space<semaphore_mem>> -> memref<1x!tpu.dma_semaphore, #tpu.memory_space<semaphore_mem>>
        %dma_wait3A_215 = tpu.memref_squeeze %dma_wait3A_214 : memref<1x!tpu.dma_semaphore, #tpu.memory_space<semaphore_mem>> -> memref<!tpu.dma_semaphore, #tpu.memory_space<semaphore_mem>>
        %dma_wait3A_216 = arith.constant 0 : i32
        %dma_wait3A_217 = arith.constant 0 : i32
        %dma_wait3A_218 = tpu.memref_slice %arg5[%rem3A_158, %dma_wait3A_216, %dma_wait3A_217] : memref<4x2x128xi32, #tpu.memory_space<vmem>> -> memref<1x2x128xi32, #tpu.memory_space<vmem>>
        %dma_wait3A_219 = tpu.memref_squeeze %dma_wait3A_218 : memref<1x2x128xi32, #tpu.memory_space<vmem>> -> memref<2x128xi32, #tpu.memory_space<vmem>>
        %dma_wait3A_220 = arith.constant 0 : i32
        %dma_wait3A_221 = arith.constant 0 : i32
        %dma_wait3A_222 = tpu.memref_slice %arg3[%dma_wait3A_205, %dma_wait3A_220, %dma_wait3A_221] : memref<2500x2x128xi32, #tpu.memory_space<hbm>> -> memref<1x2x128xi32, #tpu.memory_space<hbm>>
        %dma_wait3A_223 = tpu.memref_squeeze %dma_wait3A_222 : memref<1x2x128xi32, #tpu.memory_space<hbm>> -> memref<2x128xi32, #tpu.memory_space<hbm>>
        tpu.wait_dma2 semaphore(%dma_wait3A_215 : memref<!tpu.dma_semaphore, #tpu.memory_space<semaphore_mem>>) src(%dma_wait3A_223 : memref<2x128xi32, #tpu.memory_space<hbm>>) dst(%dma_wait3A_219 : memref<2x128xi32, #tpu.memory_space<vmem>>)
        %ge3A_224 = arith.constant 1 : i32
        %ge3A_225 = arith.cmpi sge, %while3A_146, %ge3A_224 : i32
        %convert_element_type3A_226 = arith.extui %ge3A_225 : i1 to i32
        %cond3A_227 = arith.constant 0 : i32
        %cond3A_228 = arith.cmpi ne, %convert_element_type3A_226, %cond3A_227 : i32
        scf.if %cond3A_228 {
          %dma_wait3A_242 = arith.constant 1 : i32
          %dma_wait3A_243 = arith.constant 0 : i32
          %dma_wait3A_244 = arith.constant 0 : i32
          %dma_wait3A_245 = tpu.memref_slice %arg6[%rem3A_152, %dma_wait3A_243, %dma_wait3A_244] : memref<2x128x128xf32, #tpu.memory_space<vmem>> -> memref<1x128x128xf32, #tpu.memory_space<vmem>>
          %dma_wait3A_246 = tpu.memref_squeeze %dma_wait3A_245 : memref<1x128x128xf32, #tpu.memory_space<vmem>> -> memref<128x128xf32, #tpu.memory_space<vmem>>
          %dma_wait3A_247 = arith.constant 0 : i32
          %dma_wait3A_248 = tpu.memref_slice %arg5[%rem3A_166, %dma_wait3A_242, %dma_wait3A_247] : memref<4x2x128xi32, #tpu.memory_space<vmem>> -> memref<1x1x128xi32, #tpu.memory_space<vmem>>
          %dma_wait3A_249 = tpu.memref_squeeze %dma_wait3A_248 : memref<1x1x128xi32, #tpu.memory_space<vmem>> -> memref<128xi32, #tpu.memory_space<vmem>>
          %dma_wait3A_250 = arith.constant 0 : i32
          %dma_wait3A_251 = arith.constant 0 : i32
          %dma_wait3A_252 = tpu.memref_slice %arg8[%dma_wait3A_250, %dma_wait3A_251] : memref<10240x128xf32, #tpu.memory_space<vmem_shared>> -> memref<10240x128xf32, #tpu.memory_space<vmem_shared>>
          %dma_wait3A_253 = tpu.memref_slice %arg11[%rem3A_152] : memref<2x!tpu.dma_semaphore, #tpu.memory_space<semaphore_mem>> -> memref<1x!tpu.dma_semaphore, #tpu.memory_space<semaphore_mem>>
          %dma_wait3A_254 = tpu.memref_squeeze %dma_wait3A_253 : memref<1x!tpu.dma_semaphore, #tpu.memory_space<semaphore_mem>> -> memref<!tpu.dma_semaphore, #tpu.memory_space<semaphore_mem>>
          tpu.wait_indirect_dma semaphore(%dma_wait3A_254 : memref<!tpu.dma_semaphore, #tpu.memory_space<semaphore_mem>>) src(%dma_wait3A_246 : memref<128x128xf32, #tpu.memory_space<vmem>>) dst(%dma_wait3A_252 : memref<10240x128xf32, #tpu.memory_space<vmem_shared>>)
        } else {
        }
        %dma_start3A_229 = arith.constant 0 : i32
        %dma_start3A_230 = arith.constant 0 : i32
        %dma_start3A_231 = arith.constant 0 : i32
        %dma_start3A_232 = tpu.memref_slice %arg6[%rem3A_152, %dma_start3A_230, %dma_start3A_231] : memref<2x128x128xf32, #tpu.memory_space<vmem>> -> memref<1x128x128xf32, #tpu.memory_space<vmem>>
        %dma_start3A_233 = tpu.memref_squeeze %dma_start3A_232 : memref<1x128x128xf32, #tpu.memory_space<vmem>> -> memref<128x128xf32, #tpu.memory_space<vmem>>
        %dma_start3A_234 = arith.constant 0 : i32
        %dma_start3A_235 = tpu.memref_slice %arg5[%rem3A_158, %dma_start3A_229, %dma_start3A_234] : memref<4x2x128xi32, #tpu.memory_space<vmem>> -> memref<1x1x128xi32, #tpu.memory_space<vmem>>
        %dma_start3A_236 = tpu.memref_squeeze %dma_start3A_235 : memref<1x1x128xi32, #tpu.memory_space<vmem>> -> memref<128xi32, #tpu.memory_space<vmem>>
        %dma_start3A_237 = arith.constant 0 : i32
        %dma_start3A_238 = arith.constant 0 : i32
        %dma_start3A_239 = tpu.memref_slice %arg2[%dma_start3A_237, %dma_start3A_238] : memref<10000x128xf32, #tpu.memory_space<hbm>> -> memref<10000x128xf32, #tpu.memory_space<hbm>>
        %dma_start3A_240 = tpu.memref_slice %arg10[%rem3A_152] : memref<2x!tpu.dma_semaphore, #tpu.memory_space<semaphore_mem>> -> memref<1x!tpu.dma_semaphore, #tpu.memory_space<semaphore_mem>>
        %dma_start3A_241 = tpu.memref_squeeze %dma_start3A_240 : memref<1x!tpu.dma_semaphore, #tpu.memory_space<semaphore_mem>> -> memref<!tpu.dma_semaphore, #tpu.memory_space<semaphore_mem>>
        tpu.enqueue_indirect_dma source(%dma_start3A_239 : memref<10000x128xf32, #tpu.memory_space<hbm>>) target(%dma_start3A_233 : memref<128x128xf32, #tpu.memory_space<vmem>>) offsets(%dma_start3A_236 : memref<128xi32, #tpu.memory_space<vmem>>) semaphore(%dma_start3A_241 : memref<!tpu.dma_semaphore, #tpu.memory_space<semaphore_mem>>)
      } else {
      }
      %dma_wait3A_173 = arith.constant 0 : i32
      %dma_wait3A_174 = arith.constant 0 : i32
      %dma_wait3A_175 = arith.constant 0 : i32
      %dma_wait3A_176 = tpu.memref_slice %arg6[%rem3A_148, %dma_wait3A_174, %dma_wait3A_175] : memref<2x128x128xf32, #tpu.memory_space<vmem>> -> memref<1x128x128xf32, #tpu.memory_space<vmem>>
      %dma_wait3A_177 = tpu.memref_squeeze %dma_wait3A_176 : memref<1x128x128xf32, #tpu.memory_space<vmem>> -> memref<128x128xf32, #tpu.memory_space<vmem>>
      %dma_wait3A_178 = arith.constant 0 : i32
      %dma_wait3A_179 = tpu.memref_slice %arg5[%rem3A_154, %dma_wait3A_173, %dma_wait3A_178] : memref<4x2x128xi32, #tpu.memory_space<vmem>> -> memref<1x1x128xi32, #tpu.memory_space<vmem>>
      %dma_wait3A_180 = tpu.memref_squeeze %dma_wait3A_179 : memref<1x1x128xi32, #tpu.memory_space<vmem>> -> memref<128xi32, #tpu.memory_space<vmem>>
      %dma_wait3A_181 = arith.constant 0 : i32
      %dma_wait3A_182 = arith.constant 0 : i32
      %dma_wait3A_183 = tpu.memref_slice %arg2[%dma_wait3A_181, %dma_wait3A_182] : memref<10000x128xf32, #tpu.memory_space<hbm>> -> memref<10000x128xf32, #tpu.memory_space<hbm>>
      %dma_wait3A_184 = tpu.memref_slice %arg10[%rem3A_148] : memref<2x!tpu.dma_semaphore, #tpu.memory_space<semaphore_mem>> -> memref<1x!tpu.dma_semaphore, #tpu.memory_space<semaphore_mem>>
      %dma_wait3A_185 = tpu.memref_squeeze %dma_wait3A_184 : memref<1x!tpu.dma_semaphore, #tpu.memory_space<semaphore_mem>> -> memref<!tpu.dma_semaphore, #tpu.memory_space<semaphore_mem>>
      tpu.wait_indirect_dma semaphore(%dma_wait3A_185 : memref<!tpu.dma_semaphore, #tpu.memory_space<semaphore_mem>>) src(%dma_wait3A_183 : memref<10000x128xf32, #tpu.memory_space<hbm>>) dst(%dma_wait3A_177 : memref<128x128xf32, #tpu.memory_space<vmem>>)
      %dma_start3A_186 = arith.constant 1 : i32
      %dma_start3A_187 = arith.constant 0 : i32
      %dma_start3A_188 = arith.constant 0 : i32
      %dma_start3A_189 = tpu.memref_slice %arg6[%rem3A_148, %dma_start3A_187, %dma_start3A_188] : memref<2x128x128xf32, #tpu.memory_space<vmem>> -> memref<1x128x128xf32, #tpu.memory_space<vmem>>
      %dma_start3A_190 = tpu.memref_squeeze %dma_start3A_189 : memref<1x128x128xf32, #tpu.memory_space<vmem>> -> memref<128x128xf32, #tpu.memory_space<vmem>>
      %dma_start3A_191 = arith.constant 0 : i32
      %dma_start3A_192 = tpu.memref_slice %arg5[%rem3A_154, %dma_start3A_186, %dma_start3A_191] : memref<4x2x128xi32, #tpu.memory_space<vmem>> -> memref<1x1x128xi32, #tpu.memory_space<vmem>>
      %dma_start3A_193 = tpu.memref_squeeze %dma_start3A_192 : memref<1x1x128xi32, #tpu.memory_space<vmem>> -> memref<128xi32, #tpu.memory_space<vmem>>
      %dma_start3A_194 = arith.constant 0 : i32
      %dma_start3A_195 = arith.constant 0 : i32
      %dma_start3A_196 = tpu.memref_slice %arg8[%dma_start3A_194, %dma_start3A_195] : memref<10240x128xf32, #tpu.memory_space<vmem_shared>> -> memref<10240x128xf32, #tpu.memory_space<vmem_shared>>
      %dma_start3A_197 = tpu.memref_slice %arg11[%rem3A_148] : memref<2x!tpu.dma_semaphore, #tpu.memory_space<semaphore_mem>> -> memref<1x!tpu.dma_semaphore, #tpu.memory_space<semaphore_mem>>
      %dma_start3A_198 = tpu.memref_squeeze %dma_start3A_197 : memref<1x!tpu.dma_semaphore, #tpu.memory_space<semaphore_mem>> -> memref<!tpu.dma_semaphore, #tpu.memory_space<semaphore_mem>>
      tpu.enqueue_indirect_dma source(%dma_start3A_190 : memref<128x128xf32, #tpu.memory_space<vmem>>) target(%dma_start3A_196 : memref<10240x128xf32, #tpu.memory_space<vmem_shared>>) offsets(%dma_start3A_193 : memref<128xi32, #tpu.memory_space<vmem>>) semaphore(%dma_start3A_198 : memref<!tpu.dma_semaphore, #tpu.memory_space<semaphore_mem>>) {add = true}
      %add3A_199 = arith.constant 2 : i32
      %add3A_200 = arith.addi %while3A_146, %add3A_199 : i32
      %lt3A_201 = arith.cmpi slt, %add3A_200, %add3A_4 : i32
      %convert_element_type3A_202 = arith.extui %lt3A_201 : i1 to i32
      %cond3A_203 = arith.constant 0 : i32
      %cond3A_204 = arith.cmpi ne, %convert_element_type3A_202, %cond3A_203 : i32
      scf.if %cond3A_204 {
        %add3A_205 = arith.constant 2 : i32
        %add3A_206 = arith.addi %while3A_146, %add3A_205 : i32
        %mul3A_207 = arith.constant 32 : i32
        %mul3A_208 = arith.muli %mul3A_207, %add3A_206 : i32
        %add3A_209 = arith.addi %add3A, %mul3A_208 : i32
        %dma_start3A_210 = arith.constant 0 : i32
        %dma_start3A_211 = arith.constant 0 : i32
        %dma_start3A_212 = tpu.memref_slice %arg5[%rem3A_162, %dma_start3A_210, %dma_start3A_211] : memref<4x2x128xi32, #tpu.memory_space<vmem>> -> memref<1x2x128xi32, #tpu.memory_space<vmem>>
        %dma_start3A_213 = tpu.memref_squeeze %dma_start3A_212 : memref<1x2x128xi32, #tpu.memory_space<vmem>> -> memref<2x128xi32, #tpu.memory_space<vmem>>
        %dma_start3A_214 = arith.constant 0 : i32
        %dma_start3A_215 = arith.constant 0 : i32
        %dma_start3A_216 = tpu.memref_slice %arg3[%add3A_209, %dma_start3A_214, %dma_start3A_215] : memref<2500x2x128xi32, #tpu.memory_space<hbm>> -> memref<1x2x128xi32, #tpu.memory_space<hbm>>
        %dma_start3A_217 = tpu.memref_squeeze %dma_start3A_216 : memref<1x2x128xi32, #tpu.memory_space<hbm>> -> memref<2x128xi32, #tpu.memory_space<hbm>>
        %dma_start3A_218 = tpu.memref_slice %arg9[%rem3A_162] : memref<4x!tpu.dma_semaphore, #tpu.memory_space<semaphore_mem>> -> memref<1x!tpu.dma_semaphore, #tpu.memory_space<semaphore_mem>>
        %dma_start3A_219 = tpu.memref_squeeze %dma_start3A_218 : memref<1x!tpu.dma_semaphore, #tpu.memory_space<semaphore_mem>> -> memref<!tpu.dma_semaphore, #tpu.memory_space<semaphore_mem>>
        %dma_start3A_220 = arith.constant 0 : i32
        %dma_start3A_221 = arith.constant 0 : i32
        %dma_start3A_222 = tpu.memref_slice %arg5[%rem3A_162, %dma_start3A_220, %dma_start3A_221] : memref<4x2x128xi32, #tpu.memory_space<vmem>> -> memref<1x2x128xi32, #tpu.memory_space<vmem>>
        %dma_start3A_223 = tpu.memref_squeeze %dma_start3A_222 : memref<1x2x128xi32, #tpu.memory_space<vmem>> -> memref<2x128xi32, #tpu.memory_space<vmem>>
        %dma_start3A_224 = arith.constant 0 : i32
        %dma_start3A_225 = arith.constant 0 : i32
        %dma_start3A_226 = tpu.memref_slice %arg3[%add3A_209, %dma_start3A_224, %dma_start3A_225] : memref<2500x2x128xi32, #tpu.memory_space<hbm>> -> memref<1x2x128xi32, #tpu.memory_space<hbm>>
        %dma_start3A_227 = tpu.memref_squeeze %dma_start3A_226 : memref<1x2x128xi32, #tpu.memory_space<hbm>> -> memref<2x128xi32, #tpu.memory_space<hbm>>
        tpu.enqueue_dma source(%dma_start3A_227 : memref<2x128xi32, #tpu.memory_space<hbm>>) target(%dma_start3A_223 : memref<2x128xi32, #tpu.memory_space<vmem>>) target_semaphore(%dma_start3A_219 : memref<!tpu.dma_semaphore, #tpu.memory_space<semaphore_mem>>)
      } else {
      }
    }
    %while3A_116 = arith.constant 1 : i32
    scf.for %while3A_146 = %while3A_114 to %while3A_110 step %while3A_116  : i32 {
      %rem3A_147 = arith.constant 2 : i32
      %rem3A_148 = arith.remsi %while3A_146, %rem3A_147 : i32
      %add3A_149 = arith.constant 1 : i32
      %add3A_150 = arith.addi %while3A_146, %add3A_149 : i32
      %rem3A_151 = arith.constant 2 : i32
      %rem3A_152 = arith.remsi %add3A_150, %rem3A_151 : i32
      %rem3A_153 = arith.constant 4 : i32
      %rem3A_154 = arith.remsi %while3A_146, %rem3A_153 : i32
      %add3A_155 = arith.constant 1 : i32
      %add3A_156 = arith.addi %while3A_146, %add3A_155 : i32
      %rem3A_157 = arith.constant 4 : i32
      %rem3A_158 = arith.remsi %add3A_156, %rem3A_157 : i32
      %add3A_159 = arith.constant 2 : i32
      %add3A_160 = arith.addi %while3A_146, %add3A_159 : i32
      %rem3A_161 = arith.constant 4 : i32
      %rem3A_162 = arith.remsi %add3A_160, %rem3A_161 : i32
      %add3A_163 = arith.constant 3 : i32
      %add3A_164 = arith.addi %while3A_146, %add3A_163 : i32
      %rem3A_165 = arith.constant 4 : i32
      %rem3A_166 = arith.remsi %add3A_164, %rem3A_165 : i32
      %add3A_167 = arith.constant 1 : i32
      %add3A_168 = arith.addi %while3A_146, %add3A_167 : i32
      %lt3A_169 = arith.cmpi slt, %add3A_168, %add3A_4 : i32
      %convert_element_type3A_170 = arith.extui %lt3A_169 : i1 to i32
      %cond3A_171 = arith.constant 0 : i32
      %cond3A_172 = arith.cmpi ne, %convert_element_type3A_170, %cond3A_171 : i32
      scf.if %cond3A_172 {
        %dma_wait3A_205 = arith.constant 0 : i32
        %dma_wait3A_206 = arith.constant 0 : i32
        %dma_wait3A_207 = arith.constant 0 : i32
        %dma_wait3A_208 = tpu.memref_slice %arg5[%rem3A_158, %dma_wait3A_206, %dma_wait3A_207] : memref<4x2x128xi32, #tpu.memory_space<vmem>> -> memref<1x2x128xi32, #tpu.memory_space<vmem>>
        %dma_wait3A_209 = tpu.memref_squeeze %dma_wait3A_208 : memref<1x2x128xi32, #tpu.memory_space<vmem>> -> memref<2x128xi32, #tpu.memory_space<vmem>>
        %dma_wait3A_210 = arith.constant 0 : i32
        %dma_wait3A_211 = arith.constant 0 : i32
        %dma_wait3A_212 = tpu.memref_slice %arg3[%dma_wait3A_205, %dma_wait3A_210, %dma_wait3A_211] : memref<2500x2x128xi32, #tpu.memory_space<hbm>> -> memref<1x2x128xi32, #tpu.memory_space<hbm>>
        %dma_wait3A_213 = tpu.memref_squeeze %dma_wait3A_212 : memref<1x2x128xi32, #tpu.memory_space<hbm>> -> memref<2x128xi32, #tpu.memory_space<hbm>>
        %dma_wait3A_214 = tpu.memref_slice %arg9[%rem3A_158] : memref<4x!tpu.dma_semaphore, #tpu.memory_space<semaphore_mem>> -> memref<1x!tpu.dma_semaphore, #tpu.memory_space<semaphore_mem>>
        %dma_wait3A_215 = tpu.memref_squeeze %dma_wait3A_214 : memref<1x!tpu.dma_semaphore, #tpu.memory_space<semaphore_mem>> -> memref<!tpu.dma_semaphore, #tpu.memory_space<semaphore_mem>>
        %dma_wait3A_216 = arith.constant 0 : i32
        %dma_wait3A_217 = arith.constant 0 : i32
        %dma_wait3A_218 = tpu.memref_slice %arg5[%rem3A_158, %dma_wait3A_216, %dma_wait3A_217] : memref<4x2x128xi32, #tpu.memory_space<vmem>> -> memref<1x2x128xi32, #tpu.memory_space<vmem>>
        %dma_wait3A_219 = tpu.memref_squeeze %dma_wait3A_218 : memref<1x2x128xi32, #tpu.memory_space<vmem>> -> memref<2x128xi32, #tpu.memory_space<vmem>>
        %dma_wait3A_220 = arith.constant 0 : i32
        %dma_wait3A_221 = arith.constant 0 : i32
        %dma_wait3A_222 = tpu.memref_slice %arg3[%dma_wait3A_205, %dma_wait3A_220, %dma_wait3A_221] : memref<2500x2x128xi32, #tpu.memory_space<hbm>> -> memref<1x2x128xi32, #tpu.memory_space<hbm>>
        %dma_wait3A_223 = tpu.memref_squeeze %dma_wait3A_222 : memref<1x2x128xi32, #tpu.memory_space<hbm>> -> memref<2x128xi32, #tpu.memory_space<hbm>>
        tpu.wait_dma2 semaphore(%dma_wait3A_215 : memref<!tpu.dma_semaphore, #tpu.memory_space<semaphore_mem>>) src(%dma_wait3A_223 : memref<2x128xi32, #tpu.memory_space<hbm>>) dst(%dma_wait3A_219 : memref<2x128xi32, #tpu.memory_space<vmem>>)
        %ge3A_224 = arith.constant 1 : i32
        %ge3A_225 = arith.cmpi sge, %while3A_146, %ge3A_224 : i32
        %convert_element_type3A_226 = arith.extui %ge3A_225 : i1 to i32
        %cond3A_227 = arith.constant 0 : i32
        %cond3A_228 = arith.cmpi ne, %convert_element_type3A_226, %cond3A_227 : i32
        scf.if %cond3A_228 {
          %dma_wait3A_242 = arith.constant 1 : i32
          %dma_wait3A_243 = arith.constant 0 : i32
          %dma_wait3A_244 = arith.constant 0 : i32
          %dma_wait3A_245 = tpu.memref_slice %arg6[%rem3A_152, %dma_wait3A_243, %dma_wait3A_244] : memref<2x128x128xf32, #tpu.memory_space<vmem>> -> memref<1x128x128xf32, #tpu.memory_space<vmem>>
          %dma_wait3A_246 = tpu.memref_squeeze %dma_wait3A_245 : memref<1x128x128xf32, #tpu.memory_space<vmem>> -> memref<128x128xf32, #tpu.memory_space<vmem>>
          %dma_wait3A_247 = arith.constant 0 : i32
          %dma_wait3A_248 = tpu.memref_slice %arg5[%rem3A_166, %dma_wait3A_242, %dma_wait3A_247] : memref<4x2x128xi32, #tpu.memory_space<vmem>> -> memref<1x1x128xi32, #tpu.memory_space<vmem>>
          %dma_wait3A_249 = tpu.memref_squeeze %dma_wait3A_248 : memref<1x1x128xi32, #tpu.memory_space<vmem>> -> memref<128xi32, #tpu.memory_space<vmem>>
          %dma_wait3A_250 = arith.constant 0 : i32
          %dma_wait3A_251 = arith.constant 0 : i32
          %dma_wait3A_252 = tpu.memref_slice %arg8[%dma_wait3A_250, %dma_wait3A_251] : memref<10240x128xf32, #tpu.memory_space<vmem_shared>> -> memref<10240x128xf32, #tpu.memory_space<vmem_shared>>
          %dma_wait3A_253 = tpu.memref_slice %arg11[%rem3A_152] : memref<2x!tpu.dma_semaphore, #tpu.memory_space<semaphore_mem>> -> memref<1x!tpu.dma_semaphore, #tpu.memory_space<semaphore_mem>>
          %dma_wait3A_254 = tpu.memref_squeeze %dma_wait3A_253 : memref<1x!tpu.dma_semaphore, #tpu.memory_space<semaphore_mem>> -> memref<!tpu.dma_semaphore, #tpu.memory_space<semaphore_mem>>
          tpu.wait_indirect_dma semaphore(%dma_wait3A_254 : memref<!tpu.dma_semaphore, #tpu.memory_space<semaphore_mem>>) src(%dma_wait3A_246 : memref<128x128xf32, #tpu.memory_space<vmem>>) dst(%dma_wait3A_252 : memref<10240x128xf32, #tpu.memory_space<vmem_shared>>)
        } else {
        }
        %dma_start3A_229 = arith.constant 0 : i32
        %dma_start3A_230 = arith.constant 0 : i32
        %dma_start3A_231 = arith.constant 0 : i32
        %dma_start3A_232 = tpu.memref_slice %arg6[%rem3A_152, %dma_start3A_230, %dma_start3A_231] : memref<2x128x128xf32, #tpu.memory_space<vmem>> -> memref<1x128x128xf32, #tpu.memory_space<vmem>>
        %dma_start3A_233 = tpu.memref_squeeze %dma_start3A_232 : memref<1x128x128xf32, #tpu.memory_space<vmem>> -> memref<128x128xf32, #tpu.memory_space<vmem>>
        %dma_start3A_234 = arith.constant 0 : i32
        %dma_start3A_235 = tpu.memref_slice %arg5[%rem3A_158, %dma_start3A_229, %dma_start3A_234] : memref<4x2x128xi32, #tpu.memory_space<vmem>> -> memref<1x1x128xi32, #tpu.memory_space<vmem>>
        %dma_start3A_236 = tpu.memref_squeeze %dma_start3A_235 : memref<1x1x128xi32, #tpu.memory_space<vmem>> -> memref<128xi32, #tpu.memory_space<vmem>>
        %dma_start3A_237 = arith.constant 0 : i32
        %dma_start3A_238 = arith.constant 0 : i32
        %dma_start3A_239 = tpu.memref_slice %arg2[%dma_start3A_237, %dma_start3A_238] : memref<10000x128xf32, #tpu.memory_space<hbm>> -> memref<10000x128xf32, #tpu.memory_space<hbm>>
        %dma_start3A_240 = tpu.memref_slice %arg10[%rem3A_152] : memref<2x!tpu.dma_semaphore, #tpu.memory_space<semaphore_mem>> -> memref<1x!tpu.dma_semaphore, #tpu.memory_space<semaphore_mem>>
        %dma_start3A_241 = tpu.memref_squeeze %dma_start3A_240 : memref<1x!tpu.dma_semaphore, #tpu.memory_space<semaphore_mem>> -> memref<!tpu.dma_semaphore, #tpu.memory_space<semaphore_mem>>
        tpu.enqueue_indirect_dma source(%dma_start3A_239 : memref<10000x128xf32, #tpu.memory_space<hbm>>) target(%dma_start3A_233 : memref<128x128xf32, #tpu.memory_space<vmem>>) offsets(%dma_start3A_236 : memref<128xi32, #tpu.memory_space<vmem>>) semaphore(%dma_start3A_241 : memref<!tpu.dma_semaphore, #tpu.memory_space<semaphore_mem>>)
      } else {
      }
      %dma_wait3A_173 = arith.constant 0 : i32
      %dma_wait3A_174 = arith.constant 0 : i32
      %dma_wait3A_175 = arith.constant 0 : i32
      %dma_wait3A_176 = tpu.memref_slice %arg6[%rem3A_148, %dma_wait3A_174, %dma_wait3A_175] : memref<2x128x128xf32, #tpu.memory_space<vmem>> -> memref<1x128x128xf32, #tpu.memory_space<vmem>>
      %dma_wait3A_177 = tpu.memref_squeeze %dma_wait3A_176 : memref<1x128x128xf32, #tpu.memory_space<vmem>> -> memref<128x128xf32, #tpu.memory_space<vmem>>
      %dma_wait3A_178 = arith.constant 0 : i32
      %dma_wait3A_179 = tpu.memref_slice %arg5[%rem3A_154, %dma_wait3A_173, %dma_wait3A_178] : memref<4x2x128xi32, #tpu.memory_space<vmem>> -> memref<1x1x128xi32, #tpu.memory_space<vmem>>
      %dma_wait3A_180 = tpu.memref_squeeze %dma_wait3A_179 : memref<1x1x128xi32, #tpu.memory_space<vmem>> -> memref<128xi32, #tpu.memory_space<vmem>>
      %dma_wait3A_181 = arith.constant 0 : i32
      %dma_wait3A_182 = arith.constant 0 : i32
      %dma_wait3A_183 = tpu.memref_slice %arg2[%dma_wait3A_181, %dma_wait3A_182] : memref<10000x128xf32, #tpu.memory_space<hbm>> -> memref<10000x128xf32, #tpu.memory_space<hbm>>
      %dma_wait3A_184 = tpu.memref_slice %arg10[%rem3A_148] : memref<2x!tpu.dma_semaphore, #tpu.memory_space<semaphore_mem>> -> memref<1x!tpu.dma_semaphore, #tpu.memory_space<semaphore_mem>>
      %dma_wait3A_185 = tpu.memref_squeeze %dma_wait3A_184 : memref<1x!tpu.dma_semaphore, #tpu.memory_space<semaphore_mem>> -> memref<!tpu.dma_semaphore, #tpu.memory_space<semaphore_mem>>
      tpu.wait_indirect_dma semaphore(%dma_wait3A_185 : memref<!tpu.dma_semaphore, #tpu.memory_space<semaphore_mem>>) src(%dma_wait3A_183 : memref<10000x128xf32, #tpu.memory_space<hbm>>) dst(%dma_wait3A_177 : memref<128x128xf32, #tpu.memory_space<vmem>>)
      %dma_start3A_186 = arith.constant 1 : i32
      %dma_start3A_187 = arith.constant 0 : i32
      %dma_start3A_188 = arith.constant 0 : i32
      %dma_start3A_189 = tpu.memref_slice %arg6[%rem3A_148, %dma_start3A_187, %dma_start3A_188] : memref<2x128x128xf32, #tpu.memory_space<vmem>> -> memref<1x128x128xf32, #tpu.memory_space<vmem>>
      %dma_start3A_190 = tpu.memref_squeeze %dma_start3A_189 : memref<1x128x128xf32, #tpu.memory_space<vmem>> -> memref<128x128xf32, #tpu.memory_space<vmem>>
      %dma_start3A_191 = arith.constant 0 : i32
      %dma_start3A_192 = tpu.memref_slice %arg5[%rem3A_154, %dma_start3A_186, %dma_start3A_191] : memref<4x2x128xi32, #tpu.memory_space<vmem>> -> memref<1x1x128xi32, #tpu.memory_space<vmem>>
      %dma_start3A_193 = tpu.memref_squeeze %dma_start3A_192 : memref<1x1x128xi32, #tpu.memory_space<vmem>> -> memref<128xi32, #tpu.memory_space<vmem>>
      %dma_start3A_194 = arith.constant 0 : i32
      %dma_start3A_195 = arith.constant 0 : i32
      %dma_start3A_196 = tpu.memref_slice %arg8[%dma_start3A_194, %dma_start3A_195] : memref<10240x128xf32, #tpu.memory_space<vmem_shared>> -> memref<10240x128xf32, #tpu.memory_space<vmem_shared>>
      %dma_start3A_197 = tpu.memref_slice %arg11[%rem3A_148] : memref<2x!tpu.dma_semaphore, #tpu.memory_space<semaphore_mem>> -> memref<1x!tpu.dma_semaphore, #tpu.memory_space<semaphore_mem>>
      %dma_start3A_198 = tpu.memref_squeeze %dma_start3A_197 : memref<1x!tpu.dma_semaphore, #tpu.memory_space<semaphore_mem>> -> memref<!tpu.dma_semaphore, #tpu.memory_space<semaphore_mem>>
      tpu.enqueue_indirect_dma source(%dma_start3A_190 : memref<128x128xf32, #tpu.memory_space<vmem>>) target(%dma_start3A_196 : memref<10240x128xf32, #tpu.memory_space<vmem_shared>>) offsets(%dma_start3A_193 : memref<128xi32, #tpu.memory_space<vmem>>) semaphore(%dma_start3A_198 : memref<!tpu.dma_semaphore, #tpu.memory_space<semaphore_mem>>) {add = true}
      %add3A_199 = arith.constant 2 : i32
      %add3A_200 = arith.addi %while3A_146, %add3A_199 : i32
      %lt3A_201 = arith.cmpi slt, %add3A_200, %add3A_4 : i32
      %convert_element_type3A_202 = arith.extui %lt3A_201 : i1 to i32
      %cond3A_203 = arith.constant 0 : i32
      %cond3A_204 = arith.cmpi ne, %convert_element_type3A_202, %cond3A_203 : i32
      scf.if %cond3A_204 {
        %add3A_205 = arith.constant 2 : i32
        %add3A_206 = arith.addi %while3A_146, %add3A_205 : i32
        %mul3A_207 = arith.constant 32 : i32
        %mul3A_208 = arith.muli %mul3A_207, %add3A_206 : i32
        %add3A_209 = arith.addi %add3A, %mul3A_208 : i32
        %dma_start3A_210 = arith.constant 0 : i32
        %dma_start3A_211 = arith.constant 0 : i32
        %dma_start3A_212 = tpu.memref_slice %arg5[%rem3A_162, %dma_start3A_210, %dma_start3A_211] : memref<4x2x128xi32, #tpu.memory_space<vmem>> -> memref<1x2x128xi32, #tpu.memory_space<vmem>>
        %dma_start3A_213 = tpu.memref_squeeze %dma_start3A_212 : memref<1x2x128xi32, #tpu.memory_space<vmem>> -> memref<2x128xi32, #tpu.memory_space<vmem>>
        %dma_start3A_214 = arith.constant 0 : i32
        %dma_start3A_215 = arith.constant 0 : i32
        %dma_start3A_216 = tpu.memref_slice %arg3[%add3A_209, %dma_start3A_214, %dma_start3A_215] : memref<2500x2x128xi32, #tpu.memory_space<hbm>> -> memref<1x2x128xi32, #tpu.memory_space<hbm>>
        %dma_start3A_217 = tpu.memref_squeeze %dma_start3A_216 : memref<1x2x128xi32, #tpu.memory_space<hbm>> -> memref<2x128xi32, #tpu.memory_space<hbm>>
        %dma_start3A_218 = tpu.memref_slice %arg9[%rem3A_162] : memref<4x!tpu.dma_semaphore, #tpu.memory_space<semaphore_mem>> -> memref<1x!tpu.dma_semaphore, #tpu.memory_space<semaphore_mem>>
        %dma_start3A_219 = tpu.memref_squeeze %dma_start3A_218 : memref<1x!tpu.dma_semaphore, #tpu.memory_space<semaphore_mem>> -> memref<!tpu.dma_semaphore, #tpu.memory_space<semaphore_mem>>
        %dma_start3A_220 = arith.constant 0 : i32
        %dma_start3A_221 = arith.constant 0 : i32
        %dma_start3A_222 = tpu.memref_slice %arg5[%rem3A_162, %dma_start3A_220, %dma_start3A_221] : memref<4x2x128xi32, #tpu.memory_space<vmem>> -> memref<1x2x128xi32, #tpu.memory_space<vmem>>
        %dma_start3A_223 = tpu.memref_squeeze %dma_start3A_222 : memref<1x2x128xi32, #tpu.memory_space<vmem>> -> memref<2x128xi32, #tpu.memory_space<vmem>>
        %dma_start3A_224 = arith.constant 0 : i32
        %dma_start3A_225 = arith.constant 0 : i32
        %dma_start3A_226 = tpu.memref_slice %arg3[%add3A_209, %dma_start3A_224, %dma_start3A_225] : memref<2500x2x128xi32, #tpu.memory_space<hbm>> -> memref<1x2x128xi32, #tpu.memory_space<hbm>>
        %dma_start3A_227 = tpu.memref_squeeze %dma_start3A_226 : memref<1x2x128xi32, #tpu.memory_space<hbm>> -> memref<2x128xi32, #tpu.memory_space<hbm>>
        tpu.enqueue_dma source(%dma_start3A_227 : memref<2x128xi32, #tpu.memory_space<hbm>>) target(%dma_start3A_223 : memref<2x128xi32, #tpu.memory_space<vmem>>) target_semaphore(%dma_start3A_219 : memref<!tpu.dma_semaphore, #tpu.memory_space<semaphore_mem>>)
      } else {
      }
    }
    %ge3A = arith.constant 2 : i32
    %ge3A_117 = arith.cmpi sge, %add3A_4, %ge3A : i32
    %convert_element_type3A_118 = arith.extui %ge3A_117 : i1 to i32
    %cond3A_119 = arith.constant 0 : i32
    %cond3A_120 = arith.cmpi ne, %convert_element_type3A_118, %cond3A_119 : i32
    scf.if %cond3A_120 {
      %add3A_146 = arith.constant 2 : i32
      %add3A_147 = arith.addi %add3A_4, %add3A_146 : i32
      %rem3A_148 = arith.constant 4 : i32
      %rem3A_149 = arith.remsi %add3A_147, %rem3A_148 : i32
      %rem3A_150 = arith.constant 2 : i32
      %rem3A_151 = arith.remsi %add3A_4, %rem3A_150 : i32
      %dma_wait3A_152 = arith.constant 1 : i32
      %dma_wait3A_153 = arith.constant 0 : i32
      %dma_wait3A_154 = arith.constant 0 : i32
      %dma_wait3A_155 = tpu.memref_slice %arg6[%rem3A_151, %dma_wait3A_153, %dma_wait3A_154] : memref<2x128x128xf32, #tpu.memory_space<vmem>> -> memref<1x128x128xf32, #tpu.memory_space<vmem>>
      %dma_wait3A_156 = tpu.memref_squeeze %dma_wait3A_155 : memref<1x128x128xf32, #tpu.memory_space<vmem>> -> memref<128x128xf32, #tpu.memory_space<vmem>>
      %dma_wait3A_157 = arith.constant 0 : i32
      %dma_wait3A_158 = tpu.memref_slice %arg5[%rem3A_149, %dma_wait3A_152, %dma_wait3A_157] : memref<4x2x128xi32, #tpu.memory_space<vmem>> -> memref<1x1x128xi32, #tpu.memory_space<vmem>>
      %dma_wait3A_159 = tpu.memref_squeeze %dma_wait3A_158 : memref<1x1x128xi32, #tpu.memory_space<vmem>> -> memref<128xi32, #tpu.memory_space<vmem>>
      %dma_wait3A_160 = arith.constant 0 : i32
      %dma_wait3A_161 = arith.constant 0 : i32
      %dma_wait3A_162 = tpu.memref_slice %arg8[%dma_wait3A_160, %dma_wait3A_161] : memref<10240x128xf32, #tpu.memory_space<vmem_shared>> -> memref<10240x128xf32, #tpu.memory_space<vmem_shared>>
      %dma_wait3A_163 = tpu.memref_slice %arg11[%rem3A_151] : memref<2x!tpu.dma_semaphore, #tpu.memory_space<semaphore_mem>> -> memref<1x!tpu.dma_semaphore, #tpu.memory_space<semaphore_mem>>
      %dma_wait3A_164 = tpu.memref_squeeze %dma_wait3A_163 : memref<1x!tpu.dma_semaphore, #tpu.memory_space<semaphore_mem>> -> memref<!tpu.dma_semaphore, #tpu.memory_space<semaphore_mem>>
      tpu.wait_indirect_dma semaphore(%dma_wait3A_164 : memref<!tpu.dma_semaphore, #tpu.memory_space<semaphore_mem>>) src(%dma_wait3A_156 : memref<128x128xf32, #tpu.memory_space<vmem>>) dst(%dma_wait3A_162 : memref<10240x128xf32, #tpu.memory_space<vmem_shared>>)
    } else {
    }
    %add3A_121 = arith.constant 3 : i32
    %add3A_122 = arith.addi %add3A_4, %add3A_121 : i32
    %rem3A = arith.constant 4 : i32
    %rem3A_123 = arith.remsi %add3A_122, %rem3A : i32
    %add3A_124 = arith.constant 1 : i32
    %add3A_125 = arith.addi %add3A_4, %add3A_124 : i32
    %rem3A_126 = arith.constant 2 : i32
    %rem3A_127 = arith.remsi %add3A_125, %rem3A_126 : i32
    %dma_wait3A_128 = arith.constant 1 : i32
    %dma_wait3A_129 = arith.constant 0 : i32
    %dma_wait3A_130 = arith.constant 0 : i32
    %dma_wait3A_131 = tpu.memref_slice %arg6[%rem3A_127, %dma_wait3A_129, %dma_wait3A_130] : memref<2x128x128xf32, #tpu.memory_space<vmem>> -> memref<1x128x128xf32, #tpu.memory_space<vmem>>
    %dma_wait3A_132 = tpu.memref_squeeze %dma_wait3A_131 : memref<1x128x128xf32, #tpu.memory_space<vmem>> -> memref<128x128xf32, #tpu.memory_space<vmem>>
    %dma_wait3A_133 = arith.constant 0 : i32
    %dma_wait3A_134 = tpu.memref_slice %arg5[%rem3A_123, %dma_wait3A_128, %dma_wait3A_133] : memref<4x2x128xi32, #tpu.memory_space<vmem>> -> memref<1x1x128xi32, #tpu.memory_space<vmem>>
    %dma_wait3A_135 = tpu.memref_squeeze %dma_wait3A_134 : memref<1x1x128xi32, #tpu.memory_space<vmem>> -> memref<128xi32, #tpu.memory_space<vmem>>
    %dma_wait3A_136 = arith.constant 0 : i32
    %dma_wait3A_137 = arith.constant 0 : i32
    %dma_wait3A_138 = tpu.memref_slice %arg8[%dma_wait3A_136, %dma_wait3A_137] : memref<10240x128xf32, #tpu.memory_space<vmem_shared>> -> memref<10240x128xf32, #tpu.memory_space<vmem_shared>>
    %dma_wait3A_139 = tpu.memref_slice %arg11[%rem3A_127] : memref<2x!tpu.dma_semaphore, #tpu.memory_space<semaphore_mem>> -> memref<1x!tpu.dma_semaphore, #tpu.memory_space<semaphore_mem>>
    %dma_wait3A_140 = tpu.memref_squeeze %dma_wait3A_139 : memref<1x!tpu.dma_semaphore, #tpu.memory_space<semaphore_mem>> -> memref<!tpu.dma_semaphore, #tpu.memory_space<semaphore_mem>>
    tpu.wait_indirect_dma semaphore(%dma_wait3A_140 : memref<!tpu.dma_semaphore, #tpu.memory_space<semaphore_mem>>) src(%dma_wait3A_132 : memref<128x128xf32, #tpu.memory_space<vmem>>) dst(%dma_wait3A_138 : memref<10240x128xf32, #tpu.memory_space<vmem_shared>>)
    %barrier3A_141 = arith.constant 0 : index
    tpu.barrier barrier_id(%barrier3A_141)
    %mul3A_142 = arith.constant 640 : i32
    %mul3A_143 = arith.muli %arg1, %mul3A_142 : i32
    %mul3A_144 = arith.constant 640 : i32
    %mul3A_145 = arith.muli %arg1, %mul3A_144 : i32
    "tpu.region"() ({
      %run_scoped3A = tpu.sem_alloc : memref<!tpu.dma_semaphore, #tpu.memory_space<semaphore_mem>>
      %dma_start3A_146 = arith.constant 0 : i32
      %dma_start3A_147 = arith.constant 0 : i32
      %dma_start3A_148 = tpu.memref_slice %arg4[%arg0, %dma_start3A_146, %dma_start3A_147] : memref<2x10240x128xf32, #tpu.memory_space<hbm>> -> memref<1x10240x128xf32, #tpu.memory_space<hbm>>
      %dma_start3A_149 = tpu.memref_squeeze %dma_start3A_148 : memref<1x10240x128xf32, #tpu.memory_space<hbm>> -> memref<10240x128xf32, #tpu.memory_space<hbm>>
      %dma_start3A_150 = arith.constant 0 : i32
      %dma_start3A_151 = tpu.memref_slice %dma_start3A_149[%mul3A_145, %dma_start3A_150] : memref<10240x128xf32, #tpu.memory_space<hbm>> -> memref<640x128xf32, #tpu.memory_space<hbm>>
      %dma_start3A_152 = arith.constant 0 : i32
      %dma_start3A_153 = tpu.memref_slice %arg8[%mul3A_143, %dma_start3A_152] : memref<10240x128xf32, #tpu.memory_space<vmem_shared>> -> memref<640x128xf32, #tpu.memory_space<vmem_shared>>
      tpu.enqueue_dma source(%dma_start3A_153 : memref<640x128xf32, #tpu.memory_space<vmem_shared>>) target(%dma_start3A_151 : memref<640x128xf32, #tpu.memory_space<hbm>>) target_semaphore(%run_scoped3A : memref<!tpu.dma_semaphore, #tpu.memory_space<semaphore_mem>>)
      %dma_wait3A_154 = arith.constant 0 : i32
      %dma_wait3A_155 = arith.constant 0 : i32
      %dma_wait3A_156 = tpu.memref_slice %arg4[%arg0, %dma_wait3A_154, %dma_wait3A_155] : memref<2x10240x128xf32, #tpu.memory_space<hbm>> -> memref<1x10240x128xf32, #tpu.memory_space<hbm>>
      %dma_wait3A_157 = tpu.memref_squeeze %dma_wait3A_156 : memref<1x10240x128xf32, #tpu.memory_space<hbm>> -> memref<10240x128xf32, #tpu.memory_space<hbm>>
      %dma_wait3A_158 = arith.constant 0 : i32
      %dma_wait3A_159 = tpu.memref_slice %dma_wait3A_157[%mul3A_145, %dma_wait3A_158] : memref<10240x128xf32, #tpu.memory_space<hbm>> -> memref<640x128xf32, #tpu.memory_space<hbm>>
      %dma_wait3A_160 = arith.constant 0 : i32
      %dma_wait3A_161 = tpu.memref_slice %arg8[%mul3A_143, %dma_wait3A_160] : memref<10240x128xf32, #tpu.memory_space<vmem_shared>> -> memref<640x128xf32, #tpu.memory_space<vmem_shared>>
      tpu.wait_dma2 semaphore(%run_scoped3A : memref<!tpu.dma_semaphore, #tpu.memory_space<semaphore_mem>>) src(%dma_wait3A_161 : memref<640x128xf32, #tpu.memory_space<vmem_shared>>) dst(%dma_wait3A_159 : memref<640x128xf32, #tpu.memory_space<hbm>>)
      tpu.yield
    }) : () -> ()
    return
  }
}

#map = affine_map<(d0, d1) -> (0, 0)>
#map1 = affine_map<(d0, d1) -> (0, 0, 0)>
module attributes {stable_mosaic.version = 14 : i64} {
  func.func @_sc_layer_body(%arg0: i32, %arg1: i32, %arg2: memref<10000x128xf32, #tpu.memory_space<hbm>>, %arg3: memref<2500x2x128xi32, #tpu.memory_space<hbm>>, %arg4: memref<2x10240x128xf32, #tpu.memory_space<hbm>>, %arg5: memref<4x2x128xi32, #tpu.memory_space<vmem>>, %arg6: memref<2x128x128xf32, #tpu.memory_space<vmem>>, %arg7: memref<64x128xf32, #tpu.memory_space<vmem>>, %arg8: memref<10240x128xf32, #tpu.memory_space<vmem_shared>>, %arg9: memref<4x!tpu.dma_semaphore, #tpu.memory_space<semaphore_mem>>, %arg10: memref<2x!tpu.dma_semaphore, #tpu.memory_space<semaphore_mem>>, %arg11: memref<2x!tpu.dma_semaphore, #tpu.memory_space<semaphore_mem>>) attributes {dimension_semantics = [#tpu.dimension_semantics<core_parallel>, #tpu.dimension_semantics<subcore_parallel>], iteration_bounds = array<i64: 2, 16>, scalar_prefetch = 0 : i64, scratch_operands = 7 : i64, tpu.core_type = #tpu.core_type<sc_vector_subcore>, window_params = [{transform_indices = #map}, {transform_indices = #map1}, {transform_indices = #map1}]} {
    %mul3A = arith.constant 16 : i32
    %mul3A_0 = arith.muli %arg0, %mul3A : i32
    %add3A = arith.addi %mul3A_0, %arg1 : i32
    %lt3A = arith.constant 4 : i32
    %lt3A_1 = arith.cmpi slt, %add3A, %lt3A : i32
    %jit3A = arith.constant 1 : i32
    %jit3A_2 = arith.constant 0 : i32
    %select_n3A = arith.select %lt3A_1, %jit3A, %jit3A_2 : i32
    %add3A_3 = arith.constant 78 : i32
    %add3A_4 = arith.addi %add3A_3, %select_n3A : i32
    %add3A_5 = arith.constant 0 : i32
    %add3A_6 = arith.addi %add3A, %add3A_5 : i32
    %dma_start3A = arith.constant 0 : i32
    %dma_start3A_7 = arith.constant 0 : i32
    %dma_start3A_8 = arith.constant 0 : i32
    %dma_start3A_9 = arith.constant 0 : i32
    %dma_start3A_10 = tpu.memref_slice %arg5[%dma_start3A, %dma_start3A_8, %dma_start3A_9] : memref<4x2x128xi32, #tpu.memory_space<vmem>> -> memref<1x2x128xi32, #tpu.memory_space<vmem>>
    %dma_start3A_11 = tpu.memref_squeeze %dma_start3A_10 : memref<1x2x128xi32, #tpu.memory_space<vmem>> -> memref<2x128xi32, #tpu.memory_space<vmem>>
    %dma_start3A_12 = arith.constant 0 : i32
    %dma_start3A_13 = arith.constant 0 : i32
    %dma_start3A_14 = tpu.memref_slice %arg3[%add3A_6, %dma_start3A_12, %dma_start3A_13] : memref<2500x2x128xi32, #tpu.memory_space<hbm>> -> memref<1x2x128xi32, #tpu.memory_space<hbm>>
    %dma_start3A_15 = tpu.memref_squeeze %dma_start3A_14 : memref<1x2x128xi32, #tpu.memory_space<hbm>> -> memref<2x128xi32, #tpu.memory_space<hbm>>
    %dma_start3A_16 = tpu.memref_slice %arg9[%dma_start3A_7] : memref<4x!tpu.dma_semaphore, #tpu.memory_space<semaphore_mem>> -> memref<1x!tpu.dma_semaphore, #tpu.memory_space<semaphore_mem>>
    %dma_start3A_17 = tpu.memref_squeeze %dma_start3A_16 : memref<1x!tpu.dma_semaphore, #tpu.memory_space<semaphore_mem>> -> memref<!tpu.dma_semaphore, #tpu.memory_space<semaphore_mem>>
    %dma_start3A_18 = arith.constant 0 : i32
    %dma_start3A_19 = arith.constant 0 : i32
    %dma_start3A_20 = tpu.memref_slice %arg5[%dma_start3A, %dma_start3A_18, %dma_start3A_19] : memref<4x2x128xi32, #tpu.memory_space<vmem>> -> memref<1x2x128xi32, #tpu.memory_space<vmem>>
    %dma_start3A_21 = tpu.memref_squeeze %dma_start3A_20 : memref<1x2x128xi32, #tpu.memory_space<vmem>> -> memref<2x128xi32, #tpu.memory_space<vmem>>
    %dma_start3A_22 = arith.constant 0 : i32
    %dma_start3A_23 = arith.constant 0 : i32
    %dma_start3A_24 = tpu.memref_slice %arg3[%add3A_6, %dma_start3A_22, %dma_start3A_23] : memref<2500x2x128xi32, #tpu.memory_space<hbm>> -> memref<1x2x128xi32, #tpu.memory_space<hbm>>
    %dma_start3A_25 = tpu.memref_squeeze %dma_start3A_24 : memref<1x2x128xi32, #tpu.memory_space<hbm>> -> memref<2x128xi32, #tpu.memory_space<hbm>>
    tpu.enqueue_dma source(%dma_start3A_25 : memref<2x128xi32, #tpu.memory_space<hbm>>) target(%dma_start3A_21 : memref<2x128xi32, #tpu.memory_space<vmem>>) target_semaphore(%dma_start3A_17 : memref<!tpu.dma_semaphore, #tpu.memory_space<semaphore_mem>>)
    %gt3A = arith.constant 1 : i32
    %gt3A_26 = arith.cmpi sgt, %add3A_4, %gt3A : i32
    %convert_element_type3A = arith.extui %gt3A_26 : i1 to i32
    %cond3A = arith.constant 0 : i32
    %cond3A_27 = arith.cmpi ne, %convert_element_type3A, %cond3A : i32
    scf.if %cond3A_27 {
      %add3A_146 = arith.constant 32 : i32
      %add3A_147 = arith.addi %add3A, %add3A_146 : i32
      %dma_start3A_148 = arith.constant 1 : i32
      %dma_start3A_149 = arith.constant 1 : i32
      %dma_start3A_150 = arith.constant 0 : i32
      %dma_start3A_151 = arith.constant 0 : i32
      %dma_start3A_152 = tpu.memref_slice %arg5[%dma_start3A_148, %dma_start3A_150, %dma_start3A_151] : memref<4x2x128xi32, #tpu.memory_space<vmem>> -> memref<1x2x128xi32, #tpu.memory_space<vmem>>
      %dma_start3A_153 = tpu.memref_squeeze %dma_start3A_152 : memref<1x2x128xi32, #tpu.memory_space<vmem>> -> memref<2x128xi32, #tpu.memory_space<vmem>>
      %dma_start3A_154 = arith.constant 0 : i32
      %dma_start3A_155 = arith.constant 0 : i32
      %dma_start3A_156 = tpu.memref_slice %arg3[%add3A_147, %dma_start3A_154, %dma_start3A_155] : memref<2500x2x128xi32, #tpu.memory_space<hbm>> -> memref<1x2x128xi32, #tpu.memory_space<hbm>>
      %dma_start3A_157 = tpu.memref_squeeze %dma_start3A_156 : memref<1x2x128xi32, #tpu.memory_space<hbm>> -> memref<2x128xi32, #tpu.memory_space<hbm>>
      %dma_start3A_158 = tpu.memref_slice %arg9[%dma_start3A_149] : memref<4x!tpu.dma_semaphore, #tpu.memory_space<semaphore_mem>> -> memref<1x!tpu.dma_semaphore, #tpu.memory_space<semaphore_mem>>
      %dma_start3A_159 = tpu.memref_squeeze %dma_start3A_158 : memref<1x!tpu.dma_semaphore, #tpu.memory_space<semaphore_mem>> -> memref<!tpu.dma_semaphore, #tpu.memory_space<semaphore_mem>>
      %dma_start3A_160 = arith.constant 0 : i32
      %dma_start3A_161 = arith.constant 0 : i32
      %dma_start3A_162 = tpu.memref_slice %arg5[%dma_start3A_148, %dma_start3A_160, %dma_start3A_161] : memref<4x2x128xi32, #tpu.memory_space<vmem>> -> memref<1x2x128xi32, #tpu.memory_space<vmem>>
      %dma_start3A_163 = tpu.memref_squeeze %dma_start3A_162 : memref<1x2x128xi32, #tpu.memory_space<vmem>> -> memref<2x128xi32, #tpu.memory_space<vmem>>
      %dma_start3A_164 = arith.constant 0 : i32
      %dma_start3A_165 = arith.constant 0 : i32
      %dma_start3A_166 = tpu.memref_slice %arg3[%add3A_147, %dma_start3A_164, %dma_start3A_165] : memref<2500x2x128xi32, #tpu.memory_space<hbm>> -> memref<1x2x128xi32, #tpu.memory_space<hbm>>
      %dma_start3A_167 = tpu.memref_squeeze %dma_start3A_166 : memref<1x2x128xi32, #tpu.memory_space<hbm>> -> memref<2x128xi32, #tpu.memory_space<hbm>>
      tpu.enqueue_dma source(%dma_start3A_167 : memref<2x128xi32, #tpu.memory_space<hbm>>) target(%dma_start3A_163 : memref<2x128xi32, #tpu.memory_space<vmem>>) target_semaphore(%dma_start3A_159 : memref<!tpu.dma_semaphore, #tpu.memory_space<semaphore_mem>>)
    } else {
    }
    %dma_wait3A = arith.constant 0 : i32
    %dma_wait3A_28 = arith.constant 0 : i32
    %dma_wait3A_29 = arith.constant 0 : i32
    %dma_wait3A_30 = arith.constant 0 : i32
    %dma_wait3A_31 = arith.constant 0 : i32
    %dma_wait3A_32 = tpu.memref_slice %arg5[%dma_wait3A_28, %dma_wait3A_30, %dma_wait3A_31] : memref<4x2x128xi32, #tpu.memory_space<vmem>> -> memref<1x2x128xi32, #tpu.memory_space<vmem>>
    %dma_wait3A_33 = tpu.memref_squeeze %dma_wait3A_32 : memref<1x2x128xi32, #tpu.memory_space<vmem>> -> memref<2x128xi32, #tpu.memory_space<vmem>>
    %dma_wait3A_34 = arith.constant 0 : i32
    %dma_wait3A_35 = arith.constant 0 : i32
    %dma_wait3A_36 = tpu.memref_slice %arg3[%dma_wait3A, %dma_wait3A_34, %dma_wait3A_35] : memref<2500x2x128xi32, #tpu.memory_space<hbm>> -> memref<1x2x128xi32, #tpu.memory_space<hbm>>
    %dma_wait3A_37 = tpu.memref_squeeze %dma_wait3A_36 : memref<1x2x128xi32, #tpu.memory_space<hbm>> -> memref<2x128xi32, #tpu.memory_space<hbm>>
    %dma_wait3A_38 = tpu.memref_slice %arg9[%dma_wait3A_29] : memref<4x!tpu.dma_semaphore, #tpu.memory_space<semaphore_mem>> -> memref<1x!tpu.dma_semaphore, #tpu.memory_space<semaphore_mem>>
    %dma_wait3A_39 = tpu.memref_squeeze %dma_wait3A_38 : memref<1x!tpu.dma_semaphore, #tpu.memory_space<semaphore_mem>> -> memref<!tpu.dma_semaphore, #tpu.memory_space<semaphore_mem>>
    %dma_wait3A_40 = arith.constant 0 : i32
    %dma_wait3A_41 = arith.constant 0 : i32
    %dma_wait3A_42 = tpu.memref_slice %arg5[%dma_wait3A_28, %dma_wait3A_40, %dma_wait3A_41] : memref<4x2x128xi32, #tpu.memory_space<vmem>> -> memref<1x2x128xi32, #tpu.memory_space<vmem>>
    %dma_wait3A_43 = tpu.memref_squeeze %dma_wait3A_42 : memref<1x2x128xi32, #tpu.memory_space<vmem>> -> memref<2x128xi32, #tpu.memory_space<vmem>>
    %dma_wait3A_44 = arith.constant 0 : i32
    %dma_wait3A_45 = arith.constant 0 : i32
    %dma_wait3A_46 = tpu.memref_slice %arg3[%dma_wait3A, %dma_wait3A_44, %dma_wait3A_45] : memref<2500x2x128xi32, #tpu.memory_space<hbm>> -> memref<1x2x128xi32, #tpu.memory_space<hbm>>
    %dma_wait3A_47 = tpu.memref_squeeze %dma_wait3A_46 : memref<1x2x128xi32, #tpu.memory_space<hbm>> -> memref<2x128xi32, #tpu.memory_space<hbm>>
    tpu.wait_dma2 semaphore(%dma_wait3A_39 : memref<!tpu.dma_semaphore, #tpu.memory_space<semaphore_mem>>) src(%dma_wait3A_47 : memref<2x128xi32, #tpu.memory_space<hbm>>) dst(%dma_wait3A_43 : memref<2x128xi32, #tpu.memory_space<vmem>>)
    %dma_start3A_48 = arith.constant 0 : i32
    %dma_start3A_49 = arith.constant 0 : i32
    %dma_start3A_50 = arith.constant 0 : i32
    %dma_start3A_51 = arith.constant 0 : i32
    %dma_start3A_52 = arith.constant 0 : i32
    %dma_start3A_53 = arith.constant 0 : i32
    %dma_start3A_54 = tpu.memref_slice %arg6[%dma_start3A_50, %dma_start3A_52, %dma_start3A_53] : memref<2x128x128xf32, #tpu.memory_space<vmem>> -> memref<1x128x128xf32, #tpu.memory_space<vmem>>
    %dma_start3A_55 = tpu.memref_squeeze %dma_start3A_54 : memref<1x128x128xf32, #tpu.memory_space<vmem>> -> memref<128x128xf32, #tpu.memory_space<vmem>>
    %dma_start3A_56 = arith.constant 0 : i32
    %dma_start3A_57 = tpu.memref_slice %arg5[%dma_start3A_48, %dma_start3A_49, %dma_start3A_56] : memref<4x2x128xi32, #tpu.memory_space<vmem>> -> memref<1x1x128xi32, #tpu.memory_space<vmem>>
    %dma_start3A_58 = tpu.memref_squeeze %dma_start3A_57 : memref<1x1x128xi32, #tpu.memory_space<vmem>> -> memref<128xi32, #tpu.memory_space<vmem>>
    %dma_start3A_59 = arith.constant 0 : i32
    %dma_start3A_60 = arith.constant 0 : i32
    %dma_start3A_61 = tpu.memref_slice %arg2[%dma_start3A_59, %dma_start3A_60] : memref<10000x128xf32, #tpu.memory_space<hbm>> -> memref<10000x128xf32, #tpu.memory_space<hbm>>
    %dma_start3A_62 = tpu.memref_slice %arg10[%dma_start3A_51] : memref<2x!tpu.dma_semaphore, #tpu.memory_space<semaphore_mem>> -> memref<1x!tpu.dma_semaphore, #tpu.memory_space<semaphore_mem>>
    %dma_start3A_63 = tpu.memref_squeeze %dma_start3A_62 : memref<1x!tpu.dma_semaphore, #tpu.memory_space<semaphore_mem>> -> memref<!tpu.dma_semaphore, #tpu.memory_space<semaphore_mem>>
    tpu.enqueue_indirect_dma source(%dma_start3A_61 : memref<10000x128xf32, #tpu.memory_space<hbm>>) target(%dma_start3A_55 : memref<128x128xf32, #tpu.memory_space<vmem>>) offsets(%dma_start3A_58 : memref<128xi32, #tpu.memory_space<vmem>>) semaphore(%dma_start3A_63 : memref<!tpu.dma_semaphore, #tpu.memory_space<semaphore_mem>>)
    %broadcast_in_dim3A = arith.constant 0.000000e+00 : f32
    %broadcast_in_dim3A_64 = vector.broadcast %broadcast_in_dim3A : f32 to vector<16xf32>
    %scan3A = arith.constant 0 : i32
    %scan3A_65 = arith.constant 64 : i32
    %scan3A_66 = arith.addi %scan3A, %scan3A_65 : i32
    %scan3A_67 = arith.constant 1 : i32
    scf.for %scan3A_146 = %scan3A to %scan3A_66 step %scan3A_67  : i32 {
      %swap3A = arith.index_cast %scan3A_146 : i32 to index
      %swap3A_147 = arith.constant 0 : index
      %swap3A_148 = tpu.vector_load %arg7[%swap3A, %swap3A_147] {strides = array<i32>} : memref<64x128xf32, #tpu.memory_space<vmem>>, vector<1x16xf32>,
      %swap3A_149 = vector.shape_cast %swap3A_148 : vector<1x16xf32> to vector<16xf32>
      %swap3A_150 = vector.shape_cast %broadcast_in_dim3A_64 : vector<16xf32> to vector<1x16xf32>
      tpu.vector_store %arg7[%swap3A, %swap3A_147], %swap3A_150 {strides = array<i32>} : memref<64x128xf32, #tpu.memory_space<vmem>>, vector<1x16xf32>,
      %swap3A_151 = arith.index_cast %scan3A_146 : i32 to index
      %swap3A_152 = arith.constant 16 : index
      %swap3A_153 = tpu.vector_load %arg7[%swap3A_151, %swap3A_152] {strides = array<i32>} : memref<64x128xf32, #tpu.memory_space<vmem>>, vector<1x16xf32>,
      %swap3A_154 = vector.shape_cast %swap3A_153 : vector<1x16xf32> to vector<16xf32>
      %swap3A_155 = vector.shape_cast %broadcast_in_dim3A_64 : vector<16xf32> to vector<1x16xf32>
      tpu.vector_store %arg7[%swap3A_151, %swap3A_152], %swap3A_155 {strides = array<i32>} : memref<64x128xf32, #tpu.memory_space<vmem>>, vector<1x16xf32>,
      %swap3A_156 = arith.index_cast %scan3A_146 : i32 to index
      %swap3A_157 = arith.constant 32 : index
      %swap3A_158 = tpu.vector_load %arg7[%swap3A_156, %swap3A_157] {strides = array<i32>} : memref<64x128xf32, #tpu.memory_space<vmem>>, vector<1x16xf32>,
      %swap3A_159 = vector.shape_cast %swap3A_158 : vector<1x16xf32> to vector<16xf32>
      %swap3A_160 = vector.shape_cast %broadcast_in_dim3A_64 : vector<16xf32> to vector<1x16xf32>
      tpu.vector_store %arg7[%swap3A_156, %swap3A_157], %swap3A_160 {strides = array<i32>} : memref<64x128xf32, #tpu.memory_space<vmem>>, vector<1x16xf32>,
      %swap3A_161 = arith.index_cast %scan3A_146 : i32 to index
      %swap3A_162 = arith.constant 48 : index
      %swap3A_163 = tpu.vector_load %arg7[%swap3A_161, %swap3A_162] {strides = array<i32>} : memref<64x128xf32, #tpu.memory_space<vmem>>, vector<1x16xf32>,
      %swap3A_164 = vector.shape_cast %swap3A_163 : vector<1x16xf32> to vector<16xf32>
      %swap3A_165 = vector.shape_cast %broadcast_in_dim3A_64 : vector<16xf32> to vector<1x16xf32>
      tpu.vector_store %arg7[%swap3A_161, %swap3A_162], %swap3A_165 {strides = array<i32>} : memref<64x128xf32, #tpu.memory_space<vmem>>, vector<1x16xf32>,
      %swap3A_166 = arith.index_cast %scan3A_146 : i32 to index
      %swap3A_167 = arith.constant 64 : index
      %swap3A_168 = tpu.vector_load %arg7[%swap3A_166, %swap3A_167] {strides = array<i32>} : memref<64x128xf32, #tpu.memory_space<vmem>>, vector<1x16xf32>,
      %swap3A_169 = vector.shape_cast %swap3A_168 : vector<1x16xf32> to vector<16xf32>
      %swap3A_170 = vector.shape_cast %broadcast_in_dim3A_64 : vector<16xf32> to vector<1x16xf32>
      tpu.vector_store %arg7[%swap3A_166, %swap3A_167], %swap3A_170 {strides = array<i32>} : memref<64x128xf32, #tpu.memory_space<vmem>>, vector<1x16xf32>,
      %swap3A_171 = arith.index_cast %scan3A_146 : i32 to index
      %swap3A_172 = arith.constant 80 : index
      %swap3A_173 = tpu.vector_load %arg7[%swap3A_171, %swap3A_172] {strides = array<i32>} : memref<64x128xf32, #tpu.memory_space<vmem>>, vector<1x16xf32>,
      %swap3A_174 = vector.shape_cast %swap3A_173 : vector<1x16xf32> to vector<16xf32>
      %swap3A_175 = vector.shape_cast %broadcast_in_dim3A_64 : vector<16xf32> to vector<1x16xf32>
      tpu.vector_store %arg7[%swap3A_171, %swap3A_172], %swap3A_175 {strides = array<i32>} : memref<64x128xf32, #tpu.memory_space<vmem>>, vector<1x16xf32>,
      %swap3A_176 = arith.index_cast %scan3A_146 : i32 to index
      %swap3A_177 = arith.constant 96 : index
      %swap3A_178 = tpu.vector_load %arg7[%swap3A_176, %swap3A_177] {strides = array<i32>} : memref<64x128xf32, #tpu.memory_space<vmem>>, vector<1x16xf32>,
      %swap3A_179 = vector.shape_cast %swap3A_178 : vector<1x16xf32> to vector<16xf32>
      %swap3A_180 = vector.shape_cast %broadcast_in_dim3A_64 : vector<16xf32> to vector<1x16xf32>
      tpu.vector_store %arg7[%swap3A_176, %swap3A_177], %swap3A_180 {strides = array<i32>} : memref<64x128xf32, #tpu.memory_space<vmem>>, vector<1x16xf32>,
      %swap3A_181 = arith.index_cast %scan3A_146 : i32 to index
      %swap3A_182 = arith.constant 112 : index
      %swap3A_183 = tpu.vector_load %arg7[%swap3A_181, %swap3A_182] {strides = array<i32>} : memref<64x128xf32, #tpu.memory_space<vmem>>, vector<1x16xf32>,
      %swap3A_184 = vector.shape_cast %swap3A_183 : vector<1x16xf32> to vector<16xf32>
      %swap3A_185 = vector.shape_cast %broadcast_in_dim3A_64 : vector<16xf32> to vector<1x16xf32>
      tpu.vector_store %arg7[%swap3A_181, %swap3A_182], %swap3A_185 {strides = array<i32>} : memref<64x128xf32, #tpu.memory_space<vmem>>, vector<1x16xf32>,
    }
    %scan3A_68 = arith.constant 64 : i32
    %mul3A_69 = arith.constant 640 : i32
    %mul3A_70 = arith.muli %arg1, %mul3A_69 : i32
    %add3A_71 = arith.constant 0 : i32
    %add3A_72 = arith.addi %mul3A_70, %add3A_71 : i32
    "tpu.region"() ({
      %run_scoped3A = tpu.sem_alloc : memref<!tpu.dma_semaphore, #tpu.memory_space<semaphore_mem>>
      %dma_start3A_146 = arith.constant 0 : i32
      %dma_start3A_147 = tpu.memref_slice %arg8[%add3A_72, %dma_start3A_146] : memref<10240x128xf32, #tpu.memory_space<vmem_shared>> -> memref<64x128xf32, #tpu.memory_space<vmem_shared>>
      %dma_start3A_148 = arith.constant 0 : i32
      %dma_start3A_149 = tpu.memref_slice %arg8[%add3A_72, %dma_start3A_148] : memref<10240x128xf32, #tpu.memory_space<vmem_shared>> -> memref<64x128xf32, #tpu.memory_space<vmem_shared>>
      tpu.enqueue_dma source(%arg7 : memref<64x128xf32, #tpu.memory_space<vmem>>) target(%dma_start3A_149 : memref<64x128xf32, #tpu.memory_space<vmem_shared>>) target_semaphore(%run_scoped3A : memref<!tpu.dma_semaphore, #tpu.memory_space<semaphore_mem>>)
      %dma_wait3A_150 = arith.constant 0 : i32
      %dma_wait3A_151 = tpu.memref_slice %arg8[%add3A_72, %dma_wait3A_150] : memref<10240x128xf32, #tpu.memory_space<vmem_shared>> -> memref<64x128xf32, #tpu.memory_space<vmem_shared>>
      %dma_wait3A_152 = arith.constant 0 : i32
      %dma_wait3A_153 = tpu.memref_slice %arg8[%add3A_72, %dma_wait3A_152] : memref<10240x128xf32, #tpu.memory_space<vmem_shared>> -> memref<64x128xf32, #tpu.memory_space<vmem_shared>>
      tpu.wait_dma2 semaphore(%run_scoped3A : memref<!tpu.dma_semaphore, #tpu.memory_space<semaphore_mem>>) src(%arg7 : memref<64x128xf32, #tpu.memory_space<vmem>>) dst(%dma_wait3A_153 : memref<64x128xf32, #tpu.memory_space<vmem_shared>>)
      tpu.yield
    }) : () -> ()
    %mul3A_73 = arith.constant 640 : i32
    %mul3A_74 = arith.muli %arg1, %mul3A_73 : i32
    %add3A_75 = arith.constant 64 : i32
    %add3A_76 = arith.addi %mul3A_74, %add3A_75 : i32
    "tpu.region"() ({
      %run_scoped3A = tpu.sem_alloc : memref<!tpu.dma_semaphore, #tpu.memory_space<semaphore_mem>>
      %dma_start3A_146 = arith.constant 0 : i32
      %dma_start3A_147 = tpu.memref_slice %arg8[%add3A_76, %dma_start3A_146] : memref<10240x128xf32, #tpu.memory_space<vmem_shared>> -> memref<64x128xf32, #tpu.memory_space<vmem_shared>>
      %dma_start3A_148 = arith.constant 0 : i32
      %dma_start3A_149 = tpu.memref_slice %arg8[%add3A_76, %dma_start3A_148] : memref<10240x128xf32, #tpu.memory_space<vmem_shared>> -> memref<64x128xf32, #tpu.memory_space<vmem_shared>>
      tpu.enqueue_dma source(%arg7 : memref<64x128xf32, #tpu.memory_space<vmem>>) target(%dma_start3A_149 : memref<64x128xf32, #tpu.memory_space<vmem_shared>>) target_semaphore(%run_scoped3A : memref<!tpu.dma_semaphore, #tpu.memory_space<semaphore_mem>>)
      %dma_wait3A_150 = arith.constant 0 : i32
      %dma_wait3A_151 = tpu.memref_slice %arg8[%add3A_76, %dma_wait3A_150] : memref<10240x128xf32, #tpu.memory_space<vmem_shared>> -> memref<64x128xf32, #tpu.memory_space<vmem_shared>>
      %dma_wait3A_152 = arith.constant 0 : i32
      %dma_wait3A_153 = tpu.memref_slice %arg8[%add3A_76, %dma_wait3A_152] : memref<10240x128xf32, #tpu.memory_space<vmem_shared>> -> memref<64x128xf32, #tpu.memory_space<vmem_shared>>
      tpu.wait_dma2 semaphore(%run_scoped3A : memref<!tpu.dma_semaphore, #tpu.memory_space<semaphore_mem>>) src(%arg7 : memref<64x128xf32, #tpu.memory_space<vmem>>) dst(%dma_wait3A_153 : memref<64x128xf32, #tpu.memory_space<vmem_shared>>)
      tpu.yield
    }) : () -> ()
    %mul3A_77 = arith.constant 640 : i32
    %mul3A_78 = arith.muli %arg1, %mul3A_77 : i32
    %add3A_79 = arith.constant 128 : i32
    %add3A_80 = arith.addi %mul3A_78, %add3A_79 : i32
    "tpu.region"() ({
      %run_scoped3A = tpu.sem_alloc : memref<!tpu.dma_semaphore, #tpu.memory_space<semaphore_mem>>
      %dma_start3A_146 = arith.constant 0 : i32
      %dma_start3A_147 = tpu.memref_slice %arg8[%add3A_80, %dma_start3A_146] : memref<10240x128xf32, #tpu.memory_space<vmem_shared>> -> memref<64x128xf32, #tpu.memory_space<vmem_shared>>
      %dma_start3A_148 = arith.constant 0 : i32
      %dma_start3A_149 = tpu.memref_slice %arg8[%add3A_80, %dma_start3A_148] : memref<10240x128xf32, #tpu.memory_space<vmem_shared>> -> memref<64x128xf32, #tpu.memory_space<vmem_shared>>
      tpu.enqueue_dma source(%arg7 : memref<64x128xf32, #tpu.memory_space<vmem>>) target(%dma_start3A_149 : memref<64x128xf32, #tpu.memory_space<vmem_shared>>) target_semaphore(%run_scoped3A : memref<!tpu.dma_semaphore, #tpu.memory_space<semaphore_mem>>)
      %dma_wait3A_150 = arith.constant 0 : i32
      %dma_wait3A_151 = tpu.memref_slice %arg8[%add3A_80, %dma_wait3A_150] : memref<10240x128xf32, #tpu.memory_space<vmem_shared>> -> memref<64x128xf32, #tpu.memory_space<vmem_shared>>
      %dma_wait3A_152 = arith.constant 0 : i32
      %dma_wait3A_153 = tpu.memref_slice %arg8[%add3A_80, %dma_wait3A_152] : memref<10240x128xf32, #tpu.memory_space<vmem_shared>> -> memref<64x128xf32, #tpu.memory_space<vmem_shared>>
      tpu.wait_dma2 semaphore(%run_scoped3A : memref<!tpu.dma_semaphore, #tpu.memory_space<semaphore_mem>>) src(%arg7 : memref<64x128xf32, #tpu.memory_space<vmem>>) dst(%dma_wait3A_153 : memref<64x128xf32, #tpu.memory_space<vmem_shared>>)
      tpu.yield
    }) : () -> ()
    %mul3A_81 = arith.constant 640 : i32
    %mul3A_82 = arith.muli %arg1, %mul3A_81 : i32
    %add3A_83 = arith.constant 192 : i32
    %add3A_84 = arith.addi %mul3A_82, %add3A_83 : i32
    "tpu.region"() ({
      %run_scoped3A = tpu.sem_alloc : memref<!tpu.dma_semaphore, #tpu.memory_space<semaphore_mem>>
      %dma_start3A_146 = arith.constant 0 : i32
      %dma_start3A_147 = tpu.memref_slice %arg8[%add3A_84, %dma_start3A_146] : memref<10240x128xf32, #tpu.memory_space<vmem_shared>> -> memref<64x128xf32, #tpu.memory_space<vmem_shared>>
      %dma_start3A_148 = arith.constant 0 : i32
      %dma_start3A_149 = tpu.memref_slice %arg8[%add3A_84, %dma_start3A_148] : memref<10240x128xf32, #tpu.memory_space<vmem_shared>> -> memref<64x128xf32, #tpu.memory_space<vmem_shared>>
      tpu.enqueue_dma source(%arg7 : memref<64x128xf32, #tpu.memory_space<vmem>>) target(%dma_start3A_149 : memref<64x128xf32, #tpu.memory_space<vmem_shared>>) target_semaphore(%run_scoped3A : memref<!tpu.dma_semaphore, #tpu.memory_space<semaphore_mem>>)
      %dma_wait3A_150 = arith.constant 0 : i32
      %dma_wait3A_151 = tpu.memref_slice %arg8[%add3A_84, %dma_wait3A_150] : memref<10240x128xf32, #tpu.memory_space<vmem_shared>> -> memref<64x128xf32, #tpu.memory_space<vmem_shared>>
      %dma_wait3A_152 = arith.constant 0 : i32
      %dma_wait3A_153 = tpu.memref_slice %arg8[%add3A_84, %dma_wait3A_152] : memref<10240x128xf32, #tpu.memory_space<vmem_shared>> -> memref<64x128xf32, #tpu.memory_space<vmem_shared>>
      tpu.wait_dma2 semaphore(%run_scoped3A : memref<!tpu.dma_semaphore, #tpu.memory_space<semaphore_mem>>) src(%arg7 : memref<64x128xf32, #tpu.memory_space<vmem>>) dst(%dma_wait3A_153 : memref<64x128xf32, #tpu.memory_space<vmem_shared>>)
      tpu.yield
    }) : () -> ()
    %mul3A_85 = arith.constant 640 : i32
    %mul3A_86 = arith.muli %arg1, %mul3A_85 : i32
    %add3A_87 = arith.constant 256 : i32
    %add3A_88 = arith.addi %mul3A_86, %add3A_87 : i32
    "tpu.region"() ({
      %run_scoped3A = tpu.sem_alloc : memref<!tpu.dma_semaphore, #tpu.memory_space<semaphore_mem>>
      %dma_start3A_146 = arith.constant 0 : i32
      %dma_start3A_147 = tpu.memref_slice %arg8[%add3A_88, %dma_start3A_146] : memref<10240x128xf32, #tpu.memory_space<vmem_shared>> -> memref<64x128xf32, #tpu.memory_space<vmem_shared>>
      %dma_start3A_148 = arith.constant 0 : i32
      %dma_start3A_149 = tpu.memref_slice %arg8[%add3A_88, %dma_start3A_148] : memref<10240x128xf32, #tpu.memory_space<vmem_shared>> -> memref<64x128xf32, #tpu.memory_space<vmem_shared>>
      tpu.enqueue_dma source(%arg7 : memref<64x128xf32, #tpu.memory_space<vmem>>) target(%dma_start3A_149 : memref<64x128xf32, #tpu.memory_space<vmem_shared>>) target_semaphore(%run_scoped3A : memref<!tpu.dma_semaphore, #tpu.memory_space<semaphore_mem>>)
      %dma_wait3A_150 = arith.constant 0 : i32
      %dma_wait3A_151 = tpu.memref_slice %arg8[%add3A_88, %dma_wait3A_150] : memref<10240x128xf32, #tpu.memory_space<vmem_shared>> -> memref<64x128xf32, #tpu.memory_space<vmem_shared>>
      %dma_wait3A_152 = arith.constant 0 : i32
      %dma_wait3A_153 = tpu.memref_slice %arg8[%add3A_88, %dma_wait3A_152] : memref<10240x128xf32, #tpu.memory_space<vmem_shared>> -> memref<64x128xf32, #tpu.memory_space<vmem_shared>>
      tpu.wait_dma2 semaphore(%run_scoped3A : memref<!tpu.dma_semaphore, #tpu.memory_space<semaphore_mem>>) src(%arg7 : memref<64x128xf32, #tpu.memory_space<vmem>>) dst(%dma_wait3A_153 : memref<64x128xf32, #tpu.memory_space<vmem_shared>>)
      tpu.yield
    }) : () -> ()
    %mul3A_89 = arith.constant 640 : i32
    %mul3A_90 = arith.muli %arg1, %mul3A_89 : i32
    %add3A_91 = arith.constant 320 : i32
    %add3A_92 = arith.addi %mul3A_90, %add3A_91 : i32
    "tpu.region"() ({
      %run_scoped3A = tpu.sem_alloc : memref<!tpu.dma_semaphore, #tpu.memory_space<semaphore_mem>>
      %dma_start3A_146 = arith.constant 0 : i32
      %dma_start3A_147 = tpu.memref_slice %arg8[%add3A_92, %dma_start3A_146] : memref<10240x128xf32, #tpu.memory_space<vmem_shared>> -> memref<64x128xf32, #tpu.memory_space<vmem_shared>>
      %dma_start3A_148 = arith.constant 0 : i32
      %dma_start3A_149 = tpu.memref_slice %arg8[%add3A_92, %dma_start3A_148] : memref<10240x128xf32, #tpu.memory_space<vmem_shared>> -> memref<64x128xf32, #tpu.memory_space<vmem_shared>>
      tpu.enqueue_dma source(%arg7 : memref<64x128xf32, #tpu.memory_space<vmem>>) target(%dma_start3A_149 : memref<64x128xf32, #tpu.memory_space<vmem_shared>>) target_semaphore(%run_scoped3A : memref<!tpu.dma_semaphore, #tpu.memory_space<semaphore_mem>>)
      %dma_wait3A_150 = arith.constant 0 : i32
      %dma_wait3A_151 = tpu.memref_slice %arg8[%add3A_92, %dma_wait3A_150] : memref<10240x128xf32, #tpu.memory_space<vmem_shared>> -> memref<64x128xf32, #tpu.memory_space<vmem_shared>>
      %dma_wait3A_152 = arith.constant 0 : i32
      %dma_wait3A_153 = tpu.memref_slice %arg8[%add3A_92, %dma_wait3A_152] : memref<10240x128xf32, #tpu.memory_space<vmem_shared>> -> memref<64x128xf32, #tpu.memory_space<vmem_shared>>
      tpu.wait_dma2 semaphore(%run_scoped3A : memref<!tpu.dma_semaphore, #tpu.memory_space<semaphore_mem>>) src(%arg7 : memref<64x128xf32, #tpu.memory_space<vmem>>) dst(%dma_wait3A_153 : memref<64x128xf32, #tpu.memory_space<vmem_shared>>)
      tpu.yield
    }) : () -> ()
    %mul3A_93 = arith.constant 640 : i32
    %mul3A_94 = arith.muli %arg1, %mul3A_93 : i32
    %add3A_95 = arith.constant 384 : i32
    %add3A_96 = arith.addi %mul3A_94, %add3A_95 : i32
    "tpu.region"() ({
      %run_scoped3A = tpu.sem_alloc : memref<!tpu.dma_semaphore, #tpu.memory_space<semaphore_mem>>
      %dma_start3A_146 = arith.constant 0 : i32
      %dma_start3A_147 = tpu.memref_slice %arg8[%add3A_96, %dma_start3A_146] : memref<10240x128xf32, #tpu.memory_space<vmem_shared>> -> memref<64x128xf32, #tpu.memory_space<vmem_shared>>
      %dma_start3A_148 = arith.constant 0 : i32
      %dma_start3A_149 = tpu.memref_slice %arg8[%add3A_96, %dma_start3A_148] : memref<10240x128xf32, #tpu.memory_space<vmem_shared>> -> memref<64x128xf32, #tpu.memory_space<vmem_shared>>
      tpu.enqueue_dma source(%arg7 : memref<64x128xf32, #tpu.memory_space<vmem>>) target(%dma_start3A_149 : memref<64x128xf32, #tpu.memory_space<vmem_shared>>) target_semaphore(%run_scoped3A : memref<!tpu.dma_semaphore, #tpu.memory_space<semaphore_mem>>)
      %dma_wait3A_150 = arith.constant 0 : i32
      %dma_wait3A_151 = tpu.memref_slice %arg8[%add3A_96, %dma_wait3A_150] : memref<10240x128xf32, #tpu.memory_space<vmem_shared>> -> memref<64x128xf32, #tpu.memory_space<vmem_shared>>
      %dma_wait3A_152 = arith.constant 0 : i32
      %dma_wait3A_153 = tpu.memref_slice %arg8[%add3A_96, %dma_wait3A_152] : memref<10240x128xf32, #tpu.memory_space<vmem_shared>> -> memref<64x128xf32, #tpu.memory_space<vmem_shared>>
      tpu.wait_dma2 semaphore(%run_scoped3A : memref<!tpu.dma_semaphore, #tpu.memory_space<semaphore_mem>>) src(%arg7 : memref<64x128xf32, #tpu.memory_space<vmem>>) dst(%dma_wait3A_153 : memref<64x128xf32, #tpu.memory_space<vmem_shared>>)
      tpu.yield
    }) : () -> ()
    %mul3A_97 = arith.constant 640 : i32
    %mul3A_98 = arith.muli %arg1, %mul3A_97 : i32
    %add3A_99 = arith.constant 448 : i32
    %add3A_100 = arith.addi %mul3A_98, %add3A_99 : i32
    "tpu.region"() ({
      %run_scoped3A = tpu.sem_alloc : memref<!tpu.dma_semaphore, #tpu.memory_space<semaphore_mem>>
      %dma_start3A_146 = arith.constant 0 : i32
      %dma_start3A_147 = tpu.memref_slice %arg8[%add3A_100, %dma_start3A_146] : memref<10240x128xf32, #tpu.memory_space<vmem_shared>> -> memref<64x128xf32, #tpu.memory_space<vmem_shared>>
      %dma_start3A_148 = arith.constant 0 : i32
      %dma_start3A_149 = tpu.memref_slice %arg8[%add3A_100, %dma_start3A_148] : memref<10240x128xf32, #tpu.memory_space<vmem_shared>> -> memref<64x128xf32, #tpu.memory_space<vmem_shared>>
      tpu.enqueue_dma source(%arg7 : memref<64x128xf32, #tpu.memory_space<vmem>>) target(%dma_start3A_149 : memref<64x128xf32, #tpu.memory_space<vmem_shared>>) target_semaphore(%run_scoped3A : memref<!tpu.dma_semaphore, #tpu.memory_space<semaphore_mem>>)
      %dma_wait3A_150 = arith.constant 0 : i32
      %dma_wait3A_151 = tpu.memref_slice %arg8[%add3A_100, %dma_wait3A_150] : memref<10240x128xf32, #tpu.memory_space<vmem_shared>> -> memref<64x128xf32, #tpu.memory_space<vmem_shared>>
      %dma_wait3A_152 = arith.constant 0 : i32
      %dma_wait3A_153 = tpu.memref_slice %arg8[%add3A_100, %dma_wait3A_152] : memref<10240x128xf32, #tpu.memory_space<vmem_shared>> -> memref<64x128xf32, #tpu.memory_space<vmem_shared>>
      tpu.wait_dma2 semaphore(%run_scoped3A : memref<!tpu.dma_semaphore, #tpu.memory_space<semaphore_mem>>) src(%arg7 : memref<64x128xf32, #tpu.memory_space<vmem>>) dst(%dma_wait3A_153 : memref<64x128xf32, #tpu.memory_space<vmem_shared>>)
      tpu.yield
    }) : () -> ()
    %mul3A_101 = arith.constant 640 : i32
    %mul3A_102 = arith.muli %arg1, %mul3A_101 : i32
    %add3A_103 = arith.constant 512 : i32
    %add3A_104 = arith.addi %mul3A_102, %add3A_103 : i32
    "tpu.region"() ({
      %run_scoped3A = tpu.sem_alloc : memref<!tpu.dma_semaphore, #tpu.memory_space<semaphore_mem>>
      %dma_start3A_146 = arith.constant 0 : i32
      %dma_start3A_147 = tpu.memref_slice %arg8[%add3A_104, %dma_start3A_146] : memref<10240x128xf32, #tpu.memory_space<vmem_shared>> -> memref<64x128xf32, #tpu.memory_space<vmem_shared>>
      %dma_start3A_148 = arith.constant 0 : i32
      %dma_start3A_149 = tpu.memref_slice %arg8[%add3A_104, %dma_start3A_148] : memref<10240x128xf32, #tpu.memory_space<vmem_shared>> -> memref<64x128xf32, #tpu.memory_space<vmem_shared>>
      tpu.enqueue_dma source(%arg7 : memref<64x128xf32, #tpu.memory_space<vmem>>) target(%dma_start3A_149 : memref<64x128xf32, #tpu.memory_space<vmem_shared>>) target_semaphore(%run_scoped3A : memref<!tpu.dma_semaphore, #tpu.memory_space<semaphore_mem>>)
      %dma_wait3A_150 = arith.constant 0 : i32
      %dma_wait3A_151 = tpu.memref_slice %arg8[%add3A_104, %dma_wait3A_150] : memref<10240x128xf32, #tpu.memory_space<vmem_shared>> -> memref<64x128xf32, #tpu.memory_space<vmem_shared>>
      %dma_wait3A_152 = arith.constant 0 : i32
      %dma_wait3A_153 = tpu.memref_slice %arg8[%add3A_104, %dma_wait3A_152] : memref<10240x128xf32, #tpu.memory_space<vmem_shared>> -> memref<64x128xf32, #tpu.memory_space<vmem_shared>>
      tpu.wait_dma2 semaphore(%run_scoped3A : memref<!tpu.dma_semaphore, #tpu.memory_space<semaphore_mem>>) src(%arg7 : memref<64x128xf32, #tpu.memory_space<vmem>>) dst(%dma_wait3A_153 : memref<64x128xf32, #tpu.memory_space<vmem_shared>>)
      tpu.yield
    }) : () -> ()
    %mul3A_105 = arith.constant 640 : i32
    %mul3A_106 = arith.muli %arg1, %mul3A_105 : i32
    %add3A_107 = arith.constant 576 : i32
    %add3A_108 = arith.addi %mul3A_106, %add3A_107 : i32
    "tpu.region"() ({
      %run_scoped3A = tpu.sem_alloc : memref<!tpu.dma_semaphore, #tpu.memory_space<semaphore_mem>>
      %dma_start3A_146 = arith.constant 0 : i32
      %dma_start3A_147 = tpu.memref_slice %arg8[%add3A_108, %dma_start3A_146] : memref<10240x128xf32, #tpu.memory_space<vmem_shared>> -> memref<64x128xf32, #tpu.memory_space<vmem_shared>>
      %dma_start3A_148 = arith.constant 0 : i32
      %dma_start3A_149 = tpu.memref_slice %arg8[%add3A_108, %dma_start3A_148] : memref<10240x128xf32, #tpu.memory_space<vmem_shared>> -> memref<64x128xf32, #tpu.memory_space<vmem_shared>>
      tpu.enqueue_dma source(%arg7 : memref<64x128xf32, #tpu.memory_space<vmem>>) target(%dma_start3A_149 : memref<64x128xf32, #tpu.memory_space<vmem_shared>>) target_semaphore(%run_scoped3A : memref<!tpu.dma_semaphore, #tpu.memory_space<semaphore_mem>>)
      %dma_wait3A_150 = arith.constant 0 : i32
      %dma_wait3A_151 = tpu.memref_slice %arg8[%add3A_108, %dma_wait3A_150] : memref<10240x128xf32, #tpu.memory_space<vmem_shared>> -> memref<64x128xf32, #tpu.memory_space<vmem_shared>>
      %dma_wait3A_152 = arith.constant 0 : i32
      %dma_wait3A_153 = tpu.memref_slice %arg8[%add3A_108, %dma_wait3A_152] : memref<10240x128xf32, #tpu.memory_space<vmem_shared>> -> memref<64x128xf32, #tpu.memory_space<vmem_shared>>
      tpu.wait_dma2 semaphore(%run_scoped3A : memref<!tpu.dma_semaphore, #tpu.memory_space<semaphore_mem>>) src(%arg7 : memref<64x128xf32, #tpu.memory_space<vmem>>) dst(%dma_wait3A_153 : memref<64x128xf32, #tpu.memory_space<vmem_shared>>)
      tpu.yield
    }) : () -> ()
    %barrier3A = arith.constant 0 : index
    tpu.barrier barrier_id(%barrier3A)
    %while3A = arith.constant 0 : i32
    %while3A_109 = arith.subi %add3A_4, %while3A : i32
    %while3A_110 = arith.addi %while3A, %while3A_109 : i32
    %while3A_111 = arith.constant 1 : i32
    %while3A_112 = arith.divsi %while3A_109, %while3A_111 : i32
    %while3A_113 = arith.muli %while3A_112, %while3A_111 : i32
    %while3A_114 = arith.addi %while3A, %while3A_113 : i32
    %while3A_115 = arith.constant 1 : i32
    scf.for %while3A_146 = %while3A to %while3A_114 step %while3A_115  : i32 {
      %rem3A_147 = arith.constant 2 : i32
      %rem3A_148 = arith.remsi %while3A_146, %rem3A_147 : i32
      %add3A_149 = arith.constant 1 : i32
      %add3A_150 = arith.addi %while3A_146, %add3A_149 : i32
      %rem3A_151 = arith.constant 2 : i32
      %rem3A_152 = arith.remsi %add3A_150, %rem3A_151 : i32
      %rem3A_153 = arith.constant 4 : i32
      %rem3A_154 = arith.remsi %while3A_146, %rem3A_153 : i32
      %add3A_155 = arith.constant 1 : i32
      %add3A_156 = arith.addi %while3A_146, %add3A_155 : i32
      %rem3A_157 = arith.constant 4 : i32
      %rem3A_158 = arith.remsi %add3A_156, %rem3A_157 : i32
      %add3A_159 = arith.constant 2 : i32
      %add3A_160 = arith.addi %while3A_146, %add3A_159 : i32
      %rem3A_161 = arith.constant 4 : i32
      %rem3A_162 = arith.remsi %add3A_160, %rem3A_161 : i32
      %add3A_163 = arith.constant 3 : i32
      %add3A_164 = arith.addi %while3A_146, %add3A_163 : i32
      %rem3A_165 = arith.constant 4 : i32
      %rem3A_166 = arith.remsi %add3A_164, %rem3A_165 : i32
      %add3A_167 = arith.constant 1 : i32
      %add3A_168 = arith.addi %while3A_146, %add3A_167 : i32
      %lt3A_169 = arith.cmpi slt, %add3A_168, %add3A_4 : i32
      %convert_element_type3A_170 = arith.extui %lt3A_169 : i1 to i32
      %cond3A_171 = arith.constant 0 : i32
      %cond3A_172 = arith.cmpi ne, %convert_element_type3A_170, %cond3A_171 : i32
      scf.if %cond3A_172 {
        %dma_wait3A_205 = arith.constant 0 : i32
        %dma_wait3A_206 = arith.constant 0 : i32
        %dma_wait3A_207 = arith.constant 0 : i32
        %dma_wait3A_208 = tpu.memref_slice %arg5[%rem3A_158, %dma_wait3A_206, %dma_wait3A_207] : memref<4x2x128xi32, #tpu.memory_space<vmem>> -> memref<1x2x128xi32, #tpu.memory_space<vmem>>
        %dma_wait3A_209 = tpu.memref_squeeze %dma_wait3A_208 : memref<1x2x128xi32, #tpu.memory_space<vmem>> -> memref<2x128xi32, #tpu.memory_space<vmem>>
        %dma_wait3A_210 = arith.constant 0 : i32
        %dma_wait3A_211 = arith.constant 0 : i32
        %dma_wait3A_212 = tpu.memref_slice %arg3[%dma_wait3A_205, %dma_wait3A_210, %dma_wait3A_211] : memref<2500x2x128xi32, #tpu.memory_space<hbm>> -> memref<1x2x128xi32, #tpu.memory_space<hbm>>
        %dma_wait3A_213 = tpu.memref_squeeze %dma_wait3A_212 : memref<1x2x128xi32, #tpu.memory_space<hbm>> -> memref<2x128xi32, #tpu.memory_space<hbm>>
        %dma_wait3A_214 = tpu.memref_slice %arg9[%rem3A_158] : memref<4x!tpu.dma_semaphore, #tpu.memory_space<semaphore_mem>> -> memref<1x!tpu.dma_semaphore, #tpu.memory_space<semaphore_mem>>
        %dma_wait3A_215 = tpu.memref_squeeze %dma_wait3A_214 : memref<1x!tpu.dma_semaphore, #tpu.memory_space<semaphore_mem>> -> memref<!tpu.dma_semaphore, #tpu.memory_space<semaphore_mem>>
        %dma_wait3A_216 = arith.constant 0 : i32
        %dma_wait3A_217 = arith.constant 0 : i32
        %dma_wait3A_218 = tpu.memref_slice %arg5[%rem3A_158, %dma_wait3A_216, %dma_wait3A_217] : memref<4x2x128xi32, #tpu.memory_space<vmem>> -> memref<1x2x128xi32, #tpu.memory_space<vmem>>
        %dma_wait3A_219 = tpu.memref_squeeze %dma_wait3A_218 : memref<1x2x128xi32, #tpu.memory_space<vmem>> -> memref<2x128xi32, #tpu.memory_space<vmem>>
        %dma_wait3A_220 = arith.constant 0 : i32
        %dma_wait3A_221 = arith.constant 0 : i32
        %dma_wait3A_222 = tpu.memref_slice %arg3[%dma_wait3A_205, %dma_wait3A_220, %dma_wait3A_221] : memref<2500x2x128xi32, #tpu.memory_space<hbm>> -> memref<1x2x128xi32, #tpu.memory_space<hbm>>
        %dma_wait3A_223 = tpu.memref_squeeze %dma_wait3A_222 : memref<1x2x128xi32, #tpu.memory_space<hbm>> -> memref<2x128xi32, #tpu.memory_space<hbm>>
        tpu.wait_dma2 semaphore(%dma_wait3A_215 : memref<!tpu.dma_semaphore, #tpu.memory_space<semaphore_mem>>) src(%dma_wait3A_223 : memref<2x128xi32, #tpu.memory_space<hbm>>) dst(%dma_wait3A_219 : memref<2x128xi32, #tpu.memory_space<vmem>>)
        %ge3A_224 = arith.constant 1 : i32
        %ge3A_225 = arith.cmpi sge, %while3A_146, %ge3A_224 : i32
        %convert_element_type3A_226 = arith.extui %ge3A_225 : i1 to i32
        %cond3A_227 = arith.constant 0 : i32
        %cond3A_228 = arith.cmpi ne, %convert_element_type3A_226, %cond3A_227 : i32
        scf.if %cond3A_228 {
          %dma_wait3A_242 = arith.constant 1 : i32
          %dma_wait3A_243 = arith.constant 0 : i32
          %dma_wait3A_244 = arith.constant 0 : i32
          %dma_wait3A_245 = tpu.memref_slice %arg6[%rem3A_152, %dma_wait3A_243, %dma_wait3A_244] : memref<2x128x128xf32, #tpu.memory_space<vmem>> -> memref<1x128x128xf32, #tpu.memory_space<vmem>>
          %dma_wait3A_246 = tpu.memref_squeeze %dma_wait3A_245 : memref<1x128x128xf32, #tpu.memory_space<vmem>> -> memref<128x128xf32, #tpu.memory_space<vmem>>
          %dma_wait3A_247 = arith.constant 0 : i32
          %dma_wait3A_248 = tpu.memref_slice %arg5[%rem3A_166, %dma_wait3A_242, %dma_wait3A_247] : memref<4x2x128xi32, #tpu.memory_space<vmem>> -> memref<1x1x128xi32, #tpu.memory_space<vmem>>
          %dma_wait3A_249 = tpu.memref_squeeze %dma_wait3A_248 : memref<1x1x128xi32, #tpu.memory_space<vmem>> -> memref<128xi32, #tpu.memory_space<vmem>>
          %dma_wait3A_250 = arith.constant 0 : i32
          %dma_wait3A_251 = arith.constant 0 : i32
          %dma_wait3A_252 = tpu.memref_slice %arg8[%dma_wait3A_250, %dma_wait3A_251] : memref<10240x128xf32, #tpu.memory_space<vmem_shared>> -> memref<10240x128xf32, #tpu.memory_space<vmem_shared>>
          %dma_wait3A_253 = tpu.memref_slice %arg11[%rem3A_152] : memref<2x!tpu.dma_semaphore, #tpu.memory_space<semaphore_mem>> -> memref<1x!tpu.dma_semaphore, #tpu.memory_space<semaphore_mem>>
          %dma_wait3A_254 = tpu.memref_squeeze %dma_wait3A_253 : memref<1x!tpu.dma_semaphore, #tpu.memory_space<semaphore_mem>> -> memref<!tpu.dma_semaphore, #tpu.memory_space<semaphore_mem>>
          tpu.wait_indirect_dma semaphore(%dma_wait3A_254 : memref<!tpu.dma_semaphore, #tpu.memory_space<semaphore_mem>>) src(%dma_wait3A_246 : memref<128x128xf32, #tpu.memory_space<vmem>>) dst(%dma_wait3A_252 : memref<10240x128xf32, #tpu.memory_space<vmem_shared>>)
        } else {
        }
        %dma_start3A_229 = arith.constant 0 : i32
        %dma_start3A_230 = arith.constant 0 : i32
        %dma_start3A_231 = arith.constant 0 : i32
        %dma_start3A_232 = tpu.memref_slice %arg6[%rem3A_152, %dma_start3A_230, %dma_start3A_231] : memref<2x128x128xf32, #tpu.memory_space<vmem>> -> memref<1x128x128xf32, #tpu.memory_space<vmem>>
        %dma_start3A_233 = tpu.memref_squeeze %dma_start3A_232 : memref<1x128x128xf32, #tpu.memory_space<vmem>> -> memref<128x128xf32, #tpu.memory_space<vmem>>
        %dma_start3A_234 = arith.constant 0 : i32
        %dma_start3A_235 = tpu.memref_slice %arg5[%rem3A_158, %dma_start3A_229, %dma_start3A_234] : memref<4x2x128xi32, #tpu.memory_space<vmem>> -> memref<1x1x128xi32, #tpu.memory_space<vmem>>
        %dma_start3A_236 = tpu.memref_squeeze %dma_start3A_235 : memref<1x1x128xi32, #tpu.memory_space<vmem>> -> memref<128xi32, #tpu.memory_space<vmem>>
        %dma_start3A_237 = arith.constant 0 : i32
        %dma_start3A_238 = arith.constant 0 : i32
        %dma_start3A_239 = tpu.memref_slice %arg2[%dma_start3A_237, %dma_start3A_238] : memref<10000x128xf32, #tpu.memory_space<hbm>> -> memref<10000x128xf32, #tpu.memory_space<hbm>>
        %dma_start3A_240 = tpu.memref_slice %arg10[%rem3A_152] : memref<2x!tpu.dma_semaphore, #tpu.memory_space<semaphore_mem>> -> memref<1x!tpu.dma_semaphore, #tpu.memory_space<semaphore_mem>>
        %dma_start3A_241 = tpu.memref_squeeze %dma_start3A_240 : memref<1x!tpu.dma_semaphore, #tpu.memory_space<semaphore_mem>> -> memref<!tpu.dma_semaphore, #tpu.memory_space<semaphore_mem>>
        tpu.enqueue_indirect_dma source(%dma_start3A_239 : memref<10000x128xf32, #tpu.memory_space<hbm>>) target(%dma_start3A_233 : memref<128x128xf32, #tpu.memory_space<vmem>>) offsets(%dma_start3A_236 : memref<128xi32, #tpu.memory_space<vmem>>) semaphore(%dma_start3A_241 : memref<!tpu.dma_semaphore, #tpu.memory_space<semaphore_mem>>)
      } else {
      }
      %dma_wait3A_173 = arith.constant 0 : i32
      %dma_wait3A_174 = arith.constant 0 : i32
      %dma_wait3A_175 = arith.constant 0 : i32
      %dma_wait3A_176 = tpu.memref_slice %arg6[%rem3A_148, %dma_wait3A_174, %dma_wait3A_175] : memref<2x128x128xf32, #tpu.memory_space<vmem>> -> memref<1x128x128xf32, #tpu.memory_space<vmem>>
      %dma_wait3A_177 = tpu.memref_squeeze %dma_wait3A_176 : memref<1x128x128xf32, #tpu.memory_space<vmem>> -> memref<128x128xf32, #tpu.memory_space<vmem>>
      %dma_wait3A_178 = arith.constant 0 : i32
      %dma_wait3A_179 = tpu.memref_slice %arg5[%rem3A_154, %dma_wait3A_173, %dma_wait3A_178] : memref<4x2x128xi32, #tpu.memory_space<vmem>> -> memref<1x1x128xi32, #tpu.memory_space<vmem>>
      %dma_wait3A_180 = tpu.memref_squeeze %dma_wait3A_179 : memref<1x1x128xi32, #tpu.memory_space<vmem>> -> memref<128xi32, #tpu.memory_space<vmem>>
      %dma_wait3A_181 = arith.constant 0 : i32
      %dma_wait3A_182 = arith.constant 0 : i32
      %dma_wait3A_183 = tpu.memref_slice %arg2[%dma_wait3A_181, %dma_wait3A_182] : memref<10000x128xf32, #tpu.memory_space<hbm>> -> memref<10000x128xf32, #tpu.memory_space<hbm>>
      %dma_wait3A_184 = tpu.memref_slice %arg10[%rem3A_148] : memref<2x!tpu.dma_semaphore, #tpu.memory_space<semaphore_mem>> -> memref<1x!tpu.dma_semaphore, #tpu.memory_space<semaphore_mem>>
      %dma_wait3A_185 = tpu.memref_squeeze %dma_wait3A_184 : memref<1x!tpu.dma_semaphore, #tpu.memory_space<semaphore_mem>> -> memref<!tpu.dma_semaphore, #tpu.memory_space<semaphore_mem>>
      tpu.wait_indirect_dma semaphore(%dma_wait3A_185 : memref<!tpu.dma_semaphore, #tpu.memory_space<semaphore_mem>>) src(%dma_wait3A_183 : memref<10000x128xf32, #tpu.memory_space<hbm>>) dst(%dma_wait3A_177 : memref<128x128xf32, #tpu.memory_space<vmem>>)
      %dma_start3A_186 = arith.constant 1 : i32
      %dma_start3A_187 = arith.constant 0 : i32
      %dma_start3A_188 = arith.constant 0 : i32
      %dma_start3A_189 = tpu.memref_slice %arg6[%rem3A_148, %dma_start3A_187, %dma_start3A_188] : memref<2x128x128xf32, #tpu.memory_space<vmem>> -> memref<1x128x128xf32, #tpu.memory_space<vmem>>
      %dma_start3A_190 = tpu.memref_squeeze %dma_start3A_189 : memref<1x128x128xf32, #tpu.memory_space<vmem>> -> memref<128x128xf32, #tpu.memory_space<vmem>>
      %dma_start3A_191 = arith.constant 0 : i32
      %dma_start3A_192 = tpu.memref_slice %arg5[%rem3A_154, %dma_start3A_186, %dma_start3A_191] : memref<4x2x128xi32, #tpu.memory_space<vmem>> -> memref<1x1x128xi32, #tpu.memory_space<vmem>>
      %dma_start3A_193 = tpu.memref_squeeze %dma_start3A_192 : memref<1x1x128xi32, #tpu.memory_space<vmem>> -> memref<128xi32, #tpu.memory_space<vmem>>
      %dma_start3A_194 = arith.constant 0 : i32
      %dma_start3A_195 = arith.constant 0 : i32
      %dma_start3A_196 = tpu.memref_slice %arg8[%dma_start3A_194, %dma_start3A_195] : memref<10240x128xf32, #tpu.memory_space<vmem_shared>> -> memref<10240x128xf32, #tpu.memory_space<vmem_shared>>
      %dma_start3A_197 = tpu.memref_slice %arg11[%rem3A_148] : memref<2x!tpu.dma_semaphore, #tpu.memory_space<semaphore_mem>> -> memref<1x!tpu.dma_semaphore, #tpu.memory_space<semaphore_mem>>
      %dma_start3A_198 = tpu.memref_squeeze %dma_start3A_197 : memref<1x!tpu.dma_semaphore, #tpu.memory_space<semaphore_mem>> -> memref<!tpu.dma_semaphore, #tpu.memory_space<semaphore_mem>>
      tpu.enqueue_indirect_dma source(%dma_start3A_190 : memref<128x128xf32, #tpu.memory_space<vmem>>) target(%dma_start3A_196 : memref<10240x128xf32, #tpu.memory_space<vmem_shared>>) offsets(%dma_start3A_193 : memref<128xi32, #tpu.memory_space<vmem>>) semaphore(%dma_start3A_198 : memref<!tpu.dma_semaphore, #tpu.memory_space<semaphore_mem>>) {add = true}
      %add3A_199 = arith.constant 2 : i32
      %add3A_200 = arith.addi %while3A_146, %add3A_199 : i32
      %lt3A_201 = arith.cmpi slt, %add3A_200, %add3A_4 : i32
      %convert_element_type3A_202 = arith.extui %lt3A_201 : i1 to i32
      %cond3A_203 = arith.constant 0 : i32
      %cond3A_204 = arith.cmpi ne, %convert_element_type3A_202, %cond3A_203 : i32
      scf.if %cond3A_204 {
        %add3A_205 = arith.constant 2 : i32
        %add3A_206 = arith.addi %while3A_146, %add3A_205 : i32
        %mul3A_207 = arith.constant 32 : i32
        %mul3A_208 = arith.muli %mul3A_207, %add3A_206 : i32
        %add3A_209 = arith.addi %add3A, %mul3A_208 : i32
        %dma_start3A_210 = arith.constant 0 : i32
        %dma_start3A_211 = arith.constant 0 : i32
        %dma_start3A_212 = tpu.memref_slice %arg5[%rem3A_162, %dma_start3A_210, %dma_start3A_211] : memref<4x2x128xi32, #tpu.memory_space<vmem>> -> memref<1x2x128xi32, #tpu.memory_space<vmem>>
        %dma_start3A_213 = tpu.memref_squeeze %dma_start3A_212 : memref<1x2x128xi32, #tpu.memory_space<vmem>> -> memref<2x128xi32, #tpu.memory_space<vmem>>
        %dma_start3A_214 = arith.constant 0 : i32
        %dma_start3A_215 = arith.constant 0 : i32
        %dma_start3A_216 = tpu.memref_slice %arg3[%add3A_209, %dma_start3A_214, %dma_start3A_215] : memref<2500x2x128xi32, #tpu.memory_space<hbm>> -> memref<1x2x128xi32, #tpu.memory_space<hbm>>
        %dma_start3A_217 = tpu.memref_squeeze %dma_start3A_216 : memref<1x2x128xi32, #tpu.memory_space<hbm>> -> memref<2x128xi32, #tpu.memory_space<hbm>>
        %dma_start3A_218 = tpu.memref_slice %arg9[%rem3A_162] : memref<4x!tpu.dma_semaphore, #tpu.memory_space<semaphore_mem>> -> memref<1x!tpu.dma_semaphore, #tpu.memory_space<semaphore_mem>>
        %dma_start3A_219 = tpu.memref_squeeze %dma_start3A_218 : memref<1x!tpu.dma_semaphore, #tpu.memory_space<semaphore_mem>> -> memref<!tpu.dma_semaphore, #tpu.memory_space<semaphore_mem>>
        %dma_start3A_220 = arith.constant 0 : i32
        %dma_start3A_221 = arith.constant 0 : i32
        %dma_start3A_222 = tpu.memref_slice %arg5[%rem3A_162, %dma_start3A_220, %dma_start3A_221] : memref<4x2x128xi32, #tpu.memory_space<vmem>> -> memref<1x2x128xi32, #tpu.memory_space<vmem>>
        %dma_start3A_223 = tpu.memref_squeeze %dma_start3A_222 : memref<1x2x128xi32, #tpu.memory_space<vmem>> -> memref<2x128xi32, #tpu.memory_space<vmem>>
        %dma_start3A_224 = arith.constant 0 : i32
        %dma_start3A_225 = arith.constant 0 : i32
        %dma_start3A_226 = tpu.memref_slice %arg3[%add3A_209, %dma_start3A_224, %dma_start3A_225] : memref<2500x2x128xi32, #tpu.memory_space<hbm>> -> memref<1x2x128xi32, #tpu.memory_space<hbm>>
        %dma_start3A_227 = tpu.memref_squeeze %dma_start3A_226 : memref<1x2x128xi32, #tpu.memory_space<hbm>> -> memref<2x128xi32, #tpu.memory_space<hbm>>
        tpu.enqueue_dma source(%dma_start3A_227 : memref<2x128xi32, #tpu.memory_space<hbm>>) target(%dma_start3A_223 : memref<2x128xi32, #tpu.memory_space<vmem>>) target_semaphore(%dma_start3A_219 : memref<!tpu.dma_semaphore, #tpu.memory_space<semaphore_mem>>)
      } else {
      }
    }
    %while3A_116 = arith.constant 1 : i32
    scf.for %while3A_146 = %while3A_114 to %while3A_110 step %while3A_116  : i32 {
      %rem3A_147 = arith.constant 2 : i32
      %rem3A_148 = arith.remsi %while3A_146, %rem3A_147 : i32
      %add3A_149 = arith.constant 1 : i32
      %add3A_150 = arith.addi %while3A_146, %add3A_149 : i32
      %rem3A_151 = arith.constant 2 : i32
      %rem3A_152 = arith.remsi %add3A_150, %rem3A_151 : i32
      %rem3A_153 = arith.constant 4 : i32
      %rem3A_154 = arith.remsi %while3A_146, %rem3A_153 : i32
      %add3A_155 = arith.constant 1 : i32
      %add3A_156 = arith.addi %while3A_146, %add3A_155 : i32
      %rem3A_157 = arith.constant 4 : i32
      %rem3A_158 = arith.remsi %add3A_156, %rem3A_157 : i32
      %add3A_159 = arith.constant 2 : i32
      %add3A_160 = arith.addi %while3A_146, %add3A_159 : i32
      %rem3A_161 = arith.constant 4 : i32
      %rem3A_162 = arith.remsi %add3A_160, %rem3A_161 : i32
      %add3A_163 = arith.constant 3 : i32
      %add3A_164 = arith.addi %while3A_146, %add3A_163 : i32
      %rem3A_165 = arith.constant 4 : i32
      %rem3A_166 = arith.remsi %add3A_164, %rem3A_165 : i32
      %add3A_167 = arith.constant 1 : i32
      %add3A_168 = arith.addi %while3A_146, %add3A_167 : i32
      %lt3A_169 = arith.cmpi slt, %add3A_168, %add3A_4 : i32
      %convert_element_type3A_170 = arith.extui %lt3A_169 : i1 to i32
      %cond3A_171 = arith.constant 0 : i32
      %cond3A_172 = arith.cmpi ne, %convert_element_type3A_170, %cond3A_171 : i32
      scf.if %cond3A_172 {
        %dma_wait3A_205 = arith.constant 0 : i32
        %dma_wait3A_206 = arith.constant 0 : i32
        %dma_wait3A_207 = arith.constant 0 : i32
        %dma_wait3A_208 = tpu.memref_slice %arg5[%rem3A_158, %dma_wait3A_206, %dma_wait3A_207] : memref<4x2x128xi32, #tpu.memory_space<vmem>> -> memref<1x2x128xi32, #tpu.memory_space<vmem>>
        %dma_wait3A_209 = tpu.memref_squeeze %dma_wait3A_208 : memref<1x2x128xi32, #tpu.memory_space<vmem>> -> memref<2x128xi32, #tpu.memory_space<vmem>>
        %dma_wait3A_210 = arith.constant 0 : i32
        %dma_wait3A_211 = arith.constant 0 : i32
        %dma_wait3A_212 = tpu.memref_slice %arg3[%dma_wait3A_205, %dma_wait3A_210, %dma_wait3A_211] : memref<2500x2x128xi32, #tpu.memory_space<hbm>> -> memref<1x2x128xi32, #tpu.memory_space<hbm>>
        %dma_wait3A_213 = tpu.memref_squeeze %dma_wait3A_212 : memref<1x2x128xi32, #tpu.memory_space<hbm>> -> memref<2x128xi32, #tpu.memory_space<hbm>>
        %dma_wait3A_214 = tpu.memref_slice %arg9[%rem3A_158] : memref<4x!tpu.dma_semaphore, #tpu.memory_space<semaphore_mem>> -> memref<1x!tpu.dma_semaphore, #tpu.memory_space<semaphore_mem>>
        %dma_wait3A_215 = tpu.memref_squeeze %dma_wait3A_214 : memref<1x!tpu.dma_semaphore, #tpu.memory_space<semaphore_mem>> -> memref<!tpu.dma_semaphore, #tpu.memory_space<semaphore_mem>>
        %dma_wait3A_216 = arith.constant 0 : i32
        %dma_wait3A_217 = arith.constant 0 : i32
        %dma_wait3A_218 = tpu.memref_slice %arg5[%rem3A_158, %dma_wait3A_216, %dma_wait3A_217] : memref<4x2x128xi32, #tpu.memory_space<vmem>> -> memref<1x2x128xi32, #tpu.memory_space<vmem>>
        %dma_wait3A_219 = tpu.memref_squeeze %dma_wait3A_218 : memref<1x2x128xi32, #tpu.memory_space<vmem>> -> memref<2x128xi32, #tpu.memory_space<vmem>>
        %dma_wait3A_220 = arith.constant 0 : i32
        %dma_wait3A_221 = arith.constant 0 : i32
        %dma_wait3A_222 = tpu.memref_slice %arg3[%dma_wait3A_205, %dma_wait3A_220, %dma_wait3A_221] : memref<2500x2x128xi32, #tpu.memory_space<hbm>> -> memref<1x2x128xi32, #tpu.memory_space<hbm>>
        %dma_wait3A_223 = tpu.memref_squeeze %dma_wait3A_222 : memref<1x2x128xi32, #tpu.memory_space<hbm>> -> memref<2x128xi32, #tpu.memory_space<hbm>>
        tpu.wait_dma2 semaphore(%dma_wait3A_215 : memref<!tpu.dma_semaphore, #tpu.memory_space<semaphore_mem>>) src(%dma_wait3A_223 : memref<2x128xi32, #tpu.memory_space<hbm>>) dst(%dma_wait3A_219 : memref<2x128xi32, #tpu.memory_space<vmem>>)
        %ge3A_224 = arith.constant 1 : i32
        %ge3A_225 = arith.cmpi sge, %while3A_146, %ge3A_224 : i32
        %convert_element_type3A_226 = arith.extui %ge3A_225 : i1 to i32
        %cond3A_227 = arith.constant 0 : i32
        %cond3A_228 = arith.cmpi ne, %convert_element_type3A_226, %cond3A_227 : i32
        scf.if %cond3A_228 {
          %dma_wait3A_242 = arith.constant 1 : i32
          %dma_wait3A_243 = arith.constant 0 : i32
          %dma_wait3A_244 = arith.constant 0 : i32
          %dma_wait3A_245 = tpu.memref_slice %arg6[%rem3A_152, %dma_wait3A_243, %dma_wait3A_244] : memref<2x128x128xf32, #tpu.memory_space<vmem>> -> memref<1x128x128xf32, #tpu.memory_space<vmem>>
          %dma_wait3A_246 = tpu.memref_squeeze %dma_wait3A_245 : memref<1x128x128xf32, #tpu.memory_space<vmem>> -> memref<128x128xf32, #tpu.memory_space<vmem>>
          %dma_wait3A_247 = arith.constant 0 : i32
          %dma_wait3A_248 = tpu.memref_slice %arg5[%rem3A_166, %dma_wait3A_242, %dma_wait3A_247] : memref<4x2x128xi32, #tpu.memory_space<vmem>> -> memref<1x1x128xi32, #tpu.memory_space<vmem>>
          %dma_wait3A_249 = tpu.memref_squeeze %dma_wait3A_248 : memref<1x1x128xi32, #tpu.memory_space<vmem>> -> memref<128xi32, #tpu.memory_space<vmem>>
          %dma_wait3A_250 = arith.constant 0 : i32
          %dma_wait3A_251 = arith.constant 0 : i32
          %dma_wait3A_252 = tpu.memref_slice %arg8[%dma_wait3A_250, %dma_wait3A_251] : memref<10240x128xf32, #tpu.memory_space<vmem_shared>> -> memref<10240x128xf32, #tpu.memory_space<vmem_shared>>
          %dma_wait3A_253 = tpu.memref_slice %arg11[%rem3A_152] : memref<2x!tpu.dma_semaphore, #tpu.memory_space<semaphore_mem>> -> memref<1x!tpu.dma_semaphore, #tpu.memory_space<semaphore_mem>>
          %dma_wait3A_254 = tpu.memref_squeeze %dma_wait3A_253 : memref<1x!tpu.dma_semaphore, #tpu.memory_space<semaphore_mem>> -> memref<!tpu.dma_semaphore, #tpu.memory_space<semaphore_mem>>
          tpu.wait_indirect_dma semaphore(%dma_wait3A_254 : memref<!tpu.dma_semaphore, #tpu.memory_space<semaphore_mem>>) src(%dma_wait3A_246 : memref<128x128xf32, #tpu.memory_space<vmem>>) dst(%dma_wait3A_252 : memref<10240x128xf32, #tpu.memory_space<vmem_shared>>)
        } else {
        }
        %dma_start3A_229 = arith.constant 0 : i32
        %dma_start3A_230 = arith.constant 0 : i32
        %dma_start3A_231 = arith.constant 0 : i32
        %dma_start3A_232 = tpu.memref_slice %arg6[%rem3A_152, %dma_start3A_230, %dma_start3A_231] : memref<2x128x128xf32, #tpu.memory_space<vmem>> -> memref<1x128x128xf32, #tpu.memory_space<vmem>>
        %dma_start3A_233 = tpu.memref_squeeze %dma_start3A_232 : memref<1x128x128xf32, #tpu.memory_space<vmem>> -> memref<128x128xf32, #tpu.memory_space<vmem>>
        %dma_start3A_234 = arith.constant 0 : i32
        %dma_start3A_235 = tpu.memref_slice %arg5[%rem3A_158, %dma_start3A_229, %dma_start3A_234] : memref<4x2x128xi32, #tpu.memory_space<vmem>> -> memref<1x1x128xi32, #tpu.memory_space<vmem>>
        %dma_start3A_236 = tpu.memref_squeeze %dma_start3A_235 : memref<1x1x128xi32, #tpu.memory_space<vmem>> -> memref<128xi32, #tpu.memory_space<vmem>>
        %dma_start3A_237 = arith.constant 0 : i32
        %dma_start3A_238 = arith.constant 0 : i32
        %dma_start3A_239 = tpu.memref_slice %arg2[%dma_start3A_237, %dma_start3A_238] : memref<10000x128xf32, #tpu.memory_space<hbm>> -> memref<10000x128xf32, #tpu.memory_space<hbm>>
        %dma_start3A_240 = tpu.memref_slice %arg10[%rem3A_152] : memref<2x!tpu.dma_semaphore, #tpu.memory_space<semaphore_mem>> -> memref<1x!tpu.dma_semaphore, #tpu.memory_space<semaphore_mem>>
        %dma_start3A_241 = tpu.memref_squeeze %dma_start3A_240 : memref<1x!tpu.dma_semaphore, #tpu.memory_space<semaphore_mem>> -> memref<!tpu.dma_semaphore, #tpu.memory_space<semaphore_mem>>
        tpu.enqueue_indirect_dma source(%dma_start3A_239 : memref<10000x128xf32, #tpu.memory_space<hbm>>) target(%dma_start3A_233 : memref<128x128xf32, #tpu.memory_space<vmem>>) offsets(%dma_start3A_236 : memref<128xi32, #tpu.memory_space<vmem>>) semaphore(%dma_start3A_241 : memref<!tpu.dma_semaphore, #tpu.memory_space<semaphore_mem>>)
      } else {
      }
      %dma_wait3A_173 = arith.constant 0 : i32
      %dma_wait3A_174 = arith.constant 0 : i32
      %dma_wait3A_175 = arith.constant 0 : i32
      %dma_wait3A_176 = tpu.memref_slice %arg6[%rem3A_148, %dma_wait3A_174, %dma_wait3A_175] : memref<2x128x128xf32, #tpu.memory_space<vmem>> -> memref<1x128x128xf32, #tpu.memory_space<vmem>>
      %dma_wait3A_177 = tpu.memref_squeeze %dma_wait3A_176 : memref<1x128x128xf32, #tpu.memory_space<vmem>> -> memref<128x128xf32, #tpu.memory_space<vmem>>
      %dma_wait3A_178 = arith.constant 0 : i32
      %dma_wait3A_179 = tpu.memref_slice %arg5[%rem3A_154, %dma_wait3A_173, %dma_wait3A_178] : memref<4x2x128xi32, #tpu.memory_space<vmem>> -> memref<1x1x128xi32, #tpu.memory_space<vmem>>
      %dma_wait3A_180 = tpu.memref_squeeze %dma_wait3A_179 : memref<1x1x128xi32, #tpu.memory_space<vmem>> -> memref<128xi32, #tpu.memory_space<vmem>>
      %dma_wait3A_181 = arith.constant 0 : i32
      %dma_wait3A_182 = arith.constant 0 : i32
      %dma_wait3A_183 = tpu.memref_slice %arg2[%dma_wait3A_181, %dma_wait3A_182] : memref<10000x128xf32, #tpu.memory_space<hbm>> -> memref<10000x128xf32, #tpu.memory_space<hbm>>
      %dma_wait3A_184 = tpu.memref_slice %arg10[%rem3A_148] : memref<2x!tpu.dma_semaphore, #tpu.memory_space<semaphore_mem>> -> memref<1x!tpu.dma_semaphore, #tpu.memory_space<semaphore_mem>>
      %dma_wait3A_185 = tpu.memref_squeeze %dma_wait3A_184 : memref<1x!tpu.dma_semaphore, #tpu.memory_space<semaphore_mem>> -> memref<!tpu.dma_semaphore, #tpu.memory_space<semaphore_mem>>
      tpu.wait_indirect_dma semaphore(%dma_wait3A_185 : memref<!tpu.dma_semaphore, #tpu.memory_space<semaphore_mem>>) src(%dma_wait3A_183 : memref<10000x128xf32, #tpu.memory_space<hbm>>) dst(%dma_wait3A_177 : memref<128x128xf32, #tpu.memory_space<vmem>>)
      %dma_start3A_186 = arith.constant 1 : i32
      %dma_start3A_187 = arith.constant 0 : i32
      %dma_start3A_188 = arith.constant 0 : i32
      %dma_start3A_189 = tpu.memref_slice %arg6[%rem3A_148, %dma_start3A_187, %dma_start3A_188] : memref<2x128x128xf32, #tpu.memory_space<vmem>> -> memref<1x128x128xf32, #tpu.memory_space<vmem>>
      %dma_start3A_190 = tpu.memref_squeeze %dma_start3A_189 : memref<1x128x128xf32, #tpu.memory_space<vmem>> -> memref<128x128xf32, #tpu.memory_space<vmem>>
      %dma_start3A_191 = arith.constant 0 : i32
      %dma_start3A_192 = tpu.memref_slice %arg5[%rem3A_154, %dma_start3A_186, %dma_start3A_191] : memref<4x2x128xi32, #tpu.memory_space<vmem>> -> memref<1x1x128xi32, #tpu.memory_space<vmem>>
      %dma_start3A_193 = tpu.memref_squeeze %dma_start3A_192 : memref<1x1x128xi32, #tpu.memory_space<vmem>> -> memref<128xi32, #tpu.memory_space<vmem>>
      %dma_start3A_194 = arith.constant 0 : i32
      %dma_start3A_195 = arith.constant 0 : i32
      %dma_start3A_196 = tpu.memref_slice %arg8[%dma_start3A_194, %dma_start3A_195] : memref<10240x128xf32, #tpu.memory_space<vmem_shared>> -> memref<10240x128xf32, #tpu.memory_space<vmem_shared>>
      %dma_start3A_197 = tpu.memref_slice %arg11[%rem3A_148] : memref<2x!tpu.dma_semaphore, #tpu.memory_space<semaphore_mem>> -> memref<1x!tpu.dma_semaphore, #tpu.memory_space<semaphore_mem>>
      %dma_start3A_198 = tpu.memref_squeeze %dma_start3A_197 : memref<1x!tpu.dma_semaphore, #tpu.memory_space<semaphore_mem>> -> memref<!tpu.dma_semaphore, #tpu.memory_space<semaphore_mem>>
      tpu.enqueue_indirect_dma source(%dma_start3A_190 : memref<128x128xf32, #tpu.memory_space<vmem>>) target(%dma_start3A_196 : memref<10240x128xf32, #tpu.memory_space<vmem_shared>>) offsets(%dma_start3A_193 : memref<128xi32, #tpu.memory_space<vmem>>) semaphore(%dma_start3A_198 : memref<!tpu.dma_semaphore, #tpu.memory_space<semaphore_mem>>) {add = true}
      %add3A_199 = arith.constant 2 : i32
      %add3A_200 = arith.addi %while3A_146, %add3A_199 : i32
      %lt3A_201 = arith.cmpi slt, %add3A_200, %add3A_4 : i32
      %convert_element_type3A_202 = arith.extui %lt3A_201 : i1 to i32
      %cond3A_203 = arith.constant 0 : i32
      %cond3A_204 = arith.cmpi ne, %convert_element_type3A_202, %cond3A_203 : i32
      scf.if %cond3A_204 {
        %add3A_205 = arith.constant 2 : i32
        %add3A_206 = arith.addi %while3A_146, %add3A_205 : i32
        %mul3A_207 = arith.constant 32 : i32
        %mul3A_208 = arith.muli %mul3A_207, %add3A_206 : i32
        %add3A_209 = arith.addi %add3A, %mul3A_208 : i32
        %dma_start3A_210 = arith.constant 0 : i32
        %dma_start3A_211 = arith.constant 0 : i32
        %dma_start3A_212 = tpu.memref_slice %arg5[%rem3A_162, %dma_start3A_210, %dma_start3A_211] : memref<4x2x128xi32, #tpu.memory_space<vmem>> -> memref<1x2x128xi32, #tpu.memory_space<vmem>>
        %dma_start3A_213 = tpu.memref_squeeze %dma_start3A_212 : memref<1x2x128xi32, #tpu.memory_space<vmem>> -> memref<2x128xi32, #tpu.memory_space<vmem>>
        %dma_start3A_214 = arith.constant 0 : i32
        %dma_start3A_215 = arith.constant 0 : i32
        %dma_start3A_216 = tpu.memref_slice %arg3[%add3A_209, %dma_start3A_214, %dma_start3A_215] : memref<2500x2x128xi32, #tpu.memory_space<hbm>> -> memref<1x2x128xi32, #tpu.memory_space<hbm>>
        %dma_start3A_217 = tpu.memref_squeeze %dma_start3A_216 : memref<1x2x128xi32, #tpu.memory_space<hbm>> -> memref<2x128xi32, #tpu.memory_space<hbm>>
        %dma_start3A_218 = tpu.memref_slice %arg9[%rem3A_162] : memref<4x!tpu.dma_semaphore, #tpu.memory_space<semaphore_mem>> -> memref<1x!tpu.dma_semaphore, #tpu.memory_space<semaphore_mem>>
        %dma_start3A_219 = tpu.memref_squeeze %dma_start3A_218 : memref<1x!tpu.dma_semaphore, #tpu.memory_space<semaphore_mem>> -> memref<!tpu.dma_semaphore, #tpu.memory_space<semaphore_mem>>
        %dma_start3A_220 = arith.constant 0 : i32
        %dma_start3A_221 = arith.constant 0 : i32
        %dma_start3A_222 = tpu.memref_slice %arg5[%rem3A_162, %dma_start3A_220, %dma_start3A_221] : memref<4x2x128xi32, #tpu.memory_space<vmem>> -> memref<1x2x128xi32, #tpu.memory_space<vmem>>
        %dma_start3A_223 = tpu.memref_squeeze %dma_start3A_222 : memref<1x2x128xi32, #tpu.memory_space<vmem>> -> memref<2x128xi32, #tpu.memory_space<vmem>>
        %dma_start3A_224 = arith.constant 0 : i32
        %dma_start3A_225 = arith.constant 0 : i32
        %dma_start3A_226 = tpu.memref_slice %arg3[%add3A_209, %dma_start3A_224, %dma_start3A_225] : memref<2500x2x128xi32, #tpu.memory_space<hbm>> -> memref<1x2x128xi32, #tpu.memory_space<hbm>>
        %dma_start3A_227 = tpu.memref_squeeze %dma_start3A_226 : memref<1x2x128xi32, #tpu.memory_space<hbm>> -> memref<2x128xi32, #tpu.memory_space<hbm>>
        tpu.enqueue_dma source(%dma_start3A_227 : memref<2x128xi32, #tpu.memory_space<hbm>>) target(%dma_start3A_223 : memref<2x128xi32, #tpu.memory_space<vmem>>) target_semaphore(%dma_start3A_219 : memref<!tpu.dma_semaphore, #tpu.memory_space<semaphore_mem>>)
      } else {
      }
    }
    %ge3A = arith.constant 2 : i32
    %ge3A_117 = arith.cmpi sge, %add3A_4, %ge3A : i32
    %convert_element_type3A_118 = arith.extui %ge3A_117 : i1 to i32
    %cond3A_119 = arith.constant 0 : i32
    %cond3A_120 = arith.cmpi ne, %convert_element_type3A_118, %cond3A_119 : i32
    scf.if %cond3A_120 {
      %add3A_146 = arith.constant 2 : i32
      %add3A_147 = arith.addi %add3A_4, %add3A_146 : i32
      %rem3A_148 = arith.constant 4 : i32
      %rem3A_149 = arith.remsi %add3A_147, %rem3A_148 : i32
      %rem3A_150 = arith.constant 2 : i32
      %rem3A_151 = arith.remsi %add3A_4, %rem3A_150 : i32
      %dma_wait3A_152 = arith.constant 1 : i32
      %dma_wait3A_153 = arith.constant 0 : i32
      %dma_wait3A_154 = arith.constant 0 : i32
      %dma_wait3A_155 = tpu.memref_slice %arg6[%rem3A_151, %dma_wait3A_153, %dma_wait3A_154] : memref<2x128x128xf32, #tpu.memory_space<vmem>> -> memref<1x128x128xf32, #tpu.memory_space<vmem>>
      %dma_wait3A_156 = tpu.memref_squeeze %dma_wait3A_155 : memref<1x128x128xf32, #tpu.memory_space<vmem>> -> memref<128x128xf32, #tpu.memory_space<vmem>>
      %dma_wait3A_157 = arith.constant 0 : i32
      %dma_wait3A_158 = tpu.memref_slice %arg5[%rem3A_149, %dma_wait3A_152, %dma_wait3A_157] : memref<4x2x128xi32, #tpu.memory_space<vmem>> -> memref<1x1x128xi32, #tpu.memory_space<vmem>>
      %dma_wait3A_159 = tpu.memref_squeeze %dma_wait3A_158 : memref<1x1x128xi32, #tpu.memory_space<vmem>> -> memref<128xi32, #tpu.memory_space<vmem>>
      %dma_wait3A_160 = arith.constant 0 : i32
      %dma_wait3A_161 = arith.constant 0 : i32
      %dma_wait3A_162 = tpu.memref_slice %arg8[%dma_wait3A_160, %dma_wait3A_161] : memref<10240x128xf32, #tpu.memory_space<vmem_shared>> -> memref<10240x128xf32, #tpu.memory_space<vmem_shared>>
      %dma_wait3A_163 = tpu.memref_slice %arg11[%rem3A_151] : memref<2x!tpu.dma_semaphore, #tpu.memory_space<semaphore_mem>> -> memref<1x!tpu.dma_semaphore, #tpu.memory_space<semaphore_mem>>
      %dma_wait3A_164 = tpu.memref_squeeze %dma_wait3A_163 : memref<1x!tpu.dma_semaphore, #tpu.memory_space<semaphore_mem>> -> memref<!tpu.dma_semaphore, #tpu.memory_space<semaphore_mem>>
      tpu.wait_indirect_dma semaphore(%dma_wait3A_164 : memref<!tpu.dma_semaphore, #tpu.memory_space<semaphore_mem>>) src(%dma_wait3A_156 : memref<128x128xf32, #tpu.memory_space<vmem>>) dst(%dma_wait3A_162 : memref<10240x128xf32, #tpu.memory_space<vmem_shared>>)
    } else {
    }
    %add3A_121 = arith.constant 3 : i32
    %add3A_122 = arith.addi %add3A_4, %add3A_121 : i32
    %rem3A = arith.constant 4 : i32
    %rem3A_123 = arith.remsi %add3A_122, %rem3A : i32
    %add3A_124 = arith.constant 1 : i32
    %add3A_125 = arith.addi %add3A_4, %add3A_124 : i32
    %rem3A_126 = arith.constant 2 : i32
    %rem3A_127 = arith.remsi %add3A_125, %rem3A_126 : i32
    %dma_wait3A_128 = arith.constant 1 : i32
    %dma_wait3A_129 = arith.constant 0 : i32
    %dma_wait3A_130 = arith.constant 0 : i32
    %dma_wait3A_131 = tpu.memref_slice %arg6[%rem3A_127, %dma_wait3A_129, %dma_wait3A_130] : memref<2x128x128xf32, #tpu.memory_space<vmem>> -> memref<1x128x128xf32, #tpu.memory_space<vmem>>
    %dma_wait3A_132 = tpu.memref_squeeze %dma_wait3A_131 : memref<1x128x128xf32, #tpu.memory_space<vmem>> -> memref<128x128xf32, #tpu.memory_space<vmem>>
    %dma_wait3A_133 = arith.constant 0 : i32
    %dma_wait3A_134 = tpu.memref_slice %arg5[%rem3A_123, %dma_wait3A_128, %dma_wait3A_133] : memref<4x2x128xi32, #tpu.memory_space<vmem>> -> memref<1x1x128xi32, #tpu.memory_space<vmem>>
    %dma_wait3A_135 = tpu.memref_squeeze %dma_wait3A_134 : memref<1x1x128xi32, #tpu.memory_space<vmem>> -> memref<128xi32, #tpu.memory_space<vmem>>
    %dma_wait3A_136 = arith.constant 0 : i32
    %dma_wait3A_137 = arith.constant 0 : i32
    %dma_wait3A_138 = tpu.memref_slice %arg8[%dma_wait3A_136, %dma_wait3A_137] : memref<10240x128xf32, #tpu.memory_space<vmem_shared>> -> memref<10240x128xf32, #tpu.memory_space<vmem_shared>>
    %dma_wait3A_139 = tpu.memref_slice %arg11[%rem3A_127] : memref<2x!tpu.dma_semaphore, #tpu.memory_space<semaphore_mem>> -> memref<1x!tpu.dma_semaphore, #tpu.memory_space<semaphore_mem>>
    %dma_wait3A_140 = tpu.memref_squeeze %dma_wait3A_139 : memref<1x!tpu.dma_semaphore, #tpu.memory_space<semaphore_mem>> -> memref<!tpu.dma_semaphore, #tpu.memory_space<semaphore_mem>>
    tpu.wait_indirect_dma semaphore(%dma_wait3A_140 : memref<!tpu.dma_semaphore, #tpu.memory_space<semaphore_mem>>) src(%dma_wait3A_132 : memref<128x128xf32, #tpu.memory_space<vmem>>) dst(%dma_wait3A_138 : memref<10240x128xf32, #tpu.memory_space<vmem_shared>>)
    %barrier3A_141 = arith.constant 0 : index
    tpu.barrier barrier_id(%barrier3A_141)
    %mul3A_142 = arith.constant 640 : i32
    %mul3A_143 = arith.muli %arg1, %mul3A_142 : i32
    %mul3A_144 = arith.constant 640 : i32
    %mul3A_145 = arith.muli %arg1, %mul3A_144 : i32
    "tpu.region"() ({
      %run_scoped3A = tpu.sem_alloc : memref<!tpu.dma_semaphore, #tpu.memory_space<semaphore_mem>>
      %dma_start3A_146 = arith.constant 0 : i32
      %dma_start3A_147 = arith.constant 0 : i32
      %dma_start3A_148 = tpu.memref_slice %arg4[%arg0, %dma_start3A_146, %dma_start3A_147] : memref<2x10240x128xf32, #tpu.memory_space<hbm>> -> memref<1x10240x128xf32, #tpu.memory_space<hbm>>
      %dma_start3A_149 = tpu.memref_squeeze %dma_start3A_148 : memref<1x10240x128xf32, #tpu.memory_space<hbm>> -> memref<10240x128xf32, #tpu.memory_space<hbm>>
      %dma_start3A_150 = arith.constant 0 : i32
      %dma_start3A_151 = tpu.memref_slice %dma_start3A_149[%mul3A_145, %dma_start3A_150] : memref<10240x128xf32, #tpu.memory_space<hbm>> -> memref<640x128xf32, #tpu.memory_space<hbm>>
      %dma_start3A_152 = arith.constant 0 : i32
      %dma_start3A_153 = tpu.memref_slice %arg8[%mul3A_143, %dma_start3A_152] : memref<10240x128xf32, #tpu.memory_space<vmem_shared>> -> memref<640x128xf32, #tpu.memory_space<vmem_shared>>
      tpu.enqueue_dma source(%dma_start3A_153 : memref<640x128xf32, #tpu.memory_space<vmem_shared>>) target(%dma_start3A_151 : memref<640x128xf32, #tpu.memory_space<hbm>>) target_semaphore(%run_scoped3A : memref<!tpu.dma_semaphore, #tpu.memory_space<semaphore_mem>>)
      %dma_wait3A_154 = arith.constant 0 : i32
      %dma_wait3A_155 = arith.constant 0 : i32
      %dma_wait3A_156 = tpu.memref_slice %arg4[%arg0, %dma_wait3A_154, %dma_wait3A_155] : memref<2x10240x128xf32, #tpu.memory_space<hbm>> -> memref<1x10240x128xf32, #tpu.memory_space<hbm>>
      %dma_wait3A_157 = tpu.memref_squeeze %dma_wait3A_156 : memref<1x10240x128xf32, #tpu.memory_space<hbm>> -> memref<10240x128xf32, #tpu.memory_space<hbm>>
      %dma_wait3A_158 = arith.constant 0 : i32
      %dma_wait3A_159 = tpu.memref_slice %dma_wait3A_157[%mul3A_145, %dma_wait3A_158] : memref<10240x128xf32, #tpu.memory_space<hbm>> -> memref<640x128xf32, #tpu.memory_space<hbm>>
      %dma_wait3A_160 = arith.constant 0 : i32
      %dma_wait3A_161 = tpu.memref_slice %arg8[%mul3A_143, %dma_wait3A_160] : memref<10240x128xf32, #tpu.memory_space<vmem_shared>> -> memref<640x128xf32, #tpu.memory_space<vmem_shared>>
      tpu.wait_dma2 semaphore(%run_scoped3A : memref<!tpu.dma_semaphore, #tpu.memory_space<semaphore_mem>>) src(%dma_wait3A_161 : memref<640x128xf32, #tpu.memory_space<vmem_shared>>) dst(%dma_wait3A_159 : memref<640x128xf32, #tpu.memory_space<hbm>>)
      tpu.yield
    }) : () -> ()
    return
  }
}

module attributes {stable_mosaic.version = 14 : i64} {
  func.func @_tc_mid_body(%arg0: i32, %arg1: memref<1000x128xf32, #tpu.memory_space<vmem>>, %arg2: memref<1000x128xf32, #tpu.memory_space<vmem>>, %arg3: memref<2x1000x128xf32, #tpu.memory_space<vmem>>, %arg4: memref<1000x1xf32, #tpu.memory_space<vmem>>, %arg5: memref<1x128xf32, #tpu.memory_space<vmem>>, %arg6: memref<128x128xf32, #tpu.memory_space<vmem>>, %arg7: memref<1000x128xf32, #tpu.memory_space<vmem>>, %arg8: memref<1000x128xf32, #tpu.memory_space<vmem>>) attributes {dimension_semantics = [#tpu.dimension_semantics<arbitrary>], iteration_bounds = array<i64: 10>, scalar_prefetch = 0 : i64, scratch_operands = 0 : i64, tpu.core_type = #tpu.core_type<tc>, window_params = [{transform_indices = @transform_0, window_bounds = array<i64: 1000, 128>}, {transform_indices = @transform_1, window_bounds = array<i64: 1000, 128>}, {transform_indices = @transform_2, window_bounds = array<i64: 2, 1000, 128>}, {transform_indices = @transform_3, window_bounds = array<i64: 1000, 1>}, {pipeline_mode = #tpu.pipeline_mode<synchronous>, transform_indices = @transform_4, window_bounds = array<i64: 1, 128>}, {pipeline_mode = #tpu.pipeline_mode<synchronous>, transform_indices = @transform_5, window_bounds = array<i64: 128, 128>}, {transform_indices = @transform_6, window_bounds = array<i64: 1000, 128>}, {transform_indices = @transform_7, window_bounds = array<i64: 1000, 128>}]} {
    %get3A = arith.constant 0 : index
    %get3A_0 = arith.constant 0 : index
    %get3A_1 = vector.load %arg4[%get3A, %get3A_0] : memref<1000x1xf32, #tpu.memory_space<vmem>>, vector<1000x1xf32>
    %get3A_2 = arith.constant 0 : index
    %get3A_3 = arith.constant 0 : index
    %get3A_4 = arith.constant 0 : index
    %get3A_5 = vector.load %arg3[%get3A_2, %get3A_3, %get3A_4] : memref<2x1000x128xf32, #tpu.memory_space<vmem>>, vector<1x1000x128xf32>
    %get3A_6 = vector.shape_cast %get3A_5 : vector<1x1000x128xf32> to vector<1000x128xf32>
    %get3A_7 = arith.constant 1 : index
    %get3A_8 = arith.constant 0 : index
    %get3A_9 = arith.constant 0 : index
    %get3A_10 = vector.load %arg3[%get3A_7, %get3A_8, %get3A_9] : memref<2x1000x128xf32, #tpu.memory_space<vmem>>, vector<1x1000x128xf32>
    %get3A_11 = vector.shape_cast %get3A_10 : vector<1x1000x128xf32> to vector<1000x128xf32>
    %add3A = arith.addf %get3A_6, %get3A_11 : vector<1000x128xf32>
    %get3A_12 = arith.constant 0 : index
    %get3A_13 = arith.constant 0 : index
    %get3A_14 = vector.load %arg2[%get3A_12, %get3A_13] : memref<1000x128xf32, #tpu.memory_space<vmem>>, vector<1000x128xf32>
    %add3A_15 = arith.addf %add3A, %get3A_14 : vector<1000x128xf32>
    %mul3A = vector.broadcast %get3A_1 : vector<1000x1xf32> to vector<1000x128xf32>
    %mul3A_16 = arith.mulf %add3A_15, %mul3A : vector<1000x128xf32>
    %get3A_17 = arith.constant 0 : index
    %get3A_18 = arith.constant 0 : index
    %get3A_19 = vector.load %arg5[%get3A_17, %get3A_18] : memref<1x128xf32, #tpu.memory_space<vmem>>, vector<1x128xf32>
    %add3A_20 = vector.broadcast %get3A_19 : vector<1x128xf32> to vector<1000x128xf32>
    %add3A_21 = arith.addf %mul3A_16, %add3A_20 : vector<1000x128xf32>
    %gt3A = arith.constant 0.000000e+00 : f32
    %gt3A_22 = vector.broadcast %gt3A : f32 to vector<1000x128xf32>
    %gt3A_23 = arith.cmpf ogt, %add3A_21, %gt3A_22 : vector<1000x128xf32>
    %exp3A = math.exp %add3A_21 : vector<1000x128xf32>
    %sub3A = arith.constant 1.000000e+00 : f32
    %sub3A_24 = vector.broadcast %sub3A : f32 to vector<1000x128xf32>
    %sub3A_25 = arith.subf %exp3A, %sub3A_24 : vector<1000x128xf32>
    %select_n3A = arith.select %gt3A_23, %add3A_21, %sub3A_25 : vector<1000x128xi1>, vector<1000x128xf32>
    %get3A_26 = arith.constant 0 : index
    %get3A_27 = arith.constant 0 : index
    %get3A_28 = vector.load %arg1[%get3A_26, %get3A_27] : memref<1000x128xf32, #tpu.memory_space<vmem>>, vector<1000x128xf32>
    %mul3A_29 = arith.constant 3.000000e-01 : f32
    %mul3A_30 = vector.broadcast %mul3A_29 : f32 to vector<1000x128xf32>
    %mul3A_31 = arith.mulf %mul3A_30, %select_n3A : vector<1000x128xf32>
    %add3A_32 = arith.addf %get3A_28, %mul3A_31 : vector<1000x128xf32>
    %swap3A = arith.constant 0 : index
    %swap3A_33 = arith.constant 0 : index
    %swap3A_34 = vector.load %arg7[%swap3A, %swap3A_33] : memref<1000x128xf32, #tpu.memory_space<vmem>>, vector<1000x128xf32>
    tpu.vector_store %arg7[%swap3A, %swap3A_33], %add3A_32 {strides = array<i32>} : memref<1000x128xf32, #tpu.memory_space<vmem>>, vector<1000x128xf32>,
    %get3A_35 = arith.constant 0 : index
    %get3A_36 = arith.constant 0 : index
    %get3A_37 = vector.load %arg6[%get3A_35, %get3A_36] : memref<128x128xf32, #tpu.memory_space<vmem>>, vector<128x128xf32>
    %dot_general3A = arith.constant dense<0.000000e+00> : vector<1000x128xf32>
    %dot_general3A_38 = tpu.matmul %add3A_32, %get3A_37, %dot_general3A {dimension_numbers = #tpu.dot_dimension_numbers<[1], [0], [0], [1], [0, 0, 1, 1], [], []>, transpose_lhs_hint = false} : vector<1000x128xf32>, vector<128x128xf32>, vector<1000x128xf32> -> vector<1000x128xf32>
    %mul3A_39 = vector.broadcast %get3A_1 : vector<1000x1xf32> to vector<1000x128xf32>
    %mul3A_40 = arith.mulf %dot_general3A_38, %mul3A_39 : vector<1000x128xf32>
    %swap3A_41 = arith.constant 0 : index
    %swap3A_42 = arith.constant 0 : index
    %swap3A_43 = vector.load %arg8[%swap3A_41, %swap3A_42] : memref<1000x128xf32, #tpu.memory_space<vmem>>, vector<1000x128xf32>
    tpu.vector_store %arg8[%swap3A_41, %swap3A_42], %mul3A_40 {strides = array<i32>} : memref<1000x128xf32, #tpu.memory_space<vmem>>, vector<1000x128xf32>,
    return
  }
  func.func @transform_0(%arg0: i32) -> (i32, i32) {
    %c0_i32 = arith.constant 0 : i32
    %c0_i32_0 = arith.constant 0 : i32
    return %arg0, %c0_i32 : i32, i32
  }
  func.func @transform_1(%arg0: i32) -> (i32, i32) {
    %c0_i32 = arith.constant 0 : i32
    %c0_i32_0 = arith.constant 0 : i32
    return %arg0, %c0_i32 : i32, i32
  }
  func.func @transform_2(%arg0: i32) -> (i32, i32, i32) {
    %c0_i32 = arith.constant 0 : i32
    %c0_i32_0 = arith.constant 0 : i32
    %c0_i32_1 = arith.constant 0 : i32
    return %c0_i32, %arg0, %c0_i32_0 : i32, i32, i32
  }
  func.func @transform_3(%arg0: i32) -> (i32, i32) {
    %c0_i32 = arith.constant 0 : i32
    %c0_i32_0 = arith.constant 0 : i32
    return %arg0, %c0_i32 : i32, i32
  }
  func.func @transform_4(%arg0: i32) -> (i32, i32) {
    %c0_i32 = arith.constant 0 : i32
    %c0_i32_0 = arith.constant 0 : i32
    %c0_i32_1 = arith.constant 0 : i32
    return %c0_i32, %c0_i32_0 : i32, i32
  }
  func.func @transform_5(%arg0: i32) -> (i32, i32) {
    %c0_i32 = arith.constant 0 : i32
    %c0_i32_0 = arith.constant 0 : i32
    %c0_i32_1 = arith.constant 0 : i32
    return %c0_i32, %c0_i32_0 : i32, i32
  }
  func.func @transform_6(%arg0: i32) -> (i32, i32) {
    %c0_i32 = arith.constant 0 : i32
    %c0_i32_0 = arith.constant 0 : i32
    return %arg0, %c0_i32 : i32, i32
  }
  func.func @transform_7(%arg0: i32) -> (i32, i32) {
    %c0_i32 = arith.constant 0 : i32
    %c0_i32_0 = arith.constant 0 : i32
    return %arg0, %c0_i32 : i32, i32
  }
}

module attributes {stable_mosaic.version = 14 : i64} {
  func.func @_tc_input_body(%arg0: i32, %arg1: memref<1000x128xf32, #tpu.memory_space<vmem>>, %arg2: memref<128x128xf32, #tpu.memory_space<vmem>>, %arg3: memref<1x128xf32, #tpu.memory_space<vmem>>, %arg4: memref<1x128xf32, #tpu.memory_space<vmem>>, %arg5: memref<1x128xf32, #tpu.memory_space<vmem>>, %arg6: memref<128x128xf32, #tpu.memory_space<vmem>>, %arg7: memref<2x1000x128xf32, #tpu.memory_space<vmem>>, %arg8: memref<1000x128xf32, #tpu.memory_space<vmem>>, %arg9: memref<1000x128xf32, #tpu.memory_space<vmem>>, %arg10: memref<1000x1xf32, #tpu.memory_space<vmem>>) attributes {dimension_semantics = [#tpu.dimension_semantics<arbitrary>], iteration_bounds = array<i64: 10>, scalar_prefetch = 0 : i64, scratch_operands = 0 : i64, tpu.core_type = #tpu.core_type<tc>, window_params = [{transform_indices = @transform_0, window_bounds = array<i64: 1000, 128>}, {pipeline_mode = #tpu.pipeline_mode<synchronous>, transform_indices = @transform_1, window_bounds = array<i64: 128, 128>}, {pipeline_mode = #tpu.pipeline_mode<synchronous>, transform_indices = @transform_2, window_bounds = array<i64: 1, 128>}, {pipeline_mode = #tpu.pipeline_mode<synchronous>, transform_indices = @transform_3, window_bounds = array<i64: 1, 128>}, {pipeline_mode = #tpu.pipeline_mode<synchronous>, transform_indices = @transform_4, window_bounds = array<i64: 1, 128>}, {pipeline_mode = #tpu.pipeline_mode<synchronous>, transform_indices = @transform_5, window_bounds = array<i64: 128, 128>}, {transform_indices = @transform_6, window_bounds = array<i64: 2, 1000, 128>}, {transform_indices = @transform_7, window_bounds = array<i64: 1000, 128>}, {transform_indices = @transform_8, window_bounds = array<i64: 1000, 128>}, {transform_indices = @transform_9, window_bounds = array<i64: 1000, 1>}]} {
    %get3A = arith.constant 0 : index
    %get3A_0 = arith.constant 0 : index
    %get3A_1 = vector.load %arg1[%get3A, %get3A_0] : memref<1000x128xf32, #tpu.memory_space<vmem>>, vector<1000x128xf32>
    %get3A_2 = arith.constant 0 : index
    %get3A_3 = arith.constant 0 : index
    %get3A_4 = vector.load %arg2[%get3A_2, %get3A_3] : memref<128x128xf32, #tpu.memory_space<vmem>>, vector<128x128xf32>
    %dot_general3A = arith.constant dense<0.000000e+00> : vector<1000x128xf32>
    %dot_general3A_5 = tpu.matmul %get3A_1, %get3A_4, %dot_general3A {dimension_numbers = #tpu.dot_dimension_numbers<[1], [0], [0], [1], [0, 0, 1, 1], [], []>, transpose_lhs_hint = false} : vector<1000x128xf32>, vector<128x128xf32>, vector<1000x128xf32> -> vector<1000x128xf32>
    %get3A_6 = arith.constant 0 : index
    %get3A_7 = arith.constant 0 : index
    %get3A_8 = vector.load %arg3[%get3A_6, %get3A_7] : memref<1x128xf32, #tpu.memory_space<vmem>>, vector<1x128xf32>
    %add3A = vector.broadcast %get3A_8 : vector<1x128xf32> to vector<1000x128xf32>
    %add3A_9 = arith.addf %dot_general3A_5, %add3A : vector<1000x128xf32>
    %mul3A = arith.constant 0.999994993 : f32
    %mul3A_10 = vector.broadcast %mul3A : f32 to vector<1000x128xf32>
    %mul3A_11 = arith.mulf %add3A_9, %mul3A_10 : vector<1000x128xf32>
    %get3A_12 = arith.constant 0 : index
    %get3A_13 = arith.constant 0 : index
    %get3A_14 = vector.load %arg4[%get3A_12, %get3A_13] : memref<1x128xf32, #tpu.memory_space<vmem>>, vector<1x128xf32>
    %mul3A_15 = vector.broadcast %get3A_14 : vector<1x128xf32> to vector<1000x128xf32>
    %mul3A_16 = arith.mulf %mul3A_11, %mul3A_15 : vector<1000x128xf32>
    %get3A_17 = arith.constant 0 : index
    %get3A_18 = arith.constant 0 : index
    %get3A_19 = vector.load %arg5[%get3A_17, %get3A_18] : memref<1x128xf32, #tpu.memory_space<vmem>>, vector<1x128xf32>
    %add3A_20 = vector.broadcast %get3A_19 : vector<1x128xf32> to vector<1000x128xf32>
    %add3A_21 = arith.addf %mul3A_16, %add3A_20 : vector<1000x128xf32>
    %max3A = arith.constant 0.000000e+00 : f32
    %max3A_22 = vector.broadcast %max3A : f32 to vector<1000x128xf32>
    %max3A_23 = arith.maximumf %add3A_21, %max3A_22 : vector<1000x128xf32>
    %swap3A = arith.constant 0 : index
    %swap3A_24 = arith.constant 0 : index
    %swap3A_25 = vector.load %arg8[%swap3A, %swap3A_24] : memref<1000x128xf32, #tpu.memory_space<vmem>>, vector<1000x128xf32>
    tpu.vector_store %arg8[%swap3A, %swap3A_24], %max3A_23 {strides = array<i32>} : memref<1000x128xf32, #tpu.memory_space<vmem>>, vector<1000x128xf32>,
    %get3A_26 = arith.constant 0 : index
    %get3A_27 = arith.constant 0 : index
    %get3A_28 = arith.constant 0 : index
    %get3A_29 = vector.load %arg7[%get3A_26, %get3A_27, %get3A_28] : memref<2x1000x128xf32, #tpu.memory_space<vmem>>, vector<2x1000x128xf32>
    %slice3A = vector.extract_strided_slice %get3A_29 {offsets = [0, 0, 0], sizes = [1, 1000, 1], strides = [1, 1, 1]} : vector<2x1000x128xf32> to vector<1x1000x1xf32>
    %squeeze3A = vector.shape_cast %slice3A : vector<1x1000x1xf32> to vector<1000x1xf32>
    %slice3A_30 = vector.extract_strided_slice %get3A_29 {offsets = [1, 0, 0], sizes = [1, 1000, 1], strides = [1, 1, 1]} : vector<2x1000x128xf32> to vector<1x1000x1xf32>
    %squeeze3A_31 = vector.shape_cast %slice3A_30 : vector<1x1000x1xf32> to vector<1000x1xf32>
    %add3A_32 = arith.addf %squeeze3A, %squeeze3A_31 : vector<1000x1xf32>
    %add3A_33 = arith.constant 1.000000e+00 : f32
    %add3A_34 = vector.broadcast %add3A_33 : f32 to vector<1000x1xf32>
    %add3A_35 = arith.addf %add3A_32, %add3A_34 : vector<1000x1xf32>
    %rsqrt3A = math.rsqrt %add3A_35 : vector<1000x1xf32>
    %swap3A_36 = arith.constant 0 : index
    %swap3A_37 = arith.constant 0 : index
    %swap3A_38 = vector.load %arg10[%swap3A_36, %swap3A_37] : memref<1000x1xf32, #tpu.memory_space<vmem>>, vector<1000x1xf32>
    tpu.vector_store %arg10[%swap3A_36, %swap3A_37], %rsqrt3A {strides = array<i32>} : memref<1000x1xf32, #tpu.memory_space<vmem>>, vector<1000x1xf32>,
    %get3A_39 = arith.constant 0 : index
    %get3A_40 = arith.constant 0 : index
    %get3A_41 = vector.load %arg6[%get3A_39, %get3A_40] : memref<128x128xf32, #tpu.memory_space<vmem>>, vector<128x128xf32>
    %dot_general3A_42 = arith.constant dense<0.000000e+00> : vector<1000x128xf32>
    %dot_general3A_43 = tpu.matmul %max3A_23, %get3A_41, %dot_general3A_42 {dimension_numbers = #tpu.dot_dimension_numbers<[1], [0], [0], [1], [0, 0, 1, 1], [], []>, transpose_lhs_hint = false} : vector<1000x128xf32>, vector<128x128xf32>, vector<1000x128xf32> -> vector<1000x128xf32>
    %mul3A_44 = vector.broadcast %rsqrt3A : vector<1000x1xf32> to vector<1000x128xf32>
    %mul3A_45 = arith.mulf %dot_general3A_43, %mul3A_44 : vector<1000x128xf32>
    %swap3A_46 = arith.constant 0 : index
    %swap3A_47 = arith.constant 0 : index
    %swap3A_48 = vector.load %arg9[%swap3A_46, %swap3A_47] : memref<1000x128xf32, #tpu.memory_space<vmem>>, vector<1000x128xf32>
    tpu.vector_store %arg9[%swap3A_46, %swap3A_47], %mul3A_45 {strides = array<i32>} : memref<1000x128xf32, #tpu.memory_space<vmem>>, vector<1000x128xf32>,
    return
  }
  func.func @transform_0(%arg0: i32) -> (i32, i32) {
    %c0_i32 = arith.constant 0 : i32
    %c0_i32_0 = arith.constant 0 : i32
    return %arg0, %c0_i32 : i32, i32
  }
  func.func @transform_1(%arg0: i32) -> (i32, i32) {
    %c0_i32 = arith.constant 0 : i32
    %c0_i32_0 = arith.constant 0 : i32
    %c0_i32_1 = arith.constant 0 : i32
    return %c0_i32, %c0_i32_0 : i32, i32
  }
  func.func @transform_2(%arg0: i32) -> (i32, i32) {
    %c0_i32 = arith.constant 0 : i32
    %c0_i32_0 = arith.constant 0 : i32
    %c0_i32_1 = arith.constant 0 : i32
    return %c0_i32, %c0_i32_0 : i32, i32
  }
  func.func @transform_3(%arg0: i32) -> (i32, i32) {
    %c0_i32 = arith.constant 0 : i32
    %c0_i32_0 = arith.constant 0 : i32
    %c0_i32_1 = arith.constant 0 : i32
    return %c0_i32, %c0_i32_0 : i32, i32
  }
  func.func @transform_4(%arg0: i32) -> (i32, i32) {
    %c0_i32 = arith.constant 0 : i32
    %c0_i32_0 = arith.constant 0 : i32
    %c0_i32_1 = arith.constant 0 : i32
    return %c0_i32, %c0_i32_0 : i32, i32
  }
  func.func @transform_5(%arg0: i32) -> (i32, i32) {
    %c0_i32 = arith.constant 0 : i32
    %c0_i32_0 = arith.constant 0 : i32
    %c0_i32_1 = arith.constant 0 : i32
    return %c0_i32, %c0_i32_0 : i32, i32
  }
  func.func @transform_6(%arg0: i32) -> (i32, i32, i32) {
    %c0_i32 = arith.constant 0 : i32
    %c0_i32_0 = arith.constant 0 : i32
    %c0_i32_1 = arith.constant 0 : i32
    return %c0_i32, %arg0, %c0_i32_0 : i32, i32, i32
  }
  func.func @transform_7(%arg0: i32) -> (i32, i32) {
    %c0_i32 = arith.constant 0 : i32
    %c0_i32_0 = arith.constant 0 : i32
    return %arg0, %c0_i32 : i32, i32
  }
  func.func @transform_8(%arg0: i32) -> (i32, i32) {
    %c0_i32 = arith.constant 0 : i32
    %c0_i32_0 = arith.constant 0 : i32
    return %arg0, %c0_i32 : i32, i32
  }
  func.func @transform_9(%arg0: i32) -> (i32, i32) {
    %c0_i32 = arith.constant 0 : i32
    %c0_i32_0 = arith.constant 0 : i32
    return %arg0, %c0_i32 : i32, i32
  }
}

module attributes {stable_mosaic.version = 14 : i64} {
  func.func @_tc_final_body(%arg0: i32, %arg1: memref<1000x128xf32, #tpu.memory_space<vmem>>, %arg2: memref<1000x128xf32, #tpu.memory_space<vmem>>, %arg3: memref<2x1000x128xf32, #tpu.memory_space<vmem>>, %arg4: memref<1000x1xf32, #tpu.memory_space<vmem>>, %arg5: memref<1x128xf32, #tpu.memory_space<vmem>>, %arg6: memref<128x64xf32, #tpu.memory_space<vmem>>, %arg7: memref<1x64xf32, #tpu.memory_space<vmem>>, %arg8: memref<1x64xf32, #tpu.memory_space<vmem>>, %arg9: memref<1x64xf32, #tpu.memory_space<vmem>>, %arg10: memref<64x56xf32, #tpu.memory_space<vmem>>, %arg11: memref<1x56xf32, #tpu.memory_space<vmem>>, %arg12: memref<128x64xf32, #tpu.memory_space<vmem>>, %arg13: memref<1x64xf32, #tpu.memory_space<vmem>>, %arg14: memref<64x32xf32, #tpu.memory_space<vmem>>, %arg15: memref<1x32xf32, #tpu.memory_space<vmem>>, %arg16: memref<32x1xf32, #tpu.memory_space<vmem>>, %arg17: memref<1x1xf32, #tpu.memory_space<vmem>>, %arg18: memref<128x64xf32, #tpu.memory_space<vmem>>, %arg19: memref<1x64xf32, #tpu.memory_space<vmem>>, %arg20: memref<64x32xf32, #tpu.memory_space<vmem>>, %arg21: memref<1x32xf32, #tpu.memory_space<vmem>>, %arg22: memref<32x1xf32, #tpu.memory_space<vmem>>, %arg23: memref<1x1xf32, #tpu.memory_space<vmem>>, %arg24: memref<1000x56xf32, #tpu.memory_space<vmem>>, %arg25: memref<1000x1xf32, #tpu.memory_space<vmem>>, %arg26: memref<1000x1xf32, #tpu.memory_space<vmem>>) attributes {dimension_semantics = [#tpu.dimension_semantics<arbitrary>], iteration_bounds = array<i64: 10>, scalar_prefetch = 0 : i64, scratch_operands = 0 : i64, tpu.core_type = #tpu.core_type<tc>, window_params = [{transform_indices = @transform_0, window_bounds = array<i64: 1000, 128>}, {transform_indices = @transform_1, window_bounds = array<i64: 1000, 128>}, {transform_indices = @transform_2, window_bounds = array<i64: 2, 1000, 128>}, {transform_indices = @transform_3, window_bounds = array<i64: 1000, 1>}, {pipeline_mode = #tpu.pipeline_mode<synchronous>, transform_indices = @transform_4, window_bounds = array<i64: 1, 128>}, {pipeline_mode = #tpu.pipeline_mode<synchronous>, transform_indices = @transform_5, window_bounds = array<i64: 128, 64>}, {pipeline_mode = #tpu.pipeline_mode<synchronous>, transform_indices = @transform_6, window_bounds = array<i64: 1, 64>}, {pipeline_mode = #tpu.pipeline_mode<synchronous>, transform_indices = @transform_7, window_bounds = array<i64: 1, 64>}, {pipeline_mode = #tpu.pipeline_mode<synchronous>, transform_indices = @transform_8, window_bounds = array<i64: 1, 64>}, {pipeline_mode = #tpu.pipeline_mode<synchronous>, transform_indices = @transform_9, window_bounds = array<i64: 64, 56>}, {pipeline_mode = #tpu.pipeline_mode<synchronous>, transform_indices = @transform_10, window_bounds = array<i64: 1, 56>}, {pipeline_mode = #tpu.pipeline_mode<synchronous>, transform_indices = @transform_11, window_bounds = array<i64: 128, 64>}, {pipeline_mode = #tpu.pipeline_mode<synchronous>, transform_indices = @transform_12, window_bounds = array<i64: 1, 64>}, {pipeline_mode = #tpu.pipeline_mode<synchronous>, transform_indices = @transform_13, window_bounds = array<i64: 64, 32>}, {pipeline_mode = #tpu.pipeline_mode<synchronous>, transform_indices = @transform_14, window_bounds = array<i64: 1, 32>}, {pipeline_mode = #tpu.pipeline_mode<synchronous>, transform_indices = @transform_15, window_bounds = array<i64: 32, 1>}, {pipeline_mode = #tpu.pipeline_mode<synchronous>, transform_indices = @transform_16, window_bounds = array<i64: 1, 1>}, {pipeline_mode = #tpu.pipeline_mode<synchronous>, transform_indices = @transform_17, window_bounds = array<i64: 128, 64>}, {pipeline_mode = #tpu.pipeline_mode<synchronous>, transform_indices = @transform_18, window_bounds = array<i64: 1, 64>}, {pipeline_mode = #tpu.pipeline_mode<synchronous>, transform_indices = @transform_19, window_bounds = array<i64: 64, 32>}, {pipeline_mode = #tpu.pipeline_mode<synchronous>, transform_indices = @transform_20, window_bounds = array<i64: 1, 32>}, {pipeline_mode = #tpu.pipeline_mode<synchronous>, transform_indices = @transform_21, window_bounds = array<i64: 32, 1>}, {pipeline_mode = #tpu.pipeline_mode<synchronous>, transform_indices = @transform_22, window_bounds = array<i64: 1, 1>}, {transform_indices = @transform_23, window_bounds = array<i64: 1000, 56>}, {transform_indices = @transform_24, window_bounds = array<i64: 1000, 1>}, {transform_indices = @transform_25, window_bounds = array<i64: 1000, 1>}]} {
    %get3A = arith.constant 0 : index
    %get3A_0 = arith.constant 0 : index
    %get3A_1 = vector.load %arg4[%get3A, %get3A_0] : memref<1000x1xf32, #tpu.memory_space<vmem>>, vector<1000x1xf32>
    %get3A_2 = arith.constant 0 : index
    %get3A_3 = arith.constant 0 : index
    %get3A_4 = arith.constant 0 : index
    %get3A_5 = vector.load %arg3[%get3A_2, %get3A_3, %get3A_4] : memref<2x1000x128xf32, #tpu.memory_space<vmem>>, vector<1x1000x128xf32>
    %get3A_6 = vector.shape_cast %get3A_5 : vector<1x1000x128xf32> to vector<1000x128xf32>
    %get3A_7 = arith.constant 1 : index
    %get3A_8 = arith.constant 0 : index
    %get3A_9 = arith.constant 0 : index
    %get3A_10 = vector.load %arg3[%get3A_7, %get3A_8, %get3A_9] : memref<2x1000x128xf32, #tpu.memory_space<vmem>>, vector<1x1000x128xf32>
    %get3A_11 = vector.shape_cast %get3A_10 : vector<1x1000x128xf32> to vector<1000x128xf32>
    %add3A = arith.addf %get3A_6, %get3A_11 : vector<1000x128xf32>
    %get3A_12 = arith.constant 0 : index
    %get3A_13 = arith.constant 0 : index
    %get3A_14 = vector.load %arg2[%get3A_12, %get3A_13] : memref<1000x128xf32, #tpu.memory_space<vmem>>, vector<1000x128xf32>
    %add3A_15 = arith.addf %add3A, %get3A_14 : vector<1000x128xf32>
    %mul3A = vector.broadcast %get3A_1 : vector<1000x1xf32> to vector<1000x128xf32>
    %mul3A_16 = arith.mulf %add3A_15, %mul3A : vector<1000x128xf32>
    %get3A_17 = arith.constant 0 : index
    %get3A_18 = arith.constant 0 : index
    %get3A_19 = vector.load %arg5[%get3A_17, %get3A_18] : memref<1x128xf32, #tpu.memory_space<vmem>>, vector<1x128xf32>
    %add3A_20 = vector.broadcast %get3A_19 : vector<1x128xf32> to vector<1000x128xf32>
    %add3A_21 = arith.addf %mul3A_16, %add3A_20 : vector<1000x128xf32>
    %gt3A = arith.constant 0.000000e+00 : f32
    %gt3A_22 = vector.broadcast %gt3A : f32 to vector<1000x128xf32>
    %gt3A_23 = arith.cmpf ogt, %add3A_21, %gt3A_22 : vector<1000x128xf32>
    %exp3A = math.exp %add3A_21 : vector<1000x128xf32>
    %sub3A = arith.constant 1.000000e+00 : f32
    %sub3A_24 = vector.broadcast %sub3A : f32 to vector<1000x128xf32>
    %sub3A_25 = arith.subf %exp3A, %sub3A_24 : vector<1000x128xf32>
    %select_n3A = arith.select %gt3A_23, %add3A_21, %sub3A_25 : vector<1000x128xi1>, vector<1000x128xf32>
    %get3A_26 = arith.constant 0 : index
    %get3A_27 = arith.constant 0 : index
    %get3A_28 = vector.load %arg1[%get3A_26, %get3A_27] : memref<1000x128xf32, #tpu.memory_space<vmem>>, vector<1000x128xf32>
    %mul3A_29 = arith.constant 3.000000e-01 : f32
    %mul3A_30 = vector.broadcast %mul3A_29 : f32 to vector<1000x128xf32>
    %mul3A_31 = arith.mulf %mul3A_30, %select_n3A : vector<1000x128xf32>
    %add3A_32 = arith.addf %get3A_28, %mul3A_31 : vector<1000x128xf32>
    %get3A_33 = arith.constant 0 : index
    %get3A_34 = arith.constant 0 : index
    %get3A_35 = vector.load %arg6[%get3A_33, %get3A_34] : memref<128x64xf32, #tpu.memory_space<vmem>>, vector<128x64xf32>
    %dot_general3A = arith.constant dense<0.000000e+00> : vector<1000x64xf32>
    %dot_general3A_36 = tpu.matmul %add3A_32, %get3A_35, %dot_general3A {dimension_numbers = #tpu.dot_dimension_numbers<[1], [0], [0], [1], [0, 0, 1, 1], [], []>, transpose_lhs_hint = false} : vector<1000x128xf32>, vector<128x64xf32>, vector<1000x64xf32> -> vector<1000x64xf32>
    %get3A_37 = arith.constant 0 : index
    %get3A_38 = arith.constant 0 : index
    %get3A_39 = vector.load %arg7[%get3A_37, %get3A_38] : memref<1x64xf32, #tpu.memory_space<vmem>>, vector<1x64xf32>
    %add3A_40 = vector.broadcast %get3A_39 : vector<1x64xf32> to vector<1000x64xf32>
    %add3A_41 = arith.addf %dot_general3A_36, %add3A_40 : vector<1000x64xf32>
    %mul3A_42 = arith.constant 0.999994993 : f32
    %mul3A_43 = vector.broadcast %mul3A_42 : f32 to vector<1000x64xf32>
    %mul3A_44 = arith.mulf %add3A_41, %mul3A_43 : vector<1000x64xf32>
    %get3A_45 = arith.constant 0 : index
    %get3A_46 = arith.constant 0 : index
    %get3A_47 = vector.load %arg8[%get3A_45, %get3A_46] : memref<1x64xf32, #tpu.memory_space<vmem>>, vector<1x64xf32>
    %mul3A_48 = vector.broadcast %get3A_47 : vector<1x64xf32> to vector<1000x64xf32>
    %mul3A_49 = arith.mulf %mul3A_44, %mul3A_48 : vector<1000x64xf32>
    %get3A_50 = arith.constant 0 : index
    %get3A_51 = arith.constant 0 : index
    %get3A_52 = vector.load %arg9[%get3A_50, %get3A_51] : memref<1x64xf32, #tpu.memory_space<vmem>>, vector<1x64xf32>
    %add3A_53 = vector.broadcast %get3A_52 : vector<1x64xf32> to vector<1000x64xf32>
    %add3A_54 = arith.addf %mul3A_49, %add3A_53 : vector<1000x64xf32>
    %max3A = arith.constant 0.000000e+00 : f32
    %max3A_55 = vector.broadcast %max3A : f32 to vector<1000x64xf32>
    %max3A_56 = arith.maximumf %add3A_54, %max3A_55 : vector<1000x64xf32>
    %get3A_57 = arith.constant 0 : index
    %get3A_58 = arith.constant 0 : index
    %get3A_59 = vector.load %arg10[%get3A_57, %get3A_58] : memref<64x56xf32, #tpu.memory_space<vmem>>, vector<64x56xf32>
    %dot_general3A_60 = arith.constant dense<0.000000e+00> : vector<1000x56xf32>
    %dot_general3A_61 = tpu.matmul %max3A_56, %get3A_59, %dot_general3A_60 {dimension_numbers = #tpu.dot_dimension_numbers<[1], [0], [0], [1], [0, 0, 1, 1], [], []>, transpose_lhs_hint = false} : vector<1000x64xf32>, vector<64x56xf32>, vector<1000x56xf32> -> vector<1000x56xf32>
    %get3A_62 = arith.constant 0 : index
    %get3A_63 = arith.constant 0 : index
    %get3A_64 = vector.load %arg11[%get3A_62, %get3A_63] : memref<1x56xf32, #tpu.memory_space<vmem>>, vector<1x56xf32>
    %add3A_65 = vector.broadcast %get3A_64 : vector<1x56xf32> to vector<1000x56xf32>
    %add3A_66 = arith.addf %dot_general3A_61, %add3A_65 : vector<1000x56xf32>
    %swap3A = arith.constant 0 : index
    %swap3A_67 = arith.constant 0 : index
    %swap3A_68 = vector.load %arg24[%swap3A, %swap3A_67] : memref<1000x56xf32, #tpu.memory_space<vmem>>, vector<1000x56xf32>
    tpu.vector_store %arg24[%swap3A, %swap3A_67], %add3A_66 {strides = array<i32>} : memref<1000x56xf32, #tpu.memory_space<vmem>>, vector<1000x56xf32>,
    %get3A_69 = arith.constant 0 : index
    %get3A_70 = arith.constant 0 : index
    %get3A_71 = vector.load %arg12[%get3A_69, %get3A_70] : memref<128x64xf32, #tpu.memory_space<vmem>>, vector<128x64xf32>
    %dot_general3A_72 = arith.constant dense<0.000000e+00> : vector<1000x64xf32>
    %dot_general3A_73 = tpu.matmul %add3A_32, %get3A_71, %dot_general3A_72 {dimension_numbers = #tpu.dot_dimension_numbers<[1], [0], [0], [1], [0, 0, 1, 1], [], []>, transpose_lhs_hint = false} : vector<1000x128xf32>, vector<128x64xf32>, vector<1000x64xf32> -> vector<1000x64xf32>
    %get3A_74 = arith.constant 0 : index
    %get3A_75 = arith.constant 0 : index
    %get3A_76 = vector.load %arg13[%get3A_74, %get3A_75] : memref<1x64xf32, #tpu.memory_space<vmem>>, vector<1x64xf32>
    %add3A_77 = vector.broadcast %get3A_76 : vector<1x64xf32> to vector<1000x64xf32>
    %add3A_78 = arith.addf %dot_general3A_73, %add3A_77 : vector<1000x64xf32>
    %max3A_79 = arith.constant 0.000000e+00 : f32
    %max3A_80 = vector.broadcast %max3A_79 : f32 to vector<1000x64xf32>
    %max3A_81 = arith.maximumf %add3A_78, %max3A_80 : vector<1000x64xf32>
    %get3A_82 = arith.constant 0 : index
    %get3A_83 = arith.constant 0 : index
    %get3A_84 = vector.load %arg14[%get3A_82, %get3A_83] : memref<64x32xf32, #tpu.memory_space<vmem>>, vector<64x32xf32>
    %dot_general3A_85 = arith.constant dense<0.000000e+00> : vector<1000x32xf32>
    %dot_general3A_86 = tpu.matmul %max3A_81, %get3A_84, %dot_general3A_85 {dimension_numbers = #tpu.dot_dimension_numbers<[1], [0], [0], [1], [0, 0, 1, 1], [], []>, transpose_lhs_hint = false} : vector<1000x64xf32>, vector<64x32xf32>, vector<1000x32xf32> -> vector<1000x32xf32>
    %get3A_87 = arith.constant 0 : index
    %get3A_88 = arith.constant 0 : index
    %get3A_89 = vector.load %arg15[%get3A_87, %get3A_88] : memref<1x32xf32, #tpu.memory_space<vmem>>, vector<1x32xf32>
    %add3A_90 = vector.broadcast %get3A_89 : vector<1x32xf32> to vector<1000x32xf32>
    %add3A_91 = arith.addf %dot_general3A_86, %add3A_90 : vector<1000x32xf32>
    %max3A_92 = arith.constant 0.000000e+00 : f32
    %max3A_93 = vector.broadcast %max3A_92 : f32 to vector<1000x32xf32>
    %max3A_94 = arith.maximumf %add3A_91, %max3A_93 : vector<1000x32xf32>
    %get3A_95 = arith.constant 0 : index
    %get3A_96 = arith.constant 0 : index
    %get3A_97 = vector.load %arg16[%get3A_95, %get3A_96] : memref<32x1xf32, #tpu.memory_space<vmem>>, vector<32x1xf32>
    %dot_general3A_98 = arith.constant dense<0.000000e+00> : vector<1000x1xf32>
    %dot_general3A_99 = tpu.matmul %max3A_94, %get3A_97, %dot_general3A_98 {dimension_numbers = #tpu.dot_dimension_numbers<[1], [0], [0], [1], [0, 0, 1, 1], [], []>, transpose_lhs_hint = false} : vector<1000x32xf32>, vector<32x1xf32>, vector<1000x1xf32> -> vector<1000x1xf32>
    %get3A_100 = arith.constant 0 : index
    %get3A_101 = arith.constant 0 : index
    %get3A_102 = vector.load %arg17[%get3A_100, %get3A_101] : memref<1x1xf32, #tpu.memory_space<vmem>>, vector<1x1xf32>
    %add3A_103 = vector.broadcast %get3A_102 : vector<1x1xf32> to vector<1000x1xf32>
    %add3A_104 = arith.addf %dot_general3A_99, %add3A_103 : vector<1000x1xf32>
    %neg3A = arith.constant 0.000000e+00 : f32
    %neg3A_105 = vector.broadcast %neg3A : f32 to vector<1000x1xf32>
    %neg3A_106 = arith.subf %neg3A_105, %add3A_104 : vector<1000x1xf32>
    %exp3A_107 = math.exp %neg3A_106 : vector<1000x1xf32>
    %add3A_108 = arith.constant 1.000000e+00 : f32
    %add3A_109 = vector.broadcast %add3A_108 : f32 to vector<1000x1xf32>
    %add3A_110 = arith.addf %add3A_109, %exp3A_107 : vector<1000x1xf32>
    %div3A = arith.constant 1.000000e+00 : f32
    %div3A_111 = vector.broadcast %div3A : f32 to vector<1000x1xf32>
    %div3A_112 = arith.divf %div3A_111, %add3A_110 : vector<1000x1xf32>
    %swap3A_113 = arith.constant 0 : index
    %swap3A_114 = arith.constant 0 : index
    %swap3A_115 = vector.load %arg25[%swap3A_113, %swap3A_114] : memref<1000x1xf32, #tpu.memory_space<vmem>>, vector<1000x1xf32>
    tpu.vector_store %arg25[%swap3A_113, %swap3A_114], %div3A_112 {strides = array<i32>} : memref<1000x1xf32, #tpu.memory_space<vmem>>, vector<1000x1xf32>,
    %get3A_116 = arith.constant 0 : index
    %get3A_117 = arith.constant 0 : index
    %get3A_118 = vector.load %arg18[%get3A_116, %get3A_117] : memref<128x64xf32, #tpu.memory_space<vmem>>, vector<128x64xf32>
    %dot_general3A_119 = arith.constant dense<0.000000e+00> : vector<1000x64xf32>
    %dot_general3A_120 = tpu.matmul %add3A_32, %get3A_118, %dot_general3A_119 {dimension_numbers = #tpu.dot_dimension_numbers<[1], [0], [0], [1], [0, 0, 1, 1], [], []>, transpose_lhs_hint = false} : vector<1000x128xf32>, vector<128x64xf32>, vector<1000x64xf32> -> vector<1000x64xf32>
    %get3A_121 = arith.constant 0 : index
    %get3A_122 = arith.constant 0 : index
    %get3A_123 = vector.load %arg19[%get3A_121, %get3A_122] : memref<1x64xf32, #tpu.memory_space<vmem>>, vector<1x64xf32>
    %add3A_124 = vector.broadcast %get3A_123 : vector<1x64xf32> to vector<1000x64xf32>
    %add3A_125 = arith.addf %dot_general3A_120, %add3A_124 : vector<1000x64xf32>
    %max3A_126 = arith.constant 0.000000e+00 : f32
    %max3A_127 = vector.broadcast %max3A_126 : f32 to vector<1000x64xf32>
    %max3A_128 = arith.maximumf %add3A_125, %max3A_127 : vector<1000x64xf32>
    %get3A_129 = arith.constant 0 : index
    %get3A_130 = arith.constant 0 : index
    %get3A_131 = vector.load %arg20[%get3A_129, %get3A_130] : memref<64x32xf32, #tpu.memory_space<vmem>>, vector<64x32xf32>
    %dot_general3A_132 = arith.constant dense<0.000000e+00> : vector<1000x32xf32>
    %dot_general3A_133 = tpu.matmul %max3A_128, %get3A_131, %dot_general3A_132 {dimension_numbers = #tpu.dot_dimension_numbers<[1], [0], [0], [1], [0, 0, 1, 1], [], []>, transpose_lhs_hint = false} : vector<1000x64xf32>, vector<64x32xf32>, vector<1000x32xf32> -> vector<1000x32xf32>
    %get3A_134 = arith.constant 0 : index
    %get3A_135 = arith.constant 0 : index
    %get3A_136 = vector.load %arg21[%get3A_134, %get3A_135] : memref<1x32xf32, #tpu.memory_space<vmem>>, vector<1x32xf32>
    %add3A_137 = vector.broadcast %get3A_136 : vector<1x32xf32> to vector<1000x32xf32>
    %add3A_138 = arith.addf %dot_general3A_133, %add3A_137 : vector<1000x32xf32>
    %max3A_139 = arith.constant 0.000000e+00 : f32
    %max3A_140 = vector.broadcast %max3A_139 : f32 to vector<1000x32xf32>
    %max3A_141 = arith.maximumf %add3A_138, %max3A_140 : vector<1000x32xf32>
    %get3A_142 = arith.constant 0 : index
    %get3A_143 = arith.constant 0 : index
    %get3A_144 = vector.load %arg22[%get3A_142, %get3A_143] : memref<32x1xf32, #tpu.memory_space<vmem>>, vector<32x1xf32>
    %dot_general3A_145 = arith.constant dense<0.000000e+00> : vector<1000x1xf32>
    %dot_general3A_146 = tpu.matmul %max3A_141, %get3A_144, %dot_general3A_145 {dimension_numbers = #tpu.dot_dimension_numbers<[1], [0], [0], [1], [0, 0, 1, 1], [], []>, transpose_lhs_hint = false} : vector<1000x32xf32>, vector<32x1xf32>, vector<1000x1xf32> -> vector<1000x1xf32>
    %get3A_147 = arith.constant 0 : index
    %get3A_148 = arith.constant 0 : index
    %get3A_149 = vector.load %arg23[%get3A_147, %get3A_148] : memref<1x1xf32, #tpu.memory_space<vmem>>, vector<1x1xf32>
    %add3A_150 = vector.broadcast %get3A_149 : vector<1x1xf32> to vector<1000x1xf32>
    %add3A_151 = arith.addf %dot_general3A_146, %add3A_150 : vector<1000x1xf32>
    %neg3A_152 = arith.constant 0.000000e+00 : f32
    %neg3A_153 = vector.broadcast %neg3A_152 : f32 to vector<1000x1xf32>
    %neg3A_154 = arith.subf %neg3A_153, %add3A_151 : vector<1000x1xf32>
    %exp3A_155 = math.exp %neg3A_154 : vector<1000x1xf32>
    %add3A_156 = arith.constant 1.000000e+00 : f32
    %add3A_157 = vector.broadcast %add3A_156 : f32 to vector<1000x1xf32>
    %add3A_158 = arith.addf %add3A_157, %exp3A_155 : vector<1000x1xf32>
    %div3A_159 = arith.constant 1.000000e+00 : f32
    %div3A_160 = vector.broadcast %div3A_159 : f32 to vector<1000x1xf32>
    %div3A_161 = arith.divf %div3A_160, %add3A_158 : vector<1000x1xf32>
    %swap3A_162 = arith.constant 0 : index
    %swap3A_163 = arith.constant 0 : index
    %swap3A_164 = vector.load %arg26[%swap3A_162, %swap3A_163] : memref<1000x1xf32, #tpu.memory_space<vmem>>, vector<1000x1xf32>
    tpu.vector_store %arg26[%swap3A_162, %swap3A_163], %div3A_161 {strides = array<i32>} : memref<1000x1xf32, #tpu.memory_space<vmem>>, vector<1000x1xf32>,
    return
  }
  func.func @transform_0(%arg0: i32) -> (i32, i32) {
    %c0_i32 = arith.constant 0 : i32
    %c0_i32_0 = arith.constant 0 : i32
    return %arg0, %c0_i32 : i32, i32
  }
  func.func @transform_1(%arg0: i32) -> (i32, i32) {
    %c0_i32 = arith.constant 0 : i32
    %c0_i32_0 = arith.constant 0 : i32
    return %arg0, %c0_i32 : i32, i32
  }
  func.func @transform_2(%arg0: i32) -> (i32, i32, i32) {
    %c0_i32 = arith.constant 0 : i32
    %c0_i32_0 = arith.constant 0 : i32
    %c0_i32_1 = arith.constant 0 : i32
    return %c0_i32, %arg0, %c0_i32_0 : i32, i32, i32
  }
  func.func @transform_3(%arg0: i32) -> (i32, i32) {
    %c0_i32 = arith.constant 0 : i32
    %c0_i32_0 = arith.constant 0 : i32
    return %arg0, %c0_i32 : i32, i32
  }
  func.func @transform_4(%arg0: i32) -> (i32, i32) {
    %c0_i32 = arith.constant 0 : i32
    %c0_i32_0 = arith.constant 0 : i32
    %c0_i32_1 = arith.constant 0 : i32
    return %c0_i32, %c0_i32_0 : i32, i32
  }
  func.func @transform_5(%arg0: i32) -> (i32, i32) {
    %c0_i32 = arith.constant 0 : i32
    %c0_i32_0 = arith.constant 0 : i32
    %c0_i32_1 = arith.constant 0 : i32
    return %c0_i32, %c0_i32_0 : i32, i32
  }
  func.func @transform_6(%arg0: i32) -> (i32, i32) {
    %c0_i32 = arith.constant 0 : i32
    %c0_i32_0 = arith.constant 0 : i32
    %c0_i32_1 = arith.constant 0 : i32
    return %c0_i32, %c0_i32_0 : i32, i32
  }
  func.func @transform_7(%arg0: i32) -> (i32, i32) {
    %c0_i32 = arith.constant 0 : i32
    %c0_i32_0 = arith.constant 0 : i32
    %c0_i32_1 = arith.constant 0 : i32
    return %c0_i32, %c0_i32_0 : i32, i32
  }
  func.func @transform_8(%arg0: i32) -> (i32, i32) {
    %c0_i32 = arith.constant 0 : i32
    %c0_i32_0 = arith.constant 0 : i32
    %c0_i32_1 = arith.constant 0 : i32
    return %c0_i32, %c0_i32_0 : i32, i32
  }
  func.func @transform_9(%arg0: i32) -> (i32, i32) {
    %c0_i32 = arith.constant 0 : i32
    %c0_i32_0 = arith.constant 0 : i32
    %c0_i32_1 = arith.constant 0 : i32
    return %c0_i32, %c0_i32_0 : i32, i32
  }
  func.func @transform_10(%arg0: i32) -> (i32, i32) {
    %c0_i32 = arith.constant 0 : i32
    %c0_i32_0 = arith.constant 0 : i32
    %c0_i32_1 = arith.constant 0 : i32
    return %c0_i32, %c0_i32_0 : i32, i32
  }
  func.func @transform_11(%arg0: i32) -> (i32, i32) {
    %c0_i32 = arith.constant 0 : i32
    %c0_i32_0 = arith.constant 0 : i32
    %c0_i32_1 = arith.constant 0 : i32
    return %c0_i32, %c0_i32_0 : i32, i32
  }
  func.func @transform_12(%arg0: i32) -> (i32, i32) {
    %c0_i32 = arith.constant 0 : i32
    %c0_i32_0 = arith.constant 0 : i32
    %c0_i32_1 = arith.constant 0 : i32
    return %c0_i32, %c0_i32_0 : i32, i32
  }
  func.func @transform_13(%arg0: i32) -> (i32, i32) {
    %c0_i32 = arith.constant 0 : i32
    %c0_i32_0 = arith.constant 0 : i32
    %c0_i32_1 = arith.constant 0 : i32
    return %c0_i32, %c0_i32_0 : i32, i32
  }
  func.func @transform_14(%arg0: i32) -> (i32, i32) {
    %c0_i32 = arith.constant 0 : i32
    %c0_i32_0 = arith.constant 0 : i32
    %c0_i32_1 = arith.constant 0 : i32
    return %c0_i32, %c0_i32_0 : i32, i32
  }
  func.func @transform_15(%arg0: i32) -> (i32, i32) {
    %c0_i32 = arith.constant 0 : i32
    %c0_i32_0 = arith.constant 0 : i32
    %c0_i32_1 = arith.constant 0 : i32
    return %c0_i32, %c0_i32_0 : i32, i32
  }
  func.func @transform_16(%arg0: i32) -> (i32, i32) {
    %c0_i32 = arith.constant 0 : i32
    %c0_i32_0 = arith.constant 0 : i32
    %c0_i32_1 = arith.constant 0 : i32
    return %c0_i32, %c0_i32_0 : i32, i32
  }
  func.func @transform_17(%arg0: i32) -> (i32, i32) {
    %c0_i32 = arith.constant 0 : i32
    %c0_i32_0 = arith.constant 0 : i32
    %c0_i32_1 = arith.constant 0 : i32
    return %c0_i32, %c0_i32_0 : i32, i32
  }
  func.func @transform_18(%arg0: i32) -> (i32, i32) {
    %c0_i32 = arith.constant 0 : i32
    %c0_i32_0 = arith.constant 0 : i32
    %c0_i32_1 = arith.constant 0 : i32
    return %c0_i32, %c0_i32_0 : i32, i32
  }
  func.func @transform_19(%arg0: i32) -> (i32, i32) {
    %c0_i32 = arith.constant 0 : i32
    %c0_i32_0 = arith.constant 0 : i32
    %c0_i32_1 = arith.constant 0 : i32
    return %c0_i32, %c0_i32_0 : i32, i32
  }
  func.func @transform_20(%arg0: i32) -> (i32, i32) {
    %c0_i32 = arith.constant 0 : i32
    %c0_i32_0 = arith.constant 0 : i32
    %c0_i32_1 = arith.constant 0 : i32
    return %c0_i32, %c0_i32_0 : i32, i32
  }
  func.func @transform_21(%arg0: i32) -> (i32, i32) {
    %c0_i32 = arith.constant 0 : i32
    %c0_i32_0 = arith.constant 0 : i32
    %c0_i32_1 = arith.constant 0 : i32
    return %c0_i32, %c0_i32_0 : i32, i32
  }
  func.func @transform_22(%arg0: i32) -> (i32, i32) {
    %c0_i32 = arith.constant 0 : i32
    %c0_i32_0 = arith.constant 0 : i32
    %c0_i32_1 = arith.constant 0 : i32
    return %c0_i32, %c0_i32_0 : i32, i32
  }
  func.func @transform_23(%arg0: i32) -> (i32, i32) {
    %c0_i32 = arith.constant 0 : i32
    %c0_i32_0 = arith.constant 0 : i32
    return %arg0, %c0_i32 : i32, i32
  }
  func.func @transform_24(%arg0: i32) -> (i32, i32) {
    %c0_i32 = arith.constant 0 : i32
    %c0_i32_0 = arith.constant 0 : i32
    return %arg0, %c0_i32 : i32, i32
  }
  func.func @transform_25(%arg0: i32) -> (i32, i32) {
    %c0_i32 = arith.constant 0 : i32
    %c0_i32_0 = arith.constant 0 : i32
    return %arg0, %c0_i32 : i32, i32
  }
}

</mosaic_0001>

<sc_bundles>
// kernel: kernel.10.cloned.1.call-start
scs
__scs_entry_jumppad:
0x0: {  	(pc) =	sbr.rel $0x88, $3  }
0x1: {  	(tag) =	ssettag $0x0;
	lr =	simm.s32 $0x1  }
0x2: {  	[smem:$0x3F83] =	sst lr;
	_ =	strace $0xD0000000  }
0x3: {  	_ = 	snop  }
0x4: {  	_ = 	snop  }
0x5: {  	_ = 	snop  }
0x6: {  	_ = 	snop  }
0x7: {  	_ = 	snop  }
__scs_overlays_trampoline_lowered:
0x8: {  	[smem:$0x3F92] =	sst s0  }
0x9: {  	[smem:$0x3F93] =	sst s1  }
0xa: {  	[smem:$0x3F94] =	sst s2  }
0xb: {  	[smem:$0x3F95] =	sst s3  }
0xc: {  	[smem:$0x3F96] =	sst s4  }
0xd: {  	[smem:$0x3F97] =	sst s5  }
0xe: {  	[smem:$0x3F98] =	sst s6  }
0xf: {  	[smem:$0x3F99] =	sst s7  }
0x10: {  	[smem:$0x3F9A] =	sst s8  }
0x11: {  	[smem:$0x3F9B] =	sst s9;
	s0 =	simm.s32 @!p0 $0x0  }
0x12: {  	s1 =	sld [smem:$0x3F81];
	s0 =	simm.s32 @p0 $0x1  }
0x13: {  	[smem:$0x3F9C] =	sst s0;
	s0 =	simm.s32 @!p1 $0x0  }
0x14: {  	s2 =	sld [smem:$0x3F80];
	s0 =	simm.s32 @p1 $0x1  }
0x15: {  	[smem:$0x3F9D] =	sst s0;
	s0 =	simm.s32 @!p2 $0x0  }
0x16: {  	s3 =	sld [smem:$0x3FDB];
	s0 =	simm.s32 @p2 $0x1  }
0x17: {  	s4 =	simm.s32 $0x1BF5;
	[smem:$0x3F9F] =	sst s0  }
0x18: {  	s0 =	sld [smem:$0x3F82];
	_ =	swait.ge [sflag:s4], $0x0  }
0x19: {  	s7 =	sld [smem:$0x3F83]  }
0x1a: {  	s8 =	sadd.s32 $0xFFFFE003, lr  }
0x1b: {  	s9 =	sadd.s32 $0xFFFFFEF7, lr;
	s5 =	simm.s32 $0xFFFFFFFF;
	p2 =	slt.u32 s8, $0xFFFFF086  }
0x1c: {  	p1 =	slt.u32 s9, $0xF7A;
	s5 =	simm.s32 @!p2 $0x0  }
0x1d: {  	s5 =	simm.s32 @p1 $0x1;
	p0 =	seq.s32 s7, s2  }
0x1e: {  	s7 =	smul.u32 @!p0 $0xF7A, s2;
	p2 =	seq.s32 @!p0 s5, $0x0  }
0x1f: {  	s9 =	smul.u32 $0xF7A, s1;
	s8 =	simm.s32 @!p0 $0x1BF5;
	p2 =	por !p2, p0  }
0x20: {  	[sflag:s8] =	ssyncset.s32 @!p0 $0xFFFFF086;
	s6 =	sadd.s32 @!p0 s3, s7;
	s7 =	simm.s32 @!p0 $0x108  }
0x21: {  	s3 =	sadd.s32 s3, s9;
	s6 =	sadd.s32 @!p0 $0x88, s6;
	s7 =	simm.s32 @p2 $0x1082  }
0x22: {  	[simem:s7], [sflag:s8] =	dma.local @!p0 [hbm:s6], $0xF7A  }
0x23: {  	s9 =	sor.u32 $0xD0000000, s2;
	s6 =	simm.s32 $0x108;
	_ =	swait.ge @!p0 [sflag:s8], $0x0  }
0x24: {  	s3 =	sadd.s32 $0x88, s3;
	s6 =	simm.s32 @!p1 $0x1082;
	[sflag:s4] =	ssyncset.s32 $0xFFFFF086  }
0x25: {  	[simem:s6], [sflag:s4] =	dma.local [hbm:s3], $0xF7A  }
0x26: {  	[smem:$0x3F83] =	sst s1;
	(tag) =	ssettag s2;
	_ =	strace s9  }
0x27: {  	s1 =	sld [smem:$0x3F93]  }
0x28: {  	s2 =	sld [smem:$0x3F94]  }
0x29: {  	s4 =	sld [smem:$0x3F96]  }
0x2a: {  	p0 =	seq.s32 s5, $0x0;
	s5 =	sld [smem:$0x3F97]  }
0x2b: {  	s6 =	sld [smem:$0x3F98]  }
0x2c: {  	s7 =	sld [smem:$0x3F99]  }
0x2d: {  	s3 =	simm.s32 $0x108;
	s8 =	sld [smem:$0x3F9A]  }
0x2e: {  	s3 =	simm.s32 @!p0 $0x1082;
	s9 =	sld [smem:$0x3F9B]  }
0x2f: {  	lr =	sadd.s32 s0, s3;
	s0 =	sld [smem:$0x3F92]  }
0x30: {  	s3 =	sld [smem:$0x3F95]  }
0x31: {  	[smem:$0x3F9E] =	sst s10  }
0x32: {  	s10 =	sld [smem:$0x3F9C];
	_ =	sdelay $0x3  }
0x33: {  	p0 =	seq.s32 s10, $0x1;
	s10 =	sld [smem:$0x3F9E];
	_ =	sdelay $0x3  }
0x34: {  	[smem:$0x3F9E] =	sst s10  }
0x35: {  	s10 =	sld [smem:$0x3F9D];
	_ =	sdelay $0x3  }
0x36: {  	p1 =	seq.s32 s10, $0x1;
	s10 =	sld [smem:$0x3F9E];
	_ =	sdelay $0x3  }
0x37: {  	[smem:$0x3F9E] =	sst s10  }
0x38: {  	s10 =	sld [smem:$0x3F9F]  }
0x39: {  	_ = 	snop;
	(pc) =	sbr.ind lr, $3  }
0x3a: {  	_ = 	snop  }
0x3b: {  	_ = 	snop  }
0x3c: {  	p2 =	seq.s32 s10, $0x1;
	s10 =	sld [smem:$0x3F9E]  }
0x3d: {  	_ =	shalt  }
0x3e: {  	_ =	shalt  }
0x3f: {  	_ =	shalt  }
0x40: {  	_ =	shalt  }
0x41: {  	_ =	shalt  }
0x42: {  	_ =	shalt  }
0x43: {  	_ =	shalt  }
0x44: {  	_ =	shalt  }
0x45: {  	_ =	shalt  }
0x46: {  	_ =	shalt  }
0x47: {  	_ =	shalt  }
0x48: {  	_ =	shalt  }
0x49: {  	_ =	shalt  }
0x4a: {  	_ =	shalt  }
0x4b: {  	_ =	shalt  }
0x4c: {  	_ =	shalt  }
0x4d: {  	_ =	shalt  }
0x4e: {  	_ =	shalt  }
0x4f: {  	_ =	shalt  }
0x50: {  	_ =	shalt  }
0x51: {  	_ =	shalt  }
0x52: {  	_ =	shalt  }
0x53: {  	_ =	shalt  }
0x54: {  	_ =	shalt  }
0x55: {  	_ =	shalt  }
0x56: {  	_ =	shalt  }
0x57: {  	_ =	shalt  }
0x58: {  	_ =	shalt  }
0x59: {  	_ =	shalt  }
0x5a: {  	_ =	shalt  }
0x5b: {  	_ =	shalt  }
0x5c: {  	_ =	shalt  }
0x5d: {  	_ =	shalt  }
0x5e: {  	_ =	shalt  }
0x5f: {  	_ =	shalt  }
0x60: {  	_ =	shalt  }
0x61: {  	_ =	shalt  }
0x62: {  	_ =	shalt  }
0x63: {  	_ =	shalt  }
0x64: {  	_ =	shalt  }
0x65: {  	_ =	shalt  }
0x66: {  	_ =	shalt  }
0x67: {  	_ =	shalt  }
0x68: {  	_ =	shalt  }
0x69: {  	_ =	shalt  }
0x6a: {  	_ =	shalt  }
0x6b: {  	_ =	shalt  }
0x6c: {  	_ =	shalt  }
0x6d: {  	_ =	shalt  }
0x6e: {  	_ =	shalt  }
0x6f: {  	_ =	shalt  }
0x70: {  	_ =	shalt  }
0x71: {  	_ =	shalt  }
0x72: {  	_ =	shalt  }
0x73: {  	_ =	shalt  }
0x74: {  	_ =	shalt  }
0x75: {  	_ =	shalt  }
0x76: {  	_ =	shalt  }
0x77: {  	_ =	shalt  }
0x78: {  	_ =	shalt  }
0x79: {  	_ =	shalt  }
0x7a: {  	_ =	shalt  }
0x7b: {  	_ =	shalt  }
0x7c: {  	_ =	shalt  }
0x7d: {  	_ =	shalt  }
0x7e: {  	_ =	shalt  }
0x7f: {  	_ =	shalt  }
0x80: {  	_ =	shalt  }
0x81: {  	_ =	shalt  }
0x82: {  	_ =	shalt  }
0x83: {  	_ =	shalt  }
0x84: {  	_ =	shalt  }
0x85: {  	_ =	shalt  }
0x86: {  	_ =	shalt  }
0x87: {  	_ =	shalt  }
.Lfunc_end0:
.L_simem_size_0:
called_computation_lowered:
.L_overlay_start_0:
0x88: {  	s2 =	sld [smem:$0x3FD9]  }
0x89: {  	s3 =	sld [smem:$0x3FFE];
	_ =	sdelay $0x1  }
0x8a: {  	s1 =	srdreg.scid  }
0x8b: {  	s0 =	sand.u32 $0x1, s1  }
0x8c: {  	s17 =	sshll.u32 s0, $0xA;
	s2 =	sadd.s32 s3, s2  }
0x8d: {  	s2 =	sadd.s32 s2, s17  }
0x8e: {  	[smem:$0x3FAA] =	sst s2  }
0x8f: {  	_ = 	snop  }
0x90: {  	s2 =	sld [smem:$0x3FC8];
	(tm) =	ssettm $0x1  }
0x91: {  	s18 =	sld [smem:$0x3FFB];
	_ =	sdelay $0x3  }
0x92: {  	_ =	strace s18  }
0x93: {  	s3 =	sld [smem:$0x3FFC];
	_ =	sdelay $0x3  }
0x94: {  	_ =	strace s3  }
0x95: {  	s3 =	sld [smem:$0x3FFD];
	_ =	sdelay $0x3  }
0x96: {  	_ =	strace s3  }
0x97: {  	_ =	strace $0x8FFFFFFF  }
0x98: {  	s19 =	sld [smem:$0x3FDB];
	_ =	sdelay $0x1  }
0x99: {  	s4 =	simm.s32 $_scs_section_size  }
0x9a: {  	s5 =	simm.s32 $_size__tile_overlayer_lowered;
	s6 =	simm.s32 $_tile_overlayer_lowered  }
0x9b: {  	s22 =	simm.s32 $0x1BFF;
	s21 =	sshll.u32 s6, $0x1;
	s3 =	sadd.s32 s4, s19  }
0x9c: {  	s7 =	simm.s32 $0x0;
	s20 =	sshll.u32 s5, $0x1;
	s5 =	sadd.s32 s21, s3  }
0x9d: {  	[timem:s7], [sflag:s22] =	dma.local [hbm:s5], s20  }
0x9e: {  	_ =	swait.ge [sflag:s22], s20  }
0x9f: {  	s4 =	ssub.s32 $0x0, s20;
	[sflag:s22] =	ssyncset.done $0x0  }
0xa0: {  	[sflag:s22] =	ssyncadd.s32 s4;
	_ =	sdelay $0x1  }
0xa1: {  	s23 =	simm.s32 $0x1B8B  }
0xa2: {  	_ =	swait.ge [sflag:s23], $0x1  }
0xa3: {  	[sflag:s23] =	ssyncset.done $0x0  }
0xa4: {  	s25 =	simm.s32 $0x1B8E;
	s24 =	sld [smem:$0x3FFE];
	[sflag:s23] =	ssyncadd.s32 $0xFFFFFFFF  }
0xa5: {  	s26 =	simm.s32 $execute0_lowered;
	[smem:$0x3FD2] =	sst s25  }
0xa6: {  	s5 =	sshll.u32 s26, $0x1;
	_ =	strace $0x80000046;
	[dreg:$0x1] =	wrdreg $0xFFFFFFFF  }
0xa7: {  	s28 =	simm.s32 $_size_execute0_lowered;
	s3 =	sadd.s32 s3, s5;
	[dreg:$0x0] =	wrdreg $0x0  }
0xa8: {  	s5 =	sshll.u32 s28, $0x1;
	[dreg:$0x2] =	wrdreg s3  }
0xa9: {  	[dreg:$0x3] =	wrdreg s5  }
0xaa: {  	[dreg:$0x4] =	wrdreg $0xC0  }
0xab: {  	_ =	task [dreg:s7], $0x5FFFF  }
0xac: {  	[dreg:$0x1] =	wrdreg $0xFFFFFFFF  }
0xad: {  	[dreg:$0x0] =	wrdreg $0x60  }
0xae: {  	[dreg:$0x2] =	wrdreg s24  }
0xaf: {  	[dreg:$0x3] =	wrdreg s2  }
0xb0: {  	[dreg:$0x4] =	wrdreg $0xA4000  }
0xb1: {  	[dreg:$0x5] =	wrdreg $0x9  }
0xb2: {  	_ =	task.clear_ibuf [dreg:s7], $0x6FFFF;
	_ =	strace $0x90000046  }
0xb3: {  	s29 =	simm.s32 $0x9;
	_ =	strace $0x80000048  }
0xb4: {  	_ =	swait.ge [sflag:s29], $0x1  }
0xb5: {  	[sflag:s29] =	ssyncadd.s32 $0xFFFFFFFF  }
0xb6: {  	_ =	strace $0x90000048  }
0xb7: {  	_ =	sfence  }
0xb8: {  	s30 =	sld [smem:$0x0];
	_ =	sdelay $0x2  }
0xb9: {  	s31 =	sshll.u32 s1, $0xD;
	s1 =	sshrl.u32 s1, $0x2  }
0xba: {  	s3 =	sand.u32 $0x4000, s31;
	s1 =	sadd.s32 s1, s30  }
0xbb: {  	s0 =	sor.u32 s3, s0;
	s1 =	sshll.u32 s1, $0x11  }
0xbc: {  	s0 =	sor.u32 s1, s0  }
0xbd: {  	s0 =	sadd.s32 $0x8F2B, s0  }
0xbe: {  	[sflag:s0] =	ssyncadd.remote.s32 $0x1  }
0xbf: {  	_ =	sfence.sel $0xFFFF  }
0xc0: {  	[dreg:$0x0] =	wrdreg $0xFFFFFFFF;
	(pc) =	sbr.abs _section_cstart, $3  }
0xc1: {  	[dreg:$0x1] =	wrdreg $0xFFFFFFFF  }
0xc2: {  	_ =	task.clear_ibuf [dreg:s7], $0x2FFFF;
	_ =	strace $0x9FFFFFFF  }
0xc3: {  	(tm) =	ssettm $0x7FFFFFFF  }
tec
execute0_lowered:
.L_overlay_start_1:
0x0: {  	(tag) =	ssettag $0x1  }
0x1: {  	s0 =	rddreg [dreg:$0x0]  }
0x2: {  	s3 =	rddreg [dreg:$0x1]  }
0x3: {  	s1 =	rddreg [dreg:$0x2];
	s2 =	simm.s32 $0x0  }
0x4: {  	s4 =	srdreg.scid;
	s11 =	stileid.u32;
	s29 =	simm.s32 $0x80  }
0x5: {  	s31 =	simm.s32 $0x8400;
	[smem:$0x7FF] =	sst s2;
	s6 =	sand.u32 $0x1, s4  }
0x6: {  	s4 =	sadd.s32 $0x6000, s0;
	s10 =	smul.u32 $0x50000, s11;
	s25 =	sshll.u32 s11, $0x8  }
0x7: {  	_ =	strace $0x80000047;
	s5 =	smul.u32 $0x28000, s6;
	s7 =	ssub.s32 $0x2, s6  }
0x8: {  	s8 =	sshll.u32 s6, $0x4;
	s6 =	sshll.u32 s6, $0xC;
	s9 =	sshrl.u32 s7, $0x1  }
0x9: {  	s8 =	sor.u32 s11, s8;
	s14 =	sshrl.u32 s10, $0x2;
	s6 =	sor.u32 s25, s6  }
0xa: {  	s11 =	smul.u32 $0x2800, s11;
	s0 =	sadd.s32 s5, s0;
	s9 =	ssub.s32 s7, s9  }
0xb: {  	p0 =	sgt.u32 s8, $0x3;
	s5 =	simm.s32 $0x4E;
	s13 =	sshll.u32 s8, $0x5  }
0xc: {  	s7 =	sadd.s32 s14, s1;
	s8 =	simm.s32 $0x1;
	s10 =	sor.u32 $0x8000, s6  }
0xd: {  	s6 =	sor.u32 $0x6000, s6;
	s5 =	simm.s32 @!p0 $0x4F;
	s16 =	sadd.s32 $0x2000, s7  }
0xe: {  	s12 =	sadd.s32 s3, s13;
	s17 =	sadd.s32 $0x4000, s7;
	[dreg:$0x5] =	wrdreg s16  }
0xf: {  	s18 =	sadd.s32 $0x6000, s7;
	s19 =	sadd.s32 $0x8000, s7;
	[dreg:$0x6] =	wrdreg s17  }
0x10: {  	s20 =	sadd.s32 $0xA000, s7;
	s21 =	sadd.s32 $0xC000, s7;
	[dreg:$0x7] =	wrdreg s18  }
0x11: {  	s22 =	sadd.s32 $0xE000, s7;
	s23 =	sadd.s32 $0x10000, s7;
	[dreg:$0x8] =	wrdreg s19  }
0x12: {  	s13 =	sadd.s32 $0x12000, s7;
	s8 =	simm.s32 @!p0 $0x0;
	[dreg:$0x9] =	wrdreg s20  }
0x13: {  	s10 =	sshrl.u32 s10, $0x3;
	s6 =	sshrl.u32 s6, $0x3;
	[dreg:$0xa] =	wrdreg s21  }
0x14: {  	s0 =	sadd.s32 $0x2D200, s0;
	s26 =	smax.u32 s9, $0x1;
	[dreg:$0xb] =	wrdreg s22  }
0x15: {  	s9 =	simm.s32 $0x0;
	s15 =	sadd.s32 $0x400, s12;
	[dreg:$0xc] =	wrdreg s23  }
0x16: {  	s24 =	sand.u32 $0x1, s5;
	[dreg:$0xd] =	wrdreg s13;
	s10 =	sadd.s32 s10, s3  }
0x17: {  	s19 =	sadd.s32 s6, s3;
	s20 =	simm.s32 $0x1;
	s21 =	sadd.s32 $0x7, s8  }
0x18: {  	[dreg:$0xe] =	wrdreg s26;
	s0 =	sadd.s32 s11, s0;
	s30 =	smov.u32 s12  }
0x19: {  	s28 =	sadd.s32 $0x800, s12;
	s26 =	ssub.s32 $0x2, s5;
	s11 =	simm.s32 $0x100  }
0x1a: {  	s12 =	simm.s32 $0x400;
	s3 =	simm.s32 $0x2;
	[dreg:$0x4] =	wrdreg s15  }
0x1b: {  	s8 =	simm.s32 $0x5;
	s18 =	sadd.s32 $0x7, s24;
	[dreg:$0xf] =	wrdreg s0  }
0x1c: {  	v0 =	vimm.f32 $0.0e+00;
	[dreg:$0x10] =	wrdreg s28;
	s25 =	sadd.s32 $0xFFFFFC00, s10;
	s0 =	simm.s32 $0x9  }
.LBB2_1:
0x1d: {  	[tilespmem:s2], [sflag:$0x1] =	stream.linear.gather [hbm4b:s30+s2], $0x100, $0x38;
	[tilespmem:$0x1E400] =	vst v63  }
0x1e: {  	s6 =	rddreg [dreg:$0x4]  }
0x1f: {  	[tilespmem:s11], [sflag:$0x2] =	stream.linear.gather [hbm4b:s6+s2], $0x100, $0x38;
	[tilespmem:$0x1E400] =	vst v63  }
0x20: {  	_ =	swait.ge [sflag:s20], $0x100  }
0x21: {  	[sflag:s20] =	ssyncset.done $0x0  }
0x22: {  	s10 =	simm.s32 $0x200;
	s6 =	simm.s32 $0x0;
	[sflag:s20] =	ssyncadd.s32 $0xFFFFFF00  }
0x23: {  	[tilespmem:s12], [sflag:$0x5] =	stream.indirect.gather [hbm4b:s4+s29], $0x80, s2, s29, $0xb8;
	[tilespmem:$0x1E400] =	vst v63  }
.LBB2_2:
0x24: {  	p0 =	sne.s32 s10, $0x7E00;
	[tilespmem:s6+$0x8470] =	vst v0  }
0x25: {  	[tilespmem:s6+$0x8400] =	vst v0  }
0x26: {  	[tilespmem:s6+$0x8410] =	vst v0  }
.Ltmp0:
0x27: {  	[tilespmem:s6+$0x8420] =	vst v0;
	(pc) =	sbr.rel @p0 .LBB2_2-.Ltmp0, $4  }
0x28: {  	[tilespmem:s6+$0x8430] =	vst v0  }
0x29: {  	[tilespmem:s6+$0x8440] =	vst v0  }
0x2a: {  	[tilespmem:s6+$0x8450] =	vst v0  }
0x2b: {  	[tilespmem:s6+$0x8460] =	vst v0;
	s6 =	sshra.s32 s10, $0x2;
	s10 =	sadd.s32 $0x200, s10  }
0x2c: {  	[tilespmem:s6+$0x8470] =	vst v0  }
0x2d: {  	[tilespmem:s6+$0x8400] =	vst v0  }
0x2e: {  	[tilespmem:s6+$0x8410] =	vst v0  }
0x2f: {  	[tilespmem:s6+$0x8420] =	vst v0  }
0x30: {  	[tilespmem:s6+$0x8430] =	vst v0  }
0x31: {  	[tilespmem:s6+$0x8440] =	vst v0  }
0x32: {  	[tilespmem:s6+$0x8450] =	vst v0  }
0x33: {  	[tilespmem:s6+$0x8460] =	vst v0  }
0x34: {  	[spmem:s7] =	stream.linear.scatter [tilespmem:s31], [sflag:$0x9], $0x2000, $0x38;
	[tilespmem:$0x1E400] =	vst v63  }
0x35: {  	_ =	swait.ge [sflag:s0], $0x2000  }
0x36: {  	[sflag:s0] =	ssyncset.done $0x0  }
0x37: {  	s13 =	rddreg [dreg:$0x5];
	[sflag:s0] =	ssyncadd.s32 $0xFFFFE000  }
0x38: {  	[spmem:s13] =	stream.linear.scatter [tilespmem:s31], [sflag:$0x9], $0x2000, $0x38;
	[tilespmem:$0x1E400] =	vst v63  }
0x39: {  	_ =	swait.ge [sflag:s0], $0x2000  }
0x3a: {  	[sflag:s0] =	ssyncset.done $0x0  }
0x3b: {  	s14 =	rddreg [dreg:$0x6];
	[sflag:s0] =	ssyncadd.s32 $0xFFFFE000  }
0x3c: {  	[spmem:s14] =	stream.linear.scatter [tilespmem:s31], [sflag:$0x9], $0x2000, $0x38;
	[tilespmem:$0x1E400] =	vst v63  }
0x3d: {  	_ =	swait.ge [sflag:s0], $0x2000  }
0x3e: {  	[sflag:s0] =	ssyncset.done $0x0  }
0x3f: {  	s15 =	rddreg [dreg:$0x7];
	[sflag:s0] =	ssyncadd.s32 $0xFFFFE000  }
0x40: {  	[spmem:s15] =	stream.linear.scatter [tilespmem:s31], [sflag:$0x9], $0x2000, $0x38;
	[tilespmem:$0x1E400] =	vst v63  }
0x41: {  	_ =	swait.ge [sflag:s0], $0x2000  }
0x42: {  	[sflag:s0] =	ssyncset.done $0x0  }
0x43: {  	s16 =	rddreg [dreg:$0x8];
	[sflag:s0] =	ssyncadd.s32 $0xFFFFE000  }
0x44: {  	[spmem:s16] =	stream.linear.scatter [tilespmem:s31], [sflag:$0x9], $0x2000, $0x38;
	[tilespmem:$0x1E400] =	vst v63  }
0x45: {  	_ =	swait.ge [sflag:s0], $0x2000  }
0x46: {  	[sflag:s0] =	ssyncset.done $0x0  }
0x47: {  	s17 =	rddreg [dreg:$0x9];
	[sflag:s0] =	ssyncadd.s32 $0xFFFFE000  }
0x48: {  	[spmem:s17] =	stream.linear.scatter [tilespmem:s31], [sflag:$0x9], $0x2000, $0x38;
	[tilespmem:$0x1E400] =	vst v63  }
0x49: {  	_ =	swait.ge [sflag:s0], $0x2000  }
0x4a: {  	[sflag:s0] =	ssyncset.done $0x0  }
0x4b: {  	s22 =	rddreg [dreg:$0xa];
	[sflag:s0] =	ssyncadd.s32 $0xFFFFE000  }
0x4c: {  	[spmem:s22] =	stream.linear.scatter [tilespmem:s31], [sflag:$0x9], $0x2000, $0x38;
	[tilespmem:$0x1E400] =	vst v63  }
0x4d: {  	_ =	swait.ge [sflag:s0], $0x2000  }
0x4e: {  	[sflag:s0] =	ssyncset.done $0x0  }
0x4f: {  	s23 =	rddreg [dreg:$0xb];
	[sflag:s0] =	ssyncadd.s32 $0xFFFFE000  }
0x50: {  	[spmem:s23] =	stream.linear.scatter [tilespmem:s31], [sflag:$0x9], $0x2000, $0x38;
	[tilespmem:$0x1E400] =	vst v63  }
0x51: {  	_ =	swait.ge [sflag:s0], $0x2000  }
0x52: {  	[sflag:s0] =	ssyncset.done $0x0  }
0x53: {  	s24 =	rddreg [dreg:$0xc];
	[sflag:s0] =	ssyncadd.s32 $0xFFFFE000  }
0x54: {  	[spmem:s24] =	stream.linear.scatter [tilespmem:s31], [sflag:$0x9], $0x2000, $0x38;
	[tilespmem:$0x1E400] =	vst v63  }
0x55: {  	_ =	swait.ge [sflag:s0], $0x2000  }
0x56: {  	[sflag:s0] =	ssyncset.done $0x0  }
0x57: {  	s10 =	rddreg [dreg:$0xd];
	[sflag:s0] =	ssyncadd.s32 $0xFFFFE000  }
0x58: {  	[spmem:s10] =	stream.linear.scatter [tilespmem:s31], [sflag:$0x9], $0x2000, $0x38;
	[tilespmem:$0x1E400] =	vst v63  }
0x59: {  	_ =	swait.ge [sflag:s0], $0x2000  }
0x5a: {  	[sflag:s0] =	ssyncset.done $0x0  }
0x5b: {  	[sflag:s0] =	ssyncadd.s32 $0xFFFFE000  }
0x5c: {  	[bflag:$0x0] =	sbarrier.arrive $0xFFFF  }
0x5d: {  	_ =	swait.ge [sflag:s3], $0x100  }
0x5e: {  	[sflag:s3] =	ssyncset.done $0x0  }
0x5f: {  	s13 =	simm.s32 $0x4400;
	[sflag:s3] =	ssyncadd.s32 $0xFFFFFF00  }
0x60: {  	[tilespmem:s13], [sflag:$0x6] =	stream.indirect.gather [hbm4b:s4+s29], $0x80, s11, s29, $0xb8;
	[tilespmem:$0x1E400] =	vst v63  }
0x61: {  	s15 =	simm.s32 $0x2;
	_ =	swait.ge [sflag:s8], $0x4000  }
0x62: {  	s16 =	sand.u32 $0x3, s15;
	[sflag:s8] =	ssyncset.done $0x0  }
0x63: {  	s17 =	sadd.s32 $0x1, s16;
	[sflag:s8] =	ssyncadd.s32 $0xFFFFC000  }
0x64: {  	[spmem:s1] =	stream.indirect.scatter.add.f32 [tilespmem:s12], [sflag:$0x7], $0x80, s29, s29, $0xb8;
	[tilespmem:$0x1E400] =	vst v63  }
0x65: {  	s10 =	simm.s32 $0x200;
	s11 =	simm.s32 $0x0;
	s14 =	rddreg [dreg:$0x10]  }
0x66: {  	[tilespmem:s10], [sflag:$0x3] =	stream.linear.gather [hbm4b:s14+s11], $0x100, $0x38;
	[tilespmem:$0x1E400] =	vst v63  }
0x67: {  	p0 =	sle.u32 s5, $0x3;
	s6 =	sand.u32 $0x1, s15;
	_ =	swait.ge [sflag:s17], $0x100  }
0x68: {  	s15 =	simm.s32 $0x1;
	s22 =	sshll.u32 s6, $0xE;
	[sflag:s17] =	ssyncset.done $0x0  }
0x69: {  	s13 =	sadd.s32 $0x7, s6;
	s12 =	sadd.s32 $0x4, s26;
	[sflag:s17] =	ssyncadd.s32 $0xFFFFFF00  }
0x6a: {  	s24 =	simm.s32 $0x3;
	p1 =	sne.s32 s12, $0x3;
	_ =	swait.ge [sflag:s13], $0x4000  }
0x6b: {  	s10 =	sshll.u32 s16, $0x8;
	s14 =	sadd.s32 $0x5, s6;
	[sflag:s13] =	ssyncset.done $0x0  }
0x6c: {  	s16 =	sand.u32 $0x1, s15;
	s15 =	sor.u32 $0x400, s22;
	[sflag:s13] =	ssyncadd.s32 $0xFFFFC000  }
0x6d: {  	[tilespmem:s15], [sflag:s14] =	stream.indirect.gather [hbm4b:s4+s29], $0x80, s10, s29, $0xb8;
	[tilespmem:$0x1E400] =	vst v63  }
0x6e: {  	s23 =	sshll.u32 s16, $0xE;
	s17 =	sadd.s32 $0x5, s16;
	s10 =	simm.s32 $0x400  }
.Ltmp1:
0x6f: {  	s22 =	sand.u32 $0xC00, s10;
	_ =	swait.ge [sflag:s17], $0x4000;
	(pc) =	sbr.rel @!p1 .LBB2_5-.Ltmp1, $4  }
0x70: {  	s6 =	sor.u32 $0x400, s23;
	s22 =	sshrl.u32 s22, $0x2;
	[sflag:s17] =	ssyncset.done $0x0  }
0x71: {  	[sflag:s17] =	ssyncadd.s32 $0xFFFFC000;
	s28 =	sor.u32 $0x80, s22;
	s22 =	sadd.s32 $0x7, s16  }
0x72: {  	[spmem:s1] =	stream.indirect.scatter.add.f32 [tilespmem:s6], [sflag:s22], $0x80, s28, s29, $0xb8;
	[tilespmem:$0x1E400] =	vst v63  }
0x73: {  	s12 =	simm.s32 $0x4;
	s16 =	sand.u32 $0x3, s24;
	s28 =	simm.s32 @!p0 $0x0  }
.LBB2_4:
0x74: {  	s6 =	sshll.u32 @!p0 s16, $0x8;
	s13 =	sadd.s32 @!p0 $0x1, s16;
	s11 =	sadd.s32 @!p0 s11, s19  }
0x75: {  	[tilespmem:s6], [sflag:s13] =	stream.linear.gather @!p0 [hbm4b:s11+s28], $0x100, $0x38;
	[tilespmem:$0x1E400] =	vst v63  }
0x76: {  	s22 =	smov.u32 s12;
	s6 =	sadd.s32 $0xFFFFFFFF, s12;
	s11 =	smov.u32 s10  }
0x77: {  	s14 =	sand.u32 $0x3, s6;
	s6 =	sand.u32 $0x1, s6  }
0x78: {  	s13 =	sadd.s32 $0x1, s14;
	s15 =	sshll.u32 s6, $0xE  }
0x79: {  	s16 =	sand.u32 $0x3, s12;
	s17 =	sadd.s32 $0xFFFFFFFE, s12;
	_ =	swait.ge [sflag:s13], $0x100  }
0x7a: {  	s10 =	sadd.s32 $0x400, s10;
	s12 =	sadd.s32 $0x1, s12;
	[sflag:s13] =	ssyncset.done $0x0  }
0x7b: {  	s23 =	sadd.s32 s12, s26;
	[sflag:s13] =	ssyncadd.s32 $0xFFFFFF00;
	s13 =	sadd.s32 $0x7, s6  }
0x7c: {  	s28 =	sshll.u32 s14, $0x8;
	s14 =	sadd.s32 $0x5, s6;
	_ =	swait.ge [sflag:s13], $0x4000  }
0x7d: {  	p1 =	sne.s32 s23, $0x3;
	s23 =	sand.u32 $0x1, s17;
	[sflag:s13] =	ssyncset.done $0x0  }
0x7e: {  	s15 =	sor.u32 $0x400, s15;
	s17 =	sadd.s32 $0x5, s23;
	[sflag:s13] =	ssyncadd.s32 $0xFFFFC000  }
0x7f: {  	[tilespmem:s15], [sflag:s14] =	stream.indirect.gather [hbm4b:s4+s29], $0x80, s28, s29, $0xb8;
	[tilespmem:$0x1E400] =	vst v63  }
.Ltmp2:
0x80: {  	s6 =	sshll.u32 s23, $0xE;
	s28 =	sand.u32 $0xC00, s10;
	(pc) =	sbr.rel @p1 .LBB2_4-.Ltmp2, $4  }
0x81: {  	p0 =	sge.u32 s22, s5;
	s24 =	sshrl.u32 s28, $0x2;
	_ =	swait.ge [sflag:s17], $0x4000  }
0x82: {  	s6 =	sor.u32 $0x400, s6;
	s28 =	simm.s32 @!p0 $0x0;
	[sflag:s17] =	ssyncset.done $0x0  }
0x83: {  	s22 =	sadd.s32 $0x7, s23;
	s24 =	sor.u32 $0x80, s24;
	[sflag:s17] =	ssyncadd.s32 $0xFFFFC000  }
0x84: {  	[spmem:s1] =	stream.indirect.scatter.add.f32 [tilespmem:s6], [sflag:s22], $0x80, s24, s29, $0xb8;
	[tilespmem:$0x1E400] =	vst v63  }
.LBB2_5:
0x85: {  	s23 =	sshll.u32 @!p0 s16, $0x8;
	s16 =	sadd.s32 @!p0 $0x1, s16;
	s11 =	sadd.s32 @!p0 s11, s19  }
0x86: {  	[tilespmem:s23], [sflag:s16] =	stream.linear.gather @!p0 [hbm4b:s11+s28], $0x100, $0x38;
	[tilespmem:$0x1E400] =	vst v63  }
0x87: {  	_ =	swait.ge @!p0 [sflag:s16], $0x100  }
0x88: {  	[sflag:s16] =	ssyncset.done @!p0 $0x0  }
0x89: {  	[sflag:s16] =	ssyncadd.s32 @!p0 $0xFFFFFF00  }
0x8a: {  	_ =	swait.ge @!p0 [sflag:s22], $0x4000  }
0x8b: {  	[sflag:s22] =	ssyncset.done @!p0 $0x0  }
0x8c: {  	s11 =	simm.s32 @!p0 $0x80;
	[sflag:s22] =	ssyncadd.s32 @!p0 $0xFFFFC000  }
0x8d: {  	[tilespmem:s6], [sflag:s17] =	stream.indirect.gather @!p0 [hbm4b:s4+s11], $0x80, s23, s11, $0xb8;
	[tilespmem:$0x1E400] =	vst v63  }
0x8e: {  	s17 =	sadd.s32 $0x400, s10  }
0x8f: {  	_ =	swait.ge [sflag:s14], $0x4000;
	s6 =	sand.u32 $0xC00, s17  }
0x90: {  	[sflag:s14] =	ssyncset.done $0x0;
	s6 =	sshrl.u32 s6, $0x2  }
0x91: {  	p0 =	sge.u32 s12, s5;
	[sflag:s14] =	ssyncadd.s32 $0xFFFFC000;
	s6 =	sor.u32 $0x80, s6  }
0x92: {  	[spmem:s1] =	stream.indirect.scatter.add.f32 [tilespmem:s15], [sflag:s13], $0x80, s6, s29, $0xb8;
	[tilespmem:$0x1E400] =	vst v63  }
0x93: {  	s10 =	sadd.s32 @!p0 s10, s25;
	s6 =	sand.u32 $0x3, s12  }
0x94: {  	s12 =	simm.s32 @!p0 $0x0;
	s11 =	sshll.u32 @!p0 s6, $0x8;
	s6 =	sadd.s32 @!p0 $0x1, s6  }
0x95: {  	[tilespmem:s11], [sflag:s6] =	stream.linear.gather @!p0 [hbm4b:s10+s12], $0x100, $0x38;
	[tilespmem:$0x1E400] =	vst v63  }
0x96: {  	_ =	swait.ge [sflag:s18], $0x4000  }
0x97: {  	[sflag:s18] =	ssyncset.done $0x0  }
0x98: {  	[sflag:s18] =	ssyncadd.s32 $0xFFFFC000  }
0x99: {  	_ =	swait.ge [sflag:s21], $0x4000  }
0x9a: {  	[sflag:s21] =	ssyncset.done $0x0  }
0x9b: {  	s22 =	stileid.u32;
	[sflag:s21] =	ssyncadd.s32 $0xFFFFC000  }
0x9c: {  	s6 =	sshll.u32 s22, $0x6;
	[bflag:$0x0] =	sbarrier.arrive $0xFFFF  }
0x9d: {  	s23 =	sshrl.u32 s7, $0x3;
	s6 =	sor.u32 $0x1C09, s6;
	s24 =	rddreg [dreg:$0xf]  }
0x9e: {  	[hbm:s24], [sflag:s6] =	dma.local [spmem:s23], $0x2800  }
0x9f: {  	_ =	swait.ge [sflag:s0], $0x2800  }
0xa0: {  	s9 =	sadd.s32 $0x1, s9;
	s28 =	rddreg [dreg:$0xe]  }
0xa1: {  	p0 =	sne.s32 s9, s28  }
.Ltmp3:
0xa2: {  	_ = 	snop;
	(pc) =	sbr.rel @p0 .LBB2_1-.Ltmp3, $3  }
0xa3: {  	_ =	sdelay $0x1  }
0xa4: {  	[sflag:s0] =	ssyncset.done $0x0  }
0xa5: {  	s11 =	simm.s32 $0x100;
	s12 =	simm.s32 $0x400;
	[sflag:s0] =	ssyncadd.s32 $0xFFFFD800  }
0xa6: {  	_ =	sfence.sel $0x180000  }
0xa7: {  	[bflag:$0x0] =	sbarrier.arrive $0xFFFF  }
0xa8: {  	_ =	strace $0x90000047  }
0xa9: {  	s0 =	stileid.u32;
	[bflag:$0x2] =	sbarrier.arrive $0xFFFF  }
0xaa: {  	p0 =	sne.s32 s0, $0x0;
	s0 =	rddreg [dreg:$0x3]  }
0xab: {  	s0 =	sadd.s32 @!p0 $0x100000, s0  }
0xac: {  	[sflag:s0] =	ssyncadd.tile.s32 @!p0 $0x1;
	_ =	shalt  }
.Lfunc_end2:
_tile_overlayer_lowered:
.L_overlay_start_2:
0xad: {  	(tag) =	ssettag $0x2  }
0xae: {  	s0 =	rddreg [dreg:$0x0];
	s2 =	stileid.u32  }
0xaf: {  	s1 =	rddreg [dreg:$0x1];
	p0 =	sne.s32 s2, $0x0  }
0xb0: {  	s3 =	rddreg [dreg:$0x2];
	[bflag:$0x3] =	sbarrier.arrive $0xFFFF;
	s2 =	simm.s32 @!p0 $0x1C09  }
0xb1: {  	[timem:s3], [sflag:s2] =	dma.local @!p0 [hbm:s0], s1  }
0xb2: {  	s0 =	simm.s32 @!p0 $0x9  }
0xb3: {  	_ =	swait.ge @!p0 [sflag:s0], s1  }
0xb4: {  	s1 =	ssub.s32 @!p0 $0x0, s1;
	[sflag:s0] =	ssyncset.done @!p0 $0x0  }
0xb5: {  	[sflag:s0] =	ssyncadd.s32 @!p0 s1  }
0xb6: {  	[bflag:$0x3] =	sbarrier.arrive $0xFFFF  }
0xb7: {  	_ =	shalt  }

// kernel: kernel.13.cloned.1.call-start
scs
__scs_entry_jumppad:
0x0: {  	(pc) =	sbr.rel $0x88, $3  }
0x1: {  	(tag) =	ssettag $0x0;
	lr =	simm.s32 $0x1  }
0x2: {  	[smem:$0x3F83] =	sst lr;
	_ =	strace $0xD0000000  }
0x3: {  	_ = 	snop  }
0x4: {  	_ = 	snop  }
0x5: {  	_ = 	snop  }
0x6: {  	_ = 	snop  }
0x7: {  	_ = 	snop  }
__scs_overlays_trampoline_lowered:
0x8: {  	[smem:$0x3F92] =	sst s0  }
0x9: {  	[smem:$0x3F93] =	sst s1  }
0xa: {  	[smem:$0x3F94] =	sst s2  }
0xb: {  	[smem:$0x3F95] =	sst s3  }
0xc: {  	[smem:$0x3F96] =	sst s4  }
0xd: {  	[smem:$0x3F97] =	sst s5  }
0xe: {  	[smem:$0x3F98] =	sst s6  }
0xf: {  	[smem:$0x3F99] =	sst s7  }
0x10: {  	[smem:$0x3F9A] =	sst s8  }
0x11: {  	[smem:$0x3F9B] =	sst s9;
	s0 =	simm.s32 @!p0 $0x0  }
0x12: {  	s1 =	sld [smem:$0x3F81];
	s0 =	simm.s32 @p0 $0x1  }
0x13: {  	[smem:$0x3F9C] =	sst s0;
	s0 =	simm.s32 @!p1 $0x0  }
0x14: {  	s2 =	sld [smem:$0x3F80];
	s0 =	simm.s32 @p1 $0x1  }
0x15: {  	[smem:$0x3F9D] =	sst s0;
	s0 =	simm.s32 @!p2 $0x0  }
0x16: {  	s3 =	sld [smem:$0x3FDB];
	s0 =	simm.s32 @p2 $0x1  }
0x17: {  	s4 =	simm.s32 $0x1BF5;
	[smem:$0x3F9F] =	sst s0  }
0x18: {  	s0 =	sld [smem:$0x3F82];
	_ =	swait.ge [sflag:s4], $0x0  }
0x19: {  	s7 =	sld [smem:$0x3F83]  }
0x1a: {  	s8 =	sadd.s32 $0xFFFFE003, lr  }
0x1b: {  	s9 =	sadd.s32 $0xFFFFFEF7, lr;
	s5 =	simm.s32 $0xFFFFFFFF;
	p2 =	slt.u32 s8, $0xFFFFF086  }
0x1c: {  	p1 =	slt.u32 s9, $0xF7A;
	s5 =	simm.s32 @!p2 $0x0  }
0x1d: {  	s5 =	simm.s32 @p1 $0x1;
	p0 =	seq.s32 s7, s2  }
0x1e: {  	s7 =	smul.u32 @!p0 $0xF7A, s2;
	p2 =	seq.s32 @!p0 s5, $0x0  }
0x1f: {  	s9 =	smul.u32 $0xF7A, s1;
	s8 =	simm.s32 @!p0 $0x1BF5;
	p2 =	por !p2, p0  }
0x20: {  	[sflag:s8] =	ssyncset.s32 @!p0 $0xFFFFF086;
	s6 =	sadd.s32 @!p0 s3, s7;
	s7 =	simm.s32 @!p0 $0x108  }
0x21: {  	s3 =	sadd.s32 s3, s9;
	s6 =	sadd.s32 @!p0 $0x88, s6;
	s7 =	simm.s32 @p2 $0x1082  }
0x22: {  	[simem:s7], [sflag:s8] =	dma.local @!p0 [hbm:s6], $0xF7A  }
0x23: {  	s9 =	sor.u32 $0xD0000000, s2;
	s6 =	simm.s32 $0x108;
	_ =	swait.ge @!p0 [sflag:s8], $0x0  }
0x24: {  	s3 =	sadd.s32 $0x88, s3;
	s6 =	simm.s32 @!p1 $0x1082;
	[sflag:s4] =	ssyncset.s32 $0xFFFFF086  }
0x25: {  	[simem:s6], [sflag:s4] =	dma.local [hbm:s3], $0xF7A  }
0x26: {  	[smem:$0x3F83] =	sst s1;
	(tag) =	ssettag s2;
	_ =	strace s9  }
0x27: {  	s1 =	sld [smem:$0x3F93]  }
0x28: {  	s2 =	sld [smem:$0x3F94]  }
0x29: {  	s4 =	sld [smem:$0x3F96]  }
0x2a: {  	p0 =	seq.s32 s5, $0x0;
	s5 =	sld [smem:$0x3F97]  }
0x2b: {  	s6 =	sld [smem:$0x3F98]  }
0x2c: {  	s7 =	sld [smem:$0x3F99]  }
0x2d: {  	s3 =	simm.s32 $0x108;
	s8 =	sld [smem:$0x3F9A]  }
0x2e: {  	s3 =	simm.s32 @!p0 $0x1082;
	s9 =	sld [smem:$0x3F9B]  }
0x2f: {  	lr =	sadd.s32 s0, s3;
	s0 =	sld [smem:$0x3F92]  }
0x30: {  	s3 =	sld [smem:$0x3F95]  }
0x31: {  	[smem:$0x3F9E] =	sst s10  }
0x32: {  	s10 =	sld [smem:$0x3F9C];
	_ =	sdelay $0x3  }
0x33: {  	p0 =	seq.s32 s10, $0x1;
	s10 =	sld [smem:$0x3F9E];
	_ =	sdelay $0x3  }
0x34: {  	[smem:$0x3F9E] =	sst s10  }
0x35: {  	s10 =	sld [smem:$0x3F9D];
	_ =	sdelay $0x3  }
0x36: {  	p1 =	seq.s32 s10, $0x1;
	s10 =	sld [smem:$0x3F9E];
	_ =	sdelay $0x3  }
0x37: {  	[smem:$0x3F9E] =	sst s10  }
0x38: {  	s10 =	sld [smem:$0x3F9F]  }
0x39: {  	_ = 	snop;
	(pc) =	sbr.ind lr, $3  }
0x3a: {  	_ = 	snop  }
0x3b: {  	_ = 	snop  }
0x3c: {  	p2 =	seq.s32 s10, $0x1;
	s10 =	sld [smem:$0x3F9E]  }
0x3d: {  	_ =	shalt  }
0x3e: {  	_ =	shalt  }
0x3f: {  	_ =	shalt  }
0x40: {  	_ =	shalt  }
0x41: {  	_ =	shalt  }
0x42: {  	_ =	shalt  }
0x43: {  	_ =	shalt  }
0x44: {  	_ =	shalt  }
0x45: {  	_ =	shalt  }
0x46: {  	_ =	shalt  }
0x47: {  	_ =	shalt  }
0x48: {  	_ =	shalt  }
0x49: {  	_ =	shalt  }
0x4a: {  	_ =	shalt  }
0x4b: {  	_ =	shalt  }
0x4c: {  	_ =	shalt  }
0x4d: {  	_ =	shalt  }
0x4e: {  	_ =	shalt  }
0x4f: {  	_ =	shalt  }
0x50: {  	_ =	shalt  }
0x51: {  	_ =	shalt  }
0x52: {  	_ =	shalt  }
0x53: {  	_ =	shalt  }
0x54: {  	_ =	shalt  }
0x55: {  	_ =	shalt  }
0x56: {  	_ =	shalt  }
0x57: {  	_ =	shalt  }
0x58: {  	_ =	shalt  }
0x59: {  	_ =	shalt  }
0x5a: {  	_ =	shalt  }
0x5b: {  	_ =	shalt  }
0x5c: {  	_ =	shalt  }
0x5d: {  	_ =	shalt  }
0x5e: {  	_ =	shalt  }
0x5f: {  	_ =	shalt  }
0x60: {  	_ =	shalt  }
0x61: {  	_ =	shalt  }
0x62: {  	_ =	shalt  }
0x63: {  	_ =	shalt  }
0x64: {  	_ =	shalt  }
0x65: {  	_ =	shalt  }
0x66: {  	_ =	shalt  }
0x67: {  	_ =	shalt  }
0x68: {  	_ =	shalt  }
0x69: {  	_ =	shalt  }
0x6a: {  	_ =	shalt  }
0x6b: {  	_ =	shalt  }
0x6c: {  	_ =	shalt  }
0x6d: {  	_ =	shalt  }
0x6e: {  	_ =	shalt  }
0x6f: {  	_ =	shalt  }
0x70: {  	_ =	shalt  }
0x71: {  	_ =	shalt  }
0x72: {  	_ =	shalt  }
0x73: {  	_ =	shalt  }
0x74: {  	_ =	shalt  }
0x75: {  	_ =	shalt  }
0x76: {  	_ =	shalt  }
0x77: {  	_ =	shalt  }
0x78: {  	_ =	shalt  }
0x79: {  	_ =	shalt  }
0x7a: {  	_ =	shalt  }
0x7b: {  	_ =	shalt  }
0x7c: {  	_ =	shalt  }
0x7d: {  	_ =	shalt  }
0x7e: {  	_ =	shalt  }
0x7f: {  	_ =	shalt  }
0x80: {  	_ =	shalt  }
0x81: {  	_ =	shalt  }
0x82: {  	_ =	shalt  }
0x83: {  	_ =	shalt  }
0x84: {  	_ =	shalt  }
0x85: {  	_ =	shalt  }
0x86: {  	_ =	shalt  }
0x87: {  	_ =	shalt  }
.Lfunc_end0:
.L_simem_size_0:
called_computation.1_lowered:
.L_overlay_start_0:
0x88: {  	s2 =	sld [smem:$0x3FD9]  }
0x89: {  	s3 =	sld [smem:$0x3FFE];
	_ =	sdelay $0x1  }
0x8a: {  	s1 =	srdreg.scid  }
0x8b: {  	s0 =	sand.u32 $0x1, s1  }
0x8c: {  	s17 =	sshll.u32 s0, $0xA;
	s2 =	sadd.s32 s3, s2  }
0x8d: {  	s2 =	sadd.s32 s2, s17  }
0x8e: {  	[smem:$0x3FAA] =	sst s2  }
0x8f: {  	_ = 	snop  }
0x90: {  	s2 =	sld [smem:$0x3FC8];
	(tm) =	ssettm $0x1  }
0x91: {  	s18 =	sld [smem:$0x3FFB];
	_ =	sdelay $0x3  }
0x92: {  	_ =	strace s18  }
0x93: {  	s3 =	sld [smem:$0x3FFC];
	_ =	sdelay $0x3  }
0x94: {  	_ =	strace s3  }
0x95: {  	s3 =	sld [smem:$0x3FFD];
	_ =	sdelay $0x3  }
0x96: {  	_ =	strace s3  }
0x97: {  	_ =	strace $0x8FFFFFFF  }
0x98: {  	s19 =	sld [smem:$0x3FDB];
	_ =	sdelay $0x1  }
0x99: {  	s4 =	simm.s32 $_scs_section_size  }
0x9a: {  	s5 =	simm.s32 $_size__tile_overlayer_lowered;
	s6 =	simm.s32 $_tile_overlayer_lowered  }
0x9b: {  	s22 =	simm.s32 $0x1BFF;
	s21 =	sshll.u32 s6, $0x1;
	s3 =	sadd.s32 s4, s19  }
0x9c: {  	s7 =	simm.s32 $0x0;
	s20 =	sshll.u32 s5, $0x1;
	s5 =	sadd.s32 s21, s3  }
0x9d: {  	[timem:s7], [sflag:s22] =	dma.local [hbm:s5], s20  }
0x9e: {  	_ =	swait.ge [sflag:s22], s20  }
0x9f: {  	s4 =	ssub.s32 $0x0, s20;
	[sflag:s22] =	ssyncset.done $0x0  }
0xa0: {  	[sflag:s22] =	ssyncadd.s32 s4;
	_ =	sdelay $0x1  }
0xa1: {  	s23 =	simm.s32 $0x1B8B  }
0xa2: {  	_ =	swait.ge [sflag:s23], $0x1  }
0xa3: {  	[sflag:s23] =	ssyncset.done $0x0  }
0xa4: {  	s25 =	simm.s32 $0x1B8E;
	s24 =	sld [smem:$0x3FFE];
	[sflag:s23] =	ssyncadd.s32 $0xFFFFFFFF  }
0xa5: {  	s26 =	simm.s32 $execute0_lowered;
	[smem:$0x3FD2] =	sst s25  }
0xa6: {  	s5 =	sshll.u32 s26, $0x1;
	_ =	strace $0x80000049;
	[dreg:$0x1] =	wrdreg $0xFFFFFFFF  }
0xa7: {  	s28 =	simm.s32 $_size_execute0_lowered;
	s3 =	sadd.s32 s3, s5;
	[dreg:$0x0] =	wrdreg $0x0  }
0xa8: {  	s5 =	sshll.u32 s28, $0x1;
	[dreg:$0x2] =	wrdreg s3  }
0xa9: {  	[dreg:$0x3] =	wrdreg s5  }
0xaa: {  	[dreg:$0x4] =	wrdreg $0xC0  }
0xab: {  	_ =	task [dreg:s7], $0x5FFFF  }
0xac: {  	[dreg:$0x1] =	wrdreg $0xFFFFFFFF  }
0xad: {  	[dreg:$0x0] =	wrdreg $0x60  }
0xae: {  	[dreg:$0x2] =	wrdreg s24  }
0xaf: {  	[dreg:$0x3] =	wrdreg s2  }
0xb0: {  	[dreg:$0x4] =	wrdreg $0xA4000  }
0xb1: {  	[dreg:$0x5] =	wrdreg $0x9  }
0xb2: {  	_ =	task.clear_ibuf [dreg:s7], $0x6FFFF;
	_ =	strace $0x90000049  }
0xb3: {  	s29 =	simm.s32 $0x9;
	_ =	strace $0x8000004B  }
0xb4: {  	_ =	swait.ge [sflag:s29], $0x1  }
0xb5: {  	[sflag:s29] =	ssyncadd.s32 $0xFFFFFFFF  }
0xb6: {  	_ =	strace $0x9000004B  }
0xb7: {  	_ =	sfence  }
0xb8: {  	s30 =	sld [smem:$0x0];
	_ =	sdelay $0x2  }
0xb9: {  	s31 =	sshll.u32 s1, $0xD;
	s1 =	sshrl.u32 s1, $0x2  }
0xba: {  	s3 =	sand.u32 $0x4000, s31;
	s1 =	sadd.s32 s1, s30  }
0xbb: {  	s0 =	sor.u32 s3, s0;
	s1 =	sshll.u32 s1, $0x11  }
0xbc: {  	s0 =	sor.u32 s1, s0  }
0xbd: {  	s0 =	sadd.s32 $0x8F2B, s0  }
0xbe: {  	[sflag:s0] =	ssyncadd.remote.s32 $0x1  }
0xbf: {  	_ =	sfence.sel $0xFFFF  }
0xc0: {  	[dreg:$0x0] =	wrdreg $0xFFFFFFFF;
	(pc) =	sbr.abs _section_cstart, $3  }
0xc1: {  	[dreg:$0x1] =	wrdreg $0xFFFFFFFF  }
0xc2: {  	_ =	task.clear_ibuf [dreg:s7], $0x2FFFF;
	_ =	strace $0x9FFFFFFF  }
0xc3: {  	(tm) =	ssettm $0x7FFFFFFF  }
tec
execute0_lowered:
.L_overlay_start_1:
0x0: {  	(tag) =	ssettag $0x1  }
0x1: {  	s0 =	rddreg [dreg:$0x0]  }
0x2: {  	s3 =	rddreg [dreg:$0x1]  }
0x3: {  	s1 =	rddreg [dreg:$0x2];
	s2 =	simm.s32 $0x0  }
0x4: {  	s4 =	srdreg.scid;
	s11 =	stileid.u32;
	s29 =	simm.s32 $0x80  }
0x5: {  	s31 =	simm.s32 $0x8400;
	[smem:$0x7FF] =	sst s2;
	s6 =	sand.u32 $0x1, s4  }
0x6: {  	s4 =	sadd.s32 $0x6000, s0;
	s10 =	smul.u32 $0x50000, s11;
	s25 =	sshll.u32 s11, $0x8  }
0x7: {  	_ =	strace $0x8000004A;
	s5 =	smul.u32 $0x28000, s6;
	s7 =	ssub.s32 $0x2, s6  }
0x8: {  	s8 =	sshll.u32 s6, $0x4;
	s6 =	sshll.u32 s6, $0xC;
	s9 =	sshrl.u32 s7, $0x1  }
0x9: {  	s8 =	sor.u32 s11, s8;
	s14 =	sshrl.u32 s10, $0x2;
	s6 =	sor.u32 s25, s6  }
0xa: {  	s11 =	smul.u32 $0x2800, s11;
	s0 =	sadd.s32 s5, s0;
	s9 =	ssub.s32 s7, s9  }
0xb: {  	p0 =	sgt.u32 s8, $0x3;
	s5 =	simm.s32 $0x4E;
	s13 =	sshll.u32 s8, $0x5  }
0xc: {  	s7 =	sadd.s32 s14, s1;
	s8 =	simm.s32 $0x1;
	s10 =	sor.u32 $0x8000, s6  }
0xd: {  	s6 =	sor.u32 $0x6000, s6;
	s5 =	simm.s32 @!p0 $0x4F;
	s16 =	sadd.s32 $0x2000, s7  }
0xe: {  	s12 =	sadd.s32 s3, s13;
	s17 =	sadd.s32 $0x4000, s7;
	[dreg:$0x5] =	wrdreg s16  }
0xf: {  	s18 =	sadd.s32 $0x6000, s7;
	s19 =	sadd.s32 $0x8000, s7;
	[dreg:$0x6] =	wrdreg s17  }
0x10: {  	s20 =	sadd.s32 $0xA000, s7;
	s21 =	sadd.s32 $0xC000, s7;
	[dreg:$0x7] =	wrdreg s18  }
0x11: {  	s22 =	sadd.s32 $0xE000, s7;
	s23 =	sadd.s32 $0x10000, s7;
	[dreg:$0x8] =	wrdreg s19  }
0x12: {  	s13 =	sadd.s32 $0x12000, s7;
	s8 =	simm.s32 @!p0 $0x0;
	[dreg:$0x9] =	wrdreg s20  }
0x13: {  	s10 =	sshrl.u32 s10, $0x3;
	s6 =	sshrl.u32 s6, $0x3;
	[dreg:$0xa] =	wrdreg s21  }
0x14: {  	s0 =	sadd.s32 $0x54400, s0;
	s26 =	smax.u32 s9, $0x1;
	[dreg:$0xb] =	wrdreg s22  }
0x15: {  	s9 =	simm.s32 $0x0;
	s15 =	sadd.s32 $0x400, s12;
	[dreg:$0xc] =	wrdreg s23  }
0x16: {  	s24 =	sand.u32 $0x1, s5;
	[dreg:$0xd] =	wrdreg s13;
	s10 =	sadd.s32 s10, s3  }
0x17: {  	s19 =	sadd.s32 s6, s3;
	s20 =	simm.s32 $0x1;
	s21 =	sadd.s32 $0x7, s8  }
0x18: {  	[dreg:$0xe] =	wrdreg s26;
	s0 =	sadd.s32 s11, s0;
	s30 =	smov.u32 s12  }
0x19: {  	s28 =	sadd.s32 $0x800, s12;
	s26 =	ssub.s32 $0x2, s5;
	s11 =	simm.s32 $0x100  }
0x1a: {  	s12 =	simm.s32 $0x400;
	s3 =	simm.s32 $0x2;
	[dreg:$0x4] =	wrdreg s15  }
0x1b: {  	s8 =	simm.s32 $0x5;
	s18 =	sadd.s32 $0x7, s24;
	[dreg:$0xf] =	wrdreg s0  }
0x1c: {  	v0 =	vimm.f32 $0.0e+00;
	[dreg:$0x10] =	wrdreg s28;
	s25 =	sadd.s32 $0xFFFFFC00, s10;
	s0 =	simm.s32 $0x9  }
.LBB2_1:
0x1d: {  	[tilespmem:s2], [sflag:$0x1] =	stream.linear.gather [hbm4b:s30+s2], $0x100, $0x38;
	[tilespmem:$0x1E400] =	vst v63  }
0x1e: {  	s6 =	rddreg [dreg:$0x4]  }
0x1f: {  	[tilespmem:s11], [sflag:$0x2] =	stream.linear.gather [hbm4b:s6+s2], $0x100, $0x38;
	[tilespmem:$0x1E400] =	vst v63  }
0x20: {  	_ =	swait.ge [sflag:s20], $0x100  }
0x21: {  	[sflag:s20] =	ssyncset.done $0x0  }
0x22: {  	s10 =	simm.s32 $0x200;
	s6 =	simm.s32 $0x0;
	[sflag:s20] =	ssyncadd.s32 $0xFFFFFF00  }
0x23: {  	[tilespmem:s12], [sflag:$0x5] =	stream.indirect.gather [hbm4b:s4+s29], $0x80, s2, s29, $0xb8;
	[tilespmem:$0x1E400] =	vst v63  }
.LBB2_2:
0x24: {  	p0 =	sne.s32 s10, $0x7E00;
	[tilespmem:s6+$0x8470] =	vst v0  }
0x25: {  	[tilespmem:s6+$0x8400] =	vst v0  }
0x26: {  	[tilespmem:s6+$0x8410] =	vst v0  }
.Ltmp0:
0x27: {  	[tilespmem:s6+$0x8420] =	vst v0;
	(pc) =	sbr.rel @p0 .LBB2_2-.Ltmp0, $4  }
0x28: {  	[tilespmem:s6+$0x8430] =	vst v0  }
0x29: {  	[tilespmem:s6+$0x8440] =	vst v0  }
0x2a: {  	[tilespmem:s6+$0x8450] =	vst v0  }
0x2b: {  	[tilespmem:s6+$0x8460] =	vst v0;
	s6 =	sshra.s32 s10, $0x2;
	s10 =	sadd.s32 $0x200, s10  }
0x2c: {  	[tilespmem:s6+$0x8470] =	vst v0  }
0x2d: {  	[tilespmem:s6+$0x8400] =	vst v0  }
0x2e: {  	[tilespmem:s6+$0x8410] =	vst v0  }
0x2f: {  	[tilespmem:s6+$0x8420] =	vst v0  }
0x30: {  	[tilespmem:s6+$0x8430] =	vst v0  }
0x31: {  	[tilespmem:s6+$0x8440] =	vst v0  }
0x32: {  	[tilespmem:s6+$0x8450] =	vst v0  }
0x33: {  	[tilespmem:s6+$0x8460] =	vst v0  }
0x34: {  	[spmem:s7] =	stream.linear.scatter [tilespmem:s31], [sflag:$0x9], $0x2000, $0x38;
	[tilespmem:$0x1E400] =	vst v63  }
0x35: {  	_ =	swait.ge [sflag:s0], $0x2000  }
0x36: {  	[sflag:s0] =	ssyncset.done $0x0  }
0x37: {  	s13 =	rddreg [dreg:$0x5];
	[sflag:s0] =	ssyncadd.s32 $0xFFFFE000  }
0x38: {  	[spmem:s13] =	stream.linear.scatter [tilespmem:s31], [sflag:$0x9], $0x2000, $0x38;
	[tilespmem:$0x1E400] =	vst v63  }
0x39: {  	_ =	swait.ge [sflag:s0], $0x2000  }
0x3a: {  	[sflag:s0] =	ssyncset.done $0x0  }
0x3b: {  	s14 =	rddreg [dreg:$0x6];
	[sflag:s0] =	ssyncadd.s32 $0xFFFFE000  }
0x3c: {  	[spmem:s14] =	stream.linear.scatter [tilespmem:s31], [sflag:$0x9], $0x2000, $0x38;
	[tilespmem:$0x1E400] =	vst v63  }
0x3d: {  	_ =	swait.ge [sflag:s0], $0x2000  }
0x3e: {  	[sflag:s0] =	ssyncset.done $0x0  }
0x3f: {  	s15 =	rddreg [dreg:$0x7];
	[sflag:s0] =	ssyncadd.s32 $0xFFFFE000  }
0x40: {  	[spmem:s15] =	stream.linear.scatter [tilespmem:s31], [sflag:$0x9], $0x2000, $0x38;
	[tilespmem:$0x1E400] =	vst v63  }
0x41: {  	_ =	swait.ge [sflag:s0], $0x2000  }
0x42: {  	[sflag:s0] =	ssyncset.done $0x0  }
0x43: {  	s16 =	rddreg [dreg:$0x8];
	[sflag:s0] =	ssyncadd.s32 $0xFFFFE000  }
0x44: {  	[spmem:s16] =	stream.linear.scatter [tilespmem:s31], [sflag:$0x9], $0x2000, $0x38;
	[tilespmem:$0x1E400] =	vst v63  }
0x45: {  	_ =	swait.ge [sflag:s0], $0x2000  }
0x46: {  	[sflag:s0] =	ssyncset.done $0x0  }
0x47: {  	s17 =	rddreg [dreg:$0x9];
	[sflag:s0] =	ssyncadd.s32 $0xFFFFE000  }
0x48: {  	[spmem:s17] =	stream.linear.scatter [tilespmem:s31], [sflag:$0x9], $0x2000, $0x38;
	[tilespmem:$0x1E400] =	vst v63  }
0x49: {  	_ =	swait.ge [sflag:s0], $0x2000  }
0x4a: {  	[sflag:s0] =	ssyncset.done $0x0  }
0x4b: {  	s22 =	rddreg [dreg:$0xa];
	[sflag:s0] =	ssyncadd.s32 $0xFFFFE000  }
0x4c: {  	[spmem:s22] =	stream.linear.scatter [tilespmem:s31], [sflag:$0x9], $0x2000, $0x38;
	[tilespmem:$0x1E400] =	vst v63  }
0x4d: {  	_ =	swait.ge [sflag:s0], $0x2000  }
0x4e: {  	[sflag:s0] =	ssyncset.done $0x0  }
0x4f: {  	s23 =	rddreg [dreg:$0xb];
	[sflag:s0] =	ssyncadd.s32 $0xFFFFE000  }
0x50: {  	[spmem:s23] =	stream.linear.scatter [tilespmem:s31], [sflag:$0x9], $0x2000, $0x38;
	[tilespmem:$0x1E400] =	vst v63  }
0x51: {  	_ =	swait.ge [sflag:s0], $0x2000  }
0x52: {  	[sflag:s0] =	ssyncset.done $0x0  }
0x53: {  	s24 =	rddreg [dreg:$0xc];
	[sflag:s0] =	ssyncadd.s32 $0xFFFFE000  }
0x54: {  	[spmem:s24] =	stream.linear.scatter [tilespmem:s31], [sflag:$0x9], $0x2000, $0x38;
	[tilespmem:$0x1E400] =	vst v63  }
0x55: {  	_ =	swait.ge [sflag:s0], $0x2000  }
0x56: {  	[sflag:s0] =	ssyncset.done $0x0  }
0x57: {  	s10 =	rddreg [dreg:$0xd];
	[sflag:s0] =	ssyncadd.s32 $0xFFFFE000  }
0x58: {  	[spmem:s10] =	stream.linear.scatter [tilespmem:s31], [sflag:$0x9], $0x2000, $0x38;
	[tilespmem:$0x1E400] =	vst v63  }
0x59: {  	_ =	swait.ge [sflag:s0], $0x2000  }
0x5a: {  	[sflag:s0] =	ssyncset.done $0x0  }
0x5b: {  	[sflag:s0] =	ssyncadd.s32 $0xFFFFE000  }
0x5c: {  	[bflag:$0x0] =	sbarrier.arrive $0xFFFF  }
0x5d: {  	_ =	swait.ge [sflag:s3], $0x100  }
0x5e: {  	[sflag:s3] =	ssyncset.done $0x0  }
0x5f: {  	s13 =	simm.s32 $0x4400;
	[sflag:s3] =	ssyncadd.s32 $0xFFFFFF00  }
0x60: {  	[tilespmem:s13], [sflag:$0x6] =	stream.indirect.gather [hbm4b:s4+s29], $0x80, s11, s29, $0xb8;
	[tilespmem:$0x1E400] =	vst v63  }
0x61: {  	s15 =	simm.s32 $0x2;
	_ =	swait.ge [sflag:s8], $0x4000  }
0x62: {  	s16 =	sand.u32 $0x3, s15;
	[sflag:s8] =	ssyncset.done $0x0  }
0x63: {  	s17 =	sadd.s32 $0x1, s16;
	[sflag:s8] =	ssyncadd.s32 $0xFFFFC000  }
0x64: {  	[spmem:s1] =	stream.indirect.scatter.add.f32 [tilespmem:s12], [sflag:$0x7], $0x80, s29, s29, $0xb8;
	[tilespmem:$0x1E400] =	vst v63  }
0x65: {  	s10 =	simm.s32 $0x200;
	s11 =	simm.s32 $0x0;
	s14 =	rddreg [dreg:$0x10]  }
0x66: {  	[tilespmem:s10], [sflag:$0x3] =	stream.linear.gather [hbm4b:s14+s11], $0x100, $0x38;
	[tilespmem:$0x1E400] =	vst v63  }
0x67: {  	p0 =	sle.u32 s5, $0x3;
	s6 =	sand.u32 $0x1, s15;
	_ =	swait.ge [sflag:s17], $0x100  }
0x68: {  	s15 =	simm.s32 $0x1;
	s22 =	sshll.u32 s6, $0xE;
	[sflag:s17] =	ssyncset.done $0x0  }
0x69: {  	s13 =	sadd.s32 $0x7, s6;
	s12 =	sadd.s32 $0x4, s26;
	[sflag:s17] =	ssyncadd.s32 $0xFFFFFF00  }
0x6a: {  	s24 =	simm.s32 $0x3;
	p1 =	sne.s32 s12, $0x3;
	_ =	swait.ge [sflag:s13], $0x4000  }
0x6b: {  	s10 =	sshll.u32 s16, $0x8;
	s14 =	sadd.s32 $0x5, s6;
	[sflag:s13] =	ssyncset.done $0x0  }
0x6c: {  	s16 =	sand.u32 $0x1, s15;
	s15 =	sor.u32 $0x400, s22;
	[sflag:s13] =	ssyncadd.s32 $0xFFFFC000  }
0x6d: {  	[tilespmem:s15], [sflag:s14] =	stream.indirect.gather [hbm4b:s4+s29], $0x80, s10, s29, $0xb8;
	[tilespmem:$0x1E400] =	vst v63  }
0x6e: {  	s23 =	sshll.u32 s16, $0xE;
	s17 =	sadd.s32 $0x5, s16;
	s10 =	simm.s32 $0x400  }
.Ltmp1:
0x6f: {  	s22 =	sand.u32 $0xC00, s10;
	_ =	swait.ge [sflag:s17], $0x4000;
	(pc) =	sbr.rel @!p1 .LBB2_5-.Ltmp1, $4  }
0x70: {  	s6 =	sor.u32 $0x400, s23;
	s22 =	sshrl.u32 s22, $0x2;
	[sflag:s17] =	ssyncset.done $0x0  }
0x71: {  	[sflag:s17] =	ssyncadd.s32 $0xFFFFC000;
	s28 =	sor.u32 $0x80, s22;
	s22 =	sadd.s32 $0x7, s16  }
0x72: {  	[spmem:s1] =	stream.indirect.scatter.add.f32 [tilespmem:s6], [sflag:s22], $0x80, s28, s29, $0xb8;
	[tilespmem:$0x1E400] =	vst v63  }
0x73: {  	s12 =	simm.s32 $0x4;
	s16 =	sand.u32 $0x3, s24;
	s28 =	simm.s32 @!p0 $0x0  }
.LBB2_4:
0x74: {  	s6 =	sshll.u32 @!p0 s16, $0x8;
	s13 =	sadd.s32 @!p0 $0x1, s16;
	s11 =	sadd.s32 @!p0 s11, s19  }
0x75: {  	[tilespmem:s6], [sflag:s13] =	stream.linear.gather @!p0 [hbm4b:s11+s28], $0x100, $0x38;
	[tilespmem:$0x1E400] =	vst v63  }
0x76: {  	s22 =	smov.u32 s12;
	s6 =	sadd.s32 $0xFFFFFFFF, s12;
	s11 =	smov.u32 s10  }
0x77: {  	s14 =	sand.u32 $0x3, s6;
	s6 =	sand.u32 $0x1, s6  }
0x78: {  	s13 =	sadd.s32 $0x1, s14;
	s15 =	sshll.u32 s6, $0xE  }
0x79: {  	s16 =	sand.u32 $0x3, s12;
	s17 =	sadd.s32 $0xFFFFFFFE, s12;
	_ =	swait.ge [sflag:s13], $0x100  }
0x7a: {  	s10 =	sadd.s32 $0x400, s10;
	s12 =	sadd.s32 $0x1, s12;
	[sflag:s13] =	ssyncset.done $0x0  }
0x7b: {  	s23 =	sadd.s32 s12, s26;
	[sflag:s13] =	ssyncadd.s32 $0xFFFFFF00;
	s13 =	sadd.s32 $0x7, s6  }
0x7c: {  	s28 =	sshll.u32 s14, $0x8;
	s14 =	sadd.s32 $0x5, s6;
	_ =	swait.ge [sflag:s13], $0x4000  }
0x7d: {  	p1 =	sne.s32 s23, $0x3;
	s23 =	sand.u32 $0x1, s17;
	[sflag:s13] =	ssyncset.done $0x0  }
0x7e: {  	s15 =	sor.u32 $0x400, s15;
	s17 =	sadd.s32 $0x5, s23;
	[sflag:s13] =	ssyncadd.s32 $0xFFFFC000  }
0x7f: {  	[tilespmem:s15], [sflag:s14] =	stream.indirect.gather [hbm4b:s4+s29], $0x80, s28, s29, $0xb8;
	[tilespmem:$0x1E400] =	vst v63  }
.Ltmp2:
0x80: {  	s6 =	sshll.u32 s23, $0xE;
	s28 =	sand.u32 $0xC00, s10;
	(pc) =	sbr.rel @p1 .LBB2_4-.Ltmp2, $4  }
0x81: {  	p0 =	sge.u32 s22, s5;
	s24 =	sshrl.u32 s28, $0x2;
	_ =	swait.ge [sflag:s17], $0x4000  }
0x82: {  	s6 =	sor.u32 $0x400, s6;
	s28 =	simm.s32 @!p0 $0x0;
	[sflag:s17] =	ssyncset.done $0x0  }
0x83: {  	s22 =	sadd.s32 $0x7, s23;
	s24 =	sor.u32 $0x80, s24;
	[sflag:s17] =	ssyncadd.s32 $0xFFFFC000  }
0x84: {  	[spmem:s1] =	stream.indirect.scatter.add.f32 [tilespmem:s6], [sflag:s22], $0x80, s24, s29, $0xb8;
	[tilespmem:$0x1E400] =	vst v63  }
.LBB2_5:
0x85: {  	s23 =	sshll.u32 @!p0 s16, $0x8;
	s16 =	sadd.s32 @!p0 $0x1, s16;
	s11 =	sadd.s32 @!p0 s11, s19  }
0x86: {  	[tilespmem:s23], [sflag:s16] =	stream.linear.gather @!p0 [hbm4b:s11+s28], $0x100, $0x38;
	[tilespmem:$0x1E400] =	vst v63  }
0x87: {  	_ =	swait.ge @!p0 [sflag:s16], $0x100  }
0x88: {  	[sflag:s16] =	ssyncset.done @!p0 $0x0  }
0x89: {  	[sflag:s16] =	ssyncadd.s32 @!p0 $0xFFFFFF00  }
0x8a: {  	_ =	swait.ge @!p0 [sflag:s22], $0x4000  }
0x8b: {  	[sflag:s22] =	ssyncset.done @!p0 $0x0  }
0x8c: {  	s11 =	simm.s32 @!p0 $0x80;
	[sflag:s22] =	ssyncadd.s32 @!p0 $0xFFFFC000  }
0x8d: {  	[tilespmem:s6], [sflag:s17] =	stream.indirect.gather @!p0 [hbm4b:s4+s11], $0x80, s23, s11, $0xb8;
	[tilespmem:$0x1E400] =	vst v63  }
0x8e: {  	s17 =	sadd.s32 $0x400, s10  }
0x8f: {  	_ =	swait.ge [sflag:s14], $0x4000;
	s6 =	sand.u32 $0xC00, s17  }
0x90: {  	[sflag:s14] =	ssyncset.done $0x0;
	s6 =	sshrl.u32 s6, $0x2  }
0x91: {  	p0 =	sge.u32 s12, s5;
	[sflag:s14] =	ssyncadd.s32 $0xFFFFC000;
	s6 =	sor.u32 $0x80, s6  }
0x92: {  	[spmem:s1] =	stream.indirect.scatter.add.f32 [tilespmem:s15], [sflag:s13], $0x80, s6, s29, $0xb8;
	[tilespmem:$0x1E400] =	vst v63  }
0x93: {  	s10 =	sadd.s32 @!p0 s10, s25;
	s6 =	sand.u32 $0x3, s12  }
0x94: {  	s12 =	simm.s32 @!p0 $0x0;
	s11 =	sshll.u32 @!p0 s6, $0x8;
	s6 =	sadd.s32 @!p0 $0x1, s6  }
0x95: {  	[tilespmem:s11], [sflag:s6] =	stream.linear.gather @!p0 [hbm4b:s10+s12], $0x100, $0x38;
	[tilespmem:$0x1E400] =	vst v63  }
0x96: {  	_ =	swait.ge [sflag:s18], $0x4000  }
0x97: {  	[sflag:s18] =	ssyncset.done $0x0  }
0x98: {  	[sflag:s18] =	ssyncadd.s32 $0xFFFFC000  }
0x99: {  	_ =	swait.ge [sflag:s21], $0x4000  }
0x9a: {  	[sflag:s21] =	ssyncset.done $0x0  }
0x9b: {  	s22 =	stileid.u32;
	[sflag:s21] =	ssyncadd.s32 $0xFFFFC000  }
0x9c: {  	s6 =	sshll.u32 s22, $0x6;
	[bflag:$0x0] =	sbarrier.arrive $0xFFFF  }
0x9d: {  	s23 =	sshrl.u32 s7, $0x3;
	s6 =	sor.u32 $0x1C09, s6;
	s24 =	rddreg [dreg:$0xf]  }
0x9e: {  	[hbm:s24], [sflag:s6] =	dma.local [spmem:s23], $0x2800  }
0x9f: {  	_ =	swait.ge [sflag:s0], $0x2800  }
0xa0: {  	s9 =	sadd.s32 $0x1, s9;
	s28 =	rddreg [dreg:$0xe]  }
0xa1: {  	p0 =	sne.s32 s9, s28  }
.Ltmp3:
0xa2: {  	_ = 	snop;
	(pc) =	sbr.rel @p0 .LBB2_1-.Ltmp3, $3  }
0xa3: {  	_ =	sdelay $0x1  }
0xa4: {  	[sflag:s0] =	ssyncset.done $0x0  }
0xa5: {  	s11 =	simm.s32 $0x100;
	s12 =	simm.s32 $0x400;
	[sflag:s0] =	ssyncadd.s32 $0xFFFFD800  }
0xa6: {  	_ =	sfence.sel $0x180000  }
0xa7: {  	[bflag:$0x0] =	sbarrier.arrive $0xFFFF  }
0xa8: {  	_ =	strace $0x9000004A  }
0xa9: {  	s0 =	stileid.u32;
	[bflag:$0x2] =	sbarrier.arrive $0xFFFF  }
0xaa: {  	p0 =	sne.s32 s0, $0x0;
	s0 =	rddreg [dreg:$0x3]  }
0xab: {  	s0 =	sadd.s32 @!p0 $0x100000, s0  }
0xac: {  	[sflag:s0] =	ssyncadd.tile.s32 @!p0 $0x1;
	_ =	shalt  }
.Lfunc_end2:
_tile_overlayer_lowered:
.L_overlay_start_2:
0xad: {  	(tag) =	ssettag $0x2  }
0xae: {  	s0 =	rddreg [dreg:$0x0];
	s2 =	stileid.u32  }
0xaf: {  	s1 =	rddreg [dreg:$0x1];
	p0 =	sne.s32 s2, $0x0  }
0xb0: {  	s3 =	rddreg [dreg:$0x2];
	[bflag:$0x3] =	sbarrier.arrive $0xFFFF;
	s2 =	simm.s32 @!p0 $0x1C09  }
0xb1: {  	[timem:s3], [sflag:s2] =	dma.local @!p0 [hbm:s0], s1  }
0xb2: {  	s0 =	simm.s32 @!p0 $0x9  }
0xb3: {  	_ =	swait.ge @!p0 [sflag:s0], s1  }
0xb4: {  	s1 =	ssub.s32 @!p0 $0x0, s1;
	[sflag:s0] =	ssyncset.done @!p0 $0x0  }
0xb5: {  	[sflag:s0] =	ssyncadd.s32 @!p0 s1  }
0xb6: {  	[bflag:$0x3] =	sbarrier.arrive $0xFFFF  }
0xb7: {  	_ =	shalt  }

// kernel: kernel.16.cloned.1.call-start
scs
__scs_entry_jumppad:
0x0: {  	(pc) =	sbr.rel $0x88, $3  }
0x1: {  	(tag) =	ssettag $0x0;
	lr =	simm.s32 $0x1  }
0x2: {  	[smem:$0x3F83] =	sst lr;
	_ =	strace $0xD0000000  }
0x3: {  	_ = 	snop  }
0x4: {  	_ = 	snop  }
0x5: {  	_ = 	snop  }
0x6: {  	_ = 	snop  }
0x7: {  	_ = 	snop  }
__scs_overlays_trampoline_lowered:
0x8: {  	[smem:$0x3F92] =	sst s0  }
0x9: {  	[smem:$0x3F93] =	sst s1  }
0xa: {  	[smem:$0x3F94] =	sst s2  }
0xb: {  	[smem:$0x3F95] =	sst s3  }
0xc: {  	[smem:$0x3F96] =	sst s4  }
0xd: {  	[smem:$0x3F97] =	sst s5  }
0xe: {  	[smem:$0x3F98] =	sst s6  }
0xf: {  	[smem:$0x3F99] =	sst s7  }
0x10: {  	[smem:$0x3F9A] =	sst s8  }
0x11: {  	[smem:$0x3F9B] =	sst s9;
	s0 =	simm.s32 @!p0 $0x0  }
0x12: {  	s1 =	sld [smem:$0x3F81];
	s0 =	simm.s32 @p0 $0x1  }
0x13: {  	[smem:$0x3F9C] =	sst s0;
	s0 =	simm.s32 @!p1 $0x0  }
0x14: {  	s2 =	sld [smem:$0x3F80];
	s0 =	simm.s32 @p1 $0x1  }
0x15: {  	[smem:$0x3F9D] =	sst s0;
	s0 =	simm.s32 @!p2 $0x0  }
0x16: {  	s3 =	sld [smem:$0x3FDB];
	s0 =	simm.s32 @p2 $0x1  }
0x17: {  	s4 =	simm.s32 $0x1BF5;
	[smem:$0x3F9F] =	sst s0  }
0x18: {  	s0 =	sld [smem:$0x3F82];
	_ =	swait.ge [sflag:s4], $0x0  }
0x19: {  	s7 =	sld [smem:$0x3F83]  }
0x1a: {  	s8 =	sadd.s32 $0xFFFFE003, lr  }
0x1b: {  	s9 =	sadd.s32 $0xFFFFFEF7, lr;
	s5 =	simm.s32 $0xFFFFFFFF;
	p2 =	slt.u32 s8, $0xFFFFF086  }
0x1c: {  	p1 =	slt.u32 s9, $0xF7A;
	s5 =	simm.s32 @!p2 $0x0  }
0x1d: {  	s5 =	simm.s32 @p1 $0x1;
	p0 =	seq.s32 s7, s2  }
0x1e: {  	s7 =	smul.u32 @!p0 $0xF7A, s2;
	p2 =	seq.s32 @!p0 s5, $0x0  }
0x1f: {  	s9 =	smul.u32 $0xF7A, s1;
	s8 =	simm.s32 @!p0 $0x1BF5;
	p2 =	por !p2, p0  }
0x20: {  	[sflag:s8] =	ssyncset.s32 @!p0 $0xFFFFF086;
	s6 =	sadd.s32 @!p0 s3, s7;
	s7 =	simm.s32 @!p0 $0x108  }
0x21: {  	s3 =	sadd.s32 s3, s9;
	s6 =	sadd.s32 @!p0 $0x88, s6;
	s7 =	simm.s32 @p2 $0x1082  }
0x22: {  	[simem:s7], [sflag:s8] =	dma.local @!p0 [hbm:s6], $0xF7A  }
0x23: {  	s9 =	sor.u32 $0xD0000000, s2;
	s6 =	simm.s32 $0x108;
	_ =	swait.ge @!p0 [sflag:s8], $0x0  }
0x24: {  	s3 =	sadd.s32 $0x88, s3;
	s6 =	simm.s32 @!p1 $0x1082;
	[sflag:s4] =	ssyncset.s32 $0xFFFFF086  }
0x25: {  	[simem:s6], [sflag:s4] =	dma.local [hbm:s3], $0xF7A  }
0x26: {  	[smem:$0x3F83] =	sst s1;
	(tag) =	ssettag s2;
	_ =	strace s9  }
0x27: {  	s1 =	sld [smem:$0x3F93]  }
0x28: {  	s2 =	sld [smem:$0x3F94]  }
0x29: {  	s4 =	sld [smem:$0x3F96]  }
0x2a: {  	p0 =	seq.s32 s5, $0x0;
	s5 =	sld [smem:$0x3F97]  }
0x2b: {  	s6 =	sld [smem:$0x3F98]  }
0x2c: {  	s7 =	sld [smem:$0x3F99]  }
0x2d: {  	s3 =	simm.s32 $0x108;
	s8 =	sld [smem:$0x3F9A]  }
0x2e: {  	s3 =	simm.s32 @!p0 $0x1082;
	s9 =	sld [smem:$0x3F9B]  }
0x2f: {  	lr =	sadd.s32 s0, s3;
	s0 =	sld [smem:$0x3F92]  }
0x30: {  	s3 =	sld [smem:$0x3F95]  }
0x31: {  	[smem:$0x3F9E] =	sst s10  }
0x32: {  	s10 =	sld [smem:$0x3F9C];
	_ =	sdelay $0x3  }
0x33: {  	p0 =	seq.s32 s10, $0x1;
	s10 =	sld [smem:$0x3F9E];
	_ =	sdelay $0x3  }
0x34: {  	[smem:$0x3F9E] =	sst s10  }
0x35: {  	s10 =	sld [smem:$0x3F9D];
	_ =	sdelay $0x3  }
0x36: {  	p1 =	seq.s32 s10, $0x1;
	s10 =	sld [smem:$0x3F9E];
	_ =	sdelay $0x3  }
0x37: {  	[smem:$0x3F9E] =	sst s10  }
0x38: {  	s10 =	sld [smem:$0x3F9F]  }
0x39: {  	_ = 	snop;
	(pc) =	sbr.ind lr, $3  }
0x3a: {  	_ = 	snop  }
0x3b: {  	_ = 	snop  }
0x3c: {  	p2 =	seq.s32 s10, $0x1;
	s10 =	sld [smem:$0x3F9E]  }
0x3d: {  	_ =	shalt  }
0x3e: {  	_ =	shalt  }
0x3f: {  	_ =	shalt  }
0x40: {  	_ =	shalt  }
0x41: {  	_ =	shalt  }
0x42: {  	_ =	shalt  }
0x43: {  	_ =	shalt  }
0x44: {  	_ =	shalt  }
0x45: {  	_ =	shalt  }
0x46: {  	_ =	shalt  }
0x47: {  	_ =	shalt  }
0x48: {  	_ =	shalt  }
0x49: {  	_ =	shalt  }
0x4a: {  	_ =	shalt  }
0x4b: {  	_ =	shalt  }
0x4c: {  	_ =	shalt  }
0x4d: {  	_ =	shalt  }
0x4e: {  	_ =	shalt  }
0x4f: {  	_ =	shalt  }
0x50: {  	_ =	shalt  }
0x51: {  	_ =	shalt  }
0x52: {  	_ =	shalt  }
0x53: {  	_ =	shalt  }
0x54: {  	_ =	shalt  }
0x55: {  	_ =	shalt  }
0x56: {  	_ =	shalt  }
0x57: {  	_ =	shalt  }
0x58: {  	_ =	shalt  }
0x59: {  	_ =	shalt  }
0x5a: {  	_ =	shalt  }
0x5b: {  	_ =	shalt  }
0x5c: {  	_ =	shalt  }
0x5d: {  	_ =	shalt  }
0x5e: {  	_ =	shalt  }
0x5f: {  	_ =	shalt  }
0x60: {  	_ =	shalt  }
0x61: {  	_ =	shalt  }
0x62: {  	_ =	shalt  }
0x63: {  	_ =	shalt  }
0x64: {  	_ =	shalt  }
0x65: {  	_ =	shalt  }
0x66: {  	_ =	shalt  }
0x67: {  	_ =	shalt  }
0x68: {  	_ =	shalt  }
0x69: {  	_ =	shalt  }
0x6a: {  	_ =	shalt  }
0x6b: {  	_ =	shalt  }
0x6c: {  	_ =	shalt  }
0x6d: {  	_ =	shalt  }
0x6e: {  	_ =	shalt  }
0x6f: {  	_ =	shalt  }
0x70: {  	_ =	shalt  }
0x71: {  	_ =	shalt  }
0x72: {  	_ =	shalt  }
0x73: {  	_ =	shalt  }
0x74: {  	_ =	shalt  }
0x75: {  	_ =	shalt  }
0x76: {  	_ =	shalt  }
0x77: {  	_ =	shalt  }
0x78: {  	_ =	shalt  }
0x79: {  	_ =	shalt  }
0x7a: {  	_ =	shalt  }
0x7b: {  	_ =	shalt  }
0x7c: {  	_ =	shalt  }
0x7d: {  	_ =	shalt  }
0x7e: {  	_ =	shalt  }
0x7f: {  	_ =	shalt  }
0x80: {  	_ =	shalt  }
0x81: {  	_ =	shalt  }
0x82: {  	_ =	shalt  }
0x83: {  	_ =	shalt  }
0x84: {  	_ =	shalt  }
0x85: {  	_ =	shalt  }
0x86: {  	_ =	shalt  }
0x87: {  	_ =	shalt  }
.Lfunc_end0:
.L_simem_size_0:
called_computation.2_lowered:
.L_overlay_start_0:
0x88: {  	s2 =	sld [smem:$0x3FD9]  }
0x89: {  	s3 =	sld [smem:$0x3FFE];
	_ =	sdelay $0x1  }
0x8a: {  	s1 =	srdreg.scid  }
0x8b: {  	s0 =	sand.u32 $0x1, s1  }
0x8c: {  	s17 =	sshll.u32 s0, $0xA;
	s2 =	sadd.s32 s3, s2  }
0x8d: {  	s2 =	sadd.s32 s2, s17  }
0x8e: {  	[smem:$0x3FAA] =	sst s2  }
0x8f: {  	_ = 	snop  }
0x90: {  	s2 =	sld [smem:$0x3FC8];
	(tm) =	ssettm $0x1  }
0x91: {  	s18 =	sld [smem:$0x3FFB];
	_ =	sdelay $0x3  }
0x92: {  	_ =	strace s18  }
0x93: {  	s3 =	sld [smem:$0x3FFC];
	_ =	sdelay $0x3  }
0x94: {  	_ =	strace s3  }
0x95: {  	s3 =	sld [smem:$0x3FFD];
	_ =	sdelay $0x3  }
0x96: {  	_ =	strace s3  }
0x97: {  	_ =	strace $0x8FFFFFFF  }
0x98: {  	s19 =	sld [smem:$0x3FDB];
	_ =	sdelay $0x1  }
0x99: {  	s4 =	simm.s32 $_scs_section_size  }
0x9a: {  	s5 =	simm.s32 $_size__tile_overlayer_lowered;
	s6 =	simm.s32 $_tile_overlayer_lowered  }
0x9b: {  	s22 =	simm.s32 $0x1BFF;
	s21 =	sshll.u32 s6, $0x1;
	s3 =	sadd.s32 s4, s19  }
0x9c: {  	s7 =	simm.s32 $0x0;
	s20 =	sshll.u32 s5, $0x1;
	s5 =	sadd.s32 s21, s3  }
0x9d: {  	[timem:s7], [sflag:s22] =	dma.local [hbm:s5], s20  }
0x9e: {  	_ =	swait.ge [sflag:s22], s20  }
0x9f: {  	s4 =	ssub.s32 $0x0, s20;
	[sflag:s22] =	ssyncset.done $0x0  }
0xa0: {  	[sflag:s22] =	ssyncadd.s32 s4;
	_ =	sdelay $0x1  }
0xa1: {  	s23 =	simm.s32 $0x1B8B  }
0xa2: {  	_ =	swait.ge [sflag:s23], $0x1  }
0xa3: {  	[sflag:s23] =	ssyncset.done $0x0  }
0xa4: {  	s25 =	simm.s32 $0x1B8E;
	s24 =	sld [smem:$0x3FFE];
	[sflag:s23] =	ssyncadd.s32 $0xFFFFFFFF  }
0xa5: {  	s26 =	simm.s32 $execute0_lowered;
	[smem:$0x3FD2] =	sst s25  }
0xa6: {  	s5 =	sshll.u32 s26, $0x1;
	_ =	strace $0x8000004C;
	[dreg:$0x1] =	wrdreg $0xFFFFFFFF  }
0xa7: {  	s28 =	simm.s32 $_size_execute0_lowered;
	s3 =	sadd.s32 s3, s5;
	[dreg:$0x0] =	wrdreg $0x0  }
0xa8: {  	s5 =	sshll.u32 s28, $0x1;
	[dreg:$0x2] =	wrdreg s3  }
0xa9: {  	[dreg:$0x3] =	wrdreg s5  }
0xaa: {  	[dreg:$0x4] =	wrdreg $0xC0  }
0xab: {  	_ =	task [dreg:s7], $0x5FFFF  }
0xac: {  	[dreg:$0x1] =	wrdreg $0xFFFFFFFF  }
0xad: {  	[dreg:$0x0] =	wrdreg $0x60  }
0xae: {  	[dreg:$0x2] =	wrdreg s24  }
0xaf: {  	[dreg:$0x3] =	wrdreg s2  }
0xb0: {  	[dreg:$0x4] =	wrdreg $0xA4000  }
0xb1: {  	[dreg:$0x5] =	wrdreg $0x9  }
0xb2: {  	_ =	task.clear_ibuf [dreg:s7], $0x6FFFF;
	_ =	strace $0x9000004C  }
0xb3: {  	s29 =	simm.s32 $0x9;
	_ =	strace $0x8000004E  }
0xb4: {  	_ =	swait.ge [sflag:s29], $0x1  }
0xb5: {  	[sflag:s29] =	ssyncadd.s32 $0xFFFFFFFF  }
0xb6: {  	_ =	strace $0x9000004E  }
0xb7: {  	_ =	sfence  }
0xb8: {  	s30 =	sld [smem:$0x0];
	_ =	sdelay $0x2  }
0xb9: {  	s31 =	sshll.u32 s1, $0xD;
	s1 =	sshrl.u32 s1, $0x2  }
0xba: {  	s3 =	sand.u32 $0x4000, s31;
	s1 =	sadd.s32 s1, s30  }
0xbb: {  	s0 =	sor.u32 s3, s0;
	s1 =	sshll.u32 s1, $0x11  }
0xbc: {  	s0 =	sor.u32 s1, s0  }
0xbd: {  	s0 =	sadd.s32 $0x8F2B, s0  }
0xbe: {  	[sflag:s0] =	ssyncadd.remote.s32 $0x1  }
0xbf: {  	_ =	sfence.sel $0xFFFF  }
0xc0: {  	[dreg:$0x0] =	wrdreg $0xFFFFFFFF;
	(pc) =	sbr.abs _section_cstart, $3  }
0xc1: {  	[dreg:$0x1] =	wrdreg $0xFFFFFFFF  }
0xc2: {  	_ =	task.clear_ibuf [dreg:s7], $0x2FFFF;
	_ =	strace $0x9FFFFFFF  }
0xc3: {  	(tm) =	ssettm $0x7FFFFFFF  }
tec
execute0_lowered:
.L_overlay_start_1:
0x0: {  	(tag) =	ssettag $0x1  }
0x1: {  	s0 =	rddreg [dreg:$0x0]  }
0x2: {  	s3 =	rddreg [dreg:$0x1]  }
0x3: {  	s1 =	rddreg [dreg:$0x2];
	s2 =	simm.s32 $0x0  }
0x4: {  	s4 =	srdreg.scid;
	s11 =	stileid.u32;
	s29 =	simm.s32 $0x80  }
0x5: {  	s31 =	simm.s32 $0x8400;
	[smem:$0x7FF] =	sst s2;
	s6 =	sand.u32 $0x1, s4  }
0x6: {  	s4 =	sadd.s32 $0x6000, s0;
	s10 =	smul.u32 $0x50000, s11;
	s25 =	sshll.u32 s11, $0x8  }
0x7: {  	_ =	strace $0x8000004D;
	s5 =	smul.u32 $0x28000, s6;
	s7 =	ssub.s32 $0x2, s6  }
0x8: {  	s8 =	sshll.u32 s6, $0x4;
	s6 =	sshll.u32 s6, $0xC;
	s9 =	sshrl.u32 s7, $0x1  }
0x9: {  	s8 =	sor.u32 s11, s8;
	s14 =	sshrl.u32 s10, $0x2;
	s6 =	sor.u32 s25, s6  }
0xa: {  	s11 =	smul.u32 $0x2800, s11;
	s0 =	sadd.s32 s5, s0;
	s9 =	ssub.s32 s7, s9  }
0xb: {  	p0 =	sgt.u32 s8, $0x3;
	s5 =	simm.s32 $0x4E;
	s13 =	sshll.u32 s8, $0x5  }
0xc: {  	s7 =	sadd.s32 s14, s1;
	s8 =	simm.s32 $0x1;
	s10 =	sor.u32 $0x8000, s6  }
0xd: {  	s6 =	sor.u32 $0x6000, s6;
	s5 =	simm.s32 @!p0 $0x4F;
	s16 =	sadd.s32 $0x2000, s7  }
0xe: {  	s12 =	sadd.s32 s3, s13;
	s17 =	sadd.s32 $0x4000, s7;
	[dreg:$0x5] =	wrdreg s16  }
0xf: {  	s18 =	sadd.s32 $0x6000, s7;
	s19 =	sadd.s32 $0x8000, s7;
	[dreg:$0x6] =	wrdreg s17  }
0x10: {  	s20 =	sadd.s32 $0xA000, s7;
	s21 =	sadd.s32 $0xC000, s7;
	[dreg:$0x7] =	wrdreg s18  }
0x11: {  	s22 =	sadd.s32 $0xE000, s7;
	s23 =	sadd.s32 $0x10000, s7;
	[dreg:$0x8] =	wrdreg s19  }
0x12: {  	s13 =	sadd.s32 $0x12000, s7;
	s8 =	simm.s32 @!p0 $0x0;
	[dreg:$0x9] =	wrdreg s20  }
0x13: {  	s10 =	sshrl.u32 s10, $0x3;
	s6 =	sshrl.u32 s6, $0x3;
	[dreg:$0xa] =	wrdreg s21  }
0x14: {  	s0 =	sadd.s32 $0x54400, s0;
	s26 =	smax.u32 s9, $0x1;
	[dreg:$0xb] =	wrdreg s22  }
0x15: {  	s9 =	simm.s32 $0x0;
	s15 =	sadd.s32 $0x400, s12;
	[dreg:$0xc] =	wrdreg s23  }
0x16: {  	s24 =	sand.u32 $0x1, s5;
	[dreg:$0xd] =	wrdreg s13;
	s10 =	sadd.s32 s10, s3  }
0x17: {  	s19 =	sadd.s32 s6, s3;
	s20 =	simm.s32 $0x1;
	s21 =	sadd.s32 $0x7, s8  }
0x18: {  	[dreg:$0xe] =	wrdreg s26;
	s0 =	sadd.s32 s11, s0;
	s30 =	smov.u32 s12  }
0x19: {  	s28 =	sadd.s32 $0x800, s12;
	s26 =	ssub.s32 $0x2, s5;
	s11 =	simm.s32 $0x100  }
0x1a: {  	s12 =	simm.s32 $0x400;
	s3 =	simm.s32 $0x2;
	[dreg:$0x4] =	wrdreg s15  }
0x1b: {  	s8 =	simm.s32 $0x5;
	s18 =	sadd.s32 $0x7, s24;
	[dreg:$0xf] =	wrdreg s0  }
0x1c: {  	v0 =	vimm.f32 $0.0e+00;
	[dreg:$0x10] =	wrdreg s28;
	s25 =	sadd.s32 $0xFFFFFC00, s10;
	s0 =	simm.s32 $0x9  }
.LBB2_1:
0x1d: {  	[tilespmem:s2], [sflag:$0x1] =	stream.linear.gather [hbm4b:s30+s2], $0x100, $0x38;
	[tilespmem:$0x1E400] =	vst v63  }
0x1e: {  	s6 =	rddreg [dreg:$0x4]  }
0x1f: {  	[tilespmem:s11], [sflag:$0x2] =	stream.linear.gather [hbm4b:s6+s2], $0x100, $0x38;
	[tilespmem:$0x1E400] =	vst v63  }
0x20: {  	_ =	swait.ge [sflag:s20], $0x100  }
0x21: {  	[sflag:s20] =	ssyncset.done $0x0  }
0x22: {  	s10 =	simm.s32 $0x200;
	s6 =	simm.s32 $0x0;
	[sflag:s20] =	ssyncadd.s32 $0xFFFFFF00  }
0x23: {  	[tilespmem:s12], [sflag:$0x5] =	stream.indirect.gather [hbm4b:s4+s29], $0x80, s2, s29, $0xb8;
	[tilespmem:$0x1E400] =	vst v63  }
.LBB2_2:
0x24: {  	p0 =	sne.s32 s10, $0x7E00;
	[tilespmem:s6+$0x8470] =	vst v0  }
0x25: {  	[tilespmem:s6+$0x8400] =	vst v0  }
0x26: {  	[tilespmem:s6+$0x8410] =	vst v0  }
.Ltmp0:
0x27: {  	[tilespmem:s6+$0x8420] =	vst v0;
	(pc) =	sbr.rel @p0 .LBB2_2-.Ltmp0, $4  }
0x28: {  	[tilespmem:s6+$0x8430] =	vst v0  }
0x29: {  	[tilespmem:s6+$0x8440] =	vst v0  }
0x2a: {  	[tilespmem:s6+$0x8450] =	vst v0  }
0x2b: {  	[tilespmem:s6+$0x8460] =	vst v0;
	s6 =	sshra.s32 s10, $0x2;
	s10 =	sadd.s32 $0x200, s10  }
0x2c: {  	[tilespmem:s6+$0x8470] =	vst v0  }
0x2d: {  	[tilespmem:s6+$0x8400] =	vst v0  }
0x2e: {  	[tilespmem:s6+$0x8410] =	vst v0  }
0x2f: {  	[tilespmem:s6+$0x8420] =	vst v0  }
0x30: {  	[tilespmem:s6+$0x8430] =	vst v0  }
0x31: {  	[tilespmem:s6+$0x8440] =	vst v0  }
0x32: {  	[tilespmem:s6+$0x8450] =	vst v0  }
0x33: {  	[tilespmem:s6+$0x8460] =	vst v0  }
0x34: {  	[spmem:s7] =	stream.linear.scatter [tilespmem:s31], [sflag:$0x9], $0x2000, $0x38;
	[tilespmem:$0x1E400] =	vst v63  }
0x35: {  	_ =	swait.ge [sflag:s0], $0x2000  }
0x36: {  	[sflag:s0] =	ssyncset.done $0x0  }
0x37: {  	s13 =	rddreg [dreg:$0x5];
	[sflag:s0] =	ssyncadd.s32 $0xFFFFE000  }
0x38: {  	[spmem:s13] =	stream.linear.scatter [tilespmem:s31], [sflag:$0x9], $0x2000, $0x38;
	[tilespmem:$0x1E400] =	vst v63  }
0x39: {  	_ =	swait.ge [sflag:s0], $0x2000  }
0x3a: {  	[sflag:s0] =	ssyncset.done $0x0  }
0x3b: {  	s14 =	rddreg [dreg:$0x6];
	[sflag:s0] =	ssyncadd.s32 $0xFFFFE000  }
0x3c: {  	[spmem:s14] =	stream.linear.scatter [tilespmem:s31], [sflag:$0x9], $0x2000, $0x38;
	[tilespmem:$0x1E400] =	vst v63  }
0x3d: {  	_ =	swait.ge [sflag:s0], $0x2000  }
0x3e: {  	[sflag:s0] =	ssyncset.done $0x0  }
0x3f: {  	s15 =	rddreg [dreg:$0x7];
	[sflag:s0] =	ssyncadd.s32 $0xFFFFE000  }
0x40: {  	[spmem:s15] =	stream.linear.scatter [tilespmem:s31], [sflag:$0x9], $0x2000, $0x38;
	[tilespmem:$0x1E400] =	vst v63  }
0x41: {  	_ =	swait.ge [sflag:s0], $0x2000  }
0x42: {  	[sflag:s0] =	ssyncset.done $0x0  }
0x43: {  	s16 =	rddreg [dreg:$0x8];
	[sflag:s0] =	ssyncadd.s32 $0xFFFFE000  }
0x44: {  	[spmem:s16] =	stream.linear.scatter [tilespmem:s31], [sflag:$0x9], $0x2000, $0x38;
	[tilespmem:$0x1E400] =	vst v63  }
0x45: {  	_ =	swait.ge [sflag:s0], $0x2000  }
0x46: {  	[sflag:s0] =	ssyncset.done $0x0  }
0x47: {  	s17 =	rddreg [dreg:$0x9];
	[sflag:s0] =	ssyncadd.s32 $0xFFFFE000  }
0x48: {  	[spmem:s17] =	stream.linear.scatter [tilespmem:s31], [sflag:$0x9], $0x2000, $0x38;
	[tilespmem:$0x1E400] =	vst v63  }
0x49: {  	_ =	swait.ge [sflag:s0], $0x2000  }
0x4a: {  	[sflag:s0] =	ssyncset.done $0x0  }
0x4b: {  	s22 =	rddreg [dreg:$0xa];
	[sflag:s0] =	ssyncadd.s32 $0xFFFFE000  }
0x4c: {  	[spmem:s22] =	stream.linear.scatter [tilespmem:s31], [sflag:$0x9], $0x2000, $0x38;
	[tilespmem:$0x1E400] =	vst v63  }
0x4d: {  	_ =	swait.ge [sflag:s0], $0x2000  }
0x4e: {  	[sflag:s0] =	ssyncset.done $0x0  }
0x4f: {  	s23 =	rddreg [dreg:$0xb];
	[sflag:s0] =	ssyncadd.s32 $0xFFFFE000  }
0x50: {  	[spmem:s23] =	stream.linear.scatter [tilespmem:s31], [sflag:$0x9], $0x2000, $0x38;
	[tilespmem:$0x1E400] =	vst v63  }
0x51: {  	_ =	swait.ge [sflag:s0], $0x2000  }
0x52: {  	[sflag:s0] =	ssyncset.done $0x0  }
0x53: {  	s24 =	rddreg [dreg:$0xc];
	[sflag:s0] =	ssyncadd.s32 $0xFFFFE000  }
0x54: {  	[spmem:s24] =	stream.linear.scatter [tilespmem:s31], [sflag:$0x9], $0x2000, $0x38;
	[tilespmem:$0x1E400] =	vst v63  }
0x55: {  	_ =	swait.ge [sflag:s0], $0x2000  }
0x56: {  	[sflag:s0] =	ssyncset.done $0x0  }
0x57: {  	s10 =	rddreg [dreg:$0xd];
	[sflag:s0] =	ssyncadd.s32 $0xFFFFE000  }
0x58: {  	[spmem:s10] =	stream.linear.scatter [tilespmem:s31], [sflag:$0x9], $0x2000, $0x38;
	[tilespmem:$0x1E400] =	vst v63  }
0x59: {  	_ =	swait.ge [sflag:s0], $0x2000  }
0x5a: {  	[sflag:s0] =	ssyncset.done $0x0  }
0x5b: {  	[sflag:s0] =	ssyncadd.s32 $0xFFFFE000  }
0x5c: {  	[bflag:$0x0] =	sbarrier.arrive $0xFFFF  }
0x5d: {  	_ =	swait.ge [sflag:s3], $0x100  }
0x5e: {  	[sflag:s3] =	ssyncset.done $0x0  }
0x5f: {  	s13 =	simm.s32 $0x4400;
	[sflag:s3] =	ssyncadd.s32 $0xFFFFFF00  }
0x60: {  	[tilespmem:s13], [sflag:$0x6] =	stream.indirect.gather [hbm4b:s4+s29], $0x80, s11, s29, $0xb8;
	[tilespmem:$0x1E400] =	vst v63  }
0x61: {  	s15 =	simm.s32 $0x2;
	_ =	swait.ge [sflag:s8], $0x4000  }
0x62: {  	s16 =	sand.u32 $0x3, s15;
	[sflag:s8] =	ssyncset.done $0x0  }
0x63: {  	s17 =	sadd.s32 $0x1, s16;
	[sflag:s8] =	ssyncadd.s32 $0xFFFFC000  }
0x64: {  	[spmem:s1] =	stream.indirect.scatter.add.f32 [tilespmem:s12], [sflag:$0x7], $0x80, s29, s29, $0xb8;
	[tilespmem:$0x1E400] =	vst v63  }
0x65: {  	s10 =	simm.s32 $0x200;
	s11 =	simm.s32 $0x0;
	s14 =	rddreg [dreg:$0x10]  }
0x66: {  	[tilespmem:s10], [sflag:$0x3] =	stream.linear.gather [hbm4b:s14+s11], $0x100, $0x38;
	[tilespmem:$0x1E400] =	vst v63  }
0x67: {  	p0 =	sle.u32 s5, $0x3;
	s6 =	sand.u32 $0x1, s15;
	_ =	swait.ge [sflag:s17], $0x100  }
0x68: {  	s15 =	simm.s32 $0x1;
	s22 =	sshll.u32 s6, $0xE;
	[sflag:s17] =	ssyncset.done $0x0  }
0x69: {  	s13 =	sadd.s32 $0x7, s6;
	s12 =	sadd.s32 $0x4, s26;
	[sflag:s17] =	ssyncadd.s32 $0xFFFFFF00  }
0x6a: {  	s24 =	simm.s32 $0x3;
	p1 =	sne.s32 s12, $0x3;
	_ =	swait.ge [sflag:s13], $0x4000  }
0x6b: {  	s10 =	sshll.u32 s16, $0x8;
	s14 =	sadd.s32 $0x5, s6;
	[sflag:s13] =	ssyncset.done $0x0  }
0x6c: {  	s16 =	sand.u32 $0x1, s15;
	s15 =	sor.u32 $0x400, s22;
	[sflag:s13] =	ssyncadd.s32 $0xFFFFC000  }
0x6d: {  	[tilespmem:s15], [sflag:s14] =	stream.indirect.gather [hbm4b:s4+s29], $0x80, s10, s29, $0xb8;
	[tilespmem:$0x1E400] =	vst v63  }
0x6e: {  	s23 =	sshll.u32 s16, $0xE;
	s17 =	sadd.s32 $0x5, s16;
	s10 =	simm.s32 $0x400  }
.Ltmp1:
0x6f: {  	s22 =	sand.u32 $0xC00, s10;
	_ =	swait.ge [sflag:s17], $0x4000;
	(pc) =	sbr.rel @!p1 .LBB2_5-.Ltmp1, $4  }
0x70: {  	s6 =	sor.u32 $0x400, s23;
	s22 =	sshrl.u32 s22, $0x2;
	[sflag:s17] =	ssyncset.done $0x0  }
0x71: {  	[sflag:s17] =	ssyncadd.s32 $0xFFFFC000;
	s28 =	sor.u32 $0x80, s22;
	s22 =	sadd.s32 $0x7, s16  }
0x72: {  	[spmem:s1] =	stream.indirect.scatter.add.f32 [tilespmem:s6], [sflag:s22], $0x80, s28, s29, $0xb8;
	[tilespmem:$0x1E400] =	vst v63  }
0x73: {  	s12 =	simm.s32 $0x4;
	s16 =	sand.u32 $0x3, s24;
	s28 =	simm.s32 @!p0 $0x0  }
.LBB2_4:
0x74: {  	s6 =	sshll.u32 @!p0 s16, $0x8;
	s13 =	sadd.s32 @!p0 $0x1, s16;
	s11 =	sadd.s32 @!p0 s11, s19  }
0x75: {  	[tilespmem:s6], [sflag:s13] =	stream.linear.gather @!p0 [hbm4b:s11+s28], $0x100, $0x38;
	[tilespmem:$0x1E400] =	vst v63  }
0x76: {  	s22 =	smov.u32 s12;
	s6 =	sadd.s32 $0xFFFFFFFF, s12;
	s11 =	smov.u32 s10  }
0x77: {  	s14 =	sand.u32 $0x3, s6;
	s6 =	sand.u32 $0x1, s6  }
0x78: {  	s13 =	sadd.s32 $0x1, s14;
	s15 =	sshll.u32 s6, $0xE  }
0x79: {  	s16 =	sand.u32 $0x3, s12;
	s17 =	sadd.s32 $0xFFFFFFFE, s12;
	_ =	swait.ge [sflag:s13], $0x100  }
0x7a: {  	s10 =	sadd.s32 $0x400, s10;
	s12 =	sadd.s32 $0x1, s12;
	[sflag:s13] =	ssyncset.done $0x0  }
0x7b: {  	s23 =	sadd.s32 s12, s26;
	[sflag:s13] =	ssyncadd.s32 $0xFFFFFF00;
	s13 =	sadd.s32 $0x7, s6  }
0x7c: {  	s28 =	sshll.u32 s14, $0x8;
	s14 =	sadd.s32 $0x5, s6;
	_ =	swait.ge [sflag:s13], $0x4000  }
0x7d: {  	p1 =	sne.s32 s23, $0x3;
	s23 =	sand.u32 $0x1, s17;
	[sflag:s13] =	ssyncset.done $0x0  }
0x7e: {  	s15 =	sor.u32 $0x400, s15;
	s17 =	sadd.s32 $0x5, s23;
	[sflag:s13] =	ssyncadd.s32 $0xFFFFC000  }
0x7f: {  	[tilespmem:s15], [sflag:s14] =	stream.indirect.gather [hbm4b:s4+s29], $0x80, s28, s29, $0xb8;
	[tilespmem:$0x1E400] =	vst v63  }
.Ltmp2:
0x80: {  	s6 =	sshll.u32 s23, $0xE;
	s28 =	sand.u32 $0xC00, s10;
	(pc) =	sbr.rel @p1 .LBB2_4-.Ltmp2, $4  }
0x81: {  	p0 =	sge.u32 s22, s5;
	s24 =	sshrl.u32 s28, $0x2;
	_ =	swait.ge [sflag:s17], $0x4000  }
0x82: {  	s6 =	sor.u32 $0x400, s6;
	s28 =	simm.s32 @!p0 $0x0;
	[sflag:s17] =	ssyncset.done $0x0  }
0x83: {  	s22 =	sadd.s32 $0x7, s23;
	s24 =	sor.u32 $0x80, s24;
	[sflag:s17] =	ssyncadd.s32 $0xFFFFC000  }
0x84: {  	[spmem:s1] =	stream.indirect.scatter.add.f32 [tilespmem:s6], [sflag:s22], $0x80, s24, s29, $0xb8;
	[tilespmem:$0x1E400] =	vst v63  }
.LBB2_5:
0x85: {  	s23 =	sshll.u32 @!p0 s16, $0x8;
	s16 =	sadd.s32 @!p0 $0x1, s16;
	s11 =	sadd.s32 @!p0 s11, s19  }
0x86: {  	[tilespmem:s23], [sflag:s16] =	stream.linear.gather @!p0 [hbm4b:s11+s28], $0x100, $0x38;
	[tilespmem:$0x1E400] =	vst v63  }
0x87: {  	_ =	swait.ge @!p0 [sflag:s16], $0x100  }
0x88: {  	[sflag:s16] =	ssyncset.done @!p0 $0x0  }
0x89: {  	[sflag:s16] =	ssyncadd.s32 @!p0 $0xFFFFFF00  }
0x8a: {  	_ =	swait.ge @!p0 [sflag:s22], $0x4000  }
0x8b: {  	[sflag:s22] =	ssyncset.done @!p0 $0x0  }
0x8c: {  	s11 =	simm.s32 @!p0 $0x80;
	[sflag:s22] =	ssyncadd.s32 @!p0 $0xFFFFC000  }
0x8d: {  	[tilespmem:s6], [sflag:s17] =	stream.indirect.gather @!p0 [hbm4b:s4+s11], $0x80, s23, s11, $0xb8;
	[tilespmem:$0x1E400] =	vst v63  }
0x8e: {  	s17 =	sadd.s32 $0x400, s10  }
0x8f: {  	_ =	swait.ge [sflag:s14], $0x4000;
	s6 =	sand.u32 $0xC00, s17  }
0x90: {  	[sflag:s14] =	ssyncset.done $0x0;
	s6 =	sshrl.u32 s6, $0x2  }
0x91: {  	p0 =	sge.u32 s12, s5;
	[sflag:s14] =	ssyncadd.s32 $0xFFFFC000;
	s6 =	sor.u32 $0x80, s6  }
0x92: {  	[spmem:s1] =	stream.indirect.scatter.add.f32 [tilespmem:s15], [sflag:s13], $0x80, s6, s29, $0xb8;
	[tilespmem:$0x1E400] =	vst v63  }
0x93: {  	s10 =	sadd.s32 @!p0 s10, s25;
	s6 =	sand.u32 $0x3, s12  }
0x94: {  	s12 =	simm.s32 @!p0 $0x0;
	s11 =	sshll.u32 @!p0 s6, $0x8;
	s6 =	sadd.s32 @!p0 $0x1, s6  }
0x95: {  	[tilespmem:s11], [sflag:s6] =	stream.linear.gather @!p0 [hbm4b:s10+s12], $0x100, $0x38;
	[tilespmem:$0x1E400] =	vst v63  }
0x96: {  	_ =	swait.ge [sflag:s18], $0x4000  }
0x97: {  	[sflag:s18] =	ssyncset.done $0x0  }
0x98: {  	[sflag:s18] =	ssyncadd.s32 $0xFFFFC000  }
0x99: {  	_ =	swait.ge [sflag:s21], $0x4000  }
0x9a: {  	[sflag:s21] =	ssyncset.done $0x0  }
0x9b: {  	s22 =	stileid.u32;
	[sflag:s21] =	ssyncadd.s32 $0xFFFFC000  }
0x9c: {  	s6 =	sshll.u32 s22, $0x6;
	[bflag:$0x0] =	sbarrier.arrive $0xFFFF  }
0x9d: {  	s23 =	sshrl.u32 s7, $0x3;
	s6 =	sor.u32 $0x1C09, s6;
	s24 =	rddreg [dreg:$0xf]  }
0x9e: {  	[hbm:s24], [sflag:s6] =	dma.local [spmem:s23], $0x2800  }
0x9f: {  	_ =	swait.ge [sflag:s0], $0x2800  }
0xa0: {  	s9 =	sadd.s32 $0x1, s9;
	s28 =	rddreg [dreg:$0xe]  }
0xa1: {  	p0 =	sne.s32 s9, s28  }
.Ltmp3:
0xa2: {  	_ = 	snop;
	(pc) =	sbr.rel @p0 .LBB2_1-.Ltmp3, $3  }
0xa3: {  	_ =	sdelay $0x1  }
0xa4: {  	[sflag:s0] =	ssyncset.done $0x0  }
0xa5: {  	s11 =	simm.s32 $0x100;
	s12 =	simm.s32 $0x400;
	[sflag:s0] =	ssyncadd.s32 $0xFFFFD800  }
0xa6: {  	_ =	sfence.sel $0x180000  }
0xa7: {  	[bflag:$0x0] =	sbarrier.arrive $0xFFFF  }
0xa8: {  	_ =	strace $0x9000004D  }
0xa9: {  	s0 =	stileid.u32;
	[bflag:$0x2] =	sbarrier.arrive $0xFFFF  }
0xaa: {  	p0 =	sne.s32 s0, $0x0;
	s0 =	rddreg [dreg:$0x3]  }
0xab: {  	s0 =	sadd.s32 @!p0 $0x100000, s0  }
0xac: {  	[sflag:s0] =	ssyncadd.tile.s32 @!p0 $0x1;
	_ =	shalt  }
.Lfunc_end2:
_tile_overlayer_lowered:
.L_overlay_start_2:
0xad: {  	(tag) =	ssettag $0x2  }
0xae: {  	s0 =	rddreg [dreg:$0x0];
	s2 =	stileid.u32  }
0xaf: {  	s1 =	rddreg [dreg:$0x1];
	p0 =	sne.s32 s2, $0x0  }
0xb0: {  	s3 =	rddreg [dreg:$0x2];
	[bflag:$0x3] =	sbarrier.arrive $0xFFFF;
	s2 =	simm.s32 @!p0 $0x1C09  }
0xb1: {  	[timem:s3], [sflag:s2] =	dma.local @!p0 [hbm:s0], s1  }
0xb2: {  	s0 =	simm.s32 @!p0 $0x9  }
0xb3: {  	_ =	swait.ge @!p0 [sflag:s0], s1  }
0xb4: {  	s1 =	ssub.s32 @!p0 $0x0, s1;
	[sflag:s0] =	ssyncset.done @!p0 $0x0  }
0xb5: {  	[sflag:s0] =	ssyncadd.s32 @!p0 s1  }
0xb6: {  	[bflag:$0x3] =	sbarrier.arrive $0xFFFF  }
0xb7: {  	_ =	shalt  }

// kernel: kernel.19.cloned.1.call-start
scs
__scs_entry_jumppad:
0x0: {  	(pc) =	sbr.rel $0x88, $3  }
0x1: {  	(tag) =	ssettag $0x0;
	lr =	simm.s32 $0x1  }
0x2: {  	[smem:$0x3F83] =	sst lr;
	_ =	strace $0xD0000000  }
0x3: {  	_ = 	snop  }
0x4: {  	_ = 	snop  }
0x5: {  	_ = 	snop  }
0x6: {  	_ = 	snop  }
0x7: {  	_ = 	snop  }
__scs_overlays_trampoline_lowered:
0x8: {  	[smem:$0x3F92] =	sst s0  }
0x9: {  	[smem:$0x3F93] =	sst s1  }
0xa: {  	[smem:$0x3F94] =	sst s2  }
0xb: {  	[smem:$0x3F95] =	sst s3  }
0xc: {  	[smem:$0x3F96] =	sst s4  }
0xd: {  	[smem:$0x3F97] =	sst s5  }
0xe: {  	[smem:$0x3F98] =	sst s6  }
0xf: {  	[smem:$0x3F99] =	sst s7  }
0x10: {  	[smem:$0x3F9A] =	sst s8  }
0x11: {  	[smem:$0x3F9B] =	sst s9;
	s0 =	simm.s32 @!p0 $0x0  }
0x12: {  	s1 =	sld [smem:$0x3F81];
	s0 =	simm.s32 @p0 $0x1  }
0x13: {  	[smem:$0x3F9C] =	sst s0;
	s0 =	simm.s32 @!p1 $0x0  }
0x14: {  	s2 =	sld [smem:$0x3F80];
	s0 =	simm.s32 @p1 $0x1  }
0x15: {  	[smem:$0x3F9D] =	sst s0;
	s0 =	simm.s32 @!p2 $0x0  }
0x16: {  	s3 =	sld [smem:$0x3FDB];
	s0 =	simm.s32 @p2 $0x1  }
0x17: {  	s4 =	simm.s32 $0x1BF5;
	[smem:$0x3F9F] =	sst s0  }
0x18: {  	s0 =	sld [smem:$0x3F82];
	_ =	swait.ge [sflag:s4], $0x0  }
0x19: {  	s7 =	sld [smem:$0x3F83]  }
0x1a: {  	s8 =	sadd.s32 $0xFFFFE003, lr  }
0x1b: {  	s9 =	sadd.s32 $0xFFFFFEF7, lr;
	s5 =	simm.s32 $0xFFFFFFFF;
	p2 =	slt.u32 s8, $0xFFFFF086  }
0x1c: {  	p1 =	slt.u32 s9, $0xF7A;
	s5 =	simm.s32 @!p2 $0x0  }
0x1d: {  	s5 =	simm.s32 @p1 $0x1;
	p0 =	seq.s32 s7, s2  }
0x1e: {  	s7 =	smul.u32 @!p0 $0xF7A, s2;
	p2 =	seq.s32 @!p0 s5, $0x0  }
0x1f: {  	s9 =	smul.u32 $0xF7A, s1;
	s8 =	simm.s32 @!p0 $0x1BF5;
	p2 =	por !p2, p0  }
0x20: {  	[sflag:s8] =	ssyncset.s32 @!p0 $0xFFFFF086;
	s6 =	sadd.s32 @!p0 s3, s7;
	s7 =	simm.s32 @!p0 $0x108  }
0x21: {  	s3 =	sadd.s32 s3, s9;
	s6 =	sadd.s32 @!p0 $0x88, s6;
	s7 =	simm.s32 @p2 $0x1082  }
0x22: {  	[simem:s7], [sflag:s8] =	dma.local @!p0 [hbm:s6], $0xF7A  }
0x23: {  	s9 =	sor.u32 $0xD0000000, s2;
	s6 =	simm.s32 $0x108;
	_ =	swait.ge @!p0 [sflag:s8], $0x0  }
0x24: {  	s3 =	sadd.s32 $0x88, s3;
	s6 =	simm.s32 @!p1 $0x1082;
	[sflag:s4] =	ssyncset.s32 $0xFFFFF086  }
0x25: {  	[simem:s6], [sflag:s4] =	dma.local [hbm:s3], $0xF7A  }
0x26: {  	[smem:$0x3F83] =	sst s1;
	(tag) =	ssettag s2;
	_ =	strace s9  }
0x27: {  	s1 =	sld [smem:$0x3F93]  }
0x28: {  	s2 =	sld [smem:$0x3F94]  }
0x29: {  	s4 =	sld [smem:$0x3F96]  }
0x2a: {  	p0 =	seq.s32 s5, $0x0;
	s5 =	sld [smem:$0x3F97]  }
0x2b: {  	s6 =	sld [smem:$0x3F98]  }
0x2c: {  	s7 =	sld [smem:$0x3F99]  }
0x2d: {  	s3 =	simm.s32 $0x108;
	s8 =	sld [smem:$0x3F9A]  }
0x2e: {  	s3 =	simm.s32 @!p0 $0x1082;
	s9 =	sld [smem:$0x3F9B]  }
0x2f: {  	lr =	sadd.s32 s0, s3;
	s0 =	sld [smem:$0x3F92]  }
0x30: {  	s3 =	sld [smem:$0x3F95]  }
0x31: {  	[smem:$0x3F9E] =	sst s10  }
0x32: {  	s10 =	sld [smem:$0x3F9C];
	_ =	sdelay $0x3  }
0x33: {  	p0 =	seq.s32 s10, $0x1;
	s10 =	sld [smem:$0x3F9E];
	_ =	sdelay $0x3  }
0x34: {  	[smem:$0x3F9E] =	sst s10  }
0x35: {  	s10 =	sld [smem:$0x3F9D];
	_ =	sdelay $0x3  }
0x36: {  	p1 =	seq.s32 s10, $0x1;
	s10 =	sld [smem:$0x3F9E];
	_ =	sdelay $0x3  }
0x37: {  	[smem:$0x3F9E] =	sst s10  }
0x38: {  	s10 =	sld [smem:$0x3F9F]  }
0x39: {  	_ = 	snop;
	(pc) =	sbr.ind lr, $3  }
0x3a: {  	_ = 	snop  }
0x3b: {  	_ = 	snop  }
0x3c: {  	p2 =	seq.s32 s10, $0x1;
	s10 =	sld [smem:$0x3F9E]  }
0x3d: {  	_ =	shalt  }
0x3e: {  	_ =	shalt  }
0x3f: {  	_ =	shalt  }
0x40: {  	_ =	shalt  }
0x41: {  	_ =	shalt  }
0x42: {  	_ =	shalt  }
0x43: {  	_ =	shalt  }
0x44: {  	_ =	shalt  }
0x45: {  	_ =	shalt  }
0x46: {  	_ =	shalt  }
0x47: {  	_ =	shalt  }
0x48: {  	_ =	shalt  }
0x49: {  	_ =	shalt  }
0x4a: {  	_ =	shalt  }
0x4b: {  	_ =	shalt  }
0x4c: {  	_ =	shalt  }
0x4d: {  	_ =	shalt  }
0x4e: {  	_ =	shalt  }
0x4f: {  	_ =	shalt  }
0x50: {  	_ =	shalt  }
0x51: {  	_ =	shalt  }
0x52: {  	_ =	shalt  }
0x53: {  	_ =	shalt  }
0x54: {  	_ =	shalt  }
0x55: {  	_ =	shalt  }
0x56: {  	_ =	shalt  }
0x57: {  	_ =	shalt  }
0x58: {  	_ =	shalt  }
0x59: {  	_ =	shalt  }
0x5a: {  	_ =	shalt  }
0x5b: {  	_ =	shalt  }
0x5c: {  	_ =	shalt  }
0x5d: {  	_ =	shalt  }
0x5e: {  	_ =	shalt  }
0x5f: {  	_ =	shalt  }
0x60: {  	_ =	shalt  }
0x61: {  	_ =	shalt  }
0x62: {  	_ =	shalt  }
0x63: {  	_ =	shalt  }
0x64: {  	_ =	shalt  }
0x65: {  	_ =	shalt  }
0x66: {  	_ =	shalt  }
0x67: {  	_ =	shalt  }
0x68: {  	_ =	shalt  }
0x69: {  	_ =	shalt  }
0x6a: {  	_ =	shalt  }
0x6b: {  	_ =	shalt  }
0x6c: {  	_ =	shalt  }
0x6d: {  	_ =	shalt  }
0x6e: {  	_ =	shalt  }
0x6f: {  	_ =	shalt  }
0x70: {  	_ =	shalt  }
0x71: {  	_ =	shalt  }
0x72: {  	_ =	shalt  }
0x73: {  	_ =	shalt  }
0x74: {  	_ =	shalt  }
0x75: {  	_ =	shalt  }
0x76: {  	_ =	shalt  }
0x77: {  	_ =	shalt  }
0x78: {  	_ =	shalt  }
0x79: {  	_ =	shalt  }
0x7a: {  	_ =	shalt  }
0x7b: {  	_ =	shalt  }
0x7c: {  	_ =	shalt  }
0x7d: {  	_ =	shalt  }
0x7e: {  	_ =	shalt  }
0x7f: {  	_ =	shalt  }
0x80: {  	_ =	shalt  }
0x81: {  	_ =	shalt  }
0x82: {  	_ =	shalt  }
0x83: {  	_ =	shalt  }
0x84: {  	_ =	shalt  }
0x85: {  	_ =	shalt  }
0x86: {  	_ =	shalt  }
0x87: {  	_ =	shalt  }
.Lfunc_end0:
.L_simem_size_0:
called_computation.3_lowered:
.L_overlay_start_0:
0x88: {  	s2 =	sld [smem:$0x3FD9]  }
0x89: {  	s3 =	sld [smem:$0x3FFE];
	_ =	sdelay $0x1  }
0x8a: {  	s1 =	srdreg.scid  }
0x8b: {  	s0 =	sand.u32 $0x1, s1  }
0x8c: {  	s17 =	sshll.u32 s0, $0xA;
	s2 =	sadd.s32 s3, s2  }
0x8d: {  	s2 =	sadd.s32 s2, s17  }
0x8e: {  	[smem:$0x3FAA] =	sst s2  }
0x8f: {  	_ = 	snop  }
0x90: {  	s2 =	sld [smem:$0x3FC8];
	(tm) =	ssettm $0x1  }
0x91: {  	s18 =	sld [smem:$0x3FFB];
	_ =	sdelay $0x3  }
0x92: {  	_ =	strace s18  }
0x93: {  	s3 =	sld [smem:$0x3FFC];
	_ =	sdelay $0x3  }
0x94: {  	_ =	strace s3  }
0x95: {  	s3 =	sld [smem:$0x3FFD];
	_ =	sdelay $0x3  }
0x96: {  	_ =	strace s3  }
0x97: {  	_ =	strace $0x8FFFFFFF  }
0x98: {  	s19 =	sld [smem:$0x3FDB];
	_ =	sdelay $0x1  }
0x99: {  	s4 =	simm.s32 $_scs_section_size  }
0x9a: {  	s5 =	simm.s32 $_size__tile_overlayer_lowered;
	s6 =	simm.s32 $_tile_overlayer_lowered  }
0x9b: {  	s22 =	simm.s32 $0x1BFF;
	s21 =	sshll.u32 s6, $0x1;
	s3 =	sadd.s32 s4, s19  }
0x9c: {  	s7 =	simm.s32 $0x0;
	s20 =	sshll.u32 s5, $0x1;
	s5 =	sadd.s32 s21, s3  }
0x9d: {  	[timem:s7], [sflag:s22] =	dma.local [hbm:s5], s20  }
0x9e: {  	_ =	swait.ge [sflag:s22], s20  }
0x9f: {  	s4 =	ssub.s32 $0x0, s20;
	[sflag:s22] =	ssyncset.done $0x0  }
0xa0: {  	[sflag:s22] =	ssyncadd.s32 s4;
	_ =	sdelay $0x1  }
0xa1: {  	s23 =	simm.s32 $0x1B8B  }
0xa2: {  	_ =	swait.ge [sflag:s23], $0x1  }
0xa3: {  	[sflag:s23] =	ssyncset.done $0x0  }
0xa4: {  	s25 =	simm.s32 $0x1B8E;
	s24 =	sld [smem:$0x3FFE];
	[sflag:s23] =	ssyncadd.s32 $0xFFFFFFFF  }
0xa5: {  	s26 =	simm.s32 $execute0_lowered;
	[smem:$0x3FD2] =	sst s25  }
0xa6: {  	s5 =	sshll.u32 s26, $0x1;
	_ =	strace $0x8000004F;
	[dreg:$0x1] =	wrdreg $0xFFFFFFFF  }
0xa7: {  	s28 =	simm.s32 $_size_execute0_lowered;
	s3 =	sadd.s32 s3, s5;
	[dreg:$0x0] =	wrdreg $0x0  }
0xa8: {  	s5 =	sshll.u32 s28, $0x1;
	[dreg:$0x2] =	wrdreg s3  }
0xa9: {  	[dreg:$0x3] =	wrdreg s5  }
0xaa: {  	[dreg:$0x4] =	wrdreg $0xC0  }
0xab: {  	_ =	task [dreg:s7], $0x5FFFF  }
0xac: {  	[dreg:$0x1] =	wrdreg $0xFFFFFFFF  }
0xad: {  	[dreg:$0x0] =	wrdreg $0x60  }
0xae: {  	[dreg:$0x2] =	wrdreg s24  }
0xaf: {  	[dreg:$0x3] =	wrdreg s2  }
0xb0: {  	[dreg:$0x4] =	wrdreg $0xA4000  }
0xb1: {  	[dreg:$0x5] =	wrdreg $0x9  }
0xb2: {  	_ =	task.clear_ibuf [dreg:s7], $0x6FFFF;
	_ =	strace $0x9000004F  }
0xb3: {  	s29 =	simm.s32 $0x9;
	_ =	strace $0x80000051  }
0xb4: {  	_ =	swait.ge [sflag:s29], $0x1  }
0xb5: {  	[sflag:s29] =	ssyncadd.s32 $0xFFFFFFFF  }
0xb6: {  	_ =	strace $0x90000051  }
0xb7: {  	_ =	sfence  }
0xb8: {  	s30 =	sld [smem:$0x0];
	_ =	sdelay $0x2  }
0xb9: {  	s31 =	sshll.u32 s1, $0xD;
	s1 =	sshrl.u32 s1, $0x2  }
0xba: {  	s3 =	sand.u32 $0x4000, s31;
	s1 =	sadd.s32 s1, s30  }
0xbb: {  	s0 =	sor.u32 s3, s0;
	s1 =	sshll.u32 s1, $0x11  }
0xbc: {  	s0 =	sor.u32 s1, s0  }
0xbd: {  	s0 =	sadd.s32 $0x8F2B, s0  }
0xbe: {  	[sflag:s0] =	ssyncadd.remote.s32 $0x1  }
0xbf: {  	_ =	sfence.sel $0xFFFF  }
0xc0: {  	[dreg:$0x0] =	wrdreg $0xFFFFFFFF;
	(pc) =	sbr.abs _section_cstart, $3  }
0xc1: {  	[dreg:$0x1] =	wrdreg $0xFFFFFFFF  }
0xc2: {  	_ =	task.clear_ibuf [dreg:s7], $0x2FFFF;
	_ =	strace $0x9FFFFFFF  }
0xc3: {  	(tm) =	ssettm $0x7FFFFFFF  }
tec
execute0_lowered:
.L_overlay_start_1:
0x0: {  	(tag) =	ssettag $0x1  }
0x1: {  	s0 =	rddreg [dreg:$0x0]  }
0x2: {  	s3 =	rddreg [dreg:$0x1]  }
0x3: {  	s1 =	rddreg [dreg:$0x2];
	s2 =	simm.s32 $0x0  }
0x4: {  	s4 =	srdreg.scid;
	s11 =	stileid.u32;
	s29 =	simm.s32 $0x80  }
0x5: {  	s31 =	simm.s32 $0x8400;
	[smem:$0x7FF] =	sst s2;
	s6 =	sand.u32 $0x1, s4  }
0x6: {  	s4 =	sadd.s32 $0x6000, s0;
	s10 =	smul.u32 $0x50000, s11;
	s25 =	sshll.u32 s11, $0x8  }
0x7: {  	_ =	strace $0x80000050;
	s5 =	smul.u32 $0x28000, s6;
	s7 =	ssub.s32 $0x2, s6  }
0x8: {  	s8 =	sshll.u32 s6, $0x4;
	s6 =	sshll.u32 s6, $0xC;
	s9 =	sshrl.u32 s7, $0x1  }
0x9: {  	s8 =	sor.u32 s11, s8;
	s14 =	sshrl.u32 s10, $0x2;
	s6 =	sor.u32 s25, s6  }
0xa: {  	s11 =	smul.u32 $0x2800, s11;
	s0 =	sadd.s32 s5, s0;
	s9 =	ssub.s32 s7, s9  }
0xb: {  	p0 =	sgt.u32 s8, $0x3;
	s5 =	simm.s32 $0x4E;
	s13 =	sshll.u32 s8, $0x5  }
0xc: {  	s7 =	sadd.s32 s14, s1;
	s8 =	simm.s32 $0x1;
	s10 =	sor.u32 $0x8000, s6  }
0xd: {  	s6 =	sor.u32 $0x6000, s6;
	s5 =	simm.s32 @!p0 $0x4F;
	s16 =	sadd.s32 $0x2000, s7  }
0xe: {  	s12 =	sadd.s32 s3, s13;
	s17 =	sadd.s32 $0x4000, s7;
	[dreg:$0x5] =	wrdreg s16  }
0xf: {  	s18 =	sadd.s32 $0x6000, s7;
	s19 =	sadd.s32 $0x8000, s7;
	[dreg:$0x6] =	wrdreg s17  }
0x10: {  	s20 =	sadd.s32 $0xA000, s7;
	s21 =	sadd.s32 $0xC000, s7;
	[dreg:$0x7] =	wrdreg s18  }
0x11: {  	s22 =	sadd.s32 $0xE000, s7;
	s23 =	sadd.s32 $0x10000, s7;
	[dreg:$0x8] =	wrdreg s19  }
0x12: {  	s13 =	sadd.s32 $0x12000, s7;
	s8 =	simm.s32 @!p0 $0x0;
	[dreg:$0x9] =	wrdreg s20  }
0x13: {  	s10 =	sshrl.u32 s10, $0x3;
	s6 =	sshrl.u32 s6, $0x3;
	[dreg:$0xa] =	wrdreg s21  }
0x14: {  	s0 =	sadd.s32 $0x54400, s0;
	s26 =	smax.u32 s9, $0x1;
	[dreg:$0xb] =	wrdreg s22  }
0x15: {  	s9 =	simm.s32 $0x0;
	s15 =	sadd.s32 $0x400, s12;
	[dreg:$0xc] =	wrdreg s23  }
0x16: {  	s24 =	sand.u32 $0x1, s5;
	[dreg:$0xd] =	wrdreg s13;
	s10 =	sadd.s32 s10, s3  }
0x17: {  	s19 =	sadd.s32 s6, s3;
	s20 =	simm.s32 $0x1;
	s21 =	sadd.s32 $0x7, s8  }
0x18: {  	[dreg:$0xe] =	wrdreg s26;
	s0 =	sadd.s32 s11, s0;
	s30 =	smov.u32 s12  }
0x19: {  	s28 =	sadd.s32 $0x800, s12;
	s26 =	ssub.s32 $0x2, s5;
	s11 =	simm.s32 $0x100  }
0x1a: {  	s12 =	simm.s32 $0x400;
	s3 =	simm.s32 $0x2;
	[dreg:$0x4] =	wrdreg s15  }
0x1b: {  	s8 =	simm.s32 $0x5;
	s18 =	sadd.s32 $0x7, s24;
	[dreg:$0xf] =	wrdreg s0  }
0x1c: {  	v0 =	vimm.f32 $0.0e+00;
	[dreg:$0x10] =	wrdreg s28;
	s25 =	sadd.s32 $0xFFFFFC00, s10;
	s0 =	simm.s32 $0x9  }
.LBB2_1:
0x1d: {  	[tilespmem:s2], [sflag:$0x1] =	stream.linear.gather [hbm4b:s30+s2], $0x100, $0x38;
	[tilespmem:$0x1E400] =	vst v63  }
0x1e: {  	s6 =	rddreg [dreg:$0x4]  }
0x1f: {  	[tilespmem:s11], [sflag:$0x2] =	stream.linear.gather [hbm4b:s6+s2], $0x100, $0x38;
	[tilespmem:$0x1E400] =	vst v63  }
0x20: {  	_ =	swait.ge [sflag:s20], $0x100  }
0x21: {  	[sflag:s20] =	ssyncset.done $0x0  }
0x22: {  	s10 =	simm.s32 $0x200;
	s6 =	simm.s32 $0x0;
	[sflag:s20] =	ssyncadd.s32 $0xFFFFFF00  }
0x23: {  	[tilespmem:s12], [sflag:$0x5] =	stream.indirect.gather [hbm4b:s4+s29], $0x80, s2, s29, $0xb8;
	[tilespmem:$0x1E400] =	vst v63  }
.LBB2_2:
0x24: {  	p0 =	sne.s32 s10, $0x7E00;
	[tilespmem:s6+$0x8470] =	vst v0  }
0x25: {  	[tilespmem:s6+$0x8400] =	vst v0  }
0x26: {  	[tilespmem:s6+$0x8410] =	vst v0  }
.Ltmp0:
0x27: {  	[tilespmem:s6+$0x8420] =	vst v0;
	(pc) =	sbr.rel @p0 .LBB2_2-.Ltmp0, $4  }
0x28: {  	[tilespmem:s6+$0x8430] =	vst v0  }
0x29: {  	[tilespmem:s6+$0x8440] =	vst v0  }
0x2a: {  	[tilespmem:s6+$0x8450] =	vst v0  }
0x2b: {  	[tilespmem:s6+$0x8460] =	vst v0;
	s6 =	sshra.s32 s10, $0x2;
	s10 =	sadd.s32 $0x200, s10  }
0x2c: {  	[tilespmem:s6+$0x8470] =	vst v0  }
0x2d: {  	[tilespmem:s6+$0x8400] =	vst v0  }
0x2e: {  	[tilespmem:s6+$0x8410] =	vst v0  }
0x2f: {  	[tilespmem:s6+$0x8420] =	vst v0  }
0x30: {  	[tilespmem:s6+$0x8430] =	vst v0  }
0x31: {  	[tilespmem:s6+$0x8440] =	vst v0  }
0x32: {  	[tilespmem:s6+$0x8450] =	vst v0  }
0x33: {  	[tilespmem:s6+$0x8460] =	vst v0  }
0x34: {  	[spmem:s7] =	stream.linear.scatter [tilespmem:s31], [sflag:$0x9], $0x2000, $0x38;
	[tilespmem:$0x1E400] =	vst v63  }
0x35: {  	_ =	swait.ge [sflag:s0], $0x2000  }
0x36: {  	[sflag:s0] =	ssyncset.done $0x0  }
0x37: {  	s13 =	rddreg [dreg:$0x5];
	[sflag:s0] =	ssyncadd.s32 $0xFFFFE000  }
0x38: {  	[spmem:s13] =	stream.linear.scatter [tilespmem:s31], [sflag:$0x9], $0x2000, $0x38;
	[tilespmem:$0x1E400] =	vst v63  }
0x39: {  	_ =	swait.ge [sflag:s0], $0x2000  }
0x3a: {  	[sflag:s0] =	ssyncset.done $0x0  }
0x3b: {  	s14 =	rddreg [dreg:$0x6];
	[sflag:s0] =	ssyncadd.s32 $0xFFFFE000  }
0x3c: {  	[spmem:s14] =	stream.linear.scatter [tilespmem:s31], [sflag:$0x9], $0x2000, $0x38;
	[tilespmem:$0x1E400] =	vst v63  }
0x3d: {  	_ =	swait.ge [sflag:s0], $0x2000  }
0x3e: {  	[sflag:s0] =	ssyncset.done $0x0  }
0x3f: {  	s15 =	rddreg [dreg:$0x7];
	[sflag:s0] =	ssyncadd.s32 $0xFFFFE000  }
0x40: {  	[spmem:s15] =	stream.linear.scatter [tilespmem:s31], [sflag:$0x9], $0x2000, $0x38;
	[tilespmem:$0x1E400] =	vst v63  }
0x41: {  	_ =	swait.ge [sflag:s0], $0x2000  }
0x42: {  	[sflag:s0] =	ssyncset.done $0x0  }
0x43: {  	s16 =	rddreg [dreg:$0x8];
	[sflag:s0] =	ssyncadd.s32 $0xFFFFE000  }
0x44: {  	[spmem:s16] =	stream.linear.scatter [tilespmem:s31], [sflag:$0x9], $0x2000, $0x38;
	[tilespmem:$0x1E400] =	vst v63  }
0x45: {  	_ =	swait.ge [sflag:s0], $0x2000  }
0x46: {  	[sflag:s0] =	ssyncset.done $0x0  }
0x47: {  	s17 =	rddreg [dreg:$0x9];
	[sflag:s0] =	ssyncadd.s32 $0xFFFFE000  }
0x48: {  	[spmem:s17] =	stream.linear.scatter [tilespmem:s31], [sflag:$0x9], $0x2000, $0x38;
	[tilespmem:$0x1E400] =	vst v63  }
0x49: {  	_ =	swait.ge [sflag:s0], $0x2000  }
0x4a: {  	[sflag:s0] =	ssyncset.done $0x0  }
0x4b: {  	s22 =	rddreg [dreg:$0xa];
	[sflag:s0] =	ssyncadd.s32 $0xFFFFE000  }
0x4c: {  	[spmem:s22] =	stream.linear.scatter [tilespmem:s31], [sflag:$0x9], $0x2000, $0x38;
	[tilespmem:$0x1E400] =	vst v63  }
0x4d: {  	_ =	swait.ge [sflag:s0], $0x2000  }
0x4e: {  	[sflag:s0] =	ssyncset.done $0x0  }
0x4f: {  	s23 =	rddreg [dreg:$0xb];
	[sflag:s0] =	ssyncadd.s32 $0xFFFFE000  }
0x50: {  	[spmem:s23] =	stream.linear.scatter [tilespmem:s31], [sflag:$0x9], $0x2000, $0x38;
	[tilespmem:$0x1E400] =	vst v63  }
0x51: {  	_ =	swait.ge [sflag:s0], $0x2000  }
0x52: {  	[sflag:s0] =	ssyncset.done $0x0  }
0x53: {  	s24 =	rddreg [dreg:$0xc];
	[sflag:s0] =	ssyncadd.s32 $0xFFFFE000  }
0x54: {  	[spmem:s24] =	stream.linear.scatter [tilespmem:s31], [sflag:$0x9], $0x2000, $0x38;
	[tilespmem:$0x1E400] =	vst v63  }
0x55: {  	_ =	swait.ge [sflag:s0], $0x2000  }
0x56: {  	[sflag:s0] =	ssyncset.done $0x0  }
0x57: {  	s10 =	rddreg [dreg:$0xd];
	[sflag:s0] =	ssyncadd.s32 $0xFFFFE000  }
0x58: {  	[spmem:s10] =	stream.linear.scatter [tilespmem:s31], [sflag:$0x9], $0x2000, $0x38;
	[tilespmem:$0x1E400] =	vst v63  }
0x59: {  	_ =	swait.ge [sflag:s0], $0x2000  }
0x5a: {  	[sflag:s0] =	ssyncset.done $0x0  }
0x5b: {  	[sflag:s0] =	ssyncadd.s32 $0xFFFFE000  }
0x5c: {  	[bflag:$0x0] =	sbarrier.arrive $0xFFFF  }
0x5d: {  	_ =	swait.ge [sflag:s3], $0x100  }
0x5e: {  	[sflag:s3] =	ssyncset.done $0x0  }
0x5f: {  	s13 =	simm.s32 $0x4400;
	[sflag:s3] =	ssyncadd.s32 $0xFFFFFF00  }
0x60: {  	[tilespmem:s13], [sflag:$0x6] =	stream.indirect.gather [hbm4b:s4+s29], $0x80, s11, s29, $0xb8;
	[tilespmem:$0x1E400] =	vst v63  }
0x61: {  	s15 =	simm.s32 $0x2;
	_ =	swait.ge [sflag:s8], $0x4000  }
0x62: {  	s16 =	sand.u32 $0x3, s15;
	[sflag:s8] =	ssyncset.done $0x0  }
0x63: {  	s17 =	sadd.s32 $0x1, s16;
	[sflag:s8] =	ssyncadd.s32 $0xFFFFC000  }
0x64: {  	[spmem:s1] =	stream.indirect.scatter.add.f32 [tilespmem:s12], [sflag:$0x7], $0x80, s29, s29, $0xb8;
	[tilespmem:$0x1E400] =	vst v63  }
0x65: {  	s10 =	simm.s32 $0x200;
	s11 =	simm.s32 $0x0;
	s14 =	rddreg [dreg:$0x10]  }
0x66: {  	[tilespmem:s10], [sflag:$0x3] =	stream.linear.gather [hbm4b:s14+s11], $0x100, $0x38;
	[tilespmem:$0x1E400] =	vst v63  }
0x67: {  	p0 =	sle.u32 s5, $0x3;
	s6 =	sand.u32 $0x1, s15;
	_ =	swait.ge [sflag:s17], $0x100  }
0x68: {  	s15 =	simm.s32 $0x1;
	s22 =	sshll.u32 s6, $0xE;
	[sflag:s17] =	ssyncset.done $0x0  }
0x69: {  	s13 =	sadd.s32 $0x7, s6;
	s12 =	sadd.s32 $0x4, s26;
	[sflag:s17] =	ssyncadd.s32 $0xFFFFFF00  }
0x6a: {  	s24 =	simm.s32 $0x3;
	p1 =	sne.s32 s12, $0x3;
	_ =	swait.ge [sflag:s13], $0x4000  }
0x6b: {  	s10 =	sshll.u32 s16, $0x8;
	s14 =	sadd.s32 $0x5, s6;
	[sflag:s13] =	ssyncset.done $0x0  }
0x6c: {  	s16 =	sand.u32 $0x1, s15;
	s15 =	sor.u32 $0x400, s22;
	[sflag:s13] =	ssyncadd.s32 $0xFFFFC000  }
0x6d: {  	[tilespmem:s15], [sflag:s14] =	stream.indirect.gather [hbm4b:s4+s29], $0x80, s10, s29, $0xb8;
	[tilespmem:$0x1E400] =	vst v63  }
0x6e: {  	s23 =	sshll.u32 s16, $0xE;
	s17 =	sadd.s32 $0x5, s16;
	s10 =	simm.s32 $0x400  }
.Ltmp1:
0x6f: {  	s22 =	sand.u32 $0xC00, s10;
	_ =	swait.ge [sflag:s17], $0x4000;
	(pc) =	sbr.rel @!p1 .LBB2_5-.Ltmp1, $4  }
0x70: {  	s6 =	sor.u32 $0x400, s23;
	s22 =	sshrl.u32 s22, $0x2;
	[sflag:s17] =	ssyncset.done $0x0  }
0x71: {  	[sflag:s17] =	ssyncadd.s32 $0xFFFFC000;
	s28 =	sor.u32 $0x80, s22;
	s22 =	sadd.s32 $0x7, s16  }
0x72: {  	[spmem:s1] =	stream.indirect.scatter.add.f32 [tilespmem:s6], [sflag:s22], $0x80, s28, s29, $0xb8;
	[tilespmem:$0x1E400] =	vst v63  }
0x73: {  	s12 =	simm.s32 $0x4;
	s16 =	sand.u32 $0x3, s24;
	s28 =	simm.s32 @!p0 $0x0  }
.LBB2_4:
0x74: {  	s6 =	sshll.u32 @!p0 s16, $0x8;
	s13 =	sadd.s32 @!p0 $0x1, s16;
	s11 =	sadd.s32 @!p0 s11, s19  }
0x75: {  	[tilespmem:s6], [sflag:s13] =	stream.linear.gather @!p0 [hbm4b:s11+s28], $0x100, $0x38;
	[tilespmem:$0x1E400] =	vst v63  }
0x76: {  	s22 =	smov.u32 s12;
	s6 =	sadd.s32 $0xFFFFFFFF, s12;
	s11 =	smov.u32 s10  }
0x77: {  	s14 =	sand.u32 $0x3, s6;
	s6 =	sand.u32 $0x1, s6  }
0x78: {  	s13 =	sadd.s32 $0x1, s14;
	s15 =	sshll.u32 s6, $0xE  }
0x79: {  	s16 =	sand.u32 $0x3, s12;
	s17 =	sadd.s32 $0xFFFFFFFE, s12;
	_ =	swait.ge [sflag:s13], $0x100  }
0x7a: {  	s10 =	sadd.s32 $0x400, s10;
	s12 =	sadd.s32 $0x1, s12;
	[sflag:s13] =	ssyncset.done $0x0  }
0x7b: {  	s23 =	sadd.s32 s12, s26;
	[sflag:s13] =	ssyncadd.s32 $0xFFFFFF00;
	s13 =	sadd.s32 $0x7, s6  }
0x7c: {  	s28 =	sshll.u32 s14, $0x8;
	s14 =	sadd.s32 $0x5, s6;
	_ =	swait.ge [sflag:s13], $0x4000  }
0x7d: {  	p1 =	sne.s32 s23, $0x3;
	s23 =	sand.u32 $0x1, s17;
	[sflag:s13] =	ssyncset.done $0x0  }
0x7e: {  	s15 =	sor.u32 $0x400, s15;
	s17 =	sadd.s32 $0x5, s23;
	[sflag:s13] =	ssyncadd.s32 $0xFFFFC000  }
0x7f: {  	[tilespmem:s15], [sflag:s14] =	stream.indirect.gather [hbm4b:s4+s29], $0x80, s28, s29, $0xb8;
	[tilespmem:$0x1E400] =	vst v63  }
.Ltmp2:
0x80: {  	s6 =	sshll.u32 s23, $0xE;
	s28 =	sand.u32 $0xC00, s10;
	(pc) =	sbr.rel @p1 .LBB2_4-.Ltmp2, $4  }
0x81: {  	p0 =	sge.u32 s22, s5;
	s24 =	sshrl.u32 s28, $0x2;
	_ =	swait.ge [sflag:s17], $0x4000  }
0x82: {  	s6 =	sor.u32 $0x400, s6;
	s28 =	simm.s32 @!p0 $0x0;
	[sflag:s17] =	ssyncset.done $0x0  }
0x83: {  	s22 =	sadd.s32 $0x7, s23;
	s24 =	sor.u32 $0x80, s24;
	[sflag:s17] =	ssyncadd.s32 $0xFFFFC000  }
0x84: {  	[spmem:s1] =	stream.indirect.scatter.add.f32 [tilespmem:s6], [sflag:s22], $0x80, s24, s29, $0xb8;
	[tilespmem:$0x1E400] =	vst v63  }
.LBB2_5:
0x85: {  	s23 =	sshll.u32 @!p0 s16, $0x8;
	s16 =	sadd.s32 @!p0 $0x1, s16;
	s11 =	sadd.s32 @!p0 s11, s19  }
0x86: {  	[tilespmem:s23], [sflag:s16] =	stream.linear.gather @!p0 [hbm4b:s11+s28], $0x100, $0x38;
	[tilespmem:$0x1E400] =	vst v63  }
0x87: {  	_ =	swait.ge @!p0 [sflag:s16], $0x100  }
0x88: {  	[sflag:s16] =	ssyncset.done @!p0 $0x0  }
0x89: {  	[sflag:s16] =	ssyncadd.s32 @!p0 $0xFFFFFF00  }
0x8a: {  	_ =	swait.ge @!p0 [sflag:s22], $0x4000  }
0x8b: {  	[sflag:s22] =	ssyncset.done @!p0 $0x0  }
0x8c: {  	s11 =	simm.s32 @!p0 $0x80;
	[sflag:s22] =	ssyncadd.s32 @!p0 $0xFFFFC000  }
0x8d: {  	[tilespmem:s6], [sflag:s17] =	stream.indirect.gather @!p0 [hbm4b:s4+s11], $0x80, s23, s11, $0xb8;
	[tilespmem:$0x1E400] =	vst v63  }
0x8e: {  	s17 =	sadd.s32 $0x400, s10  }
0x8f: {  	_ =	swait.ge [sflag:s14], $0x4000;
	s6 =	sand.u32 $0xC00, s17  }
0x90: {  	[sflag:s14] =	ssyncset.done $0x0;
	s6 =	sshrl.u32 s6, $0x2  }
0x91: {  	p0 =	sge.u32 s12, s5;
	[sflag:s14] =	ssyncadd.s32 $0xFFFFC000;
	s6 =	sor.u32 $0x80, s6  }
0x92: {  	[spmem:s1] =	stream.indirect.scatter.add.f32 [tilespmem:s15], [sflag:s13], $0x80, s6, s29, $0xb8;
	[tilespmem:$0x1E400] =	vst v63  }
0x93: {  	s10 =	sadd.s32 @!p0 s10, s25;
	s6 =	sand.u32 $0x3, s12  }
0x94: {  	s12 =	simm.s32 @!p0 $0x0;
	s11 =	sshll.u32 @!p0 s6, $0x8;
	s6 =	sadd.s32 @!p0 $0x1, s6  }
0x95: {  	[tilespmem:s11], [sflag:s6] =	stream.linear.gather @!p0 [hbm4b:s10+s12], $0x100, $0x38;
	[tilespmem:$0x1E400] =	vst v63  }
0x96: {  	_ =	swait.ge [sflag:s18], $0x4000  }
0x97: {  	[sflag:s18] =	ssyncset.done $0x0  }
0x98: {  	[sflag:s18] =	ssyncadd.s32 $0xFFFFC000  }
0x99: {  	_ =	swait.ge [sflag:s21], $0x4000  }
0x9a: {  	[sflag:s21] =	ssyncset.done $0x0  }
0x9b: {  	s22 =	stileid.u32;
	[sflag:s21] =	ssyncadd.s32 $0xFFFFC000  }
0x9c: {  	s6 =	sshll.u32 s22, $0x6;
	[bflag:$0x0] =	sbarrier.arrive $0xFFFF  }
0x9d: {  	s23 =	sshrl.u32 s7, $0x3;
	s6 =	sor.u32 $0x1C09, s6;
	s24 =	rddreg [dreg:$0xf]  }
0x9e: {  	[hbm:s24], [sflag:s6] =	dma.local [spmem:s23], $0x2800  }
0x9f: {  	_ =	swait.ge [sflag:s0], $0x2800  }
0xa0: {  	s9 =	sadd.s32 $0x1, s9;
	s28 =	rddreg [dreg:$0xe]  }
0xa1: {  	p0 =	sne.s32 s9, s28  }
.Ltmp3:
0xa2: {  	_ = 	snop;
	(pc) =	sbr.rel @p0 .LBB2_1-.Ltmp3, $3  }
0xa3: {  	_ =	sdelay $0x1  }
0xa4: {  	[sflag:s0] =	ssyncset.done $0x0  }
0xa5: {  	s11 =	simm.s32 $0x100;
	s12 =	simm.s32 $0x400;
	[sflag:s0] =	ssyncadd.s32 $0xFFFFD800  }
0xa6: {  	_ =	sfence.sel $0x180000  }
0xa7: {  	[bflag:$0x0] =	sbarrier.arrive $0xFFFF  }
0xa8: {  	_ =	strace $0x90000050  }
0xa9: {  	s0 =	stileid.u32;
	[bflag:$0x2] =	sbarrier.arrive $0xFFFF  }
0xaa: {  	p0 =	sne.s32 s0, $0x0;
	s0 =	rddreg [dreg:$0x3]  }
0xab: {  	s0 =	sadd.s32 @!p0 $0x100000, s0  }
0xac: {  	[sflag:s0] =	ssyncadd.tile.s32 @!p0 $0x1;
	_ =	shalt  }
.Lfunc_end2:
_tile_overlayer_lowered:
.L_overlay_start_2:
0xad: {  	(tag) =	ssettag $0x2  }
0xae: {  	s0 =	rddreg [dreg:$0x0];
	s2 =	stileid.u32  }
0xaf: {  	s1 =	rddreg [dreg:$0x1];
	p0 =	sne.s32 s2, $0x0  }
0xb0: {  	s3 =	rddreg [dreg:$0x2];
	[bflag:$0x3] =	sbarrier.arrive $0xFFFF;
	s2 =	simm.s32 @!p0 $0x1C09  }
0xb1: {  	[timem:s3], [sflag:s2] =	dma.local @!p0 [hbm:s0], s1  }
0xb2: {  	s0 =	simm.s32 @!p0 $0x9  }
0xb3: {  	_ =	swait.ge @!p0 [sflag:s0], s1  }
0xb4: {  	s1 =	ssub.s32 @!p0 $0x0, s1;
	[sflag:s0] =	ssyncset.done @!p0 $0x0  }
0xb5: {  	[sflag:s0] =	ssyncadd.s32 @!p0 s1  }
0xb6: {  	[bflag:$0x3] =	sbarrier.arrive $0xFFFF  }
0xb7: {  	_ =	shalt  }

</sc_bundles>
